<compile_context>
chip_gen: v7x
topology: tpu7x:2x2x1
jax: 0.10.2.dev20260603
libtpu: 0.0.44.dev20260713+nightly
codegen_flags: <defaults>
</compile_context>

<pallas_src>
import functools

import jax
import jax.numpy as jnp
from jax import lax
from jax.experimental import pallas as pl
from jax.experimental.pallas import tpu as pltpu
from jax.experimental.pallas import tpu_sc as plsc

L = 16
NOBJ = 16
OVERLAP_THRESHOLD = 0.5
VAR0 = 0.1
VAR1 = 0.2
LN2 = 0.6931471805599453
SQRT2 = 1.4142135623730951


def _log_f32(x):
    xi = lax.bitcast_convert_type(x, jnp.int32)
    e = (xi >> 23) - 127
    mi = (xi & 0x007FFFFF) | 0x3F800000
    m = lax.bitcast_convert_type(mi, jnp.float32)
    big = m > SQRT2
    m = jnp.where(big, m * 0.5, m)
    e = e + jnp.where(big, 1, 0)
    s = (m - 1.0) / (m + 1.0)
    s2 = s * s
    p = 1.0 / 9.0 + s2 * 0.0
    p = 1.0 / 7.0 + s2 * p
    p = 1.0 / 5.0 + s2 * p
    p = 1.0 / 3.0 + s2 * p
    p = 1.0 + s2 * p
    return e.astype(jnp.float32) * LN2 + 2.0 * s * p


def _sc_match(anc, tgt, B, Apad):
    NCHUNK = Apad // L
    mesh = plsc.VectorSubcoreMesh(core_axis_name="c", subcore_axis_name="s")

    @functools.partial(
        pl.kernel,
        out_type=(
            jax.ShapeDtypeStruct((B, 4, Apad), jnp.float32),
            jax.ShapeDtypeStruct((B, Apad), jnp.int32),
        ),
        mesh=mesh,
        compiler_params=pltpu.CompilerParams(needs_layout_passes=False),
        scratch_types=[
            pltpu.VMEM((4, Apad), jnp.float32),
            pltpu.VMEM((5, NOBJ), jnp.float32),
            pltpu.VMEM((5, Apad), jnp.float32),
            pltpu.VMEM((Apad,), jnp.float32),
            pltpu.VMEM((Apad,), jnp.int32),
            pltpu.VMEM((4, Apad), jnp.float32),
            pltpu.VMEM((Apad,), jnp.int32),
        ],
    )
    def run(anc_hbm, tgt_hbm, loc_hbm, conf_hbm,
            anc_v, tgt_v, pnt_v, bov_v, bix_v, loc_v, conf_v):
        b = lax.axis_index("s") * 2 + lax.axis_index("c")

        pltpu.sync_copy(anc_hbm, anc_v)
        pltpu.sync_copy(tgt_hbm.at[b], tgt_v)

        lane = lax.iota(jnp.int32, L)

        tx1r = tgt_v[0, :]
        ty1r = tgt_v[1, :]
        tx2r = tgt_v[2, :]
        ty2r = tgt_v[3, :]
        GRP = 8
        UNROLL = 2
        av = jnp.zeros((L,), jnp.int32)
        for g in range(NOBJ // GRP):
            js = list(range(g * GRP, (g + 1) * GRP))
            spl = []
            for j in js:
                x1s = tx1r[j]
                y1s = ty1r[j]
                x2s = tx2r[j]
                y2s = ty2r[j]
                spl.append((
                    jnp.full((L,), x1s, jnp.float32),
                    jnp.full((L,), y1s, jnp.float32),
                    jnp.full((L,), x2s, jnp.float32),
                    jnp.full((L,), y2s, jnp.float32),
                    jnp.full((L,), (x2s - x1s) * (y2s - y1s), jnp.float32),
                ))

            def p1(cc, carry, spl=spl, g=g, js=js):
                ms, cis = carry
                ms = list(ms)
                cis = list(cis)
                for u in range(UNROLL):
                    c = cc * UNROLL + u
                    s = pl.ds(c * L, L)
                    if g == 0:
                        acx = anc_v[0, s]
                        acy = anc_v[1, s]
                        aw = anc_v[2, s]
                        ah = anc_v[3, s]
                        ax1 = acx - aw / 2.0
                        ay1 = acy - ah / 2.0
                        ax2 = acx + aw / 2.0
                        ay2 = acy + ah / 2.0
                        ab = (ax2 - ax1) * (ay2 - ay1)
                        pnt_v[0, s] = ax1
                        pnt_v[1, s] = ay1
                        pnt_v[2, s] = ax2
                        pnt_v[3, s] = ay2
                        pnt_v[4, s] = ab
                        bo = jnp.full((L,), -1.0, jnp.float32)
                        bi = jnp.zeros((L,), jnp.int32)
                    else:
                        ax1 = pnt_v[0, s]
                        ay1 = pnt_v[1, s]
                        ax2 = pnt_v[2, s]
                        ay2 = pnt_v[3, s]
                        ab = pnt_v[4, s]
                        bo = bov_v[s]
                        bi = bix_v[s]
                    for k, j in enumerate(js):
                        vx1, vy1, vx2, vy2, va = spl[k]
                        iw = jnp.maximum(
                            jnp.minimum(vx2, ax2) - jnp.maximum(vx1, ax1), 0.0)
                        ih = jnp.maximum(
                            jnp.minimum(vy2, ay2) - jnp.maximum(vy1, ay1), 0.0)
                        inter = iw * ih
                        iou = inter / (va + ab - inter)
                        upd = iou > ms[k]
                        ms[k] = jnp.where(upd, iou, ms[k])
                        cis[k] = jnp.where(upd, c, cis[k])
                        u2 = iou > bo
                        bo = jnp.where(u2, iou, bo)
                        bi = jnp.where(u2, jnp.int32(j), bi)
                    bix_v[s] = bi
                    if g == 0:
                        bov_v[s] = bo
                    else:
                        r0 = jnp.zeros((L,), jnp.int32)
                        gx1 = plsc.load_gather(tgt_v, [r0, bi])
                        gy1 = plsc.load_gather(tgt_v, [r0 + 1, bi])
                        gx2 = plsc.load_gather(tgt_v, [r0 + 2, bi])
                        gy2 = plsc.load_gather(tgt_v, [r0 + 3, bi])
                        glb = plsc.load_gather(tgt_v, [r0 + 4, bi])
                        acx = anc_v[0, s]
                        acy = anc_v[1, s]
                        aw = anc_v[2, s]
                        ah = anc_v[3, s]
                        loc_v[0, s] = ((gx1 + gx2) / 2.0 - acx) / (VAR0 * aw)
                        loc_v[1, s] = ((gy1 + gy2) / 2.0 - acy) / (VAR0 * ah)
                        loc_v[2, s] = _log_f32((gx2 - gx1) / aw) / VAR1
                        loc_v[3, s] = _log_f32((gy2 - gy1) / ah) / VAR1
                        lbl = glb.astype(jnp.int32) + 1
                        conf_v[s] = jnp.where(bo < OVERLAP_THRESHOLD, 0, lbl)
                return tuple(ms), tuple(cis)

            init = (tuple(jnp.full((L,), -1.0, jnp.float32) for _ in js),
                    tuple(jnp.zeros((L,), jnp.int32) for _ in js))
            ms, cis = lax.fori_loop(0, NCHUNK // UNROLL, p1, init)
            for k, j in enumerate(js):
                best = jnp.max(ms[k])
                acand = jnp.where(ms[k] == best, cis[k] * L + lane,
                                  jnp.int32(1 << 20))
                aj = jnp.min(acand)
                av = jnp.where(lane == j, aj, av)
                onelane = lane == 0
                idxv = jnp.full((L,), aj, jnp.int32)
                if g == 0:
                    plsc.store_scatter(bov_v, [idxv],
                                       jnp.full((L,), 1.0, jnp.float32),
                                       mask=onelane)
                plsc.store_scatter(bix_v, [idxv],
                                   jnp.full((L,), jnp.int32(j)),
                                   mask=onelane)

        r0 = jnp.zeros((L,), jnp.int32)
        bi_f = plsc.load_gather(bix_v, [av])
        gx1 = plsc.load_gather(tgt_v, [r0, bi_f])
        gy1 = plsc.load_gather(tgt_v, [r0 + 1, bi_f])
        gx2 = plsc.load_gather(tgt_v, [r0 + 2, bi_f])
        gy2 = plsc.load_gather(tgt_v, [r0 + 3, bi_f])
        glb = plsc.load_gather(tgt_v, [r0 + 4, bi_f])
        acx = plsc.load_gather(anc_v, [r0, av])
        acy = plsc.load_gather(anc_v, [r0 + 1, av])
        aw = plsc.load_gather(anc_v, [r0 + 2, av])
        ah = plsc.load_gather(anc_v, [r0 + 3, av])
        plsc.store_scatter(loc_v, [r0, av],
                           ((gx1 + gx2) / 2.0 - acx) / (VAR0 * aw))
        plsc.store_scatter(loc_v, [r0 + 1, av],
                           ((gy1 + gy2) / 2.0 - acy) / (VAR0 * ah))
        plsc.store_scatter(loc_v, [r0 + 2, av],
                           _log_f32((gx2 - gx1) / aw) / VAR1)
        plsc.store_scatter(loc_v, [r0 + 3, av],
                           _log_f32((gy2 - gy1) / ah) / VAR1)
        plsc.store_scatter(conf_v, [av], glb.astype(jnp.int32) + 1)

        pltpu.sync_copy(loc_v, loc_hbm.at[b])
        pltpu.sync_copy(conf_v, conf_hbm.at[b])

    return run(anc, tgt)


def kernel(loc_data, conf_data, targets, anchor_boxes):
    del loc_data, conf_data
    B = targets.shape[0]
    A = anchor_boxes.shape[0]
    Apad = ((A + 4 * L - 1) // (4 * L)) * (4 * L)
    npad = Apad - A
    pad_boxes = jnp.concatenate(
        [jnp.full((npad, 2), 4.0, jnp.float32),
         jnp.full((npad, 2), 0.125, jnp.float32)], axis=1)
    anc = jnp.concatenate([anchor_boxes, pad_boxes], axis=0).T
    tgt = jnp.transpose(targets, (0, 2, 1))
    loc_o, conf_o = _sc_match(anc, tgt, B, Apad)
    loc_t = jnp.transpose(loc_o, (0, 2, 1))[:, :A, :]
    conf_t = conf_o[:, :A]
    return loc_t, conf_t

# --- scband reference (transcript-rebuilt; emitter-appended) ---
"""Pipeline reference for scband-multibox-loss-1219770712096 (READ-ONLY COPY).

The authoritative reference and input builder live on the scoring server;
editing this copy changes nothing except your own understanding.
"""

import jax, jax.numpy as jnp
import numpy as np

B = 32
A = 5000
NOBJ = 16
NUM_CLASSES = 21
OVERLAP_THRESHOLD = 0.5
VARIANCE = (0.1, 0.2)


def setup_inputs(seed: int = 0) -> dict:
    key = jax.random.key(seed)
    k1, k2, k3, k4, k5, k6, k7 = jax.random.split(key, 7)
    loc_data = jax.random.normal(k1, (B, A, 4), dtype=jnp.float32)
    conf_data = jax.random.normal(k2, (B, A, NUM_CLASSES), dtype=jnp.float32)
    # ground-truth boxes in point coords (x1,y1,x2,y2) in [0,1], plus class label column
    wh = jax.random.uniform(k3, (B, NOBJ, 2), minval=0.05, maxval=0.4)
    x1y1 = jax.random.uniform(k4, (B, NOBJ, 2)) * (1.0 - wh)
    labels = jax.random.randint(k5, (B, NOBJ), 0, NUM_CLASSES - 1).astype(jnp.float32)
    targets = jnp.concatenate([x1y1, x1y1 + wh, labels[..., None]], axis=-1)
    # anchor boxes in center coords (cx, cy, w, h) -- materialized module state
    cxcy = jax.random.uniform(k6, (A, 2))
    wh_a = jax.random.uniform(k7, (A, 2), minval=0.05, maxval=0.5)
    anchor_boxes = jnp.concatenate([cxcy, wh_a], axis=-1)
    return {"loc_data": loc_data, "conf_data": conf_data, "targets": targets, "anchor_boxes": anchor_boxes}


def center_to_point(b):
    return jnp.concatenate([b[:, :2] - b[:, 2:] / 2.0, b[:, :2] + b[:, 2:] / 2.0], axis=-1)


def point_to_center(b):
    return jnp.concatenate([(b[:, :2] + b[:, 2:]) / 2.0, b[:, 2:] - b[:, :2]], axis=-1)


def iou_matrix(a, b):
    # a: [N,4] point coords, b: [M,4] point coords -> [N, M]
    lt = jnp.maximum(a[:, None, :2], b[None, :, :2])
    rb = jnp.minimum(a[:, None, 2:], b[None, :, 2:])
    wh = jnp.clip(rb - lt, 0.0)
    inter = wh[..., 0] * wh[..., 1]
    area_a = (a[:, 2] - a[:, 0]) * (a[:, 3] - a[:, 1])
    area_b = (b[:, 2] - b[:, 0]) * (b[:, 3] - b[:, 1])
    return inter / (area_a[:, None] + area_b[None, :] - inter)


def encode_center_coords(anchors_center, gt_center, variance):
    g_cxcy = (gt_center[:, :2] - anchors_center[:, :2]) / (variance[0] * anchors_center[:, 2:])
    g_wh = jnp.log(gt_center[:, 2:] / anchors_center[:, 2:]) / variance[1]
    return jnp.concatenate([g_cxcy, g_wh], axis=-1)


def _match(target, anchor_boxes):
    target_point_coords = target[:, :4]
    target_class_labels = target[:, 4]
    iou = iou_matrix(target_point_coords, center_to_point(anchor_boxes))  # [NOBJ, A]
    anchor_index = jnp.argmax(iou, axis=1)          # best anchor per gt [NOBJ]
    gt_overlap = jnp.max(iou, axis=0)               # best gt overlap per anchor [A]
    gt_index = jnp.argmax(iou, axis=0)              # best gt per anchor [A]
    # ensure every gt's best anchor is kept (overlap forced to 1, index to gt id)
    gt_overlap = gt_overlap.at[anchor_index].set(1.0)
    gt_index = gt_index.at[anchor_index].set(jnp.arange(target.shape[0]))
    gt_coords = target_point_coords[gt_index]       # [A, 4]
    loc = encode_center_coords(anchor_boxes, point_to_center(gt_coords), VARIANCE)
    conf = target_class_labels[gt_index].astype(jnp.int32) + 1
    conf = jnp.where(gt_overlap < OVERLAP_THRESHOLD, 0, conf)
    return loc, conf


def reference(loc_data, conf_data, targets, anchor_boxes):
    loc_t, conf_t = jax.vmap(lambda t: _match(t, anchor_boxes))(targets)
    return loc_t, conf_t

if __name__ == "__main__":
    import jax
    _d = setup_inputs()
    print(jax.jit(kernel)(*tuple(_d.values())))

</pallas_src>

<mosaic_0001>
#map = affine_map<(d0, d1) -> (0, 0)>
#map1 = affine_map<(d0, d1) -> (0, 0, 0)>
module attributes {stable_mosaic.version = 14 : i64} {
  func.func @run(%arg0: i32, %arg1: i32, %arg2: memref<4x5056xf32, #tpu.memory_space<hbm>>, %arg3: memref<32x5x16xf32, #tpu.memory_space<hbm>>, %arg4: memref<32x4x5056xf32, #tpu.memory_space<hbm>>, %arg5: memref<32x5056xi32, #tpu.memory_space<hbm>>, %arg6: memref<4x5056xf32, #tpu.memory_space<vmem>>, %arg7: memref<5x16xf32, #tpu.memory_space<vmem>>, %arg8: memref<5x5056xf32, #tpu.memory_space<vmem>>, %arg9: memref<5056xf32, #tpu.memory_space<vmem>>, %arg10: memref<5056xi32, #tpu.memory_space<vmem>>, %arg11: memref<4x5056xf32, #tpu.memory_space<vmem>>, %arg12: memref<5056xi32, #tpu.memory_space<vmem>>) attributes {dimension_semantics = [#tpu.dimension_semantics<core_parallel>, #tpu.dimension_semantics<subcore_parallel>], iteration_bounds = array<i64: 2, 16>, scalar_prefetch = 0 : i64, scratch_operands = 7 : i64, tpu.core_type = #tpu.core_type<sc_vector_subcore>, window_params = [{transform_indices = #map}, {transform_indices = #map1}, {transform_indices = #map1}, {transform_indices = #map}]} {
    %mul3A = arith.constant 2 : i32
    %mul3A_0 = arith.muli %arg1, %mul3A : i32
    %add3A = arith.addi %mul3A_0, %arg0 : i32
    "tpu.region"() ({
      %run_scoped3A = tpu.sem_alloc : memref<!tpu.dma_semaphore, #tpu.memory_space<semaphore_mem>>
      tpu.enqueue_dma source(%arg2 : memref<4x5056xf32, #tpu.memory_space<hbm>>) target(%arg6 : memref<4x5056xf32, #tpu.memory_space<vmem>>) target_semaphore(%run_scoped3A : memref<!tpu.dma_semaphore, #tpu.memory_space<semaphore_mem>>)
      tpu.wait_dma2 semaphore(%run_scoped3A : memref<!tpu.dma_semaphore, #tpu.memory_space<semaphore_mem>>) src(%arg2 : memref<4x5056xf32, #tpu.memory_space<hbm>>) dst(%arg6 : memref<4x5056xf32, #tpu.memory_space<vmem>>)
      tpu.yield
    }) : () -> ()
    "tpu.region"() ({
      %run_scoped3A = tpu.sem_alloc : memref<!tpu.dma_semaphore, #tpu.memory_space<semaphore_mem>>
      %dma_start3A = arith.constant 0 : i32
      %dma_start3A_1066 = arith.constant 0 : i32
      %dma_start3A_1067 = tpu.memref_slice %arg3[%add3A, %dma_start3A, %dma_start3A_1066] : memref<32x5x16xf32, #tpu.memory_space<hbm>> -> memref<1x5x16xf32, #tpu.memory_space<hbm>>
      %dma_start3A_1068 = tpu.memref_squeeze %dma_start3A_1067 : memref<1x5x16xf32, #tpu.memory_space<hbm>> -> memref<5x16xf32, #tpu.memory_space<hbm>>
      %dma_start3A_1069 = arith.constant 0 : i32
      %dma_start3A_1070 = arith.constant 0 : i32
      %dma_start3A_1071 = tpu.memref_slice %arg3[%add3A, %dma_start3A_1069, %dma_start3A_1070] : memref<32x5x16xf32, #tpu.memory_space<hbm>> -> memref<1x5x16xf32, #tpu.memory_space<hbm>>
      %dma_start3A_1072 = tpu.memref_squeeze %dma_start3A_1071 : memref<1x5x16xf32, #tpu.memory_space<hbm>> -> memref<5x16xf32, #tpu.memory_space<hbm>>
      tpu.enqueue_dma source(%dma_start3A_1072 : memref<5x16xf32, #tpu.memory_space<hbm>>) target(%arg7 : memref<5x16xf32, #tpu.memory_space<vmem>>) target_semaphore(%run_scoped3A : memref<!tpu.dma_semaphore, #tpu.memory_space<semaphore_mem>>)
      %dma_wait3A = arith.constant 0 : i32
      %dma_wait3A_1073 = arith.constant 0 : i32
      %dma_wait3A_1074 = tpu.memref_slice %arg3[%add3A, %dma_wait3A, %dma_wait3A_1073] : memref<32x5x16xf32, #tpu.memory_space<hbm>> -> memref<1x5x16xf32, #tpu.memory_space<hbm>>
      %dma_wait3A_1075 = tpu.memref_squeeze %dma_wait3A_1074 : memref<1x5x16xf32, #tpu.memory_space<hbm>> -> memref<5x16xf32, #tpu.memory_space<hbm>>
      %dma_wait3A_1076 = arith.constant 0 : i32
      %dma_wait3A_1077 = arith.constant 0 : i32
      %dma_wait3A_1078 = tpu.memref_slice %arg3[%add3A, %dma_wait3A_1076, %dma_wait3A_1077] : memref<32x5x16xf32, #tpu.memory_space<hbm>> -> memref<1x5x16xf32, #tpu.memory_space<hbm>>
      %dma_wait3A_1079 = tpu.memref_squeeze %dma_wait3A_1078 : memref<1x5x16xf32, #tpu.memory_space<hbm>> -> memref<5x16xf32, #tpu.memory_space<hbm>>
      tpu.wait_dma2 semaphore(%run_scoped3A : memref<!tpu.dma_semaphore, #tpu.memory_space<semaphore_mem>>) src(%dma_wait3A_1079 : memref<5x16xf32, #tpu.memory_space<hbm>>) dst(%arg7 : memref<5x16xf32, #tpu.memory_space<vmem>>)
      tpu.yield
    }) : () -> ()
    %iota3A = tpu.iota {dimensions = array<i32: 0>} : vector<16xi32>
    %get3A = arith.constant 0 : i32
    %get3A_1 = arith.index_cast %get3A : i32 to index
    %get3A_2 = arith.constant 0 : index
    %get3A_3 = tpu.vector_load %arg7[%get3A_1, %get3A_2] {strides = array<i32>} : memref<5x16xf32, #tpu.memory_space<vmem>>, vector<16xf32>,
    %get3A_4 = arith.constant 1 : i32
    %get3A_5 = arith.index_cast %get3A_4 : i32 to index
    %get3A_6 = arith.constant 0 : index
    %get3A_7 = tpu.vector_load %arg7[%get3A_5, %get3A_6] {strides = array<i32>} : memref<5x16xf32, #tpu.memory_space<vmem>>, vector<16xf32>,
    %get3A_8 = arith.constant 2 : i32
    %get3A_9 = arith.index_cast %get3A_8 : i32 to index
    %get3A_10 = arith.constant 0 : index
    %get3A_11 = tpu.vector_load %arg7[%get3A_9, %get3A_10] {strides = array<i32>} : memref<5x16xf32, #tpu.memory_space<vmem>>, vector<16xf32>,
    %get3A_12 = arith.constant 3 : i32
    %get3A_13 = arith.index_cast %get3A_12 : i32 to index
    %get3A_14 = arith.constant 0 : index
    %get3A_15 = tpu.vector_load %arg7[%get3A_13, %get3A_14] {strides = array<i32>} : memref<5x16xf32, #tpu.memory_space<vmem>>, vector<16xf32>,
    %broadcast_in_dim3A = arith.constant 0 : i32
    %broadcast_in_dim3A_16 = vector.broadcast %broadcast_in_dim3A : i32 to vector<16xi32>
    %slice3A = vector.extract_strided_slice %get3A_3 {offsets = [0], sizes = [1], strides = [1]} : vector<16xf32> to vector<1xf32>
    %squeeze3A = vector.extract %slice3A[0] : f32 from vector<1xf32>
    %slice3A_17 = vector.extract_strided_slice %get3A_7 {offsets = [0], sizes = [1], strides = [1]} : vector<16xf32> to vector<1xf32>
    %squeeze3A_18 = vector.extract %slice3A_17[0] : f32 from vector<1xf32>
    %slice3A_19 = vector.extract_strided_slice %get3A_11 {offsets = [0], sizes = [1], strides = [1]} : vector<16xf32> to vector<1xf32>
    %squeeze3A_20 = vector.extract %slice3A_19[0] : f32 from vector<1xf32>
    %slice3A_21 = vector.extract_strided_slice %get3A_15 {offsets = [0], sizes = [1], strides = [1]} : vector<16xf32> to vector<1xf32>
    %squeeze3A_22 = vector.extract %slice3A_21[0] : f32 from vector<1xf32>
    %broadcast_in_dim3A_23 = vector.broadcast %squeeze3A : f32 to vector<16xf32>
    %broadcast_in_dim3A_24 = vector.broadcast %squeeze3A_18 : f32 to vector<16xf32>
    %broadcast_in_dim3A_25 = vector.broadcast %squeeze3A_20 : f32 to vector<16xf32>
    %broadcast_in_dim3A_26 = vector.broadcast %squeeze3A_22 : f32 to vector<16xf32>
    %sub3A = arith.subf %squeeze3A_20, %squeeze3A : f32
    %sub3A_27 = arith.subf %squeeze3A_22, %squeeze3A_18 : f32
    %mul3A_28 = arith.mulf %sub3A, %sub3A_27 : f32
    %broadcast_in_dim3A_29 = vector.broadcast %mul3A_28 : f32 to vector<16xf32>
    %slice3A_30 = vector.extract_strided_slice %get3A_3 {offsets = [1], sizes = [1], strides = [1]} : vector<16xf32> to vector<1xf32>
    %squeeze3A_31 = vector.extract %slice3A_30[0] : f32 from vector<1xf32>
    %slice3A_32 = vector.extract_strided_slice %get3A_7 {offsets = [1], sizes = [1], strides = [1]} : vector<16xf32> to vector<1xf32>
    %squeeze3A_33 = vector.extract %slice3A_32[0] : f32 from vector<1xf32>
    %slice3A_34 = vector.extract_strided_slice %get3A_11 {offsets = [1], sizes = [1], strides = [1]} : vector<16xf32> to vector<1xf32>
    %squeeze3A_35 = vector.extract %slice3A_34[0] : f32 from vector<1xf32>
    %slice3A_36 = vector.extract_strided_slice %get3A_15 {offsets = [1], sizes = [1], strides = [1]} : vector<16xf32> to vector<1xf32>
    %squeeze3A_37 = vector.extract %slice3A_36[0] : f32 from vector<1xf32>
    %broadcast_in_dim3A_38 = vector.broadcast %squeeze3A_31 : f32 to vector<16xf32>
    %broadcast_in_dim3A_39 = vector.broadcast %squeeze3A_33 : f32 to vector<16xf32>
    %broadcast_in_dim3A_40 = vector.broadcast %squeeze3A_35 : f32 to vector<16xf32>
    %broadcast_in_dim3A_41 = vector.broadcast %squeeze3A_37 : f32 to vector<16xf32>
    %sub3A_42 = arith.subf %squeeze3A_35, %squeeze3A_31 : f32
    %sub3A_43 = arith.subf %squeeze3A_37, %squeeze3A_33 : f32
    %mul3A_44 = arith.mulf %sub3A_42, %sub3A_43 : f32
    %broadcast_in_dim3A_45 = vector.broadcast %mul3A_44 : f32 to vector<16xf32>
    %slice3A_46 = vector.extract_strided_slice %get3A_3 {offsets = [2], sizes = [1], strides = [1]} : vector<16xf32> to vector<1xf32>
    %squeeze3A_47 = vector.extract %slice3A_46[0] : f32 from vector<1xf32>
    %slice3A_48 = vector.extract_strided_slice %get3A_7 {offsets = [2], sizes = [1], strides = [1]} : vector<16xf32> to vector<1xf32>
    %squeeze3A_49 = vector.extract %slice3A_48[0] : f32 from vector<1xf32>
    %slice3A_50 = vector.extract_strided_slice %get3A_11 {offsets = [2], sizes = [1], strides = [1]} : vector<16xf32> to vector<1xf32>
    %squeeze3A_51 = vector.extract %slice3A_50[0] : f32 from vector<1xf32>
    %slice3A_52 = vector.extract_strided_slice %get3A_15 {offsets = [2], sizes = [1], strides = [1]} : vector<16xf32> to vector<1xf32>
    %squeeze3A_53 = vector.extract %slice3A_52[0] : f32 from vector<1xf32>
    %broadcast_in_dim3A_54 = vector.broadcast %squeeze3A_47 : f32 to vector<16xf32>
    %broadcast_in_dim3A_55 = vector.broadcast %squeeze3A_49 : f32 to vector<16xf32>
    %broadcast_in_dim3A_56 = vector.broadcast %squeeze3A_51 : f32 to vector<16xf32>
    %broadcast_in_dim3A_57 = vector.broadcast %squeeze3A_53 : f32 to vector<16xf32>
    %sub3A_58 = arith.subf %squeeze3A_51, %squeeze3A_47 : f32
    %sub3A_59 = arith.subf %squeeze3A_53, %squeeze3A_49 : f32
    %mul3A_60 = arith.mulf %sub3A_58, %sub3A_59 : f32
    %broadcast_in_dim3A_61 = vector.broadcast %mul3A_60 : f32 to vector<16xf32>
    %slice3A_62 = vector.extract_strided_slice %get3A_3 {offsets = [3], sizes = [1], strides = [1]} : vector<16xf32> to vector<1xf32>
    %squeeze3A_63 = vector.extract %slice3A_62[0] : f32 from vector<1xf32>
    %slice3A_64 = vector.extract_strided_slice %get3A_7 {offsets = [3], sizes = [1], strides = [1]} : vector<16xf32> to vector<1xf32>
    %squeeze3A_65 = vector.extract %slice3A_64[0] : f32 from vector<1xf32>
    %slice3A_66 = vector.extract_strided_slice %get3A_11 {offsets = [3], sizes = [1], strides = [1]} : vector<16xf32> to vector<1xf32>
    %squeeze3A_67 = vector.extract %slice3A_66[0] : f32 from vector<1xf32>
    %slice3A_68 = vector.extract_strided_slice %get3A_15 {offsets = [3], sizes = [1], strides = [1]} : vector<16xf32> to vector<1xf32>
    %squeeze3A_69 = vector.extract %slice3A_68[0] : f32 from vector<1xf32>
    %broadcast_in_dim3A_70 = vector.broadcast %squeeze3A_63 : f32 to vector<16xf32>
    %broadcast_in_dim3A_71 = vector.broadcast %squeeze3A_65 : f32 to vector<16xf32>
    %broadcast_in_dim3A_72 = vector.broadcast %squeeze3A_67 : f32 to vector<16xf32>
    %broadcast_in_dim3A_73 = vector.broadcast %squeeze3A_69 : f32 to vector<16xf32>
    %sub3A_74 = arith.subf %squeeze3A_67, %squeeze3A_63 : f32
    %sub3A_75 = arith.subf %squeeze3A_69, %squeeze3A_65 : f32
    %mul3A_76 = arith.mulf %sub3A_74, %sub3A_75 : f32
    %broadcast_in_dim3A_77 = vector.broadcast %mul3A_76 : f32 to vector<16xf32>
    %slice3A_78 = vector.extract_strided_slice %get3A_3 {offsets = [4], sizes = [1], strides = [1]} : vector<16xf32> to vector<1xf32>
    %squeeze3A_79 = vector.extract %slice3A_78[0] : f32 from vector<1xf32>
    %slice3A_80 = vector.extract_strided_slice %get3A_7 {offsets = [4], sizes = [1], strides = [1]} : vector<16xf32> to vector<1xf32>
    %squeeze3A_81 = vector.extract %slice3A_80[0] : f32 from vector<1xf32>
    %slice3A_82 = vector.extract_strided_slice %get3A_11 {offsets = [4], sizes = [1], strides = [1]} : vector<16xf32> to vector<1xf32>
    %squeeze3A_83 = vector.extract %slice3A_82[0] : f32 from vector<1xf32>
    %slice3A_84 = vector.extract_strided_slice %get3A_15 {offsets = [4], sizes = [1], strides = [1]} : vector<16xf32> to vector<1xf32>
    %squeeze3A_85 = vector.extract %slice3A_84[0] : f32 from vector<1xf32>
    %broadcast_in_dim3A_86 = vector.broadcast %squeeze3A_79 : f32 to vector<16xf32>
    %broadcast_in_dim3A_87 = vector.broadcast %squeeze3A_81 : f32 to vector<16xf32>
    %broadcast_in_dim3A_88 = vector.broadcast %squeeze3A_83 : f32 to vector<16xf32>
    %broadcast_in_dim3A_89 = vector.broadcast %squeeze3A_85 : f32 to vector<16xf32>
    %sub3A_90 = arith.subf %squeeze3A_83, %squeeze3A_79 : f32
    %sub3A_91 = arith.subf %squeeze3A_85, %squeeze3A_81 : f32
    %mul3A_92 = arith.mulf %sub3A_90, %sub3A_91 : f32
    %broadcast_in_dim3A_93 = vector.broadcast %mul3A_92 : f32 to vector<16xf32>
    %slice3A_94 = vector.extract_strided_slice %get3A_3 {offsets = [5], sizes = [1], strides = [1]} : vector<16xf32> to vector<1xf32>
    %squeeze3A_95 = vector.extract %slice3A_94[0] : f32 from vector<1xf32>
    %slice3A_96 = vector.extract_strided_slice %get3A_7 {offsets = [5], sizes = [1], strides = [1]} : vector<16xf32> to vector<1xf32>
    %squeeze3A_97 = vector.extract %slice3A_96[0] : f32 from vector<1xf32>
    %slice3A_98 = vector.extract_strided_slice %get3A_11 {offsets = [5], sizes = [1], strides = [1]} : vector<16xf32> to vector<1xf32>
    %squeeze3A_99 = vector.extract %slice3A_98[0] : f32 from vector<1xf32>
    %slice3A_100 = vector.extract_strided_slice %get3A_15 {offsets = [5], sizes = [1], strides = [1]} : vector<16xf32> to vector<1xf32>
    %squeeze3A_101 = vector.extract %slice3A_100[0] : f32 from vector<1xf32>
    %broadcast_in_dim3A_102 = vector.broadcast %squeeze3A_95 : f32 to vector<16xf32>
    %broadcast_in_dim3A_103 = vector.broadcast %squeeze3A_97 : f32 to vector<16xf32>
    %broadcast_in_dim3A_104 = vector.broadcast %squeeze3A_99 : f32 to vector<16xf32>
    %broadcast_in_dim3A_105 = vector.broadcast %squeeze3A_101 : f32 to vector<16xf32>
    %sub3A_106 = arith.subf %squeeze3A_99, %squeeze3A_95 : f32
    %sub3A_107 = arith.subf %squeeze3A_101, %squeeze3A_97 : f32
    %mul3A_108 = arith.mulf %sub3A_106, %sub3A_107 : f32
    %broadcast_in_dim3A_109 = vector.broadcast %mul3A_108 : f32 to vector<16xf32>
    %slice3A_110 = vector.extract_strided_slice %get3A_3 {offsets = [6], sizes = [1], strides = [1]} : vector<16xf32> to vector<1xf32>
    %squeeze3A_111 = vector.extract %slice3A_110[0] : f32 from vector<1xf32>
    %slice3A_112 = vector.extract_strided_slice %get3A_7 {offsets = [6], sizes = [1], strides = [1]} : vector<16xf32> to vector<1xf32>
    %squeeze3A_113 = vector.extract %slice3A_112[0] : f32 from vector<1xf32>
    %slice3A_114 = vector.extract_strided_slice %get3A_11 {offsets = [6], sizes = [1], strides = [1]} : vector<16xf32> to vector<1xf32>
    %squeeze3A_115 = vector.extract %slice3A_114[0] : f32 from vector<1xf32>
    %slice3A_116 = vector.extract_strided_slice %get3A_15 {offsets = [6], sizes = [1], strides = [1]} : vector<16xf32> to vector<1xf32>
    %squeeze3A_117 = vector.extract %slice3A_116[0] : f32 from vector<1xf32>
    %broadcast_in_dim3A_118 = vector.broadcast %squeeze3A_111 : f32 to vector<16xf32>
    %broadcast_in_dim3A_119 = vector.broadcast %squeeze3A_113 : f32 to vector<16xf32>
    %broadcast_in_dim3A_120 = vector.broadcast %squeeze3A_115 : f32 to vector<16xf32>
    %broadcast_in_dim3A_121 = vector.broadcast %squeeze3A_117 : f32 to vector<16xf32>
    %sub3A_122 = arith.subf %squeeze3A_115, %squeeze3A_111 : f32
    %sub3A_123 = arith.subf %squeeze3A_117, %squeeze3A_113 : f32
    %mul3A_124 = arith.mulf %sub3A_122, %sub3A_123 : f32
    %broadcast_in_dim3A_125 = vector.broadcast %mul3A_124 : f32 to vector<16xf32>
    %slice3A_126 = vector.extract_strided_slice %get3A_3 {offsets = [7], sizes = [1], strides = [1]} : vector<16xf32> to vector<1xf32>
    %squeeze3A_127 = vector.extract %slice3A_126[0] : f32 from vector<1xf32>
    %slice3A_128 = vector.extract_strided_slice %get3A_7 {offsets = [7], sizes = [1], strides = [1]} : vector<16xf32> to vector<1xf32>
    %squeeze3A_129 = vector.extract %slice3A_128[0] : f32 from vector<1xf32>
    %slice3A_130 = vector.extract_strided_slice %get3A_11 {offsets = [7], sizes = [1], strides = [1]} : vector<16xf32> to vector<1xf32>
    %squeeze3A_131 = vector.extract %slice3A_130[0] : f32 from vector<1xf32>
    %slice3A_132 = vector.extract_strided_slice %get3A_15 {offsets = [7], sizes = [1], strides = [1]} : vector<16xf32> to vector<1xf32>
    %squeeze3A_133 = vector.extract %slice3A_132[0] : f32 from vector<1xf32>
    %broadcast_in_dim3A_134 = vector.broadcast %squeeze3A_127 : f32 to vector<16xf32>
    %broadcast_in_dim3A_135 = vector.broadcast %squeeze3A_129 : f32 to vector<16xf32>
    %broadcast_in_dim3A_136 = vector.broadcast %squeeze3A_131 : f32 to vector<16xf32>
    %broadcast_in_dim3A_137 = vector.broadcast %squeeze3A_133 : f32 to vector<16xf32>
    %sub3A_138 = arith.subf %squeeze3A_131, %squeeze3A_127 : f32
    %sub3A_139 = arith.subf %squeeze3A_133, %squeeze3A_129 : f32
    %mul3A_140 = arith.mulf %sub3A_138, %sub3A_139 : f32
    %broadcast_in_dim3A_141 = vector.broadcast %mul3A_140 : f32 to vector<16xf32>
    %broadcast_in_dim3A_142 = arith.constant -1.000000e+00 : f32
    %broadcast_in_dim3A_143 = vector.broadcast %broadcast_in_dim3A_142 : f32 to vector<16xf32>
    %broadcast_in_dim3A_144 = arith.constant -1.000000e+00 : f32
    %broadcast_in_dim3A_145 = vector.broadcast %broadcast_in_dim3A_144 : f32 to vector<16xf32>
    %broadcast_in_dim3A_146 = arith.constant -1.000000e+00 : f32
    %broadcast_in_dim3A_147 = vector.broadcast %broadcast_in_dim3A_146 : f32 to vector<16xf32>
    %broadcast_in_dim3A_148 = arith.constant -1.000000e+00 : f32
    %broadcast_in_dim3A_149 = vector.broadcast %broadcast_in_dim3A_148 : f32 to vector<16xf32>
    %broadcast_in_dim3A_150 = arith.constant -1.000000e+00 : f32
    %broadcast_in_dim3A_151 = vector.broadcast %broadcast_in_dim3A_150 : f32 to vector<16xf32>
    %broadcast_in_dim3A_152 = arith.constant -1.000000e+00 : f32
    %broadcast_in_dim3A_153 = vector.broadcast %broadcast_in_dim3A_152 : f32 to vector<16xf32>
    %broadcast_in_dim3A_154 = arith.constant -1.000000e+00 : f32
    %broadcast_in_dim3A_155 = vector.broadcast %broadcast_in_dim3A_154 : f32 to vector<16xf32>
    %broadcast_in_dim3A_156 = arith.constant -1.000000e+00 : f32
    %broadcast_in_dim3A_157 = vector.broadcast %broadcast_in_dim3A_156 : f32 to vector<16xf32>
    %broadcast_in_dim3A_158 = arith.constant 0 : i32
    %broadcast_in_dim3A_159 = vector.broadcast %broadcast_in_dim3A_158 : i32 to vector<16xi32>
    %broadcast_in_dim3A_160 = arith.constant 0 : i32
    %broadcast_in_dim3A_161 = vector.broadcast %broadcast_in_dim3A_160 : i32 to vector<16xi32>
    %broadcast_in_dim3A_162 = arith.constant 0 : i32
    %broadcast_in_dim3A_163 = vector.broadcast %broadcast_in_dim3A_162 : i32 to vector<16xi32>
    %broadcast_in_dim3A_164 = arith.constant 0 : i32
    %broadcast_in_dim3A_165 = vector.broadcast %broadcast_in_dim3A_164 : i32 to vector<16xi32>
    %broadcast_in_dim3A_166 = arith.constant 0 : i32
    %broadcast_in_dim3A_167 = vector.broadcast %broadcast_in_dim3A_166 : i32 to vector<16xi32>
    %broadcast_in_dim3A_168 = arith.constant 0 : i32
    %broadcast_in_dim3A_169 = vector.broadcast %broadcast_in_dim3A_168 : i32 to vector<16xi32>
    %broadcast_in_dim3A_170 = arith.constant 0 : i32
    %broadcast_in_dim3A_171 = vector.broadcast %broadcast_in_dim3A_170 : i32 to vector<16xi32>
    %broadcast_in_dim3A_172 = arith.constant 0 : i32
    %broadcast_in_dim3A_173 = vector.broadcast %broadcast_in_dim3A_172 : i32 to vector<16xi32>
    %scan3A = arith.constant 0 : i32
    %scan3A_174 = arith.constant 158 : i32
    %scan3A_175 = arith.addi %scan3A, %scan3A_174 : i32
    %scan3A_176 = arith.constant 1 : i32
    %scan3A_177:16 = scf.for %scan3A_1066 = %scan3A to %scan3A_175 step %scan3A_176 iter_args(%scan3A_1067 = %broadcast_in_dim3A_143, %scan3A_1068 = %broadcast_in_dim3A_145, %scan3A_1069 = %broadcast_in_dim3A_147, %scan3A_1070 = %broadcast_in_dim3A_149, %scan3A_1071 = %broadcast_in_dim3A_151, %scan3A_1072 = %broadcast_in_dim3A_153, %scan3A_1073 = %broadcast_in_dim3A_155, %scan3A_1074 = %broadcast_in_dim3A_157, %scan3A_1075 = %broadcast_in_dim3A_159, %scan3A_1076 = %broadcast_in_dim3A_161, %scan3A_1077 = %broadcast_in_dim3A_163, %scan3A_1078 = %broadcast_in_dim3A_165, %scan3A_1079 = %broadcast_in_dim3A_167, %scan3A_1080 = %broadcast_in_dim3A_169, %scan3A_1081 = %broadcast_in_dim3A_171, %scan3A_1082 = %broadcast_in_dim3A_173) -> (vector<16xf32>, vector<16xf32>, vector<16xf32>, vector<16xf32>, vector<16xf32>, vector<16xf32>, vector<16xf32>, vector<16xf32>, vector<16xi32>, vector<16xi32>, vector<16xi32>, vector<16xi32>, vector<16xi32>, vector<16xi32>, vector<16xi32>, vector<16xi32>)  : i32 {
      %mul3A_1083 = arith.constant 2 : i32
      %mul3A_1084 = arith.muli %scan3A_1066, %mul3A_1083 : i32
      %add3A_1085 = arith.constant 0 : i32
      %add3A_1086 = arith.addi %mul3A_1084, %add3A_1085 : i32
      %mul3A_1087 = arith.constant 16 : i32
      %mul3A_1088 = arith.muli %add3A_1086, %mul3A_1087 : i32
      %get3A_1089 = arith.constant 0 : i32
      %get3A_1090 = arith.index_cast %get3A_1089 : i32 to index
      %get3A_1091 = arith.index_cast %mul3A_1088 : i32 to index
      %get3A_1092 = tpu.vector_load %arg6[%get3A_1090, %get3A_1091] {strides = array<i32>} : memref<4x5056xf32, #tpu.memory_space<vmem>>, vector<16xf32>,
      %get3A_1093 = arith.constant 1 : i32
      %get3A_1094 = arith.index_cast %get3A_1093 : i32 to index
      %get3A_1095 = arith.index_cast %mul3A_1088 : i32 to index
      %get3A_1096 = tpu.vector_load %arg6[%get3A_1094, %get3A_1095] {strides = array<i32>} : memref<4x5056xf32, #tpu.memory_space<vmem>>, vector<16xf32>,
      %get3A_1097 = arith.constant 2 : i32
      %get3A_1098 = arith.index_cast %get3A_1097 : i32 to index
      %get3A_1099 = arith.index_cast %mul3A_1088 : i32 to index
      %get3A_1100 = tpu.vector_load %arg6[%get3A_1098, %get3A_1099] {strides = array<i32>} : memref<4x5056xf32, #tpu.memory_space<vmem>>, vector<16xf32>,
      %get3A_1101 = arith.constant 3 : i32
      %get3A_1102 = arith.index_cast %get3A_1101 : i32 to index
      %get3A_1103 = arith.index_cast %mul3A_1088 : i32 to index
      %get3A_1104 = tpu.vector_load %arg6[%get3A_1102, %get3A_1103] {strides = array<i32>} : memref<4x5056xf32, #tpu.memory_space<vmem>>, vector<16xf32>,
      %div3A_1105 = arith.constant 2.000000e+00 : f32
      %div3A_1106 = vector.broadcast %div3A_1105 : f32 to vector<16xf32>
      %div3A_1107 = arith.divf %get3A_1100, %div3A_1106 : vector<16xf32>
      %sub3A_1108 = arith.subf %get3A_1092, %div3A_1107 : vector<16xf32>
      %div3A_1109 = arith.constant 2.000000e+00 : f32
      %div3A_1110 = vector.broadcast %div3A_1109 : f32 to vector<16xf32>
      %div3A_1111 = arith.divf %get3A_1104, %div3A_1110 : vector<16xf32>
      %sub3A_1112 = arith.subf %get3A_1096, %div3A_1111 : vector<16xf32>
      %div3A_1113 = arith.constant 2.000000e+00 : f32
      %div3A_1114 = vector.broadcast %div3A_1113 : f32 to vector<16xf32>
      %div3A_1115 = arith.divf %get3A_1100, %div3A_1114 : vector<16xf32>
      %add3A_1116 = arith.addf %get3A_1092, %div3A_1115 : vector<16xf32>
      %div3A_1117 = arith.constant 2.000000e+00 : f32
      %div3A_1118 = vector.broadcast %div3A_1117 : f32 to vector<16xf32>
      %div3A_1119 = arith.divf %get3A_1104, %div3A_1118 : vector<16xf32>
      %add3A_1120 = arith.addf %get3A_1096, %div3A_1119 : vector<16xf32>
      %sub3A_1121 = arith.subf %add3A_1116, %sub3A_1108 : vector<16xf32>
      %sub3A_1122 = arith.subf %add3A_1120, %sub3A_1112 : vector<16xf32>
      %mul3A_1123 = arith.mulf %sub3A_1121, %sub3A_1122 : vector<16xf32>
      %swap3A = arith.constant 0 : i32
      %swap3A_1124 = arith.index_cast %swap3A : i32 to index
      %swap3A_1125 = arith.index_cast %mul3A_1088 : i32 to index
      %swap3A_1126 = tpu.vector_load %arg8[%swap3A_1124, %swap3A_1125] {strides = array<i32>} : memref<5x5056xf32, #tpu.memory_space<vmem>>, vector<16xf32>,
      tpu.vector_store %arg8[%swap3A_1124, %swap3A_1125], %sub3A_1108 {strides = array<i32>} : memref<5x5056xf32, #tpu.memory_space<vmem>>, vector<16xf32>,
      %swap3A_1127 = arith.constant 1 : i32
      %swap3A_1128 = arith.index_cast %swap3A_1127 : i32 to index
      %swap3A_1129 = arith.index_cast %mul3A_1088 : i32 to index
      %swap3A_1130 = tpu.vector_load %arg8[%swap3A_1128, %swap3A_1129] {strides = array<i32>} : memref<5x5056xf32, #tpu.memory_space<vmem>>, vector<16xf32>,
      tpu.vector_store %arg8[%swap3A_1128, %swap3A_1129], %sub3A_1112 {strides = array<i32>} : memref<5x5056xf32, #tpu.memory_space<vmem>>, vector<16xf32>,
      %swap3A_1131 = arith.constant 2 : i32
      %swap3A_1132 = arith.index_cast %swap3A_1131 : i32 to index
      %swap3A_1133 = arith.index_cast %mul3A_1088 : i32 to index
      %swap3A_1134 = tpu.vector_load %arg8[%swap3A_1132, %swap3A_1133] {strides = array<i32>} : memref<5x5056xf32, #tpu.memory_space<vmem>>, vector<16xf32>,
      tpu.vector_store %arg8[%swap3A_1132, %swap3A_1133], %add3A_1116 {strides = array<i32>} : memref<5x5056xf32, #tpu.memory_space<vmem>>, vector<16xf32>,
      %swap3A_1135 = arith.constant 3 : i32
      %swap3A_1136 = arith.index_cast %swap3A_1135 : i32 to index
      %swap3A_1137 = arith.index_cast %mul3A_1088 : i32 to index
      %swap3A_1138 = tpu.vector_load %arg8[%swap3A_1136, %swap3A_1137] {strides = array<i32>} : memref<5x5056xf32, #tpu.memory_space<vmem>>, vector<16xf32>,
      tpu.vector_store %arg8[%swap3A_1136, %swap3A_1137], %add3A_1120 {strides = array<i32>} : memref<5x5056xf32, #tpu.memory_space<vmem>>, vector<16xf32>,
      %swap3A_1139 = arith.constant 4 : i32
      %swap3A_1140 = arith.index_cast %swap3A_1139 : i32 to index
      %swap3A_1141 = arith.index_cast %mul3A_1088 : i32 to index
      %swap3A_1142 = tpu.vector_load %arg8[%swap3A_1140, %swap3A_1141] {strides = array<i32>} : memref<5x5056xf32, #tpu.memory_space<vmem>>, vector<16xf32>,
      tpu.vector_store %arg8[%swap3A_1140, %swap3A_1141], %mul3A_1123 {strides = array<i32>} : memref<5x5056xf32, #tpu.memory_space<vmem>>, vector<16xf32>,
      %broadcast_in_dim3A_1143 = arith.constant -1.000000e+00 : f32
      %broadcast_in_dim3A_1144 = vector.broadcast %broadcast_in_dim3A_1143 : f32 to vector<16xf32>
      %broadcast_in_dim3A_1145 = arith.constant 0 : i32
      %broadcast_in_dim3A_1146 = vector.broadcast %broadcast_in_dim3A_1145 : i32 to vector<16xi32>
      %min3A = arith.minimumf %broadcast_in_dim3A_25, %add3A_1116 : vector<16xf32>
      %max3A = arith.maximumf %broadcast_in_dim3A_23, %sub3A_1108 : vector<16xf32>
      %sub3A_1147 = arith.subf %min3A, %max3A : vector<16xf32>
      %max3A_1148 = arith.constant 0.000000e+00 : f32
      %max3A_1149 = vector.broadcast %max3A_1148 : f32 to vector<16xf32>
      %max3A_1150 = arith.maximumf %sub3A_1147, %max3A_1149 : vector<16xf32>
      %min3A_1151 = arith.minimumf %broadcast_in_dim3A_26, %add3A_1120 : vector<16xf32>
      %max3A_1152 = arith.maximumf %broadcast_in_dim3A_24, %sub3A_1112 : vector<16xf32>
      %sub3A_1153 = arith.subf %min3A_1151, %max3A_1152 : vector<16xf32>
      %max3A_1154 = arith.constant 0.000000e+00 : f32
      %max3A_1155 = vector.broadcast %max3A_1154 : f32 to vector<16xf32>
      %max3A_1156 = arith.maximumf %sub3A_1153, %max3A_1155 : vector<16xf32>
      %mul3A_1157 = arith.mulf %max3A_1150, %max3A_1156 : vector<16xf32>
      %add3A_1158 = arith.addf %broadcast_in_dim3A_29, %mul3A_1123 : vector<16xf32>
      %sub3A_1159 = arith.subf %add3A_1158, %mul3A_1157 : vector<16xf32>
      %div3A_1160 = arith.divf %mul3A_1157, %sub3A_1159 : vector<16xf32>
      %gt3A_1161 = arith.cmpf ogt, %div3A_1160, %scan3A_1067 : vector<16xf32>
      %select_n3A_1162 = arith.select %gt3A_1161, %div3A_1160, %scan3A_1067 : vector<16xi1>, vector<16xf32>
      %broadcast_in_dim3A_1163 = vector.broadcast %add3A_1086 : i32 to vector<16xi32>
      %select_n3A_1164 = arith.select %gt3A_1161, %broadcast_in_dim3A_1163, %scan3A_1075 : vector<16xi1>, vector<16xi32>
      %gt3A_1165 = arith.cmpf ogt, %div3A_1160, %broadcast_in_dim3A_1144 : vector<16xf32>
      %select_n3A_1166 = arith.select %gt3A_1165, %div3A_1160, %broadcast_in_dim3A_1144 : vector<16xi1>, vector<16xf32>
      %jit3A_1167 = arith.constant 0 : i32
      %broadcast_in_dim3A_1168 = vector.broadcast %jit3A_1167 : i32 to vector<16xi32>
      %select_n3A_1169 = arith.select %gt3A_1165, %broadcast_in_dim3A_1168, %broadcast_in_dim3A_1146 : vector<16xi1>, vector<16xi32>
      %min3A_1170 = arith.minimumf %broadcast_in_dim3A_40, %add3A_1116 : vector<16xf32>
      %max3A_1171 = arith.maximumf %broadcast_in_dim3A_38, %sub3A_1108 : vector<16xf32>
      %sub3A_1172 = arith.subf %min3A_1170, %max3A_1171 : vector<16xf32>
      %max3A_1173 = arith.constant 0.000000e+00 : f32
      %max3A_1174 = vector.broadcast %max3A_1173 : f32 to vector<16xf32>
      %max3A_1175 = arith.maximumf %sub3A_1172, %max3A_1174 : vector<16xf32>
      %min3A_1176 = arith.minimumf %broadcast_in_dim3A_41, %add3A_1120 : vector<16xf32>
      %max3A_1177 = arith.maximumf %broadcast_in_dim3A_39, %sub3A_1112 : vector<16xf32>
      %sub3A_1178 = arith.subf %min3A_1176, %max3A_1177 : vector<16xf32>
      %max3A_1179 = arith.constant 0.000000e+00 : f32
      %max3A_1180 = vector.broadcast %max3A_1179 : f32 to vector<16xf32>
      %max3A_1181 = arith.maximumf %sub3A_1178, %max3A_1180 : vector<16xf32>
      %mul3A_1182 = arith.mulf %max3A_1175, %max3A_1181 : vector<16xf32>
      %add3A_1183 = arith.addf %broadcast_in_dim3A_45, %mul3A_1123 : vector<16xf32>
      %sub3A_1184 = arith.subf %add3A_1183, %mul3A_1182 : vector<16xf32>
      %div3A_1185 = arith.divf %mul3A_1182, %sub3A_1184 : vector<16xf32>
      %gt3A_1186 = arith.cmpf ogt, %div3A_1185, %scan3A_1068 : vector<16xf32>
      %select_n3A_1187 = arith.select %gt3A_1186, %div3A_1185, %scan3A_1068 : vector<16xi1>, vector<16xf32>
      %broadcast_in_dim3A_1188 = vector.broadcast %add3A_1086 : i32 to vector<16xi32>
      %select_n3A_1189 = arith.select %gt3A_1186, %broadcast_in_dim3A_1188, %scan3A_1076 : vector<16xi1>, vector<16xi32>
      %gt3A_1190 = arith.cmpf ogt, %div3A_1185, %select_n3A_1166 : vector<16xf32>
      %select_n3A_1191 = arith.select %gt3A_1190, %div3A_1185, %select_n3A_1166 : vector<16xi1>, vector<16xf32>
      %jit3A_1192 = arith.constant 1 : i32
      %broadcast_in_dim3A_1193 = vector.broadcast %jit3A_1192 : i32 to vector<16xi32>
      %select_n3A_1194 = arith.select %gt3A_1190, %broadcast_in_dim3A_1193, %select_n3A_1169 : vector<16xi1>, vector<16xi32>
      %min3A_1195 = arith.minimumf %broadcast_in_dim3A_56, %add3A_1116 : vector<16xf32>
      %max3A_1196 = arith.maximumf %broadcast_in_dim3A_54, %sub3A_1108 : vector<16xf32>
      %sub3A_1197 = arith.subf %min3A_1195, %max3A_1196 : vector<16xf32>
      %max3A_1198 = arith.constant 0.000000e+00 : f32
      %max3A_1199 = vector.broadcast %max3A_1198 : f32 to vector<16xf32>
      %max3A_1200 = arith.maximumf %sub3A_1197, %max3A_1199 : vector<16xf32>
      %min3A_1201 = arith.minimumf %broadcast_in_dim3A_57, %add3A_1120 : vector<16xf32>
      %max3A_1202 = arith.maximumf %broadcast_in_dim3A_55, %sub3A_1112 : vector<16xf32>
      %sub3A_1203 = arith.subf %min3A_1201, %max3A_1202 : vector<16xf32>
      %max3A_1204 = arith.constant 0.000000e+00 : f32
      %max3A_1205 = vector.broadcast %max3A_1204 : f32 to vector<16xf32>
      %max3A_1206 = arith.maximumf %sub3A_1203, %max3A_1205 : vector<16xf32>
      %mul3A_1207 = arith.mulf %max3A_1200, %max3A_1206 : vector<16xf32>
      %add3A_1208 = arith.addf %broadcast_in_dim3A_61, %mul3A_1123 : vector<16xf32>
      %sub3A_1209 = arith.subf %add3A_1208, %mul3A_1207 : vector<16xf32>
      %div3A_1210 = arith.divf %mul3A_1207, %sub3A_1209 : vector<16xf32>
      %gt3A_1211 = arith.cmpf ogt, %div3A_1210, %scan3A_1069 : vector<16xf32>
      %select_n3A_1212 = arith.select %gt3A_1211, %div3A_1210, %scan3A_1069 : vector<16xi1>, vector<16xf32>
      %broadcast_in_dim3A_1213 = vector.broadcast %add3A_1086 : i32 to vector<16xi32>
      %select_n3A_1214 = arith.select %gt3A_1211, %broadcast_in_dim3A_1213, %scan3A_1077 : vector<16xi1>, vector<16xi32>
      %gt3A_1215 = arith.cmpf ogt, %div3A_1210, %select_n3A_1191 : vector<16xf32>
      %select_n3A_1216 = arith.select %gt3A_1215, %div3A_1210, %select_n3A_1191 : vector<16xi1>, vector<16xf32>
      %jit3A_1217 = arith.constant 2 : i32
      %broadcast_in_dim3A_1218 = vector.broadcast %jit3A_1217 : i32 to vector<16xi32>
      %select_n3A_1219 = arith.select %gt3A_1215, %broadcast_in_dim3A_1218, %select_n3A_1194 : vector<16xi1>, vector<16xi32>
      %min3A_1220 = arith.minimumf %broadcast_in_dim3A_72, %add3A_1116 : vector<16xf32>
      %max3A_1221 = arith.maximumf %broadcast_in_dim3A_70, %sub3A_1108 : vector<16xf32>
      %sub3A_1222 = arith.subf %min3A_1220, %max3A_1221 : vector<16xf32>
      %max3A_1223 = arith.constant 0.000000e+00 : f32
      %max3A_1224 = vector.broadcast %max3A_1223 : f32 to vector<16xf32>
      %max3A_1225 = arith.maximumf %sub3A_1222, %max3A_1224 : vector<16xf32>
      %min3A_1226 = arith.minimumf %broadcast_in_dim3A_73, %add3A_1120 : vector<16xf32>
      %max3A_1227 = arith.maximumf %broadcast_in_dim3A_71, %sub3A_1112 : vector<16xf32>
      %sub3A_1228 = arith.subf %min3A_1226, %max3A_1227 : vector<16xf32>
      %max3A_1229 = arith.constant 0.000000e+00 : f32
      %max3A_1230 = vector.broadcast %max3A_1229 : f32 to vector<16xf32>
      %max3A_1231 = arith.maximumf %sub3A_1228, %max3A_1230 : vector<16xf32>
      %mul3A_1232 = arith.mulf %max3A_1225, %max3A_1231 : vector<16xf32>
      %add3A_1233 = arith.addf %broadcast_in_dim3A_77, %mul3A_1123 : vector<16xf32>
      %sub3A_1234 = arith.subf %add3A_1233, %mul3A_1232 : vector<16xf32>
      %div3A_1235 = arith.divf %mul3A_1232, %sub3A_1234 : vector<16xf32>
      %gt3A_1236 = arith.cmpf ogt, %div3A_1235, %scan3A_1070 : vector<16xf32>
      %select_n3A_1237 = arith.select %gt3A_1236, %div3A_1235, %scan3A_1070 : vector<16xi1>, vector<16xf32>
      %broadcast_in_dim3A_1238 = vector.broadcast %add3A_1086 : i32 to vector<16xi32>
      %select_n3A_1239 = arith.select %gt3A_1236, %broadcast_in_dim3A_1238, %scan3A_1078 : vector<16xi1>, vector<16xi32>
      %gt3A_1240 = arith.cmpf ogt, %div3A_1235, %select_n3A_1216 : vector<16xf32>
      %select_n3A_1241 = arith.select %gt3A_1240, %div3A_1235, %select_n3A_1216 : vector<16xi1>, vector<16xf32>
      %jit3A_1242 = arith.constant 3 : i32
      %broadcast_in_dim3A_1243 = vector.broadcast %jit3A_1242 : i32 to vector<16xi32>
      %select_n3A_1244 = arith.select %gt3A_1240, %broadcast_in_dim3A_1243, %select_n3A_1219 : vector<16xi1>, vector<16xi32>
      %min3A_1245 = arith.minimumf %broadcast_in_dim3A_88, %add3A_1116 : vector<16xf32>
      %max3A_1246 = arith.maximumf %broadcast_in_dim3A_86, %sub3A_1108 : vector<16xf32>
      %sub3A_1247 = arith.subf %min3A_1245, %max3A_1246 : vector<16xf32>
      %max3A_1248 = arith.constant 0.000000e+00 : f32
      %max3A_1249 = vector.broadcast %max3A_1248 : f32 to vector<16xf32>
      %max3A_1250 = arith.maximumf %sub3A_1247, %max3A_1249 : vector<16xf32>
      %min3A_1251 = arith.minimumf %broadcast_in_dim3A_89, %add3A_1120 : vector<16xf32>
      %max3A_1252 = arith.maximumf %broadcast_in_dim3A_87, %sub3A_1112 : vector<16xf32>
      %sub3A_1253 = arith.subf %min3A_1251, %max3A_1252 : vector<16xf32>
      %max3A_1254 = arith.constant 0.000000e+00 : f32
      %max3A_1255 = vector.broadcast %max3A_1254 : f32 to vector<16xf32>
      %max3A_1256 = arith.maximumf %sub3A_1253, %max3A_1255 : vector<16xf32>
      %mul3A_1257 = arith.mulf %max3A_1250, %max3A_1256 : vector<16xf32>
      %add3A_1258 = arith.addf %broadcast_in_dim3A_93, %mul3A_1123 : vector<16xf32>
      %sub3A_1259 = arith.subf %add3A_1258, %mul3A_1257 : vector<16xf32>
      %div3A_1260 = arith.divf %mul3A_1257, %sub3A_1259 : vector<16xf32>
      %gt3A_1261 = arith.cmpf ogt, %div3A_1260, %scan3A_1071 : vector<16xf32>
      %select_n3A_1262 = arith.select %gt3A_1261, %div3A_1260, %scan3A_1071 : vector<16xi1>, vector<16xf32>
      %broadcast_in_dim3A_1263 = vector.broadcast %add3A_1086 : i32 to vector<16xi32>
      %select_n3A_1264 = arith.select %gt3A_1261, %broadcast_in_dim3A_1263, %scan3A_1079 : vector<16xi1>, vector<16xi32>
      %gt3A_1265 = arith.cmpf ogt, %div3A_1260, %select_n3A_1241 : vector<16xf32>
      %select_n3A_1266 = arith.select %gt3A_1265, %div3A_1260, %select_n3A_1241 : vector<16xi1>, vector<16xf32>
      %jit3A_1267 = arith.constant 4 : i32
      %broadcast_in_dim3A_1268 = vector.broadcast %jit3A_1267 : i32 to vector<16xi32>
      %select_n3A_1269 = arith.select %gt3A_1265, %broadcast_in_dim3A_1268, %select_n3A_1244 : vector<16xi1>, vector<16xi32>
      %min3A_1270 = arith.minimumf %broadcast_in_dim3A_104, %add3A_1116 : vector<16xf32>
      %max3A_1271 = arith.maximumf %broadcast_in_dim3A_102, %sub3A_1108 : vector<16xf32>
      %sub3A_1272 = arith.subf %min3A_1270, %max3A_1271 : vector<16xf32>
      %max3A_1273 = arith.constant 0.000000e+00 : f32
      %max3A_1274 = vector.broadcast %max3A_1273 : f32 to vector<16xf32>
      %max3A_1275 = arith.maximumf %sub3A_1272, %max3A_1274 : vector<16xf32>
      %min3A_1276 = arith.minimumf %broadcast_in_dim3A_105, %add3A_1120 : vector<16xf32>
      %max3A_1277 = arith.maximumf %broadcast_in_dim3A_103, %sub3A_1112 : vector<16xf32>
      %sub3A_1278 = arith.subf %min3A_1276, %max3A_1277 : vector<16xf32>
      %max3A_1279 = arith.constant 0.000000e+00 : f32
      %max3A_1280 = vector.broadcast %max3A_1279 : f32 to vector<16xf32>
      %max3A_1281 = arith.maximumf %sub3A_1278, %max3A_1280 : vector<16xf32>
      %mul3A_1282 = arith.mulf %max3A_1275, %max3A_1281 : vector<16xf32>
      %add3A_1283 = arith.addf %broadcast_in_dim3A_109, %mul3A_1123 : vector<16xf32>
      %sub3A_1284 = arith.subf %add3A_1283, %mul3A_1282 : vector<16xf32>
      %div3A_1285 = arith.divf %mul3A_1282, %sub3A_1284 : vector<16xf32>
      %gt3A_1286 = arith.cmpf ogt, %div3A_1285, %scan3A_1072 : vector<16xf32>
      %select_n3A_1287 = arith.select %gt3A_1286, %div3A_1285, %scan3A_1072 : vector<16xi1>, vector<16xf32>
      %broadcast_in_dim3A_1288 = vector.broadcast %add3A_1086 : i32 to vector<16xi32>
      %select_n3A_1289 = arith.select %gt3A_1286, %broadcast_in_dim3A_1288, %scan3A_1080 : vector<16xi1>, vector<16xi32>
      %gt3A_1290 = arith.cmpf ogt, %div3A_1285, %select_n3A_1266 : vector<16xf32>
      %select_n3A_1291 = arith.select %gt3A_1290, %div3A_1285, %select_n3A_1266 : vector<16xi1>, vector<16xf32>
      %jit3A_1292 = arith.constant 5 : i32
      %broadcast_in_dim3A_1293 = vector.broadcast %jit3A_1292 : i32 to vector<16xi32>
      %select_n3A_1294 = arith.select %gt3A_1290, %broadcast_in_dim3A_1293, %select_n3A_1269 : vector<16xi1>, vector<16xi32>
      %min3A_1295 = arith.minimumf %broadcast_in_dim3A_120, %add3A_1116 : vector<16xf32>
      %max3A_1296 = arith.maximumf %broadcast_in_dim3A_118, %sub3A_1108 : vector<16xf32>
      %sub3A_1297 = arith.subf %min3A_1295, %max3A_1296 : vector<16xf32>
      %max3A_1298 = arith.constant 0.000000e+00 : f32
      %max3A_1299 = vector.broadcast %max3A_1298 : f32 to vector<16xf32>
      %max3A_1300 = arith.maximumf %sub3A_1297, %max3A_1299 : vector<16xf32>
      %min3A_1301 = arith.minimumf %broadcast_in_dim3A_121, %add3A_1120 : vector<16xf32>
      %max3A_1302 = arith.maximumf %broadcast_in_dim3A_119, %sub3A_1112 : vector<16xf32>
      %sub3A_1303 = arith.subf %min3A_1301, %max3A_1302 : vector<16xf32>
      %max3A_1304 = arith.constant 0.000000e+00 : f32
      %max3A_1305 = vector.broadcast %max3A_1304 : f32 to vector<16xf32>
      %max3A_1306 = arith.maximumf %sub3A_1303, %max3A_1305 : vector<16xf32>
      %mul3A_1307 = arith.mulf %max3A_1300, %max3A_1306 : vector<16xf32>
      %add3A_1308 = arith.addf %broadcast_in_dim3A_125, %mul3A_1123 : vector<16xf32>
      %sub3A_1309 = arith.subf %add3A_1308, %mul3A_1307 : vector<16xf32>
      %div3A_1310 = arith.divf %mul3A_1307, %sub3A_1309 : vector<16xf32>
      %gt3A_1311 = arith.cmpf ogt, %div3A_1310, %scan3A_1073 : vector<16xf32>
      %select_n3A_1312 = arith.select %gt3A_1311, %div3A_1310, %scan3A_1073 : vector<16xi1>, vector<16xf32>
      %broadcast_in_dim3A_1313 = vector.broadcast %add3A_1086 : i32 to vector<16xi32>
      %select_n3A_1314 = arith.select %gt3A_1311, %broadcast_in_dim3A_1313, %scan3A_1081 : vector<16xi1>, vector<16xi32>
      %gt3A_1315 = arith.cmpf ogt, %div3A_1310, %select_n3A_1291 : vector<16xf32>
      %select_n3A_1316 = arith.select %gt3A_1315, %div3A_1310, %select_n3A_1291 : vector<16xi1>, vector<16xf32>
      %jit3A_1317 = arith.constant 6 : i32
      %broadcast_in_dim3A_1318 = vector.broadcast %jit3A_1317 : i32 to vector<16xi32>
      %select_n3A_1319 = arith.select %gt3A_1315, %broadcast_in_dim3A_1318, %select_n3A_1294 : vector<16xi1>, vector<16xi32>
      %min3A_1320 = arith.minimumf %broadcast_in_dim3A_136, %add3A_1116 : vector<16xf32>
      %max3A_1321 = arith.maximumf %broadcast_in_dim3A_134, %sub3A_1108 : vector<16xf32>
      %sub3A_1322 = arith.subf %min3A_1320, %max3A_1321 : vector<16xf32>
      %max3A_1323 = arith.constant 0.000000e+00 : f32
      %max3A_1324 = vector.broadcast %max3A_1323 : f32 to vector<16xf32>
      %max3A_1325 = arith.maximumf %sub3A_1322, %max3A_1324 : vector<16xf32>
      %min3A_1326 = arith.minimumf %broadcast_in_dim3A_137, %add3A_1120 : vector<16xf32>
      %max3A_1327 = arith.maximumf %broadcast_in_dim3A_135, %sub3A_1112 : vector<16xf32>
      %sub3A_1328 = arith.subf %min3A_1326, %max3A_1327 : vector<16xf32>
      %max3A_1329 = arith.constant 0.000000e+00 : f32
      %max3A_1330 = vector.broadcast %max3A_1329 : f32 to vector<16xf32>
      %max3A_1331 = arith.maximumf %sub3A_1328, %max3A_1330 : vector<16xf32>
      %mul3A_1332 = arith.mulf %max3A_1325, %max3A_1331 : vector<16xf32>
      %add3A_1333 = arith.addf %broadcast_in_dim3A_141, %mul3A_1123 : vector<16xf32>
      %sub3A_1334 = arith.subf %add3A_1333, %mul3A_1332 : vector<16xf32>
      %div3A_1335 = arith.divf %mul3A_1332, %sub3A_1334 : vector<16xf32>
      %gt3A_1336 = arith.cmpf ogt, %div3A_1335, %scan3A_1074 : vector<16xf32>
      %select_n3A_1337 = arith.select %gt3A_1336, %div3A_1335, %scan3A_1074 : vector<16xi1>, vector<16xf32>
      %broadcast_in_dim3A_1338 = vector.broadcast %add3A_1086 : i32 to vector<16xi32>
      %select_n3A_1339 = arith.select %gt3A_1336, %broadcast_in_dim3A_1338, %scan3A_1082 : vector<16xi1>, vector<16xi32>
      %gt3A_1340 = arith.cmpf ogt, %div3A_1335, %select_n3A_1316 : vector<16xf32>
      %select_n3A_1341 = arith.select %gt3A_1340, %div3A_1335, %select_n3A_1316 : vector<16xi1>, vector<16xf32>
      %jit3A_1342 = arith.constant 7 : i32
      %broadcast_in_dim3A_1343 = vector.broadcast %jit3A_1342 : i32 to vector<16xi32>
      %select_n3A_1344 = arith.select %gt3A_1340, %broadcast_in_dim3A_1343, %select_n3A_1319 : vector<16xi1>, vector<16xi32>
      %swap3A_1345 = arith.index_cast %mul3A_1088 : i32 to index
      %swap3A_1346 = tpu.vector_load %arg10[%swap3A_1345] {strides = array<i32>} : memref<5056xi32, #tpu.memory_space<vmem>>, vector<16xi32>,
      tpu.vector_store %arg10[%swap3A_1345], %select_n3A_1344 {strides = array<i32>} : memref<5056xi32, #tpu.memory_space<vmem>>, vector<16xi32>,
      %swap3A_1347 = arith.index_cast %mul3A_1088 : i32 to index
      %swap3A_1348 = tpu.vector_load %arg9[%swap3A_1347] {strides = array<i32>} : memref<5056xf32, #tpu.memory_space<vmem>>, vector<16xf32>,
      tpu.vector_store %arg9[%swap3A_1347], %select_n3A_1341 {strides = array<i32>} : memref<5056xf32, #tpu.memory_space<vmem>>, vector<16xf32>,
      %mul3A_1349 = arith.constant 2 : i32
      %mul3A_1350 = arith.muli %scan3A_1066, %mul3A_1349 : i32
      %add3A_1351 = arith.constant 1 : i32
      %add3A_1352 = arith.addi %mul3A_1350, %add3A_1351 : i32
      %mul3A_1353 = arith.constant 16 : i32
      %mul3A_1354 = arith.muli %add3A_1352, %mul3A_1353 : i32
      %get3A_1355 = arith.constant 0 : i32
      %get3A_1356 = arith.index_cast %get3A_1355 : i32 to index
      %get3A_1357 = arith.index_cast %mul3A_1354 : i32 to index
      %get3A_1358 = tpu.vector_load %arg6[%get3A_1356, %get3A_1357] {strides = array<i32>} : memref<4x5056xf32, #tpu.memory_space<vmem>>, vector<16xf32>,
      %get3A_1359 = arith.constant 1 : i32
      %get3A_1360 = arith.index_cast %get3A_1359 : i32 to index
      %get3A_1361 = arith.index_cast %mul3A_1354 : i32 to index
      %get3A_1362 = tpu.vector_load %arg6[%get3A_1360, %get3A_1361] {strides = array<i32>} : memref<4x5056xf32, #tpu.memory_space<vmem>>, vector<16xf32>,
      %get3A_1363 = arith.constant 2 : i32
      %get3A_1364 = arith.index_cast %get3A_1363 : i32 to index
      %get3A_1365 = arith.index_cast %mul3A_1354 : i32 to index
      %get3A_1366 = tpu.vector_load %arg6[%get3A_1364, %get3A_1365] {strides = array<i32>} : memref<4x5056xf32, #tpu.memory_space<vmem>>, vector<16xf32>,
      %get3A_1367 = arith.constant 3 : i32
      %get3A_1368 = arith.index_cast %get3A_1367 : i32 to index
      %get3A_1369 = arith.index_cast %mul3A_1354 : i32 to index
      %get3A_1370 = tpu.vector_load %arg6[%get3A_1368, %get3A_1369] {strides = array<i32>} : memref<4x5056xf32, #tpu.memory_space<vmem>>, vector<16xf32>,
      %div3A_1371 = arith.constant 2.000000e+00 : f32
      %div3A_1372 = vector.broadcast %div3A_1371 : f32 to vector<16xf32>
      %div3A_1373 = arith.divf %get3A_1366, %div3A_1372 : vector<16xf32>
      %sub3A_1374 = arith.subf %get3A_1358, %div3A_1373 : vector<16xf32>
      %div3A_1375 = arith.constant 2.000000e+00 : f32
      %div3A_1376 = vector.broadcast %div3A_1375 : f32 to vector<16xf32>
      %div3A_1377 = arith.divf %get3A_1370, %div3A_1376 : vector<16xf32>
      %sub3A_1378 = arith.subf %get3A_1362, %div3A_1377 : vector<16xf32>
      %div3A_1379 = arith.constant 2.000000e+00 : f32
      %div3A_1380 = vector.broadcast %div3A_1379 : f32 to vector<16xf32>
      %div3A_1381 = arith.divf %get3A_1366, %div3A_1380 : vector<16xf32>
      %add3A_1382 = arith.addf %get3A_1358, %div3A_1381 : vector<16xf32>
      %div3A_1383 = arith.constant 2.000000e+00 : f32
      %div3A_1384 = vector.broadcast %div3A_1383 : f32 to vector<16xf32>
      %div3A_1385 = arith.divf %get3A_1370, %div3A_1384 : vector<16xf32>
      %add3A_1386 = arith.addf %get3A_1362, %div3A_1385 : vector<16xf32>
      %sub3A_1387 = arith.subf %add3A_1382, %sub3A_1374 : vector<16xf32>
      %sub3A_1388 = arith.subf %add3A_1386, %sub3A_1378 : vector<16xf32>
      %mul3A_1389 = arith.mulf %sub3A_1387, %sub3A_1388 : vector<16xf32>
      %swap3A_1390 = arith.constant 0 : i32
      %swap3A_1391 = arith.index_cast %swap3A_1390 : i32 to index
      %swap3A_1392 = arith.index_cast %mul3A_1354 : i32 to index
      %swap3A_1393 = tpu.vector_load %arg8[%swap3A_1391, %swap3A_1392] {strides = array<i32>} : memref<5x5056xf32, #tpu.memory_space<vmem>>, vector<16xf32>,
      tpu.vector_store %arg8[%swap3A_1391, %swap3A_1392], %sub3A_1374 {strides = array<i32>} : memref<5x5056xf32, #tpu.memory_space<vmem>>, vector<16xf32>,
      %swap3A_1394 = arith.constant 1 : i32
      %swap3A_1395 = arith.index_cast %swap3A_1394 : i32 to index
      %swap3A_1396 = arith.index_cast %mul3A_1354 : i32 to index
      %swap3A_1397 = tpu.vector_load %arg8[%swap3A_1395, %swap3A_1396] {strides = array<i32>} : memref<5x5056xf32, #tpu.memory_space<vmem>>, vector<16xf32>,
      tpu.vector_store %arg8[%swap3A_1395, %swap3A_1396], %sub3A_1378 {strides = array<i32>} : memref<5x5056xf32, #tpu.memory_space<vmem>>, vector<16xf32>,
      %swap3A_1398 = arith.constant 2 : i32
      %swap3A_1399 = arith.index_cast %swap3A_1398 : i32 to index
      %swap3A_1400 = arith.index_cast %mul3A_1354 : i32 to index
      %swap3A_1401 = tpu.vector_load %arg8[%swap3A_1399, %swap3A_1400] {strides = array<i32>} : memref<5x5056xf32, #tpu.memory_space<vmem>>, vector<16xf32>,
      tpu.vector_store %arg8[%swap3A_1399, %swap3A_1400], %add3A_1382 {strides = array<i32>} : memref<5x5056xf32, #tpu.memory_space<vmem>>, vector<16xf32>,
      %swap3A_1402 = arith.constant 3 : i32
      %swap3A_1403 = arith.index_cast %swap3A_1402 : i32 to index
      %swap3A_1404 = arith.index_cast %mul3A_1354 : i32 to index
      %swap3A_1405 = tpu.vector_load %arg8[%swap3A_1403, %swap3A_1404] {strides = array<i32>} : memref<5x5056xf32, #tpu.memory_space<vmem>>, vector<16xf32>,
      tpu.vector_store %arg8[%swap3A_1403, %swap3A_1404], %add3A_1386 {strides = array<i32>} : memref<5x5056xf32, #tpu.memory_space<vmem>>, vector<16xf32>,
      %swap3A_1406 = arith.constant 4 : i32
      %swap3A_1407 = arith.index_cast %swap3A_1406 : i32 to index
      %swap3A_1408 = arith.index_cast %mul3A_1354 : i32 to index
      %swap3A_1409 = tpu.vector_load %arg8[%swap3A_1407, %swap3A_1408] {strides = array<i32>} : memref<5x5056xf32, #tpu.memory_space<vmem>>, vector<16xf32>,
      tpu.vector_store %arg8[%swap3A_1407, %swap3A_1408], %mul3A_1389 {strides = array<i32>} : memref<5x5056xf32, #tpu.memory_space<vmem>>, vector<16xf32>,
      %broadcast_in_dim3A_1410 = arith.constant -1.000000e+00 : f32
      %broadcast_in_dim3A_1411 = vector.broadcast %broadcast_in_dim3A_1410 : f32 to vector<16xf32>
      %broadcast_in_dim3A_1412 = arith.constant 0 : i32
      %broadcast_in_dim3A_1413 = vector.broadcast %broadcast_in_dim3A_1412 : i32 to vector<16xi32>
      %min3A_1414 = arith.minimumf %broadcast_in_dim3A_25, %add3A_1382 : vector<16xf32>
      %max3A_1415 = arith.maximumf %broadcast_in_dim3A_23, %sub3A_1374 : vector<16xf32>
      %sub3A_1416 = arith.subf %min3A_1414, %max3A_1415 : vector<16xf32>
      %max3A_1417 = arith.constant 0.000000e+00 : f32
      %max3A_1418 = vector.broadcast %max3A_1417 : f32 to vector<16xf32>
      %max3A_1419 = arith.maximumf %sub3A_1416, %max3A_1418 : vector<16xf32>
      %min3A_1420 = arith.minimumf %broadcast_in_dim3A_26, %add3A_1386 : vector<16xf32>
      %max3A_1421 = arith.maximumf %broadcast_in_dim3A_24, %sub3A_1378 : vector<16xf32>
      %sub3A_1422 = arith.subf %min3A_1420, %max3A_1421 : vector<16xf32>
      %max3A_1423 = arith.constant 0.000000e+00 : f32
      %max3A_1424 = vector.broadcast %max3A_1423 : f32 to vector<16xf32>
      %max3A_1425 = arith.maximumf %sub3A_1422, %max3A_1424 : vector<16xf32>
      %mul3A_1426 = arith.mulf %max3A_1419, %max3A_1425 : vector<16xf32>
      %add3A_1427 = arith.addf %broadcast_in_dim3A_29, %mul3A_1389 : vector<16xf32>
      %sub3A_1428 = arith.subf %add3A_1427, %mul3A_1426 : vector<16xf32>
      %div3A_1429 = arith.divf %mul3A_1426, %sub3A_1428 : vector<16xf32>
      %gt3A_1430 = arith.cmpf ogt, %div3A_1429, %select_n3A_1162 : vector<16xf32>
      %select_n3A_1431 = arith.select %gt3A_1430, %div3A_1429, %select_n3A_1162 : vector<16xi1>, vector<16xf32>
      %broadcast_in_dim3A_1432 = vector.broadcast %add3A_1352 : i32 to vector<16xi32>
      %select_n3A_1433 = arith.select %gt3A_1430, %broadcast_in_dim3A_1432, %select_n3A_1164 : vector<16xi1>, vector<16xi32>
      %gt3A_1434 = arith.cmpf ogt, %div3A_1429, %broadcast_in_dim3A_1411 : vector<16xf32>
      %select_n3A_1435 = arith.select %gt3A_1434, %div3A_1429, %broadcast_in_dim3A_1411 : vector<16xi1>, vector<16xf32>
      %jit3A_1436 = arith.constant 0 : i32
      %broadcast_in_dim3A_1437 = vector.broadcast %jit3A_1436 : i32 to vector<16xi32>
      %select_n3A_1438 = arith.select %gt3A_1434, %broadcast_in_dim3A_1437, %broadcast_in_dim3A_1413 : vector<16xi1>, vector<16xi32>
      %min3A_1439 = arith.minimumf %broadcast_in_dim3A_40, %add3A_1382 : vector<16xf32>
      %max3A_1440 = arith.maximumf %broadcast_in_dim3A_38, %sub3A_1374 : vector<16xf32>
      %sub3A_1441 = arith.subf %min3A_1439, %max3A_1440 : vector<16xf32>
      %max3A_1442 = arith.constant 0.000000e+00 : f32
      %max3A_1443 = vector.broadcast %max3A_1442 : f32 to vector<16xf32>
      %max3A_1444 = arith.maximumf %sub3A_1441, %max3A_1443 : vector<16xf32>
      %min3A_1445 = arith.minimumf %broadcast_in_dim3A_41, %add3A_1386 : vector<16xf32>
      %max3A_1446 = arith.maximumf %broadcast_in_dim3A_39, %sub3A_1378 : vector<16xf32>
      %sub3A_1447 = arith.subf %min3A_1445, %max3A_1446 : vector<16xf32>
      %max3A_1448 = arith.constant 0.000000e+00 : f32
      %max3A_1449 = vector.broadcast %max3A_1448 : f32 to vector<16xf32>
      %max3A_1450 = arith.maximumf %sub3A_1447, %max3A_1449 : vector<16xf32>
      %mul3A_1451 = arith.mulf %max3A_1444, %max3A_1450 : vector<16xf32>
      %add3A_1452 = arith.addf %broadcast_in_dim3A_45, %mul3A_1389 : vector<16xf32>
      %sub3A_1453 = arith.subf %add3A_1452, %mul3A_1451 : vector<16xf32>
      %div3A_1454 = arith.divf %mul3A_1451, %sub3A_1453 : vector<16xf32>
      %gt3A_1455 = arith.cmpf ogt, %div3A_1454, %select_n3A_1187 : vector<16xf32>
      %select_n3A_1456 = arith.select %gt3A_1455, %div3A_1454, %select_n3A_1187 : vector<16xi1>, vector<16xf32>
      %broadcast_in_dim3A_1457 = vector.broadcast %add3A_1352 : i32 to vector<16xi32>
      %select_n3A_1458 = arith.select %gt3A_1455, %broadcast_in_dim3A_1457, %select_n3A_1189 : vector<16xi1>, vector<16xi32>
      %gt3A_1459 = arith.cmpf ogt, %div3A_1454, %select_n3A_1435 : vector<16xf32>
      %select_n3A_1460 = arith.select %gt3A_1459, %div3A_1454, %select_n3A_1435 : vector<16xi1>, vector<16xf32>
      %jit3A_1461 = arith.constant 1 : i32
      %broadcast_in_dim3A_1462 = vector.broadcast %jit3A_1461 : i32 to vector<16xi32>
      %select_n3A_1463 = arith.select %gt3A_1459, %broadcast_in_dim3A_1462, %select_n3A_1438 : vector<16xi1>, vector<16xi32>
      %min3A_1464 = arith.minimumf %broadcast_in_dim3A_56, %add3A_1382 : vector<16xf32>
      %max3A_1465 = arith.maximumf %broadcast_in_dim3A_54, %sub3A_1374 : vector<16xf32>
      %sub3A_1466 = arith.subf %min3A_1464, %max3A_1465 : vector<16xf32>
      %max3A_1467 = arith.constant 0.000000e+00 : f32
      %max3A_1468 = vector.broadcast %max3A_1467 : f32 to vector<16xf32>
      %max3A_1469 = arith.maximumf %sub3A_1466, %max3A_1468 : vector<16xf32>
      %min3A_1470 = arith.minimumf %broadcast_in_dim3A_57, %add3A_1386 : vector<16xf32>
      %max3A_1471 = arith.maximumf %broadcast_in_dim3A_55, %sub3A_1378 : vector<16xf32>
      %sub3A_1472 = arith.subf %min3A_1470, %max3A_1471 : vector<16xf32>
      %max3A_1473 = arith.constant 0.000000e+00 : f32
      %max3A_1474 = vector.broadcast %max3A_1473 : f32 to vector<16xf32>
      %max3A_1475 = arith.maximumf %sub3A_1472, %max3A_1474 : vector<16xf32>
      %mul3A_1476 = arith.mulf %max3A_1469, %max3A_1475 : vector<16xf32>
      %add3A_1477 = arith.addf %broadcast_in_dim3A_61, %mul3A_1389 : vector<16xf32>
      %sub3A_1478 = arith.subf %add3A_1477, %mul3A_1476 : vector<16xf32>
      %div3A_1479 = arith.divf %mul3A_1476, %sub3A_1478 : vector<16xf32>
      %gt3A_1480 = arith.cmpf ogt, %div3A_1479, %select_n3A_1212 : vector<16xf32>
      %select_n3A_1481 = arith.select %gt3A_1480, %div3A_1479, %select_n3A_1212 : vector<16xi1>, vector<16xf32>
      %broadcast_in_dim3A_1482 = vector.broadcast %add3A_1352 : i32 to vector<16xi32>
      %select_n3A_1483 = arith.select %gt3A_1480, %broadcast_in_dim3A_1482, %select_n3A_1214 : vector<16xi1>, vector<16xi32>
      %gt3A_1484 = arith.cmpf ogt, %div3A_1479, %select_n3A_1460 : vector<16xf32>
      %select_n3A_1485 = arith.select %gt3A_1484, %div3A_1479, %select_n3A_1460 : vector<16xi1>, vector<16xf32>
      %jit3A_1486 = arith.constant 2 : i32
      %broadcast_in_dim3A_1487 = vector.broadcast %jit3A_1486 : i32 to vector<16xi32>
      %select_n3A_1488 = arith.select %gt3A_1484, %broadcast_in_dim3A_1487, %select_n3A_1463 : vector<16xi1>, vector<16xi32>
      %min3A_1489 = arith.minimumf %broadcast_in_dim3A_72, %add3A_1382 : vector<16xf32>
      %max3A_1490 = arith.maximumf %broadcast_in_dim3A_70, %sub3A_1374 : vector<16xf32>
      %sub3A_1491 = arith.subf %min3A_1489, %max3A_1490 : vector<16xf32>
      %max3A_1492 = arith.constant 0.000000e+00 : f32
      %max3A_1493 = vector.broadcast %max3A_1492 : f32 to vector<16xf32>
      %max3A_1494 = arith.maximumf %sub3A_1491, %max3A_1493 : vector<16xf32>
      %min3A_1495 = arith.minimumf %broadcast_in_dim3A_73, %add3A_1386 : vector<16xf32>
      %max3A_1496 = arith.maximumf %broadcast_in_dim3A_71, %sub3A_1378 : vector<16xf32>
      %sub3A_1497 = arith.subf %min3A_1495, %max3A_1496 : vector<16xf32>
      %max3A_1498 = arith.constant 0.000000e+00 : f32
      %max3A_1499 = vector.broadcast %max3A_1498 : f32 to vector<16xf32>
      %max3A_1500 = arith.maximumf %sub3A_1497, %max3A_1499 : vector<16xf32>
      %mul3A_1501 = arith.mulf %max3A_1494, %max3A_1500 : vector<16xf32>
      %add3A_1502 = arith.addf %broadcast_in_dim3A_77, %mul3A_1389 : vector<16xf32>
      %sub3A_1503 = arith.subf %add3A_1502, %mul3A_1501 : vector<16xf32>
      %div3A_1504 = arith.divf %mul3A_1501, %sub3A_1503 : vector<16xf32>
      %gt3A_1505 = arith.cmpf ogt, %div3A_1504, %select_n3A_1237 : vector<16xf32>
      %select_n3A_1506 = arith.select %gt3A_1505, %div3A_1504, %select_n3A_1237 : vector<16xi1>, vector<16xf32>
      %broadcast_in_dim3A_1507 = vector.broadcast %add3A_1352 : i32 to vector<16xi32>
      %select_n3A_1508 = arith.select %gt3A_1505, %broadcast_in_dim3A_1507, %select_n3A_1239 : vector<16xi1>, vector<16xi32>
      %gt3A_1509 = arith.cmpf ogt, %div3A_1504, %select_n3A_1485 : vector<16xf32>
      %select_n3A_1510 = arith.select %gt3A_1509, %div3A_1504, %select_n3A_1485 : vector<16xi1>, vector<16xf32>
      %jit3A_1511 = arith.constant 3 : i32
      %broadcast_in_dim3A_1512 = vector.broadcast %jit3A_1511 : i32 to vector<16xi32>
      %select_n3A_1513 = arith.select %gt3A_1509, %broadcast_in_dim3A_1512, %select_n3A_1488 : vector<16xi1>, vector<16xi32>
      %min3A_1514 = arith.minimumf %broadcast_in_dim3A_88, %add3A_1382 : vector<16xf32>
      %max3A_1515 = arith.maximumf %broadcast_in_dim3A_86, %sub3A_1374 : vector<16xf32>
      %sub3A_1516 = arith.subf %min3A_1514, %max3A_1515 : vector<16xf32>
      %max3A_1517 = arith.constant 0.000000e+00 : f32
      %max3A_1518 = vector.broadcast %max3A_1517 : f32 to vector<16xf32>
      %max3A_1519 = arith.maximumf %sub3A_1516, %max3A_1518 : vector<16xf32>
      %min3A_1520 = arith.minimumf %broadcast_in_dim3A_89, %add3A_1386 : vector<16xf32>
      %max3A_1521 = arith.maximumf %broadcast_in_dim3A_87, %sub3A_1378 : vector<16xf32>
      %sub3A_1522 = arith.subf %min3A_1520, %max3A_1521 : vector<16xf32>
      %max3A_1523 = arith.constant 0.000000e+00 : f32
      %max3A_1524 = vector.broadcast %max3A_1523 : f32 to vector<16xf32>
      %max3A_1525 = arith.maximumf %sub3A_1522, %max3A_1524 : vector<16xf32>
      %mul3A_1526 = arith.mulf %max3A_1519, %max3A_1525 : vector<16xf32>
      %add3A_1527 = arith.addf %broadcast_in_dim3A_93, %mul3A_1389 : vector<16xf32>
      %sub3A_1528 = arith.subf %add3A_1527, %mul3A_1526 : vector<16xf32>
      %div3A_1529 = arith.divf %mul3A_1526, %sub3A_1528 : vector<16xf32>
      %gt3A_1530 = arith.cmpf ogt, %div3A_1529, %select_n3A_1262 : vector<16xf32>
      %select_n3A_1531 = arith.select %gt3A_1530, %div3A_1529, %select_n3A_1262 : vector<16xi1>, vector<16xf32>
      %broadcast_in_dim3A_1532 = vector.broadcast %add3A_1352 : i32 to vector<16xi32>
      %select_n3A_1533 = arith.select %gt3A_1530, %broadcast_in_dim3A_1532, %select_n3A_1264 : vector<16xi1>, vector<16xi32>
      %gt3A_1534 = arith.cmpf ogt, %div3A_1529, %select_n3A_1510 : vector<16xf32>
      %select_n3A_1535 = arith.select %gt3A_1534, %div3A_1529, %select_n3A_1510 : vector<16xi1>, vector<16xf32>
      %jit3A_1536 = arith.constant 4 : i32
      %broadcast_in_dim3A_1537 = vector.broadcast %jit3A_1536 : i32 to vector<16xi32>
      %select_n3A_1538 = arith.select %gt3A_1534, %broadcast_in_dim3A_1537, %select_n3A_1513 : vector<16xi1>, vector<16xi32>
      %min3A_1539 = arith.minimumf %broadcast_in_dim3A_104, %add3A_1382 : vector<16xf32>
      %max3A_1540 = arith.maximumf %broadcast_in_dim3A_102, %sub3A_1374 : vector<16xf32>
      %sub3A_1541 = arith.subf %min3A_1539, %max3A_1540 : vector<16xf32>
      %max3A_1542 = arith.constant 0.000000e+00 : f32
      %max3A_1543 = vector.broadcast %max3A_1542 : f32 to vector<16xf32>
      %max3A_1544 = arith.maximumf %sub3A_1541, %max3A_1543 : vector<16xf32>
      %min3A_1545 = arith.minimumf %broadcast_in_dim3A_105, %add3A_1386 : vector<16xf32>
      %max3A_1546 = arith.maximumf %broadcast_in_dim3A_103, %sub3A_1378 : vector<16xf32>
      %sub3A_1547 = arith.subf %min3A_1545, %max3A_1546 : vector<16xf32>
      %max3A_1548 = arith.constant 0.000000e+00 : f32
      %max3A_1549 = vector.broadcast %max3A_1548 : f32 to vector<16xf32>
      %max3A_1550 = arith.maximumf %sub3A_1547, %max3A_1549 : vector<16xf32>
      %mul3A_1551 = arith.mulf %max3A_1544, %max3A_1550 : vector<16xf32>
      %add3A_1552 = arith.addf %broadcast_in_dim3A_109, %mul3A_1389 : vector<16xf32>
      %sub3A_1553 = arith.subf %add3A_1552, %mul3A_1551 : vector<16xf32>
      %div3A_1554 = arith.divf %mul3A_1551, %sub3A_1553 : vector<16xf32>
      %gt3A_1555 = arith.cmpf ogt, %div3A_1554, %select_n3A_1287 : vector<16xf32>
      %select_n3A_1556 = arith.select %gt3A_1555, %div3A_1554, %select_n3A_1287 : vector<16xi1>, vector<16xf32>
      %broadcast_in_dim3A_1557 = vector.broadcast %add3A_1352 : i32 to vector<16xi32>
      %select_n3A_1558 = arith.select %gt3A_1555, %broadcast_in_dim3A_1557, %select_n3A_1289 : vector<16xi1>, vector<16xi32>
      %gt3A_1559 = arith.cmpf ogt, %div3A_1554, %select_n3A_1535 : vector<16xf32>
      %select_n3A_1560 = arith.select %gt3A_1559, %div3A_1554, %select_n3A_1535 : vector<16xi1>, vector<16xf32>
      %jit3A_1561 = arith.constant 5 : i32
      %broadcast_in_dim3A_1562 = vector.broadcast %jit3A_1561 : i32 to vector<16xi32>
      %select_n3A_1563 = arith.select %gt3A_1559, %broadcast_in_dim3A_1562, %select_n3A_1538 : vector<16xi1>, vector<16xi32>
      %min3A_1564 = arith.minimumf %broadcast_in_dim3A_120, %add3A_1382 : vector<16xf32>
      %max3A_1565 = arith.maximumf %broadcast_in_dim3A_118, %sub3A_1374 : vector<16xf32>
      %sub3A_1566 = arith.subf %min3A_1564, %max3A_1565 : vector<16xf32>
      %max3A_1567 = arith.constant 0.000000e+00 : f32
      %max3A_1568 = vector.broadcast %max3A_1567 : f32 to vector<16xf32>
      %max3A_1569 = arith.maximumf %sub3A_1566, %max3A_1568 : vector<16xf32>
      %min3A_1570 = arith.minimumf %broadcast_in_dim3A_121, %add3A_1386 : vector<16xf32>
      %max3A_1571 = arith.maximumf %broadcast_in_dim3A_119, %sub3A_1378 : vector<16xf32>
      %sub3A_1572 = arith.subf %min3A_1570, %max3A_1571 : vector<16xf32>
      %max3A_1573 = arith.constant 0.000000e+00 : f32
      %max3A_1574 = vector.broadcast %max3A_1573 : f32 to vector<16xf32>
      %max3A_1575 = arith.maximumf %sub3A_1572, %max3A_1574 : vector<16xf32>
      %mul3A_1576 = arith.mulf %max3A_1569, %max3A_1575 : vector<16xf32>
      %add3A_1577 = arith.addf %broadcast_in_dim3A_125, %mul3A_1389 : vector<16xf32>
      %sub3A_1578 = arith.subf %add3A_1577, %mul3A_1576 : vector<16xf32>
      %div3A_1579 = arith.divf %mul3A_1576, %sub3A_1578 : vector<16xf32>
      %gt3A_1580 = arith.cmpf ogt, %div3A_1579, %select_n3A_1312 : vector<16xf32>
      %select_n3A_1581 = arith.select %gt3A_1580, %div3A_1579, %select_n3A_1312 : vector<16xi1>, vector<16xf32>
      %broadcast_in_dim3A_1582 = vector.broadcast %add3A_1352 : i32 to vector<16xi32>
      %select_n3A_1583 = arith.select %gt3A_1580, %broadcast_in_dim3A_1582, %select_n3A_1314 : vector<16xi1>, vector<16xi32>
      %gt3A_1584 = arith.cmpf ogt, %div3A_1579, %select_n3A_1560 : vector<16xf32>
      %select_n3A_1585 = arith.select %gt3A_1584, %div3A_1579, %select_n3A_1560 : vector<16xi1>, vector<16xf32>
      %jit3A_1586 = arith.constant 6 : i32
      %broadcast_in_dim3A_1587 = vector.broadcast %jit3A_1586 : i32 to vector<16xi32>
      %select_n3A_1588 = arith.select %gt3A_1584, %broadcast_in_dim3A_1587, %select_n3A_1563 : vector<16xi1>, vector<16xi32>
      %min3A_1589 = arith.minimumf %broadcast_in_dim3A_136, %add3A_1382 : vector<16xf32>
      %max3A_1590 = arith.maximumf %broadcast_in_dim3A_134, %sub3A_1374 : vector<16xf32>
      %sub3A_1591 = arith.subf %min3A_1589, %max3A_1590 : vector<16xf32>
      %max3A_1592 = arith.constant 0.000000e+00 : f32
      %max3A_1593 = vector.broadcast %max3A_1592 : f32 to vector<16xf32>
      %max3A_1594 = arith.maximumf %sub3A_1591, %max3A_1593 : vector<16xf32>
      %min3A_1595 = arith.minimumf %broadcast_in_dim3A_137, %add3A_1386 : vector<16xf32>
      %max3A_1596 = arith.maximumf %broadcast_in_dim3A_135, %sub3A_1378 : vector<16xf32>
      %sub3A_1597 = arith.subf %min3A_1595, %max3A_1596 : vector<16xf32>
      %max3A_1598 = arith.constant 0.000000e+00 : f32
      %max3A_1599 = vector.broadcast %max3A_1598 : f32 to vector<16xf32>
      %max3A_1600 = arith.maximumf %sub3A_1597, %max3A_1599 : vector<16xf32>
      %mul3A_1601 = arith.mulf %max3A_1594, %max3A_1600 : vector<16xf32>
      %add3A_1602 = arith.addf %broadcast_in_dim3A_141, %mul3A_1389 : vector<16xf32>
      %sub3A_1603 = arith.subf %add3A_1602, %mul3A_1601 : vector<16xf32>
      %div3A_1604 = arith.divf %mul3A_1601, %sub3A_1603 : vector<16xf32>
      %gt3A_1605 = arith.cmpf ogt, %div3A_1604, %select_n3A_1337 : vector<16xf32>
      %select_n3A_1606 = arith.select %gt3A_1605, %div3A_1604, %select_n3A_1337 : vector<16xi1>, vector<16xf32>
      %broadcast_in_dim3A_1607 = vector.broadcast %add3A_1352 : i32 to vector<16xi32>
      %select_n3A_1608 = arith.select %gt3A_1605, %broadcast_in_dim3A_1607, %select_n3A_1339 : vector<16xi1>, vector<16xi32>
      %gt3A_1609 = arith.cmpf ogt, %div3A_1604, %select_n3A_1585 : vector<16xf32>
      %select_n3A_1610 = arith.select %gt3A_1609, %div3A_1604, %select_n3A_1585 : vector<16xi1>, vector<16xf32>
      %jit3A_1611 = arith.constant 7 : i32
      %broadcast_in_dim3A_1612 = vector.broadcast %jit3A_1611 : i32 to vector<16xi32>
      %select_n3A_1613 = arith.select %gt3A_1609, %broadcast_in_dim3A_1612, %select_n3A_1588 : vector<16xi1>, vector<16xi32>
      %swap3A_1614 = arith.index_cast %mul3A_1354 : i32 to index
      %swap3A_1615 = tpu.vector_load %arg10[%swap3A_1614] {strides = array<i32>} : memref<5056xi32, #tpu.memory_space<vmem>>, vector<16xi32>,
      tpu.vector_store %arg10[%swap3A_1614], %select_n3A_1613 {strides = array<i32>} : memref<5056xi32, #tpu.memory_space<vmem>>, vector<16xi32>,
      %swap3A_1616 = arith.index_cast %mul3A_1354 : i32 to index
      %swap3A_1617 = tpu.vector_load %arg9[%swap3A_1616] {strides = array<i32>} : memref<5056xf32, #tpu.memory_space<vmem>>, vector<16xf32>,
      tpu.vector_store %arg9[%swap3A_1616], %select_n3A_1610 {strides = array<i32>} : memref<5056xf32, #tpu.memory_space<vmem>>, vector<16xf32>,
      scf.yield %select_n3A_1431, %select_n3A_1456, %select_n3A_1481, %select_n3A_1506, %select_n3A_1531, %select_n3A_1556, %select_n3A_1581, %select_n3A_1606, %select_n3A_1433, %select_n3A_1458, %select_n3A_1483, %select_n3A_1508, %select_n3A_1533, %select_n3A_1558, %select_n3A_1583, %select_n3A_1608 : vector<16xf32>, vector<16xf32>, vector<16xf32>, vector<16xf32>, vector<16xf32>, vector<16xf32>, vector<16xf32>, vector<16xf32>, vector<16xi32>, vector<16xi32>, vector<16xi32>, vector<16xi32>, vector<16xi32>, vector<16xi32>, vector<16xi32>, vector<16xi32>
    }
    %scan3A_178 = arith.constant 158 : i32
    %reduce_max3A = arith.constant true
    %reduce_max3A_179 = vector.broadcast %reduce_max3A : i1 to vector<16xi1>
    %reduce_max3A_180 = tpu.scan <max>, %scan3A_177#0 masked %reduce_max3A_179 : vector<16xf32>, vector<16xi1> -> vector<16xf32>
    %reduce_max3A_181 = vector.extract %reduce_max3A_180[15] : f32 from vector<16xf32>
    %eq3A = vector.broadcast %reduce_max3A_181 : f32 to vector<16xf32>
    %eq3A_182 = arith.cmpf oeq, %scan3A_177#0, %eq3A : vector<16xf32>
    %mul3A_183 = arith.constant 16 : i32
    %mul3A_184 = vector.broadcast %mul3A_183 : i32 to vector<16xi32>
    %mul3A_185 = arith.muli %scan3A_177#8, %mul3A_184 : vector<16xi32>
    %add3A_186 = arith.addi %mul3A_185, %iota3A : vector<16xi32>
    %jit3A = arith.constant 1048576 : i32
    %broadcast_in_dim3A_187 = vector.broadcast %jit3A : i32 to vector<16xi32>
    %select_n3A = arith.select %eq3A_182, %add3A_186, %broadcast_in_dim3A_187 : vector<16xi1>, vector<16xi32>
    %reduce_min3A = arith.constant true
    %reduce_min3A_188 = vector.broadcast %reduce_min3A : i1 to vector<16xi1>
    %reduce_min3A_189 = arith.constant -2147483648 : i32
    %reduce_min3A_190 = vector.broadcast %reduce_min3A_189 : i32 to vector<16xi32>
    %reduce_min3A_191 = arith.xori %select_n3A, %reduce_min3A_190 : vector<16xi32>
    %reduce_min3A_192 = tpu.scan <min>, %reduce_min3A_191 masked %reduce_min3A_188 : vector<16xi32>, vector<16xi1> -> vector<16xi32>
    %reduce_min3A_193 = arith.xori %reduce_min3A_192, %reduce_min3A_190 : vector<16xi32>
    %reduce_min3A_194 = vector.extract %reduce_min3A_193[15] : i32 from vector<16xi32>
    %eq3A_195 = arith.constant 0 : i32
    %eq3A_196 = vector.broadcast %eq3A_195 : i32 to vector<16xi32>
    %eq3A_197 = arith.cmpi eq, %iota3A, %eq3A_196 : vector<16xi32>
    %broadcast_in_dim3A_198 = vector.broadcast %reduce_min3A_194 : i32 to vector<16xi32>
    %select_n3A_199 = arith.select %eq3A_197, %broadcast_in_dim3A_198, %broadcast_in_dim3A_16 : vector<16xi1>, vector<16xi32>
    %eq3A_200 = arith.constant 0 : i32
    %eq3A_201 = vector.broadcast %eq3A_200 : i32 to vector<16xi32>
    %eq3A_202 = arith.cmpi eq, %iota3A, %eq3A_201 : vector<16xi32>
    %broadcast_in_dim3A_203 = vector.broadcast %reduce_min3A_194 : i32 to vector<16xi32>
    %broadcast_in_dim3A_204 = arith.constant 1.000000e+00 : f32
    %broadcast_in_dim3A_205 = vector.broadcast %broadcast_in_dim3A_204 : f32 to vector<16xf32>
    tpu.vector_store_idx %arg9[%broadcast_in_dim3A_203], %broadcast_in_dim3A_205 masked %eq3A_202 : memref<5056xf32, #tpu.memory_space<vmem>>[vector<16xi32>], vector<16xf32>, vector<16xi1>
    %broadcast_in_dim3A_206 = arith.constant 0 : i32
    %broadcast_in_dim3A_207 = vector.broadcast %broadcast_in_dim3A_206 : i32 to vector<16xi32>
    tpu.vector_store_idx %arg10[%broadcast_in_dim3A_203], %broadcast_in_dim3A_207 masked %eq3A_202 : memref<5056xi32, #tpu.memory_space<vmem>>[vector<16xi32>], vector<16xi32>, vector<16xi1>
    %reduce_max3A_208 = arith.constant true
    %reduce_max3A_209 = vector.broadcast %reduce_max3A_208 : i1 to vector<16xi1>
    %reduce_max3A_210 = tpu.scan <max>, %scan3A_177#1 masked %reduce_max3A_209 : vector<16xf32>, vector<16xi1> -> vector<16xf32>
    %reduce_max3A_211 = vector.extract %reduce_max3A_210[15] : f32 from vector<16xf32>
    %eq3A_212 = vector.broadcast %reduce_max3A_211 : f32 to vector<16xf32>
    %eq3A_213 = arith.cmpf oeq, %scan3A_177#1, %eq3A_212 : vector<16xf32>
    %mul3A_214 = arith.constant 16 : i32
    %mul3A_215 = vector.broadcast %mul3A_214 : i32 to vector<16xi32>
    %mul3A_216 = arith.muli %scan3A_177#9, %mul3A_215 : vector<16xi32>
    %add3A_217 = arith.addi %mul3A_216, %iota3A : vector<16xi32>
    %jit3A_218 = arith.constant 1048576 : i32
    %broadcast_in_dim3A_219 = vector.broadcast %jit3A_218 : i32 to vector<16xi32>
    %select_n3A_220 = arith.select %eq3A_213, %add3A_217, %broadcast_in_dim3A_219 : vector<16xi1>, vector<16xi32>
    %reduce_min3A_221 = arith.constant true
    %reduce_min3A_222 = vector.broadcast %reduce_min3A_221 : i1 to vector<16xi1>
    %reduce_min3A_223 = arith.constant -2147483648 : i32
    %reduce_min3A_224 = vector.broadcast %reduce_min3A_223 : i32 to vector<16xi32>
    %reduce_min3A_225 = arith.xori %select_n3A_220, %reduce_min3A_224 : vector<16xi32>
    %reduce_min3A_226 = tpu.scan <min>, %reduce_min3A_225 masked %reduce_min3A_222 : vector<16xi32>, vector<16xi1> -> vector<16xi32>
    %reduce_min3A_227 = arith.xori %reduce_min3A_226, %reduce_min3A_224 : vector<16xi32>
    %reduce_min3A_228 = vector.extract %reduce_min3A_227[15] : i32 from vector<16xi32>
    %eq3A_229 = arith.constant 1 : i32
    %eq3A_230 = vector.broadcast %eq3A_229 : i32 to vector<16xi32>
    %eq3A_231 = arith.cmpi eq, %iota3A, %eq3A_230 : vector<16xi32>
    %broadcast_in_dim3A_232 = vector.broadcast %reduce_min3A_228 : i32 to vector<16xi32>
    %select_n3A_233 = arith.select %eq3A_231, %broadcast_in_dim3A_232, %select_n3A_199 : vector<16xi1>, vector<16xi32>
    %eq3A_234 = arith.constant 0 : i32
    %eq3A_235 = vector.broadcast %eq3A_234 : i32 to vector<16xi32>
    %eq3A_236 = arith.cmpi eq, %iota3A, %eq3A_235 : vector<16xi32>
    %broadcast_in_dim3A_237 = vector.broadcast %reduce_min3A_228 : i32 to vector<16xi32>
    %broadcast_in_dim3A_238 = arith.constant 1.000000e+00 : f32
    %broadcast_in_dim3A_239 = vector.broadcast %broadcast_in_dim3A_238 : f32 to vector<16xf32>
    tpu.vector_store_idx %arg9[%broadcast_in_dim3A_237], %broadcast_in_dim3A_239 masked %eq3A_236 : memref<5056xf32, #tpu.memory_space<vmem>>[vector<16xi32>], vector<16xf32>, vector<16xi1>
    %broadcast_in_dim3A_240 = arith.constant 1 : i32
    %broadcast_in_dim3A_241 = vector.broadcast %broadcast_in_dim3A_240 : i32 to vector<16xi32>
    tpu.vector_store_idx %arg10[%broadcast_in_dim3A_237], %broadcast_in_dim3A_241 masked %eq3A_236 : memref<5056xi32, #tpu.memory_space<vmem>>[vector<16xi32>], vector<16xi32>, vector<16xi1>
    %reduce_max3A_242 = arith.constant true
    %reduce_max3A_243 = vector.broadcast %reduce_max3A_242 : i1 to vector<16xi1>
    %reduce_max3A_244 = tpu.scan <max>, %scan3A_177#2 masked %reduce_max3A_243 : vector<16xf32>, vector<16xi1> -> vector<16xf32>
    %reduce_max3A_245 = vector.extract %reduce_max3A_244[15] : f32 from vector<16xf32>
    %eq3A_246 = vector.broadcast %reduce_max3A_245 : f32 to vector<16xf32>
    %eq3A_247 = arith.cmpf oeq, %scan3A_177#2, %eq3A_246 : vector<16xf32>
    %mul3A_248 = arith.constant 16 : i32
    %mul3A_249 = vector.broadcast %mul3A_248 : i32 to vector<16xi32>
    %mul3A_250 = arith.muli %scan3A_177#10, %mul3A_249 : vector<16xi32>
    %add3A_251 = arith.addi %mul3A_250, %iota3A : vector<16xi32>
    %jit3A_252 = arith.constant 1048576 : i32
    %broadcast_in_dim3A_253 = vector.broadcast %jit3A_252 : i32 to vector<16xi32>
    %select_n3A_254 = arith.select %eq3A_247, %add3A_251, %broadcast_in_dim3A_253 : vector<16xi1>, vector<16xi32>
    %reduce_min3A_255 = arith.constant true
    %reduce_min3A_256 = vector.broadcast %reduce_min3A_255 : i1 to vector<16xi1>
    %reduce_min3A_257 = arith.constant -2147483648 : i32
    %reduce_min3A_258 = vector.broadcast %reduce_min3A_257 : i32 to vector<16xi32>
    %reduce_min3A_259 = arith.xori %select_n3A_254, %reduce_min3A_258 : vector<16xi32>
    %reduce_min3A_260 = tpu.scan <min>, %reduce_min3A_259 masked %reduce_min3A_256 : vector<16xi32>, vector<16xi1> -> vector<16xi32>
    %reduce_min3A_261 = arith.xori %reduce_min3A_260, %reduce_min3A_258 : vector<16xi32>
    %reduce_min3A_262 = vector.extract %reduce_min3A_261[15] : i32 from vector<16xi32>
    %eq3A_263 = arith.constant 2 : i32
    %eq3A_264 = vector.broadcast %eq3A_263 : i32 to vector<16xi32>
    %eq3A_265 = arith.cmpi eq, %iota3A, %eq3A_264 : vector<16xi32>
    %broadcast_in_dim3A_266 = vector.broadcast %reduce_min3A_262 : i32 to vector<16xi32>
    %select_n3A_267 = arith.select %eq3A_265, %broadcast_in_dim3A_266, %select_n3A_233 : vector<16xi1>, vector<16xi32>
    %eq3A_268 = arith.constant 0 : i32
    %eq3A_269 = vector.broadcast %eq3A_268 : i32 to vector<16xi32>
    %eq3A_270 = arith.cmpi eq, %iota3A, %eq3A_269 : vector<16xi32>
    %broadcast_in_dim3A_271 = vector.broadcast %reduce_min3A_262 : i32 to vector<16xi32>
    %broadcast_in_dim3A_272 = arith.constant 1.000000e+00 : f32
    %broadcast_in_dim3A_273 = vector.broadcast %broadcast_in_dim3A_272 : f32 to vector<16xf32>
    tpu.vector_store_idx %arg9[%broadcast_in_dim3A_271], %broadcast_in_dim3A_273 masked %eq3A_270 : memref<5056xf32, #tpu.memory_space<vmem>>[vector<16xi32>], vector<16xf32>, vector<16xi1>
    %broadcast_in_dim3A_274 = arith.constant 2 : i32
    %broadcast_in_dim3A_275 = vector.broadcast %broadcast_in_dim3A_274 : i32 to vector<16xi32>
    tpu.vector_store_idx %arg10[%broadcast_in_dim3A_271], %broadcast_in_dim3A_275 masked %eq3A_270 : memref<5056xi32, #tpu.memory_space<vmem>>[vector<16xi32>], vector<16xi32>, vector<16xi1>
    %reduce_max3A_276 = arith.constant true
    %reduce_max3A_277 = vector.broadcast %reduce_max3A_276 : i1 to vector<16xi1>
    %reduce_max3A_278 = tpu.scan <max>, %scan3A_177#3 masked %reduce_max3A_277 : vector<16xf32>, vector<16xi1> -> vector<16xf32>
    %reduce_max3A_279 = vector.extract %reduce_max3A_278[15] : f32 from vector<16xf32>
    %eq3A_280 = vector.broadcast %reduce_max3A_279 : f32 to vector<16xf32>
    %eq3A_281 = arith.cmpf oeq, %scan3A_177#3, %eq3A_280 : vector<16xf32>
    %mul3A_282 = arith.constant 16 : i32
    %mul3A_283 = vector.broadcast %mul3A_282 : i32 to vector<16xi32>
    %mul3A_284 = arith.muli %scan3A_177#11, %mul3A_283 : vector<16xi32>
    %add3A_285 = arith.addi %mul3A_284, %iota3A : vector<16xi32>
    %jit3A_286 = arith.constant 1048576 : i32
    %broadcast_in_dim3A_287 = vector.broadcast %jit3A_286 : i32 to vector<16xi32>
    %select_n3A_288 = arith.select %eq3A_281, %add3A_285, %broadcast_in_dim3A_287 : vector<16xi1>, vector<16xi32>
    %reduce_min3A_289 = arith.constant true
    %reduce_min3A_290 = vector.broadcast %reduce_min3A_289 : i1 to vector<16xi1>
    %reduce_min3A_291 = arith.constant -2147483648 : i32
    %reduce_min3A_292 = vector.broadcast %reduce_min3A_291 : i32 to vector<16xi32>
    %reduce_min3A_293 = arith.xori %select_n3A_288, %reduce_min3A_292 : vector<16xi32>
    %reduce_min3A_294 = tpu.scan <min>, %reduce_min3A_293 masked %reduce_min3A_290 : vector<16xi32>, vector<16xi1> -> vector<16xi32>
    %reduce_min3A_295 = arith.xori %reduce_min3A_294, %reduce_min3A_292 : vector<16xi32>
    %reduce_min3A_296 = vector.extract %reduce_min3A_295[15] : i32 from vector<16xi32>
    %eq3A_297 = arith.constant 3 : i32
    %eq3A_298 = vector.broadcast %eq3A_297 : i32 to vector<16xi32>
    %eq3A_299 = arith.cmpi eq, %iota3A, %eq3A_298 : vector<16xi32>
    %broadcast_in_dim3A_300 = vector.broadcast %reduce_min3A_296 : i32 to vector<16xi32>
    %select_n3A_301 = arith.select %eq3A_299, %broadcast_in_dim3A_300, %select_n3A_267 : vector<16xi1>, vector<16xi32>
    %eq3A_302 = arith.constant 0 : i32
    %eq3A_303 = vector.broadcast %eq3A_302 : i32 to vector<16xi32>
    %eq3A_304 = arith.cmpi eq, %iota3A, %eq3A_303 : vector<16xi32>
    %broadcast_in_dim3A_305 = vector.broadcast %reduce_min3A_296 : i32 to vector<16xi32>
    %broadcast_in_dim3A_306 = arith.constant 1.000000e+00 : f32
    %broadcast_in_dim3A_307 = vector.broadcast %broadcast_in_dim3A_306 : f32 to vector<16xf32>
    tpu.vector_store_idx %arg9[%broadcast_in_dim3A_305], %broadcast_in_dim3A_307 masked %eq3A_304 : memref<5056xf32, #tpu.memory_space<vmem>>[vector<16xi32>], vector<16xf32>, vector<16xi1>
    %broadcast_in_dim3A_308 = arith.constant 3 : i32
    %broadcast_in_dim3A_309 = vector.broadcast %broadcast_in_dim3A_308 : i32 to vector<16xi32>
    tpu.vector_store_idx %arg10[%broadcast_in_dim3A_305], %broadcast_in_dim3A_309 masked %eq3A_304 : memref<5056xi32, #tpu.memory_space<vmem>>[vector<16xi32>], vector<16xi32>, vector<16xi1>
    %reduce_max3A_310 = arith.constant true
    %reduce_max3A_311 = vector.broadcast %reduce_max3A_310 : i1 to vector<16xi1>
    %reduce_max3A_312 = tpu.scan <max>, %scan3A_177#4 masked %reduce_max3A_311 : vector<16xf32>, vector<16xi1> -> vector<16xf32>
    %reduce_max3A_313 = vector.extract %reduce_max3A_312[15] : f32 from vector<16xf32>
    %eq3A_314 = vector.broadcast %reduce_max3A_313 : f32 to vector<16xf32>
    %eq3A_315 = arith.cmpf oeq, %scan3A_177#4, %eq3A_314 : vector<16xf32>
    %mul3A_316 = arith.constant 16 : i32
    %mul3A_317 = vector.broadcast %mul3A_316 : i32 to vector<16xi32>
    %mul3A_318 = arith.muli %scan3A_177#12, %mul3A_317 : vector<16xi32>
    %add3A_319 = arith.addi %mul3A_318, %iota3A : vector<16xi32>
    %jit3A_320 = arith.constant 1048576 : i32
    %broadcast_in_dim3A_321 = vector.broadcast %jit3A_320 : i32 to vector<16xi32>
    %select_n3A_322 = arith.select %eq3A_315, %add3A_319, %broadcast_in_dim3A_321 : vector<16xi1>, vector<16xi32>
    %reduce_min3A_323 = arith.constant true
    %reduce_min3A_324 = vector.broadcast %reduce_min3A_323 : i1 to vector<16xi1>
    %reduce_min3A_325 = arith.constant -2147483648 : i32
    %reduce_min3A_326 = vector.broadcast %reduce_min3A_325 : i32 to vector<16xi32>
    %reduce_min3A_327 = arith.xori %select_n3A_322, %reduce_min3A_326 : vector<16xi32>
    %reduce_min3A_328 = tpu.scan <min>, %reduce_min3A_327 masked %reduce_min3A_324 : vector<16xi32>, vector<16xi1> -> vector<16xi32>
    %reduce_min3A_329 = arith.xori %reduce_min3A_328, %reduce_min3A_326 : vector<16xi32>
    %reduce_min3A_330 = vector.extract %reduce_min3A_329[15] : i32 from vector<16xi32>
    %eq3A_331 = arith.constant 4 : i32
    %eq3A_332 = vector.broadcast %eq3A_331 : i32 to vector<16xi32>
    %eq3A_333 = arith.cmpi eq, %iota3A, %eq3A_332 : vector<16xi32>
    %broadcast_in_dim3A_334 = vector.broadcast %reduce_min3A_330 : i32 to vector<16xi32>
    %select_n3A_335 = arith.select %eq3A_333, %broadcast_in_dim3A_334, %select_n3A_301 : vector<16xi1>, vector<16xi32>
    %eq3A_336 = arith.constant 0 : i32
    %eq3A_337 = vector.broadcast %eq3A_336 : i32 to vector<16xi32>
    %eq3A_338 = arith.cmpi eq, %iota3A, %eq3A_337 : vector<16xi32>
    %broadcast_in_dim3A_339 = vector.broadcast %reduce_min3A_330 : i32 to vector<16xi32>
    %broadcast_in_dim3A_340 = arith.constant 1.000000e+00 : f32
    %broadcast_in_dim3A_341 = vector.broadcast %broadcast_in_dim3A_340 : f32 to vector<16xf32>
    tpu.vector_store_idx %arg9[%broadcast_in_dim3A_339], %broadcast_in_dim3A_341 masked %eq3A_338 : memref<5056xf32, #tpu.memory_space<vmem>>[vector<16xi32>], vector<16xf32>, vector<16xi1>
    %broadcast_in_dim3A_342 = arith.constant 4 : i32
    %broadcast_in_dim3A_343 = vector.broadcast %broadcast_in_dim3A_342 : i32 to vector<16xi32>
    tpu.vector_store_idx %arg10[%broadcast_in_dim3A_339], %broadcast_in_dim3A_343 masked %eq3A_338 : memref<5056xi32, #tpu.memory_space<vmem>>[vector<16xi32>], vector<16xi32>, vector<16xi1>
    %reduce_max3A_344 = arith.constant true
    %reduce_max3A_345 = vector.broadcast %reduce_max3A_344 : i1 to vector<16xi1>
    %reduce_max3A_346 = tpu.scan <max>, %scan3A_177#5 masked %reduce_max3A_345 : vector<16xf32>, vector<16xi1> -> vector<16xf32>
    %reduce_max3A_347 = vector.extract %reduce_max3A_346[15] : f32 from vector<16xf32>
    %eq3A_348 = vector.broadcast %reduce_max3A_347 : f32 to vector<16xf32>
    %eq3A_349 = arith.cmpf oeq, %scan3A_177#5, %eq3A_348 : vector<16xf32>
    %mul3A_350 = arith.constant 16 : i32
    %mul3A_351 = vector.broadcast %mul3A_350 : i32 to vector<16xi32>
    %mul3A_352 = arith.muli %scan3A_177#13, %mul3A_351 : vector<16xi32>
    %add3A_353 = arith.addi %mul3A_352, %iota3A : vector<16xi32>
    %jit3A_354 = arith.constant 1048576 : i32
    %broadcast_in_dim3A_355 = vector.broadcast %jit3A_354 : i32 to vector<16xi32>
    %select_n3A_356 = arith.select %eq3A_349, %add3A_353, %broadcast_in_dim3A_355 : vector<16xi1>, vector<16xi32>
    %reduce_min3A_357 = arith.constant true
    %reduce_min3A_358 = vector.broadcast %reduce_min3A_357 : i1 to vector<16xi1>
    %reduce_min3A_359 = arith.constant -2147483648 : i32
    %reduce_min3A_360 = vector.broadcast %reduce_min3A_359 : i32 to vector<16xi32>
    %reduce_min3A_361 = arith.xori %select_n3A_356, %reduce_min3A_360 : vector<16xi32>
    %reduce_min3A_362 = tpu.scan <min>, %reduce_min3A_361 masked %reduce_min3A_358 : vector<16xi32>, vector<16xi1> -> vector<16xi32>
    %reduce_min3A_363 = arith.xori %reduce_min3A_362, %reduce_min3A_360 : vector<16xi32>
    %reduce_min3A_364 = vector.extract %reduce_min3A_363[15] : i32 from vector<16xi32>
    %eq3A_365 = arith.constant 5 : i32
    %eq3A_366 = vector.broadcast %eq3A_365 : i32 to vector<16xi32>
    %eq3A_367 = arith.cmpi eq, %iota3A, %eq3A_366 : vector<16xi32>
    %broadcast_in_dim3A_368 = vector.broadcast %reduce_min3A_364 : i32 to vector<16xi32>
    %select_n3A_369 = arith.select %eq3A_367, %broadcast_in_dim3A_368, %select_n3A_335 : vector<16xi1>, vector<16xi32>
    %eq3A_370 = arith.constant 0 : i32
    %eq3A_371 = vector.broadcast %eq3A_370 : i32 to vector<16xi32>
    %eq3A_372 = arith.cmpi eq, %iota3A, %eq3A_371 : vector<16xi32>
    %broadcast_in_dim3A_373 = vector.broadcast %reduce_min3A_364 : i32 to vector<16xi32>
    %broadcast_in_dim3A_374 = arith.constant 1.000000e+00 : f32
    %broadcast_in_dim3A_375 = vector.broadcast %broadcast_in_dim3A_374 : f32 to vector<16xf32>
    tpu.vector_store_idx %arg9[%broadcast_in_dim3A_373], %broadcast_in_dim3A_375 masked %eq3A_372 : memref<5056xf32, #tpu.memory_space<vmem>>[vector<16xi32>], vector<16xf32>, vector<16xi1>
    %broadcast_in_dim3A_376 = arith.constant 5 : i32
    %broadcast_in_dim3A_377 = vector.broadcast %broadcast_in_dim3A_376 : i32 to vector<16xi32>
    tpu.vector_store_idx %arg10[%broadcast_in_dim3A_373], %broadcast_in_dim3A_377 masked %eq3A_372 : memref<5056xi32, #tpu.memory_space<vmem>>[vector<16xi32>], vector<16xi32>, vector<16xi1>
    %reduce_max3A_378 = arith.constant true
    %reduce_max3A_379 = vector.broadcast %reduce_max3A_378 : i1 to vector<16xi1>
    %reduce_max3A_380 = tpu.scan <max>, %scan3A_177#6 masked %reduce_max3A_379 : vector<16xf32>, vector<16xi1> -> vector<16xf32>
    %reduce_max3A_381 = vector.extract %reduce_max3A_380[15] : f32 from vector<16xf32>
    %eq3A_382 = vector.broadcast %reduce_max3A_381 : f32 to vector<16xf32>
    %eq3A_383 = arith.cmpf oeq, %scan3A_177#6, %eq3A_382 : vector<16xf32>
    %mul3A_384 = arith.constant 16 : i32
    %mul3A_385 = vector.broadcast %mul3A_384 : i32 to vector<16xi32>
    %mul3A_386 = arith.muli %scan3A_177#14, %mul3A_385 : vector<16xi32>
    %add3A_387 = arith.addi %mul3A_386, %iota3A : vector<16xi32>
    %jit3A_388 = arith.constant 1048576 : i32
    %broadcast_in_dim3A_389 = vector.broadcast %jit3A_388 : i32 to vector<16xi32>
    %select_n3A_390 = arith.select %eq3A_383, %add3A_387, %broadcast_in_dim3A_389 : vector<16xi1>, vector<16xi32>
    %reduce_min3A_391 = arith.constant true
    %reduce_min3A_392 = vector.broadcast %reduce_min3A_391 : i1 to vector<16xi1>
    %reduce_min3A_393 = arith.constant -2147483648 : i32
    %reduce_min3A_394 = vector.broadcast %reduce_min3A_393 : i32 to vector<16xi32>
    %reduce_min3A_395 = arith.xori %select_n3A_390, %reduce_min3A_394 : vector<16xi32>
    %reduce_min3A_396 = tpu.scan <min>, %reduce_min3A_395 masked %reduce_min3A_392 : vector<16xi32>, vector<16xi1> -> vector<16xi32>
    %reduce_min3A_397 = arith.xori %reduce_min3A_396, %reduce_min3A_394 : vector<16xi32>
    %reduce_min3A_398 = vector.extract %reduce_min3A_397[15] : i32 from vector<16xi32>
    %eq3A_399 = arith.constant 6 : i32
    %eq3A_400 = vector.broadcast %eq3A_399 : i32 to vector<16xi32>
    %eq3A_401 = arith.cmpi eq, %iota3A, %eq3A_400 : vector<16xi32>
    %broadcast_in_dim3A_402 = vector.broadcast %reduce_min3A_398 : i32 to vector<16xi32>
    %select_n3A_403 = arith.select %eq3A_401, %broadcast_in_dim3A_402, %select_n3A_369 : vector<16xi1>, vector<16xi32>
    %eq3A_404 = arith.constant 0 : i32
    %eq3A_405 = vector.broadcast %eq3A_404 : i32 to vector<16xi32>
    %eq3A_406 = arith.cmpi eq, %iota3A, %eq3A_405 : vector<16xi32>
    %broadcast_in_dim3A_407 = vector.broadcast %reduce_min3A_398 : i32 to vector<16xi32>
    %broadcast_in_dim3A_408 = arith.constant 1.000000e+00 : f32
    %broadcast_in_dim3A_409 = vector.broadcast %broadcast_in_dim3A_408 : f32 to vector<16xf32>
    tpu.vector_store_idx %arg9[%broadcast_in_dim3A_407], %broadcast_in_dim3A_409 masked %eq3A_406 : memref<5056xf32, #tpu.memory_space<vmem>>[vector<16xi32>], vector<16xf32>, vector<16xi1>
    %broadcast_in_dim3A_410 = arith.constant 6 : i32
    %broadcast_in_dim3A_411 = vector.broadcast %broadcast_in_dim3A_410 : i32 to vector<16xi32>
    tpu.vector_store_idx %arg10[%broadcast_in_dim3A_407], %broadcast_in_dim3A_411 masked %eq3A_406 : memref<5056xi32, #tpu.memory_space<vmem>>[vector<16xi32>], vector<16xi32>, vector<16xi1>
    %reduce_max3A_412 = arith.constant true
    %reduce_max3A_413 = vector.broadcast %reduce_max3A_412 : i1 to vector<16xi1>
    %reduce_max3A_414 = tpu.scan <max>, %scan3A_177#7 masked %reduce_max3A_413 : vector<16xf32>, vector<16xi1> -> vector<16xf32>
    %reduce_max3A_415 = vector.extract %reduce_max3A_414[15] : f32 from vector<16xf32>
    %eq3A_416 = vector.broadcast %reduce_max3A_415 : f32 to vector<16xf32>
    %eq3A_417 = arith.cmpf oeq, %scan3A_177#7, %eq3A_416 : vector<16xf32>
    %mul3A_418 = arith.constant 16 : i32
    %mul3A_419 = vector.broadcast %mul3A_418 : i32 to vector<16xi32>
    %mul3A_420 = arith.muli %scan3A_177#15, %mul3A_419 : vector<16xi32>
    %add3A_421 = arith.addi %mul3A_420, %iota3A : vector<16xi32>
    %jit3A_422 = arith.constant 1048576 : i32
    %broadcast_in_dim3A_423 = vector.broadcast %jit3A_422 : i32 to vector<16xi32>
    %select_n3A_424 = arith.select %eq3A_417, %add3A_421, %broadcast_in_dim3A_423 : vector<16xi1>, vector<16xi32>
    %reduce_min3A_425 = arith.constant true
    %reduce_min3A_426 = vector.broadcast %reduce_min3A_425 : i1 to vector<16xi1>
    %reduce_min3A_427 = arith.constant -2147483648 : i32
    %reduce_min3A_428 = vector.broadcast %reduce_min3A_427 : i32 to vector<16xi32>
    %reduce_min3A_429 = arith.xori %select_n3A_424, %reduce_min3A_428 : vector<16xi32>
    %reduce_min3A_430 = tpu.scan <min>, %reduce_min3A_429 masked %reduce_min3A_426 : vector<16xi32>, vector<16xi1> -> vector<16xi32>
    %reduce_min3A_431 = arith.xori %reduce_min3A_430, %reduce_min3A_428 : vector<16xi32>
    %reduce_min3A_432 = vector.extract %reduce_min3A_431[15] : i32 from vector<16xi32>
    %eq3A_433 = arith.constant 7 : i32
    %eq3A_434 = vector.broadcast %eq3A_433 : i32 to vector<16xi32>
    %eq3A_435 = arith.cmpi eq, %iota3A, %eq3A_434 : vector<16xi32>
    %broadcast_in_dim3A_436 = vector.broadcast %reduce_min3A_432 : i32 to vector<16xi32>
    %select_n3A_437 = arith.select %eq3A_435, %broadcast_in_dim3A_436, %select_n3A_403 : vector<16xi1>, vector<16xi32>
    %eq3A_438 = arith.constant 0 : i32
    %eq3A_439 = vector.broadcast %eq3A_438 : i32 to vector<16xi32>
    %eq3A_440 = arith.cmpi eq, %iota3A, %eq3A_439 : vector<16xi32>
    %broadcast_in_dim3A_441 = vector.broadcast %reduce_min3A_432 : i32 to vector<16xi32>
    %broadcast_in_dim3A_442 = arith.constant 1.000000e+00 : f32
    %broadcast_in_dim3A_443 = vector.broadcast %broadcast_in_dim3A_442 : f32 to vector<16xf32>
    tpu.vector_store_idx %arg9[%broadcast_in_dim3A_441], %broadcast_in_dim3A_443 masked %eq3A_440 : memref<5056xf32, #tpu.memory_space<vmem>>[vector<16xi32>], vector<16xf32>, vector<16xi1>
    %broadcast_in_dim3A_444 = arith.constant 7 : i32
    %broadcast_in_dim3A_445 = vector.broadcast %broadcast_in_dim3A_444 : i32 to vector<16xi32>
    tpu.vector_store_idx %arg10[%broadcast_in_dim3A_441], %broadcast_in_dim3A_445 masked %eq3A_440 : memref<5056xi32, #tpu.memory_space<vmem>>[vector<16xi32>], vector<16xi32>, vector<16xi1>
    %slice3A_446 = vector.extract_strided_slice %get3A_3 {offsets = [8], sizes = [1], strides = [1]} : vector<16xf32> to vector<1xf32>
    %squeeze3A_447 = vector.extract %slice3A_446[0] : f32 from vector<1xf32>
    %slice3A_448 = vector.extract_strided_slice %get3A_7 {offsets = [8], sizes = [1], strides = [1]} : vector<16xf32> to vector<1xf32>
    %squeeze3A_449 = vector.extract %slice3A_448[0] : f32 from vector<1xf32>
    %slice3A_450 = vector.extract_strided_slice %get3A_11 {offsets = [8], sizes = [1], strides = [1]} : vector<16xf32> to vector<1xf32>
    %squeeze3A_451 = vector.extract %slice3A_450[0] : f32 from vector<1xf32>
    %slice3A_452 = vector.extract_strided_slice %get3A_15 {offsets = [8], sizes = [1], strides = [1]} : vector<16xf32> to vector<1xf32>
    %squeeze3A_453 = vector.extract %slice3A_452[0] : f32 from vector<1xf32>
    %broadcast_in_dim3A_454 = vector.broadcast %squeeze3A_447 : f32 to vector<16xf32>
    %broadcast_in_dim3A_455 = vector.broadcast %squeeze3A_449 : f32 to vector<16xf32>
    %broadcast_in_dim3A_456 = vector.broadcast %squeeze3A_451 : f32 to vector<16xf32>
    %broadcast_in_dim3A_457 = vector.broadcast %squeeze3A_453 : f32 to vector<16xf32>
    %sub3A_458 = arith.subf %squeeze3A_451, %squeeze3A_447 : f32
    %sub3A_459 = arith.subf %squeeze3A_453, %squeeze3A_449 : f32
    %mul3A_460 = arith.mulf %sub3A_458, %sub3A_459 : f32
    %broadcast_in_dim3A_461 = vector.broadcast %mul3A_460 : f32 to vector<16xf32>
    %slice3A_462 = vector.extract_strided_slice %get3A_3 {offsets = [9], sizes = [1], strides = [1]} : vector<16xf32> to vector<1xf32>
    %squeeze3A_463 = vector.extract %slice3A_462[0] : f32 from vector<1xf32>
    %slice3A_464 = vector.extract_strided_slice %get3A_7 {offsets = [9], sizes = [1], strides = [1]} : vector<16xf32> to vector<1xf32>
    %squeeze3A_465 = vector.extract %slice3A_464[0] : f32 from vector<1xf32>
    %slice3A_466 = vector.extract_strided_slice %get3A_11 {offsets = [9], sizes = [1], strides = [1]} : vector<16xf32> to vector<1xf32>
    %squeeze3A_467 = vector.extract %slice3A_466[0] : f32 from vector<1xf32>
    %slice3A_468 = vector.extract_strided_slice %get3A_15 {offsets = [9], sizes = [1], strides = [1]} : vector<16xf32> to vector<1xf32>
    %squeeze3A_469 = vector.extract %slice3A_468[0] : f32 from vector<1xf32>
    %broadcast_in_dim3A_470 = vector.broadcast %squeeze3A_463 : f32 to vector<16xf32>
    %broadcast_in_dim3A_471 = vector.broadcast %squeeze3A_465 : f32 to vector<16xf32>
    %broadcast_in_dim3A_472 = vector.broadcast %squeeze3A_467 : f32 to vector<16xf32>
    %broadcast_in_dim3A_473 = vector.broadcast %squeeze3A_469 : f32 to vector<16xf32>
    %sub3A_474 = arith.subf %squeeze3A_467, %squeeze3A_463 : f32
    %sub3A_475 = arith.subf %squeeze3A_469, %squeeze3A_465 : f32
    %mul3A_476 = arith.mulf %sub3A_474, %sub3A_475 : f32
    %broadcast_in_dim3A_477 = vector.broadcast %mul3A_476 : f32 to vector<16xf32>
    %slice3A_478 = vector.extract_strided_slice %get3A_3 {offsets = [10], sizes = [1], strides = [1]} : vector<16xf32> to vector<1xf32>
    %squeeze3A_479 = vector.extract %slice3A_478[0] : f32 from vector<1xf32>
    %slice3A_480 = vector.extract_strided_slice %get3A_7 {offsets = [10], sizes = [1], strides = [1]} : vector<16xf32> to vector<1xf32>
    %squeeze3A_481 = vector.extract %slice3A_480[0] : f32 from vector<1xf32>
    %slice3A_482 = vector.extract_strided_slice %get3A_11 {offsets = [10], sizes = [1], strides = [1]} : vector<16xf32> to vector<1xf32>
    %squeeze3A_483 = vector.extract %slice3A_482[0] : f32 from vector<1xf32>
    %slice3A_484 = vector.extract_strided_slice %get3A_15 {offsets = [10], sizes = [1], strides = [1]} : vector<16xf32> to vector<1xf32>
    %squeeze3A_485 = vector.extract %slice3A_484[0] : f32 from vector<1xf32>
    %broadcast_in_dim3A_486 = vector.broadcast %squeeze3A_479 : f32 to vector<16xf32>
    %broadcast_in_dim3A_487 = vector.broadcast %squeeze3A_481 : f32 to vector<16xf32>
    %broadcast_in_dim3A_488 = vector.broadcast %squeeze3A_483 : f32 to vector<16xf32>
    %broadcast_in_dim3A_489 = vector.broadcast %squeeze3A_485 : f32 to vector<16xf32>
    %sub3A_490 = arith.subf %squeeze3A_483, %squeeze3A_479 : f32
    %sub3A_491 = arith.subf %squeeze3A_485, %squeeze3A_481 : f32
    %mul3A_492 = arith.mulf %sub3A_490, %sub3A_491 : f32
    %broadcast_in_dim3A_493 = vector.broadcast %mul3A_492 : f32 to vector<16xf32>
    %slice3A_494 = vector.extract_strided_slice %get3A_3 {offsets = [11], sizes = [1], strides = [1]} : vector<16xf32> to vector<1xf32>
    %squeeze3A_495 = vector.extract %slice3A_494[0] : f32 from vector<1xf32>
    %slice3A_496 = vector.extract_strided_slice %get3A_7 {offsets = [11], sizes = [1], strides = [1]} : vector<16xf32> to vector<1xf32>
    %squeeze3A_497 = vector.extract %slice3A_496[0] : f32 from vector<1xf32>
    %slice3A_498 = vector.extract_strided_slice %get3A_11 {offsets = [11], sizes = [1], strides = [1]} : vector<16xf32> to vector<1xf32>
    %squeeze3A_499 = vector.extract %slice3A_498[0] : f32 from vector<1xf32>
    %slice3A_500 = vector.extract_strided_slice %get3A_15 {offsets = [11], sizes = [1], strides = [1]} : vector<16xf32> to vector<1xf32>
    %squeeze3A_501 = vector.extract %slice3A_500[0] : f32 from vector<1xf32>
    %broadcast_in_dim3A_502 = vector.broadcast %squeeze3A_495 : f32 to vector<16xf32>
    %broadcast_in_dim3A_503 = vector.broadcast %squeeze3A_497 : f32 to vector<16xf32>
    %broadcast_in_dim3A_504 = vector.broadcast %squeeze3A_499 : f32 to vector<16xf32>
    %broadcast_in_dim3A_505 = vector.broadcast %squeeze3A_501 : f32 to vector<16xf32>
    %sub3A_506 = arith.subf %squeeze3A_499, %squeeze3A_495 : f32
    %sub3A_507 = arith.subf %squeeze3A_501, %squeeze3A_497 : f32
    %mul3A_508 = arith.mulf %sub3A_506, %sub3A_507 : f32
    %broadcast_in_dim3A_509 = vector.broadcast %mul3A_508 : f32 to vector<16xf32>
    %slice3A_510 = vector.extract_strided_slice %get3A_3 {offsets = [12], sizes = [1], strides = [1]} : vector<16xf32> to vector<1xf32>
    %squeeze3A_511 = vector.extract %slice3A_510[0] : f32 from vector<1xf32>
    %slice3A_512 = vector.extract_strided_slice %get3A_7 {offsets = [12], sizes = [1], strides = [1]} : vector<16xf32> to vector<1xf32>
    %squeeze3A_513 = vector.extract %slice3A_512[0] : f32 from vector<1xf32>
    %slice3A_514 = vector.extract_strided_slice %get3A_11 {offsets = [12], sizes = [1], strides = [1]} : vector<16xf32> to vector<1xf32>
    %squeeze3A_515 = vector.extract %slice3A_514[0] : f32 from vector<1xf32>
    %slice3A_516 = vector.extract_strided_slice %get3A_15 {offsets = [12], sizes = [1], strides = [1]} : vector<16xf32> to vector<1xf32>
    %squeeze3A_517 = vector.extract %slice3A_516[0] : f32 from vector<1xf32>
    %broadcast_in_dim3A_518 = vector.broadcast %squeeze3A_511 : f32 to vector<16xf32>
    %broadcast_in_dim3A_519 = vector.broadcast %squeeze3A_513 : f32 to vector<16xf32>
    %broadcast_in_dim3A_520 = vector.broadcast %squeeze3A_515 : f32 to vector<16xf32>
    %broadcast_in_dim3A_521 = vector.broadcast %squeeze3A_517 : f32 to vector<16xf32>
    %sub3A_522 = arith.subf %squeeze3A_515, %squeeze3A_511 : f32
    %sub3A_523 = arith.subf %squeeze3A_517, %squeeze3A_513 : f32
    %mul3A_524 = arith.mulf %sub3A_522, %sub3A_523 : f32
    %broadcast_in_dim3A_525 = vector.broadcast %mul3A_524 : f32 to vector<16xf32>
    %slice3A_526 = vector.extract_strided_slice %get3A_3 {offsets = [13], sizes = [1], strides = [1]} : vector<16xf32> to vector<1xf32>
    %squeeze3A_527 = vector.extract %slice3A_526[0] : f32 from vector<1xf32>
    %slice3A_528 = vector.extract_strided_slice %get3A_7 {offsets = [13], sizes = [1], strides = [1]} : vector<16xf32> to vector<1xf32>
    %squeeze3A_529 = vector.extract %slice3A_528[0] : f32 from vector<1xf32>
    %slice3A_530 = vector.extract_strided_slice %get3A_11 {offsets = [13], sizes = [1], strides = [1]} : vector<16xf32> to vector<1xf32>
    %squeeze3A_531 = vector.extract %slice3A_530[0] : f32 from vector<1xf32>
    %slice3A_532 = vector.extract_strided_slice %get3A_15 {offsets = [13], sizes = [1], strides = [1]} : vector<16xf32> to vector<1xf32>
    %squeeze3A_533 = vector.extract %slice3A_532[0] : f32 from vector<1xf32>
    %broadcast_in_dim3A_534 = vector.broadcast %squeeze3A_527 : f32 to vector<16xf32>
    %broadcast_in_dim3A_535 = vector.broadcast %squeeze3A_529 : f32 to vector<16xf32>
    %broadcast_in_dim3A_536 = vector.broadcast %squeeze3A_531 : f32 to vector<16xf32>
    %broadcast_in_dim3A_537 = vector.broadcast %squeeze3A_533 : f32 to vector<16xf32>
    %sub3A_538 = arith.subf %squeeze3A_531, %squeeze3A_527 : f32
    %sub3A_539 = arith.subf %squeeze3A_533, %squeeze3A_529 : f32
    %mul3A_540 = arith.mulf %sub3A_538, %sub3A_539 : f32
    %broadcast_in_dim3A_541 = vector.broadcast %mul3A_540 : f32 to vector<16xf32>
    %slice3A_542 = vector.extract_strided_slice %get3A_3 {offsets = [14], sizes = [1], strides = [1]} : vector<16xf32> to vector<1xf32>
    %squeeze3A_543 = vector.extract %slice3A_542[0] : f32 from vector<1xf32>
    %slice3A_544 = vector.extract_strided_slice %get3A_7 {offsets = [14], sizes = [1], strides = [1]} : vector<16xf32> to vector<1xf32>
    %squeeze3A_545 = vector.extract %slice3A_544[0] : f32 from vector<1xf32>
    %slice3A_546 = vector.extract_strided_slice %get3A_11 {offsets = [14], sizes = [1], strides = [1]} : vector<16xf32> to vector<1xf32>
    %squeeze3A_547 = vector.extract %slice3A_546[0] : f32 from vector<1xf32>
    %slice3A_548 = vector.extract_strided_slice %get3A_15 {offsets = [14], sizes = [1], strides = [1]} : vector<16xf32> to vector<1xf32>
    %squeeze3A_549 = vector.extract %slice3A_548[0] : f32 from vector<1xf32>
    %broadcast_in_dim3A_550 = vector.broadcast %squeeze3A_543 : f32 to vector<16xf32>
    %broadcast_in_dim3A_551 = vector.broadcast %squeeze3A_545 : f32 to vector<16xf32>
    %broadcast_in_dim3A_552 = vector.broadcast %squeeze3A_547 : f32 to vector<16xf32>
    %broadcast_in_dim3A_553 = vector.broadcast %squeeze3A_549 : f32 to vector<16xf32>
    %sub3A_554 = arith.subf %squeeze3A_547, %squeeze3A_543 : f32
    %sub3A_555 = arith.subf %squeeze3A_549, %squeeze3A_545 : f32
    %mul3A_556 = arith.mulf %sub3A_554, %sub3A_555 : f32
    %broadcast_in_dim3A_557 = vector.broadcast %mul3A_556 : f32 to vector<16xf32>
    %slice3A_558 = vector.extract_strided_slice %get3A_3 {offsets = [15], sizes = [1], strides = [1]} : vector<16xf32> to vector<1xf32>
    %squeeze3A_559 = vector.extract %slice3A_558[0] : f32 from vector<1xf32>
    %slice3A_560 = vector.extract_strided_slice %get3A_7 {offsets = [15], sizes = [1], strides = [1]} : vector<16xf32> to vector<1xf32>
    %squeeze3A_561 = vector.extract %slice3A_560[0] : f32 from vector<1xf32>
    %slice3A_562 = vector.extract_strided_slice %get3A_11 {offsets = [15], sizes = [1], strides = [1]} : vector<16xf32> to vector<1xf32>
    %squeeze3A_563 = vector.extract %slice3A_562[0] : f32 from vector<1xf32>
    %slice3A_564 = vector.extract_strided_slice %get3A_15 {offsets = [15], sizes = [1], strides = [1]} : vector<16xf32> to vector<1xf32>
    %squeeze3A_565 = vector.extract %slice3A_564[0] : f32 from vector<1xf32>
    %broadcast_in_dim3A_566 = vector.broadcast %squeeze3A_559 : f32 to vector<16xf32>
    %broadcast_in_dim3A_567 = vector.broadcast %squeeze3A_561 : f32 to vector<16xf32>
    %broadcast_in_dim3A_568 = vector.broadcast %squeeze3A_563 : f32 to vector<16xf32>
    %broadcast_in_dim3A_569 = vector.broadcast %squeeze3A_565 : f32 to vector<16xf32>
    %sub3A_570 = arith.subf %squeeze3A_563, %squeeze3A_559 : f32
    %sub3A_571 = arith.subf %squeeze3A_565, %squeeze3A_561 : f32
    %mul3A_572 = arith.mulf %sub3A_570, %sub3A_571 : f32
    %broadcast_in_dim3A_573 = vector.broadcast %mul3A_572 : f32 to vector<16xf32>
    %broadcast_in_dim3A_574 = arith.constant -1.000000e+00 : f32
    %broadcast_in_dim3A_575 = vector.broadcast %broadcast_in_dim3A_574 : f32 to vector<16xf32>
    %broadcast_in_dim3A_576 = arith.constant -1.000000e+00 : f32
    %broadcast_in_dim3A_577 = vector.broadcast %broadcast_in_dim3A_576 : f32 to vector<16xf32>
    %broadcast_in_dim3A_578 = arith.constant -1.000000e+00 : f32
    %broadcast_in_dim3A_579 = vector.broadcast %broadcast_in_dim3A_578 : f32 to vector<16xf32>
    %broadcast_in_dim3A_580 = arith.constant -1.000000e+00 : f32
    %broadcast_in_dim3A_581 = vector.broadcast %broadcast_in_dim3A_580 : f32 to vector<16xf32>
    %broadcast_in_dim3A_582 = arith.constant -1.000000e+00 : f32
    %broadcast_in_dim3A_583 = vector.broadcast %broadcast_in_dim3A_582 : f32 to vector<16xf32>
    %broadcast_in_dim3A_584 = arith.constant -1.000000e+00 : f32
    %broadcast_in_dim3A_585 = vector.broadcast %broadcast_in_dim3A_584 : f32 to vector<16xf32>
    %broadcast_in_dim3A_586 = arith.constant -1.000000e+00 : f32
    %broadcast_in_dim3A_587 = vector.broadcast %broadcast_in_dim3A_586 : f32 to vector<16xf32>
    %broadcast_in_dim3A_588 = arith.constant -1.000000e+00 : f32
    %broadcast_in_dim3A_589 = vector.broadcast %broadcast_in_dim3A_588 : f32 to vector<16xf32>
    %broadcast_in_dim3A_590 = arith.constant 0 : i32
    %broadcast_in_dim3A_591 = vector.broadcast %broadcast_in_dim3A_590 : i32 to vector<16xi32>
    %broadcast_in_dim3A_592 = arith.constant 0 : i32
    %broadcast_in_dim3A_593 = vector.broadcast %broadcast_in_dim3A_592 : i32 to vector<16xi32>
    %broadcast_in_dim3A_594 = arith.constant 0 : i32
    %broadcast_in_dim3A_595 = vector.broadcast %broadcast_in_dim3A_594 : i32 to vector<16xi32>
    %broadcast_in_dim3A_596 = arith.constant 0 : i32
    %broadcast_in_dim3A_597 = vector.broadcast %broadcast_in_dim3A_596 : i32 to vector<16xi32>
    %broadcast_in_dim3A_598 = arith.constant 0 : i32
    %broadcast_in_dim3A_599 = vector.broadcast %broadcast_in_dim3A_598 : i32 to vector<16xi32>
    %broadcast_in_dim3A_600 = arith.constant 0 : i32
    %broadcast_in_dim3A_601 = vector.broadcast %broadcast_in_dim3A_600 : i32 to vector<16xi32>
    %broadcast_in_dim3A_602 = arith.constant 0 : i32
    %broadcast_in_dim3A_603 = vector.broadcast %broadcast_in_dim3A_602 : i32 to vector<16xi32>
    %broadcast_in_dim3A_604 = arith.constant 0 : i32
    %broadcast_in_dim3A_605 = vector.broadcast %broadcast_in_dim3A_604 : i32 to vector<16xi32>
    %scan3A_606 = arith.constant 0 : i32
    %scan3A_607 = arith.constant 158 : i32
    %scan3A_608 = arith.addi %scan3A_606, %scan3A_607 : i32
    %scan3A_609 = arith.constant 1 : i32
    %scan3A_610:16 = scf.for %scan3A_1066 = %scan3A_606 to %scan3A_608 step %scan3A_609 iter_args(%scan3A_1067 = %broadcast_in_dim3A_575, %scan3A_1068 = %broadcast_in_dim3A_577, %scan3A_1069 = %broadcast_in_dim3A_579, %scan3A_1070 = %broadcast_in_dim3A_581, %scan3A_1071 = %broadcast_in_dim3A_583, %scan3A_1072 = %broadcast_in_dim3A_585, %scan3A_1073 = %broadcast_in_dim3A_587, %scan3A_1074 = %broadcast_in_dim3A_589, %scan3A_1075 = %broadcast_in_dim3A_591, %scan3A_1076 = %broadcast_in_dim3A_593, %scan3A_1077 = %broadcast_in_dim3A_595, %scan3A_1078 = %broadcast_in_dim3A_597, %scan3A_1079 = %broadcast_in_dim3A_599, %scan3A_1080 = %broadcast_in_dim3A_601, %scan3A_1081 = %broadcast_in_dim3A_603, %scan3A_1082 = %broadcast_in_dim3A_605) -> (vector<16xf32>, vector<16xf32>, vector<16xf32>, vector<16xf32>, vector<16xf32>, vector<16xf32>, vector<16xf32>, vector<16xf32>, vector<16xi32>, vector<16xi32>, vector<16xi32>, vector<16xi32>, vector<16xi32>, vector<16xi32>, vector<16xi32>, vector<16xi32>)  : i32 {
      %mul3A_1083 = arith.constant 2 : i32
      %mul3A_1084 = arith.muli %scan3A_1066, %mul3A_1083 : i32
      %add3A_1085 = arith.constant 0 : i32
      %add3A_1086 = arith.addi %mul3A_1084, %add3A_1085 : i32
      %mul3A_1087 = arith.constant 16 : i32
      %mul3A_1088 = arith.muli %add3A_1086, %mul3A_1087 : i32
      %get3A_1089 = arith.constant 0 : i32
      %get3A_1090 = arith.index_cast %get3A_1089 : i32 to index
      %get3A_1091 = arith.index_cast %mul3A_1088 : i32 to index
      %get3A_1092 = tpu.vector_load %arg8[%get3A_1090, %get3A_1091] {strides = array<i32>} : memref<5x5056xf32, #tpu.memory_space<vmem>>, vector<16xf32>,
      %get3A_1093 = arith.constant 1 : i32
      %get3A_1094 = arith.index_cast %get3A_1093 : i32 to index
      %get3A_1095 = arith.index_cast %mul3A_1088 : i32 to index
      %get3A_1096 = tpu.vector_load %arg8[%get3A_1094, %get3A_1095] {strides = array<i32>} : memref<5x5056xf32, #tpu.memory_space<vmem>>, vector<16xf32>,
      %get3A_1097 = arith.constant 2 : i32
      %get3A_1098 = arith.index_cast %get3A_1097 : i32 to index
      %get3A_1099 = arith.index_cast %mul3A_1088 : i32 to index
      %get3A_1100 = tpu.vector_load %arg8[%get3A_1098, %get3A_1099] {strides = array<i32>} : memref<5x5056xf32, #tpu.memory_space<vmem>>, vector<16xf32>,
      %get3A_1101 = arith.constant 3 : i32
      %get3A_1102 = arith.index_cast %get3A_1101 : i32 to index
      %get3A_1103 = arith.index_cast %mul3A_1088 : i32 to index
      %get3A_1104 = tpu.vector_load %arg8[%get3A_1102, %get3A_1103] {strides = array<i32>} : memref<5x5056xf32, #tpu.memory_space<vmem>>, vector<16xf32>,
      %get3A_1105 = arith.constant 4 : i32
      %get3A_1106 = arith.index_cast %get3A_1105 : i32 to index
      %get3A_1107 = arith.index_cast %mul3A_1088 : i32 to index
      %get3A_1108 = tpu.vector_load %arg8[%get3A_1106, %get3A_1107] {strides = array<i32>} : memref<5x5056xf32, #tpu.memory_space<vmem>>, vector<16xf32>,
      %get3A_1109 = arith.index_cast %mul3A_1088 : i32 to index
      %get3A_1110 = tpu.vector_load %arg9[%get3A_1109] {strides = array<i32>} : memref<5056xf32, #tpu.memory_space<vmem>>, vector<16xf32>,
      %get3A_1111 = arith.index_cast %mul3A_1088 : i32 to index
      %get3A_1112 = tpu.vector_load %arg10[%get3A_1111] {strides = array<i32>} : memref<5056xi32, #tpu.memory_space<vmem>>, vector<16xi32>,
      %min3A = arith.minimumf %broadcast_in_dim3A_456, %get3A_1100 : vector<16xf32>
      %max3A = arith.maximumf %broadcast_in_dim3A_454, %get3A_1092 : vector<16xf32>
      %sub3A_1113 = arith.subf %min3A, %max3A : vector<16xf32>
      %max3A_1114 = arith.constant 0.000000e+00 : f32
      %max3A_1115 = vector.broadcast %max3A_1114 : f32 to vector<16xf32>
      %max3A_1116 = arith.maximumf %sub3A_1113, %max3A_1115 : vector<16xf32>
      %min3A_1117 = arith.minimumf %broadcast_in_dim3A_457, %get3A_1104 : vector<16xf32>
      %max3A_1118 = arith.maximumf %broadcast_in_dim3A_455, %get3A_1096 : vector<16xf32>
      %sub3A_1119 = arith.subf %min3A_1117, %max3A_1118 : vector<16xf32>
      %max3A_1120 = arith.constant 0.000000e+00 : f32
      %max3A_1121 = vector.broadcast %max3A_1120 : f32 to vector<16xf32>
      %max3A_1122 = arith.maximumf %sub3A_1119, %max3A_1121 : vector<16xf32>
      %mul3A_1123 = arith.mulf %max3A_1116, %max3A_1122 : vector<16xf32>
      %add3A_1124 = arith.addf %broadcast_in_dim3A_461, %get3A_1108 : vector<16xf32>
      %sub3A_1125 = arith.subf %add3A_1124, %mul3A_1123 : vector<16xf32>
      %div3A_1126 = arith.divf %mul3A_1123, %sub3A_1125 : vector<16xf32>
      %gt3A_1127 = arith.cmpf ogt, %div3A_1126, %scan3A_1067 : vector<16xf32>
      %select_n3A_1128 = arith.select %gt3A_1127, %div3A_1126, %scan3A_1067 : vector<16xi1>, vector<16xf32>
      %broadcast_in_dim3A_1129 = vector.broadcast %add3A_1086 : i32 to vector<16xi32>
      %select_n3A_1130 = arith.select %gt3A_1127, %broadcast_in_dim3A_1129, %scan3A_1075 : vector<16xi1>, vector<16xi32>
      %gt3A_1131 = arith.cmpf ogt, %div3A_1126, %get3A_1110 : vector<16xf32>
      %select_n3A_1132 = arith.select %gt3A_1131, %div3A_1126, %get3A_1110 : vector<16xi1>, vector<16xf32>
      %jit3A_1133 = arith.constant 8 : i32
      %broadcast_in_dim3A_1134 = vector.broadcast %jit3A_1133 : i32 to vector<16xi32>
      %select_n3A_1135 = arith.select %gt3A_1131, %broadcast_in_dim3A_1134, %get3A_1112 : vector<16xi1>, vector<16xi32>
      %min3A_1136 = arith.minimumf %broadcast_in_dim3A_472, %get3A_1100 : vector<16xf32>
      %max3A_1137 = arith.maximumf %broadcast_in_dim3A_470, %get3A_1092 : vector<16xf32>
      %sub3A_1138 = arith.subf %min3A_1136, %max3A_1137 : vector<16xf32>
      %max3A_1139 = arith.constant 0.000000e+00 : f32
      %max3A_1140 = vector.broadcast %max3A_1139 : f32 to vector<16xf32>
      %max3A_1141 = arith.maximumf %sub3A_1138, %max3A_1140 : vector<16xf32>
      %min3A_1142 = arith.minimumf %broadcast_in_dim3A_473, %get3A_1104 : vector<16xf32>
      %max3A_1143 = arith.maximumf %broadcast_in_dim3A_471, %get3A_1096 : vector<16xf32>
      %sub3A_1144 = arith.subf %min3A_1142, %max3A_1143 : vector<16xf32>
      %max3A_1145 = arith.constant 0.000000e+00 : f32
      %max3A_1146 = vector.broadcast %max3A_1145 : f32 to vector<16xf32>
      %max3A_1147 = arith.maximumf %sub3A_1144, %max3A_1146 : vector<16xf32>
      %mul3A_1148 = arith.mulf %max3A_1141, %max3A_1147 : vector<16xf32>
      %add3A_1149 = arith.addf %broadcast_in_dim3A_477, %get3A_1108 : vector<16xf32>
      %sub3A_1150 = arith.subf %add3A_1149, %mul3A_1148 : vector<16xf32>
      %div3A_1151 = arith.divf %mul3A_1148, %sub3A_1150 : vector<16xf32>
      %gt3A_1152 = arith.cmpf ogt, %div3A_1151, %scan3A_1068 : vector<16xf32>
      %select_n3A_1153 = arith.select %gt3A_1152, %div3A_1151, %scan3A_1068 : vector<16xi1>, vector<16xf32>
      %broadcast_in_dim3A_1154 = vector.broadcast %add3A_1086 : i32 to vector<16xi32>
      %select_n3A_1155 = arith.select %gt3A_1152, %broadcast_in_dim3A_1154, %scan3A_1076 : vector<16xi1>, vector<16xi32>
      %gt3A_1156 = arith.cmpf ogt, %div3A_1151, %select_n3A_1132 : vector<16xf32>
      %select_n3A_1157 = arith.select %gt3A_1156, %div3A_1151, %select_n3A_1132 : vector<16xi1>, vector<16xf32>
      %jit3A_1158 = arith.constant 9 : i32
      %broadcast_in_dim3A_1159 = vector.broadcast %jit3A_1158 : i32 to vector<16xi32>
      %select_n3A_1160 = arith.select %gt3A_1156, %broadcast_in_dim3A_1159, %select_n3A_1135 : vector<16xi1>, vector<16xi32>
      %min3A_1161 = arith.minimumf %broadcast_in_dim3A_488, %get3A_1100 : vector<16xf32>
      %max3A_1162 = arith.maximumf %broadcast_in_dim3A_486, %get3A_1092 : vector<16xf32>
      %sub3A_1163 = arith.subf %min3A_1161, %max3A_1162 : vector<16xf32>
      %max3A_1164 = arith.constant 0.000000e+00 : f32
      %max3A_1165 = vector.broadcast %max3A_1164 : f32 to vector<16xf32>
      %max3A_1166 = arith.maximumf %sub3A_1163, %max3A_1165 : vector<16xf32>
      %min3A_1167 = arith.minimumf %broadcast_in_dim3A_489, %get3A_1104 : vector<16xf32>
      %max3A_1168 = arith.maximumf %broadcast_in_dim3A_487, %get3A_1096 : vector<16xf32>
      %sub3A_1169 = arith.subf %min3A_1167, %max3A_1168 : vector<16xf32>
      %max3A_1170 = arith.constant 0.000000e+00 : f32
      %max3A_1171 = vector.broadcast %max3A_1170 : f32 to vector<16xf32>
      %max3A_1172 = arith.maximumf %sub3A_1169, %max3A_1171 : vector<16xf32>
      %mul3A_1173 = arith.mulf %max3A_1166, %max3A_1172 : vector<16xf32>
      %add3A_1174 = arith.addf %broadcast_in_dim3A_493, %get3A_1108 : vector<16xf32>
      %sub3A_1175 = arith.subf %add3A_1174, %mul3A_1173 : vector<16xf32>
      %div3A_1176 = arith.divf %mul3A_1173, %sub3A_1175 : vector<16xf32>
      %gt3A_1177 = arith.cmpf ogt, %div3A_1176, %scan3A_1069 : vector<16xf32>
      %select_n3A_1178 = arith.select %gt3A_1177, %div3A_1176, %scan3A_1069 : vector<16xi1>, vector<16xf32>
      %broadcast_in_dim3A_1179 = vector.broadcast %add3A_1086 : i32 to vector<16xi32>
      %select_n3A_1180 = arith.select %gt3A_1177, %broadcast_in_dim3A_1179, %scan3A_1077 : vector<16xi1>, vector<16xi32>
      %gt3A_1181 = arith.cmpf ogt, %div3A_1176, %select_n3A_1157 : vector<16xf32>
      %select_n3A_1182 = arith.select %gt3A_1181, %div3A_1176, %select_n3A_1157 : vector<16xi1>, vector<16xf32>
      %jit3A_1183 = arith.constant 10 : i32
      %broadcast_in_dim3A_1184 = vector.broadcast %jit3A_1183 : i32 to vector<16xi32>
      %select_n3A_1185 = arith.select %gt3A_1181, %broadcast_in_dim3A_1184, %select_n3A_1160 : vector<16xi1>, vector<16xi32>
      %min3A_1186 = arith.minimumf %broadcast_in_dim3A_504, %get3A_1100 : vector<16xf32>
      %max3A_1187 = arith.maximumf %broadcast_in_dim3A_502, %get3A_1092 : vector<16xf32>
      %sub3A_1188 = arith.subf %min3A_1186, %max3A_1187 : vector<16xf32>
      %max3A_1189 = arith.constant 0.000000e+00 : f32
      %max3A_1190 = vector.broadcast %max3A_1189 : f32 to vector<16xf32>
      %max3A_1191 = arith.maximumf %sub3A_1188, %max3A_1190 : vector<16xf32>
      %min3A_1192 = arith.minimumf %broadcast_in_dim3A_505, %get3A_1104 : vector<16xf32>
      %max3A_1193 = arith.maximumf %broadcast_in_dim3A_503, %get3A_1096 : vector<16xf32>
      %sub3A_1194 = arith.subf %min3A_1192, %max3A_1193 : vector<16xf32>
      %max3A_1195 = arith.constant 0.000000e+00 : f32
      %max3A_1196 = vector.broadcast %max3A_1195 : f32 to vector<16xf32>
      %max3A_1197 = arith.maximumf %sub3A_1194, %max3A_1196 : vector<16xf32>
      %mul3A_1198 = arith.mulf %max3A_1191, %max3A_1197 : vector<16xf32>
      %add3A_1199 = arith.addf %broadcast_in_dim3A_509, %get3A_1108 : vector<16xf32>
      %sub3A_1200 = arith.subf %add3A_1199, %mul3A_1198 : vector<16xf32>
      %div3A_1201 = arith.divf %mul3A_1198, %sub3A_1200 : vector<16xf32>
      %gt3A_1202 = arith.cmpf ogt, %div3A_1201, %scan3A_1070 : vector<16xf32>
      %select_n3A_1203 = arith.select %gt3A_1202, %div3A_1201, %scan3A_1070 : vector<16xi1>, vector<16xf32>
      %broadcast_in_dim3A_1204 = vector.broadcast %add3A_1086 : i32 to vector<16xi32>
      %select_n3A_1205 = arith.select %gt3A_1202, %broadcast_in_dim3A_1204, %scan3A_1078 : vector<16xi1>, vector<16xi32>
      %gt3A_1206 = arith.cmpf ogt, %div3A_1201, %select_n3A_1182 : vector<16xf32>
      %select_n3A_1207 = arith.select %gt3A_1206, %div3A_1201, %select_n3A_1182 : vector<16xi1>, vector<16xf32>
      %jit3A_1208 = arith.constant 11 : i32
      %broadcast_in_dim3A_1209 = vector.broadcast %jit3A_1208 : i32 to vector<16xi32>
      %select_n3A_1210 = arith.select %gt3A_1206, %broadcast_in_dim3A_1209, %select_n3A_1185 : vector<16xi1>, vector<16xi32>
      %min3A_1211 = arith.minimumf %broadcast_in_dim3A_520, %get3A_1100 : vector<16xf32>
      %max3A_1212 = arith.maximumf %broadcast_in_dim3A_518, %get3A_1092 : vector<16xf32>
      %sub3A_1213 = arith.subf %min3A_1211, %max3A_1212 : vector<16xf32>
      %max3A_1214 = arith.constant 0.000000e+00 : f32
      %max3A_1215 = vector.broadcast %max3A_1214 : f32 to vector<16xf32>
      %max3A_1216 = arith.maximumf %sub3A_1213, %max3A_1215 : vector<16xf32>
      %min3A_1217 = arith.minimumf %broadcast_in_dim3A_521, %get3A_1104 : vector<16xf32>
      %max3A_1218 = arith.maximumf %broadcast_in_dim3A_519, %get3A_1096 : vector<16xf32>
      %sub3A_1219 = arith.subf %min3A_1217, %max3A_1218 : vector<16xf32>
      %max3A_1220 = arith.constant 0.000000e+00 : f32
      %max3A_1221 = vector.broadcast %max3A_1220 : f32 to vector<16xf32>
      %max3A_1222 = arith.maximumf %sub3A_1219, %max3A_1221 : vector<16xf32>
      %mul3A_1223 = arith.mulf %max3A_1216, %max3A_1222 : vector<16xf32>
      %add3A_1224 = arith.addf %broadcast_in_dim3A_525, %get3A_1108 : vector<16xf32>
      %sub3A_1225 = arith.subf %add3A_1224, %mul3A_1223 : vector<16xf32>
      %div3A_1226 = arith.divf %mul3A_1223, %sub3A_1225 : vector<16xf32>
      %gt3A_1227 = arith.cmpf ogt, %div3A_1226, %scan3A_1071 : vector<16xf32>
      %select_n3A_1228 = arith.select %gt3A_1227, %div3A_1226, %scan3A_1071 : vector<16xi1>, vector<16xf32>
      %broadcast_in_dim3A_1229 = vector.broadcast %add3A_1086 : i32 to vector<16xi32>
      %select_n3A_1230 = arith.select %gt3A_1227, %broadcast_in_dim3A_1229, %scan3A_1079 : vector<16xi1>, vector<16xi32>
      %gt3A_1231 = arith.cmpf ogt, %div3A_1226, %select_n3A_1207 : vector<16xf32>
      %select_n3A_1232 = arith.select %gt3A_1231, %div3A_1226, %select_n3A_1207 : vector<16xi1>, vector<16xf32>
      %jit3A_1233 = arith.constant 12 : i32
      %broadcast_in_dim3A_1234 = vector.broadcast %jit3A_1233 : i32 to vector<16xi32>
      %select_n3A_1235 = arith.select %gt3A_1231, %broadcast_in_dim3A_1234, %select_n3A_1210 : vector<16xi1>, vector<16xi32>
      %min3A_1236 = arith.minimumf %broadcast_in_dim3A_536, %get3A_1100 : vector<16xf32>
      %max3A_1237 = arith.maximumf %broadcast_in_dim3A_534, %get3A_1092 : vector<16xf32>
      %sub3A_1238 = arith.subf %min3A_1236, %max3A_1237 : vector<16xf32>
      %max3A_1239 = arith.constant 0.000000e+00 : f32
      %max3A_1240 = vector.broadcast %max3A_1239 : f32 to vector<16xf32>
      %max3A_1241 = arith.maximumf %sub3A_1238, %max3A_1240 : vector<16xf32>
      %min3A_1242 = arith.minimumf %broadcast_in_dim3A_537, %get3A_1104 : vector<16xf32>
      %max3A_1243 = arith.maximumf %broadcast_in_dim3A_535, %get3A_1096 : vector<16xf32>
      %sub3A_1244 = arith.subf %min3A_1242, %max3A_1243 : vector<16xf32>
      %max3A_1245 = arith.constant 0.000000e+00 : f32
      %max3A_1246 = vector.broadcast %max3A_1245 : f32 to vector<16xf32>
      %max3A_1247 = arith.maximumf %sub3A_1244, %max3A_1246 : vector<16xf32>
      %mul3A_1248 = arith.mulf %max3A_1241, %max3A_1247 : vector<16xf32>
      %add3A_1249 = arith.addf %broadcast_in_dim3A_541, %get3A_1108 : vector<16xf32>
      %sub3A_1250 = arith.subf %add3A_1249, %mul3A_1248 : vector<16xf32>
      %div3A_1251 = arith.divf %mul3A_1248, %sub3A_1250 : vector<16xf32>
      %gt3A_1252 = arith.cmpf ogt, %div3A_1251, %scan3A_1072 : vector<16xf32>
      %select_n3A_1253 = arith.select %gt3A_1252, %div3A_1251, %scan3A_1072 : vector<16xi1>, vector<16xf32>
      %broadcast_in_dim3A_1254 = vector.broadcast %add3A_1086 : i32 to vector<16xi32>
      %select_n3A_1255 = arith.select %gt3A_1252, %broadcast_in_dim3A_1254, %scan3A_1080 : vector<16xi1>, vector<16xi32>
      %gt3A_1256 = arith.cmpf ogt, %div3A_1251, %select_n3A_1232 : vector<16xf32>
      %select_n3A_1257 = arith.select %gt3A_1256, %div3A_1251, %select_n3A_1232 : vector<16xi1>, vector<16xf32>
      %jit3A_1258 = arith.constant 13 : i32
      %broadcast_in_dim3A_1259 = vector.broadcast %jit3A_1258 : i32 to vector<16xi32>
      %select_n3A_1260 = arith.select %gt3A_1256, %broadcast_in_dim3A_1259, %select_n3A_1235 : vector<16xi1>, vector<16xi32>
      %min3A_1261 = arith.minimumf %broadcast_in_dim3A_552, %get3A_1100 : vector<16xf32>
      %max3A_1262 = arith.maximumf %broadcast_in_dim3A_550, %get3A_1092 : vector<16xf32>
      %sub3A_1263 = arith.subf %min3A_1261, %max3A_1262 : vector<16xf32>
      %max3A_1264 = arith.constant 0.000000e+00 : f32
      %max3A_1265 = vector.broadcast %max3A_1264 : f32 to vector<16xf32>
      %max3A_1266 = arith.maximumf %sub3A_1263, %max3A_1265 : vector<16xf32>
      %min3A_1267 = arith.minimumf %broadcast_in_dim3A_553, %get3A_1104 : vector<16xf32>
      %max3A_1268 = arith.maximumf %broadcast_in_dim3A_551, %get3A_1096 : vector<16xf32>
      %sub3A_1269 = arith.subf %min3A_1267, %max3A_1268 : vector<16xf32>
      %max3A_1270 = arith.constant 0.000000e+00 : f32
      %max3A_1271 = vector.broadcast %max3A_1270 : f32 to vector<16xf32>
      %max3A_1272 = arith.maximumf %sub3A_1269, %max3A_1271 : vector<16xf32>
      %mul3A_1273 = arith.mulf %max3A_1266, %max3A_1272 : vector<16xf32>
      %add3A_1274 = arith.addf %broadcast_in_dim3A_557, %get3A_1108 : vector<16xf32>
      %sub3A_1275 = arith.subf %add3A_1274, %mul3A_1273 : vector<16xf32>
      %div3A_1276 = arith.divf %mul3A_1273, %sub3A_1275 : vector<16xf32>
      %gt3A_1277 = arith.cmpf ogt, %div3A_1276, %scan3A_1073 : vector<16xf32>
      %select_n3A_1278 = arith.select %gt3A_1277, %div3A_1276, %scan3A_1073 : vector<16xi1>, vector<16xf32>
      %broadcast_in_dim3A_1279 = vector.broadcast %add3A_1086 : i32 to vector<16xi32>
      %select_n3A_1280 = arith.select %gt3A_1277, %broadcast_in_dim3A_1279, %scan3A_1081 : vector<16xi1>, vector<16xi32>
      %gt3A_1281 = arith.cmpf ogt, %div3A_1276, %select_n3A_1257 : vector<16xf32>
      %select_n3A_1282 = arith.select %gt3A_1281, %div3A_1276, %select_n3A_1257 : vector<16xi1>, vector<16xf32>
      %jit3A_1283 = arith.constant 14 : i32
      %broadcast_in_dim3A_1284 = vector.broadcast %jit3A_1283 : i32 to vector<16xi32>
      %select_n3A_1285 = arith.select %gt3A_1281, %broadcast_in_dim3A_1284, %select_n3A_1260 : vector<16xi1>, vector<16xi32>
      %min3A_1286 = arith.minimumf %broadcast_in_dim3A_568, %get3A_1100 : vector<16xf32>
      %max3A_1287 = arith.maximumf %broadcast_in_dim3A_566, %get3A_1092 : vector<16xf32>
      %sub3A_1288 = arith.subf %min3A_1286, %max3A_1287 : vector<16xf32>
      %max3A_1289 = arith.constant 0.000000e+00 : f32
      %max3A_1290 = vector.broadcast %max3A_1289 : f32 to vector<16xf32>
      %max3A_1291 = arith.maximumf %sub3A_1288, %max3A_1290 : vector<16xf32>
      %min3A_1292 = arith.minimumf %broadcast_in_dim3A_569, %get3A_1104 : vector<16xf32>
      %max3A_1293 = arith.maximumf %broadcast_in_dim3A_567, %get3A_1096 : vector<16xf32>
      %sub3A_1294 = arith.subf %min3A_1292, %max3A_1293 : vector<16xf32>
      %max3A_1295 = arith.constant 0.000000e+00 : f32
      %max3A_1296 = vector.broadcast %max3A_1295 : f32 to vector<16xf32>
      %max3A_1297 = arith.maximumf %sub3A_1294, %max3A_1296 : vector<16xf32>
      %mul3A_1298 = arith.mulf %max3A_1291, %max3A_1297 : vector<16xf32>
      %add3A_1299 = arith.addf %broadcast_in_dim3A_573, %get3A_1108 : vector<16xf32>
      %sub3A_1300 = arith.subf %add3A_1299, %mul3A_1298 : vector<16xf32>
      %div3A_1301 = arith.divf %mul3A_1298, %sub3A_1300 : vector<16xf32>
      %gt3A_1302 = arith.cmpf ogt, %div3A_1301, %scan3A_1074 : vector<16xf32>
      %select_n3A_1303 = arith.select %gt3A_1302, %div3A_1301, %scan3A_1074 : vector<16xi1>, vector<16xf32>
      %broadcast_in_dim3A_1304 = vector.broadcast %add3A_1086 : i32 to vector<16xi32>
      %select_n3A_1305 = arith.select %gt3A_1302, %broadcast_in_dim3A_1304, %scan3A_1082 : vector<16xi1>, vector<16xi32>
      %gt3A_1306 = arith.cmpf ogt, %div3A_1301, %select_n3A_1282 : vector<16xf32>
      %select_n3A_1307 = arith.select %gt3A_1306, %div3A_1301, %select_n3A_1282 : vector<16xi1>, vector<16xf32>
      %jit3A_1308 = arith.constant 15 : i32
      %broadcast_in_dim3A_1309 = vector.broadcast %jit3A_1308 : i32 to vector<16xi32>
      %select_n3A_1310 = arith.select %gt3A_1306, %broadcast_in_dim3A_1309, %select_n3A_1285 : vector<16xi1>, vector<16xi32>
      %swap3A = arith.index_cast %mul3A_1088 : i32 to index
      %swap3A_1311 = tpu.vector_load %arg10[%swap3A] {strides = array<i32>} : memref<5056xi32, #tpu.memory_space<vmem>>, vector<16xi32>,
      tpu.vector_store %arg10[%swap3A], %select_n3A_1310 {strides = array<i32>} : memref<5056xi32, #tpu.memory_space<vmem>>, vector<16xi32>,
      %broadcast_in_dim3A_1312 = arith.constant 0 : i32
      %broadcast_in_dim3A_1313 = vector.broadcast %broadcast_in_dim3A_1312 : i32 to vector<16xi32>
      %gather3A_1314 = tpu.vector_load_idx %arg7[%broadcast_in_dim3A_1313, %select_n3A_1310] : memref<5x16xf32, #tpu.memory_space<vmem>>[vector<16xi32>, vector<16xi32>], vector<16xf32>,
      %add3A_1315 = arith.constant 1 : i32
      %add3A_1316 = vector.broadcast %add3A_1315 : i32 to vector<16xi32>
      %add3A_1317 = arith.addi %broadcast_in_dim3A_1313, %add3A_1316 : vector<16xi32>
      %gather3A_1318 = tpu.vector_load_idx %arg7[%add3A_1317, %select_n3A_1310] : memref<5x16xf32, #tpu.memory_space<vmem>>[vector<16xi32>, vector<16xi32>], vector<16xf32>,
      %add3A_1319 = arith.constant 2 : i32
      %add3A_1320 = vector.broadcast %add3A_1319 : i32 to vector<16xi32>
      %add3A_1321 = arith.addi %broadcast_in_dim3A_1313, %add3A_1320 : vector<16xi32>
      %gather3A_1322 = tpu.vector_load_idx %arg7[%add3A_1321, %select_n3A_1310] : memref<5x16xf32, #tpu.memory_space<vmem>>[vector<16xi32>, vector<16xi32>], vector<16xf32>,
      %add3A_1323 = arith.constant 3 : i32
      %add3A_1324 = vector.broadcast %add3A_1323 : i32 to vector<16xi32>
      %add3A_1325 = arith.addi %broadcast_in_dim3A_1313, %add3A_1324 : vector<16xi32>
      %gather3A_1326 = tpu.vector_load_idx %arg7[%add3A_1325, %select_n3A_1310] : memref<5x16xf32, #tpu.memory_space<vmem>>[vector<16xi32>, vector<16xi32>], vector<16xf32>,
      %add3A_1327 = arith.constant 4 : i32
      %add3A_1328 = vector.broadcast %add3A_1327 : i32 to vector<16xi32>
      %add3A_1329 = arith.addi %broadcast_in_dim3A_1313, %add3A_1328 : vector<16xi32>
      %gather3A_1330 = tpu.vector_load_idx %arg7[%add3A_1329, %select_n3A_1310] : memref<5x16xf32, #tpu.memory_space<vmem>>[vector<16xi32>, vector<16xi32>], vector<16xf32>,
      %get3A_1331 = arith.constant 0 : i32
      %get3A_1332 = arith.index_cast %get3A_1331 : i32 to index
      %get3A_1333 = arith.index_cast %mul3A_1088 : i32 to index
      %get3A_1334 = tpu.vector_load %arg6[%get3A_1332, %get3A_1333] {strides = array<i32>} : memref<4x5056xf32, #tpu.memory_space<vmem>>, vector<16xf32>,
      %get3A_1335 = arith.constant 1 : i32
      %get3A_1336 = arith.index_cast %get3A_1335 : i32 to index
      %get3A_1337 = arith.index_cast %mul3A_1088 : i32 to index
      %get3A_1338 = tpu.vector_load %arg6[%get3A_1336, %get3A_1337] {strides = array<i32>} : memref<4x5056xf32, #tpu.memory_space<vmem>>, vector<16xf32>,
      %get3A_1339 = arith.constant 2 : i32
      %get3A_1340 = arith.index_cast %get3A_1339 : i32 to index
      %get3A_1341 = arith.index_cast %mul3A_1088 : i32 to index
      %get3A_1342 = tpu.vector_load %arg6[%get3A_1340, %get3A_1341] {strides = array<i32>} : memref<4x5056xf32, #tpu.memory_space<vmem>>, vector<16xf32>,
      %get3A_1343 = arith.constant 3 : i32
      %get3A_1344 = arith.index_cast %get3A_1343 : i32 to index
      %get3A_1345 = arith.index_cast %mul3A_1088 : i32 to index
      %get3A_1346 = tpu.vector_load %arg6[%get3A_1344, %get3A_1345] {strides = array<i32>} : memref<4x5056xf32, #tpu.memory_space<vmem>>, vector<16xf32>,
      %add3A_1347 = arith.addf %gather3A_1314, %gather3A_1322 : vector<16xf32>
      %div3A_1348 = arith.constant 2.000000e+00 : f32
      %div3A_1349 = vector.broadcast %div3A_1348 : f32 to vector<16xf32>
      %div3A_1350 = arith.divf %add3A_1347, %div3A_1349 : vector<16xf32>
      %sub3A_1351 = arith.subf %div3A_1350, %get3A_1334 : vector<16xf32>
      %mul3A_1352 = arith.constant 1.000000e-01 : f32
      %mul3A_1353 = vector.broadcast %mul3A_1352 : f32 to vector<16xf32>
      %mul3A_1354 = arith.mulf %mul3A_1353, %get3A_1342 : vector<16xf32>
      %div3A_1355 = arith.divf %sub3A_1351, %mul3A_1354 : vector<16xf32>
      %swap3A_1356 = arith.constant 0 : i32
      %swap3A_1357 = arith.index_cast %swap3A_1356 : i32 to index
      %swap3A_1358 = arith.index_cast %mul3A_1088 : i32 to index
      %swap3A_1359 = tpu.vector_load %arg11[%swap3A_1357, %swap3A_1358] {strides = array<i32>} : memref<4x5056xf32, #tpu.memory_space<vmem>>, vector<16xf32>,
      tpu.vector_store %arg11[%swap3A_1357, %swap3A_1358], %div3A_1355 {strides = array<i32>} : memref<4x5056xf32, #tpu.memory_space<vmem>>, vector<16xf32>,
      %add3A_1360 = arith.addf %gather3A_1318, %gather3A_1326 : vector<16xf32>
      %div3A_1361 = arith.constant 2.000000e+00 : f32
      %div3A_1362 = vector.broadcast %div3A_1361 : f32 to vector<16xf32>
      %div3A_1363 = arith.divf %add3A_1360, %div3A_1362 : vector<16xf32>
      %sub3A_1364 = arith.subf %div3A_1363, %get3A_1338 : vector<16xf32>
      %mul3A_1365 = arith.constant 1.000000e-01 : f32
      %mul3A_1366 = vector.broadcast %mul3A_1365 : f32 to vector<16xf32>
      %mul3A_1367 = arith.mulf %mul3A_1366, %get3A_1346 : vector<16xf32>
      %div3A_1368 = arith.divf %sub3A_1364, %mul3A_1367 : vector<16xf32>
      %swap3A_1369 = arith.constant 1 : i32
      %swap3A_1370 = arith.index_cast %swap3A_1369 : i32 to index
      %swap3A_1371 = arith.index_cast %mul3A_1088 : i32 to index
      %swap3A_1372 = tpu.vector_load %arg11[%swap3A_1370, %swap3A_1371] {strides = array<i32>} : memref<4x5056xf32, #tpu.memory_space<vmem>>, vector<16xf32>,
      tpu.vector_store %arg11[%swap3A_1370, %swap3A_1371], %div3A_1368 {strides = array<i32>} : memref<4x5056xf32, #tpu.memory_space<vmem>>, vector<16xf32>,
      %sub3A_1373 = arith.subf %gather3A_1322, %gather3A_1314 : vector<16xf32>
      %div3A_1374 = arith.divf %sub3A_1373, %get3A_1342 : vector<16xf32>
      %bitcast_convert_type3A_1375 = tpu.bitcast %div3A_1374 : vector<16xf32> -> vector<16xi32>
      %shift_right_arithmetic3A_1376 = arith.constant 23 : i32
      %shift_right_arithmetic3A_1377 = vector.broadcast %shift_right_arithmetic3A_1376 : i32 to vector<16xi32>
      %shift_right_arithmetic3A_1378 = arith.shrsi %bitcast_convert_type3A_1375, %shift_right_arithmetic3A_1377 : vector<16xi32>
      %sub3A_1379 = arith.constant 127 : i32
      %sub3A_1380 = vector.broadcast %sub3A_1379 : i32 to vector<16xi32>
      %sub3A_1381 = arith.subi %shift_right_arithmetic3A_1378, %sub3A_1380 : vector<16xi32>
      %and3A_1382 = arith.constant 8388607 : i32
      %and3A_1383 = vector.broadcast %and3A_1382 : i32 to vector<16xi32>
      %and3A_1384 = arith.andi %bitcast_convert_type3A_1375, %and3A_1383 : vector<16xi32>
      %or3A_1385 = arith.constant 1065353216 : i32
      %or3A_1386 = vector.broadcast %or3A_1385 : i32 to vector<16xi32>
      %or3A_1387 = arith.ori %and3A_1384, %or3A_1386 : vector<16xi32>
      %bitcast_convert_type3A_1388 = tpu.bitcast %or3A_1387 : vector<16xi32> -> vector<16xf32>
      %gt3A_1389 = arith.constant 1.41421354 : f32
      %gt3A_1390 = vector.broadcast %gt3A_1389 : f32 to vector<16xf32>
      %gt3A_1391 = arith.cmpf ogt, %bitcast_convert_type3A_1388, %gt3A_1390 : vector<16xf32>
      %mul3A_1392 = arith.constant 5.000000e-01 : f32
      %mul3A_1393 = vector.broadcast %mul3A_1392 : f32 to vector<16xf32>
      %mul3A_1394 = arith.mulf %bitcast_convert_type3A_1388, %mul3A_1393 : vector<16xf32>
      %select_n3A_1395 = arith.select %gt3A_1391, %mul3A_1394, %bitcast_convert_type3A_1388 : vector<16xi1>, vector<16xf32>
      %jit3A_1396 = arith.constant 1 : i32
      %jit3A_1397 = arith.constant 0 : i32
      %broadcast_in_dim3A_1398 = vector.broadcast %jit3A_1396 : i32 to vector<16xi32>
      %broadcast_in_dim3A_1399 = vector.broadcast %jit3A_1397 : i32 to vector<16xi32>
      %select_n3A_1400 = arith.select %gt3A_1391, %broadcast_in_dim3A_1398, %broadcast_in_dim3A_1399 : vector<16xi1>, vector<16xi32>
      %add3A_1401 = arith.addi %sub3A_1381, %select_n3A_1400 : vector<16xi32>
      %sub3A_1402 = arith.constant 1.000000e+00 : f32
      %sub3A_1403 = vector.broadcast %sub3A_1402 : f32 to vector<16xf32>
      %sub3A_1404 = arith.subf %select_n3A_1395, %sub3A_1403 : vector<16xf32>
      %add3A_1405 = arith.constant 1.000000e+00 : f32
      %add3A_1406 = vector.broadcast %add3A_1405 : f32 to vector<16xf32>
      %add3A_1407 = arith.addf %select_n3A_1395, %add3A_1406 : vector<16xf32>
      %div3A_1408 = arith.divf %sub3A_1404, %add3A_1407 : vector<16xf32>
      %mul3A_1409 = arith.mulf %div3A_1408, %div3A_1408 : vector<16xf32>
      %mul3A_1410 = arith.constant 0.000000e+00 : f32
      %mul3A_1411 = vector.broadcast %mul3A_1410 : f32 to vector<16xf32>
      %mul3A_1412 = arith.mulf %mul3A_1409, %mul3A_1411 : vector<16xf32>
      %add3A_1413 = arith.constant 0.111111112 : f32
      %add3A_1414 = vector.broadcast %add3A_1413 : f32 to vector<16xf32>
      %add3A_1415 = arith.addf %add3A_1414, %mul3A_1412 : vector<16xf32>
      %mul3A_1416 = arith.mulf %mul3A_1409, %add3A_1415 : vector<16xf32>
      %add3A_1417 = arith.constant 0.142857149 : f32
      %add3A_1418 = vector.broadcast %add3A_1417 : f32 to vector<16xf32>
      %add3A_1419 = arith.addf %add3A_1418, %mul3A_1416 : vector<16xf32>
      %mul3A_1420 = arith.mulf %mul3A_1409, %add3A_1419 : vector<16xf32>
      %add3A_1421 = arith.constant 2.000000e-01 : f32
      %add3A_1422 = vector.broadcast %add3A_1421 : f32 to vector<16xf32>
      %add3A_1423 = arith.addf %add3A_1422, %mul3A_1420 : vector<16xf32>
      %mul3A_1424 = arith.mulf %mul3A_1409, %add3A_1423 : vector<16xf32>
      %add3A_1425 = arith.constant 0.333333343 : f32
      %add3A_1426 = vector.broadcast %add3A_1425 : f32 to vector<16xf32>
      %add3A_1427 = arith.addf %add3A_1426, %mul3A_1424 : vector<16xf32>
      %mul3A_1428 = arith.mulf %mul3A_1409, %add3A_1427 : vector<16xf32>
      %add3A_1429 = arith.constant 1.000000e+00 : f32
      %add3A_1430 = vector.broadcast %add3A_1429 : f32 to vector<16xf32>
      %add3A_1431 = arith.addf %add3A_1430, %mul3A_1428 : vector<16xf32>
      %convert_element_type3A_1432 = arith.sitofp %add3A_1401 : vector<16xi32> to vector<16xf32>
      %mul3A_1433 = arith.constant 0.693147182 : f32
      %mul3A_1434 = vector.broadcast %mul3A_1433 : f32 to vector<16xf32>
      %mul3A_1435 = arith.mulf %convert_element_type3A_1432, %mul3A_1434 : vector<16xf32>
      %mul3A_1436 = arith.constant 2.000000e+00 : f32
      %mul3A_1437 = vector.broadcast %mul3A_1436 : f32 to vector<16xf32>
      %mul3A_1438 = arith.mulf %mul3A_1437, %div3A_1408 : vector<16xf32>
      %mul3A_1439 = arith.mulf %mul3A_1438, %add3A_1431 : vector<16xf32>
      %add3A_1440 = arith.addf %mul3A_1435, %mul3A_1439 : vector<16xf32>
      %div3A_1441 = arith.constant 2.000000e-01 : f32
      %div3A_1442 = vector.broadcast %div3A_1441 : f32 to vector<16xf32>
      %div3A_1443 = arith.divf %add3A_1440, %div3A_1442 : vector<16xf32>
      %swap3A_1444 = arith.constant 2 : i32
      %swap3A_1445 = arith.index_cast %swap3A_1444 : i32 to index
      %swap3A_1446 = arith.index_cast %mul3A_1088 : i32 to index
      %swap3A_1447 = tpu.vector_load %arg11[%swap3A_1445, %swap3A_1446] {strides = array<i32>} : memref<4x5056xf32, #tpu.memory_space<vmem>>, vector<16xf32>,
      tpu.vector_store %arg11[%swap3A_1445, %swap3A_1446], %div3A_1443 {strides = array<i32>} : memref<4x5056xf32, #tpu.memory_space<vmem>>, vector<16xf32>,
      %sub3A_1448 = arith.subf %gather3A_1326, %gather3A_1318 : vector<16xf32>
      %div3A_1449 = arith.divf %sub3A_1448, %get3A_1346 : vector<16xf32>
      %bitcast_convert_type3A_1450 = tpu.bitcast %div3A_1449 : vector<16xf32> -> vector<16xi32>
      %shift_right_arithmetic3A_1451 = arith.constant 23 : i32
      %shift_right_arithmetic3A_1452 = vector.broadcast %shift_right_arithmetic3A_1451 : i32 to vector<16xi32>
      %shift_right_arithmetic3A_1453 = arith.shrsi %bitcast_convert_type3A_1450, %shift_right_arithmetic3A_1452 : vector<16xi32>
      %sub3A_1454 = arith.constant 127 : i32
      %sub3A_1455 = vector.broadcast %sub3A_1454 : i32 to vector<16xi32>
      %sub3A_1456 = arith.subi %shift_right_arithmetic3A_1453, %sub3A_1455 : vector<16xi32>
      %and3A_1457 = arith.constant 8388607 : i32
      %and3A_1458 = vector.broadcast %and3A_1457 : i32 to vector<16xi32>
      %and3A_1459 = arith.andi %bitcast_convert_type3A_1450, %and3A_1458 : vector<16xi32>
      %or3A_1460 = arith.constant 1065353216 : i32
      %or3A_1461 = vector.broadcast %or3A_1460 : i32 to vector<16xi32>
      %or3A_1462 = arith.ori %and3A_1459, %or3A_1461 : vector<16xi32>
      %bitcast_convert_type3A_1463 = tpu.bitcast %or3A_1462 : vector<16xi32> -> vector<16xf32>
      %gt3A_1464 = arith.constant 1.41421354 : f32
      %gt3A_1465 = vector.broadcast %gt3A_1464 : f32 to vector<16xf32>
      %gt3A_1466 = arith.cmpf ogt, %bitcast_convert_type3A_1463, %gt3A_1465 : vector<16xf32>
      %mul3A_1467 = arith.constant 5.000000e-01 : f32
      %mul3A_1468 = vector.broadcast %mul3A_1467 : f32 to vector<16xf32>
      %mul3A_1469 = arith.mulf %bitcast_convert_type3A_1463, %mul3A_1468 : vector<16xf32>
      %select_n3A_1470 = arith.select %gt3A_1466, %mul3A_1469, %bitcast_convert_type3A_1463 : vector<16xi1>, vector<16xf32>
      %jit3A_1471 = arith.constant 1 : i32
      %jit3A_1472 = arith.constant 0 : i32
      %broadcast_in_dim3A_1473 = vector.broadcast %jit3A_1471 : i32 to vector<16xi32>
      %broadcast_in_dim3A_1474 = vector.broadcast %jit3A_1472 : i32 to vector<16xi32>
      %select_n3A_1475 = arith.select %gt3A_1466, %broadcast_in_dim3A_1473, %broadcast_in_dim3A_1474 : vector<16xi1>, vector<16xi32>
      %add3A_1476 = arith.addi %sub3A_1456, %select_n3A_1475 : vector<16xi32>
      %sub3A_1477 = arith.constant 1.000000e+00 : f32
      %sub3A_1478 = vector.broadcast %sub3A_1477 : f32 to vector<16xf32>
      %sub3A_1479 = arith.subf %select_n3A_1470, %sub3A_1478 : vector<16xf32>
      %add3A_1480 = arith.constant 1.000000e+00 : f32
      %add3A_1481 = vector.broadcast %add3A_1480 : f32 to vector<16xf32>
      %add3A_1482 = arith.addf %select_n3A_1470, %add3A_1481 : vector<16xf32>
      %div3A_1483 = arith.divf %sub3A_1479, %add3A_1482 : vector<16xf32>
      %mul3A_1484 = arith.mulf %div3A_1483, %div3A_1483 : vector<16xf32>
      %mul3A_1485 = arith.constant 0.000000e+00 : f32
      %mul3A_1486 = vector.broadcast %mul3A_1485 : f32 to vector<16xf32>
      %mul3A_1487 = arith.mulf %mul3A_1484, %mul3A_1486 : vector<16xf32>
      %add3A_1488 = arith.constant 0.111111112 : f32
      %add3A_1489 = vector.broadcast %add3A_1488 : f32 to vector<16xf32>
      %add3A_1490 = arith.addf %add3A_1489, %mul3A_1487 : vector<16xf32>
      %mul3A_1491 = arith.mulf %mul3A_1484, %add3A_1490 : vector<16xf32>
      %add3A_1492 = arith.constant 0.142857149 : f32
      %add3A_1493 = vector.broadcast %add3A_1492 : f32 to vector<16xf32>
      %add3A_1494 = arith.addf %add3A_1493, %mul3A_1491 : vector<16xf32>
      %mul3A_1495 = arith.mulf %mul3A_1484, %add3A_1494 : vector<16xf32>
      %add3A_1496 = arith.constant 2.000000e-01 : f32
      %add3A_1497 = vector.broadcast %add3A_1496 : f32 to vector<16xf32>
      %add3A_1498 = arith.addf %add3A_1497, %mul3A_1495 : vector<16xf32>
      %mul3A_1499 = arith.mulf %mul3A_1484, %add3A_1498 : vector<16xf32>
      %add3A_1500 = arith.constant 0.333333343 : f32
      %add3A_1501 = vector.broadcast %add3A_1500 : f32 to vector<16xf32>
      %add3A_1502 = arith.addf %add3A_1501, %mul3A_1499 : vector<16xf32>
      %mul3A_1503 = arith.mulf %mul3A_1484, %add3A_1502 : vector<16xf32>
      %add3A_1504 = arith.constant 1.000000e+00 : f32
      %add3A_1505 = vector.broadcast %add3A_1504 : f32 to vector<16xf32>
      %add3A_1506 = arith.addf %add3A_1505, %mul3A_1503 : vector<16xf32>
      %convert_element_type3A_1507 = arith.sitofp %add3A_1476 : vector<16xi32> to vector<16xf32>
      %mul3A_1508 = arith.constant 0.693147182 : f32
      %mul3A_1509 = vector.broadcast %mul3A_1508 : f32 to vector<16xf32>
      %mul3A_1510 = arith.mulf %convert_element_type3A_1507, %mul3A_1509 : vector<16xf32>
      %mul3A_1511 = arith.constant 2.000000e+00 : f32
      %mul3A_1512 = vector.broadcast %mul3A_1511 : f32 to vector<16xf32>
      %mul3A_1513 = arith.mulf %mul3A_1512, %div3A_1483 : vector<16xf32>
      %mul3A_1514 = arith.mulf %mul3A_1513, %add3A_1506 : vector<16xf32>
      %add3A_1515 = arith.addf %mul3A_1510, %mul3A_1514 : vector<16xf32>
      %div3A_1516 = arith.constant 2.000000e-01 : f32
      %div3A_1517 = vector.broadcast %div3A_1516 : f32 to vector<16xf32>
      %div3A_1518 = arith.divf %add3A_1515, %div3A_1517 : vector<16xf32>
      %swap3A_1519 = arith.constant 3 : i32
      %swap3A_1520 = arith.index_cast %swap3A_1519 : i32 to index
      %swap3A_1521 = arith.index_cast %mul3A_1088 : i32 to index
      %swap3A_1522 = tpu.vector_load %arg11[%swap3A_1520, %swap3A_1521] {strides = array<i32>} : memref<4x5056xf32, #tpu.memory_space<vmem>>, vector<16xf32>,
      tpu.vector_store %arg11[%swap3A_1520, %swap3A_1521], %div3A_1518 {strides = array<i32>} : memref<4x5056xf32, #tpu.memory_space<vmem>>, vector<16xf32>,
      %convert_element_type3A_1523 = arith.fptosi %gather3A_1330 : vector<16xf32> to vector<16xi32>
      %add3A_1524 = arith.constant 1 : i32
      %add3A_1525 = vector.broadcast %add3A_1524 : i32 to vector<16xi32>
      %add3A_1526 = arith.addi %convert_element_type3A_1523, %add3A_1525 : vector<16xi32>
      %lt3A = arith.constant 5.000000e-01 : f32
      %lt3A_1527 = vector.broadcast %lt3A : f32 to vector<16xf32>
      %lt3A_1528 = arith.cmpf olt, %select_n3A_1307, %lt3A_1527 : vector<16xf32>
      %jit3A_1529 = arith.constant 0 : i32
      %broadcast_in_dim3A_1530 = vector.broadcast %jit3A_1529 : i32 to vector<16xi32>
      %select_n3A_1531 = arith.select %lt3A_1528, %broadcast_in_dim3A_1530, %add3A_1526 : vector<16xi1>, vector<16xi32>
      %swap3A_1532 = arith.index_cast %mul3A_1088 : i32 to index
      %swap3A_1533 = tpu.vector_load %arg12[%swap3A_1532] {strides = array<i32>} : memref<5056xi32, #tpu.memory_space<vmem>>, vector<16xi32>,
      tpu.vector_store %arg12[%swap3A_1532], %select_n3A_1531 {strides = array<i32>} : memref<5056xi32, #tpu.memory_space<vmem>>, vector<16xi32>,
      %mul3A_1534 = arith.constant 2 : i32
      %mul3A_1535 = arith.muli %scan3A_1066, %mul3A_1534 : i32
      %add3A_1536 = arith.constant 1 : i32
      %add3A_1537 = arith.addi %mul3A_1535, %add3A_1536 : i32
      %mul3A_1538 = arith.constant 16 : i32
      %mul3A_1539 = arith.muli %add3A_1537, %mul3A_1538 : i32
      %get3A_1540 = arith.constant 0 : i32
      %get3A_1541 = arith.index_cast %get3A_1540 : i32 to index
      %get3A_1542 = arith.index_cast %mul3A_1539 : i32 to index
      %get3A_1543 = tpu.vector_load %arg8[%get3A_1541, %get3A_1542] {strides = array<i32>} : memref<5x5056xf32, #tpu.memory_space<vmem>>, vector<16xf32>,
      %get3A_1544 = arith.constant 1 : i32
      %get3A_1545 = arith.index_cast %get3A_1544 : i32 to index
      %get3A_1546 = arith.index_cast %mul3A_1539 : i32 to index
      %get3A_1547 = tpu.vector_load %arg8[%get3A_1545, %get3A_1546] {strides = array<i32>} : memref<5x5056xf32, #tpu.memory_space<vmem>>, vector<16xf32>,
      %get3A_1548 = arith.constant 2 : i32
      %get3A_1549 = arith.index_cast %get3A_1548 : i32 to index
      %get3A_1550 = arith.index_cast %mul3A_1539 : i32 to index
      %get3A_1551 = tpu.vector_load %arg8[%get3A_1549, %get3A_1550] {strides = array<i32>} : memref<5x5056xf32, #tpu.memory_space<vmem>>, vector<16xf32>,
      %get3A_1552 = arith.constant 3 : i32
      %get3A_1553 = arith.index_cast %get3A_1552 : i32 to index
      %get3A_1554 = arith.index_cast %mul3A_1539 : i32 to index
      %get3A_1555 = tpu.vector_load %arg8[%get3A_1553, %get3A_1554] {strides = array<i32>} : memref<5x5056xf32, #tpu.memory_space<vmem>>, vector<16xf32>,
      %get3A_1556 = arith.constant 4 : i32
      %get3A_1557 = arith.index_cast %get3A_1556 : i32 to index
      %get3A_1558 = arith.index_cast %mul3A_1539 : i32 to index
      %get3A_1559 = tpu.vector_load %arg8[%get3A_1557, %get3A_1558] {strides = array<i32>} : memref<5x5056xf32, #tpu.memory_space<vmem>>, vector<16xf32>,
      %get3A_1560 = arith.index_cast %mul3A_1539 : i32 to index
      %get3A_1561 = tpu.vector_load %arg9[%get3A_1560] {strides = array<i32>} : memref<5056xf32, #tpu.memory_space<vmem>>, vector<16xf32>,
      %get3A_1562 = arith.index_cast %mul3A_1539 : i32 to index
      %get3A_1563 = tpu.vector_load %arg10[%get3A_1562] {strides = array<i32>} : memref<5056xi32, #tpu.memory_space<vmem>>, vector<16xi32>,
      %min3A_1564 = arith.minimumf %broadcast_in_dim3A_456, %get3A_1551 : vector<16xf32>
      %max3A_1565 = arith.maximumf %broadcast_in_dim3A_454, %get3A_1543 : vector<16xf32>
      %sub3A_1566 = arith.subf %min3A_1564, %max3A_1565 : vector<16xf32>
      %max3A_1567 = arith.constant 0.000000e+00 : f32
      %max3A_1568 = vector.broadcast %max3A_1567 : f32 to vector<16xf32>
      %max3A_1569 = arith.maximumf %sub3A_1566, %max3A_1568 : vector<16xf32>
      %min3A_1570 = arith.minimumf %broadcast_in_dim3A_457, %get3A_1555 : vector<16xf32>
      %max3A_1571 = arith.maximumf %broadcast_in_dim3A_455, %get3A_1547 : vector<16xf32>
      %sub3A_1572 = arith.subf %min3A_1570, %max3A_1571 : vector<16xf32>
      %max3A_1573 = arith.constant 0.000000e+00 : f32
      %max3A_1574 = vector.broadcast %max3A_1573 : f32 to vector<16xf32>
      %max3A_1575 = arith.maximumf %sub3A_1572, %max3A_1574 : vector<16xf32>
      %mul3A_1576 = arith.mulf %max3A_1569, %max3A_1575 : vector<16xf32>
      %add3A_1577 = arith.addf %broadcast_in_dim3A_461, %get3A_1559 : vector<16xf32>
      %sub3A_1578 = arith.subf %add3A_1577, %mul3A_1576 : vector<16xf32>
      %div3A_1579 = arith.divf %mul3A_1576, %sub3A_1578 : vector<16xf32>
      %gt3A_1580 = arith.cmpf ogt, %div3A_1579, %select_n3A_1128 : vector<16xf32>
      %select_n3A_1581 = arith.select %gt3A_1580, %div3A_1579, %select_n3A_1128 : vector<16xi1>, vector<16xf32>
      %broadcast_in_dim3A_1582 = vector.broadcast %add3A_1537 : i32 to vector<16xi32>
      %select_n3A_1583 = arith.select %gt3A_1580, %broadcast_in_dim3A_1582, %select_n3A_1130 : vector<16xi1>, vector<16xi32>
      %gt3A_1584 = arith.cmpf ogt, %div3A_1579, %get3A_1561 : vector<16xf32>
      %select_n3A_1585 = arith.select %gt3A_1584, %div3A_1579, %get3A_1561 : vector<16xi1>, vector<16xf32>
      %jit3A_1586 = arith.constant 8 : i32
      %broadcast_in_dim3A_1587 = vector.broadcast %jit3A_1586 : i32 to vector<16xi32>
      %select_n3A_1588 = arith.select %gt3A_1584, %broadcast_in_dim3A_1587, %get3A_1563 : vector<16xi1>, vector<16xi32>
      %min3A_1589 = arith.minimumf %broadcast_in_dim3A_472, %get3A_1551 : vector<16xf32>
      %max3A_1590 = arith.maximumf %broadcast_in_dim3A_470, %get3A_1543 : vector<16xf32>
      %sub3A_1591 = arith.subf %min3A_1589, %max3A_1590 : vector<16xf32>
      %max3A_1592 = arith.constant 0.000000e+00 : f32
      %max3A_1593 = vector.broadcast %max3A_1592 : f32 to vector<16xf32>
      %max3A_1594 = arith.maximumf %sub3A_1591, %max3A_1593 : vector<16xf32>
      %min3A_1595 = arith.minimumf %broadcast_in_dim3A_473, %get3A_1555 : vector<16xf32>
      %max3A_1596 = arith.maximumf %broadcast_in_dim3A_471, %get3A_1547 : vector<16xf32>
      %sub3A_1597 = arith.subf %min3A_1595, %max3A_1596 : vector<16xf32>
      %max3A_1598 = arith.constant 0.000000e+00 : f32
      %max3A_1599 = vector.broadcast %max3A_1598 : f32 to vector<16xf32>
      %max3A_1600 = arith.maximumf %sub3A_1597, %max3A_1599 : vector<16xf32>
      %mul3A_1601 = arith.mulf %max3A_1594, %max3A_1600 : vector<16xf32>
      %add3A_1602 = arith.addf %broadcast_in_dim3A_477, %get3A_1559 : vector<16xf32>
      %sub3A_1603 = arith.subf %add3A_1602, %mul3A_1601 : vector<16xf32>
      %div3A_1604 = arith.divf %mul3A_1601, %sub3A_1603 : vector<16xf32>
      %gt3A_1605 = arith.cmpf ogt, %div3A_1604, %select_n3A_1153 : vector<16xf32>
      %select_n3A_1606 = arith.select %gt3A_1605, %div3A_1604, %select_n3A_1153 : vector<16xi1>, vector<16xf32>
      %broadcast_in_dim3A_1607 = vector.broadcast %add3A_1537 : i32 to vector<16xi32>
      %select_n3A_1608 = arith.select %gt3A_1605, %broadcast_in_dim3A_1607, %select_n3A_1155 : vector<16xi1>, vector<16xi32>
      %gt3A_1609 = arith.cmpf ogt, %div3A_1604, %select_n3A_1585 : vector<16xf32>
      %select_n3A_1610 = arith.select %gt3A_1609, %div3A_1604, %select_n3A_1585 : vector<16xi1>, vector<16xf32>
      %jit3A_1611 = arith.constant 9 : i32
      %broadcast_in_dim3A_1612 = vector.broadcast %jit3A_1611 : i32 to vector<16xi32>
      %select_n3A_1613 = arith.select %gt3A_1609, %broadcast_in_dim3A_1612, %select_n3A_1588 : vector<16xi1>, vector<16xi32>
      %min3A_1614 = arith.minimumf %broadcast_in_dim3A_488, %get3A_1551 : vector<16xf32>
      %max3A_1615 = arith.maximumf %broadcast_in_dim3A_486, %get3A_1543 : vector<16xf32>
      %sub3A_1616 = arith.subf %min3A_1614, %max3A_1615 : vector<16xf32>
      %max3A_1617 = arith.constant 0.000000e+00 : f32
      %max3A_1618 = vector.broadcast %max3A_1617 : f32 to vector<16xf32>
      %max3A_1619 = arith.maximumf %sub3A_1616, %max3A_1618 : vector<16xf32>
      %min3A_1620 = arith.minimumf %broadcast_in_dim3A_489, %get3A_1555 : vector<16xf32>
      %max3A_1621 = arith.maximumf %broadcast_in_dim3A_487, %get3A_1547 : vector<16xf32>
      %sub3A_1622 = arith.subf %min3A_1620, %max3A_1621 : vector<16xf32>
      %max3A_1623 = arith.constant 0.000000e+00 : f32
      %max3A_1624 = vector.broadcast %max3A_1623 : f32 to vector<16xf32>
      %max3A_1625 = arith.maximumf %sub3A_1622, %max3A_1624 : vector<16xf32>
      %mul3A_1626 = arith.mulf %max3A_1619, %max3A_1625 : vector<16xf32>
      %add3A_1627 = arith.addf %broadcast_in_dim3A_493, %get3A_1559 : vector<16xf32>
      %sub3A_1628 = arith.subf %add3A_1627, %mul3A_1626 : vector<16xf32>
      %div3A_1629 = arith.divf %mul3A_1626, %sub3A_1628 : vector<16xf32>
      %gt3A_1630 = arith.cmpf ogt, %div3A_1629, %select_n3A_1178 : vector<16xf32>
      %select_n3A_1631 = arith.select %gt3A_1630, %div3A_1629, %select_n3A_1178 : vector<16xi1>, vector<16xf32>
      %broadcast_in_dim3A_1632 = vector.broadcast %add3A_1537 : i32 to vector<16xi32>
      %select_n3A_1633 = arith.select %gt3A_1630, %broadcast_in_dim3A_1632, %select_n3A_1180 : vector<16xi1>, vector<16xi32>
      %gt3A_1634 = arith.cmpf ogt, %div3A_1629, %select_n3A_1610 : vector<16xf32>
      %select_n3A_1635 = arith.select %gt3A_1634, %div3A_1629, %select_n3A_1610 : vector<16xi1>, vector<16xf32>
      %jit3A_1636 = arith.constant 10 : i32
      %broadcast_in_dim3A_1637 = vector.broadcast %jit3A_1636 : i32 to vector<16xi32>
      %select_n3A_1638 = arith.select %gt3A_1634, %broadcast_in_dim3A_1637, %select_n3A_1613 : vector<16xi1>, vector<16xi32>
      %min3A_1639 = arith.minimumf %broadcast_in_dim3A_504, %get3A_1551 : vector<16xf32>
      %max3A_1640 = arith.maximumf %broadcast_in_dim3A_502, %get3A_1543 : vector<16xf32>
      %sub3A_1641 = arith.subf %min3A_1639, %max3A_1640 : vector<16xf32>
      %max3A_1642 = arith.constant 0.000000e+00 : f32
      %max3A_1643 = vector.broadcast %max3A_1642 : f32 to vector<16xf32>
      %max3A_1644 = arith.maximumf %sub3A_1641, %max3A_1643 : vector<16xf32>
      %min3A_1645 = arith.minimumf %broadcast_in_dim3A_505, %get3A_1555 : vector<16xf32>
      %max3A_1646 = arith.maximumf %broadcast_in_dim3A_503, %get3A_1547 : vector<16xf32>
      %sub3A_1647 = arith.subf %min3A_1645, %max3A_1646 : vector<16xf32>
      %max3A_1648 = arith.constant 0.000000e+00 : f32
      %max3A_1649 = vector.broadcast %max3A_1648 : f32 to vector<16xf32>
      %max3A_1650 = arith.maximumf %sub3A_1647, %max3A_1649 : vector<16xf32>
      %mul3A_1651 = arith.mulf %max3A_1644, %max3A_1650 : vector<16xf32>
      %add3A_1652 = arith.addf %broadcast_in_dim3A_509, %get3A_1559 : vector<16xf32>
      %sub3A_1653 = arith.subf %add3A_1652, %mul3A_1651 : vector<16xf32>
      %div3A_1654 = arith.divf %mul3A_1651, %sub3A_1653 : vector<16xf32>
      %gt3A_1655 = arith.cmpf ogt, %div3A_1654, %select_n3A_1203 : vector<16xf32>
      %select_n3A_1656 = arith.select %gt3A_1655, %div3A_1654, %select_n3A_1203 : vector<16xi1>, vector<16xf32>
      %broadcast_in_dim3A_1657 = vector.broadcast %add3A_1537 : i32 to vector<16xi32>
      %select_n3A_1658 = arith.select %gt3A_1655, %broadcast_in_dim3A_1657, %select_n3A_1205 : vector<16xi1>, vector<16xi32>
      %gt3A_1659 = arith.cmpf ogt, %div3A_1654, %select_n3A_1635 : vector<16xf32>
      %select_n3A_1660 = arith.select %gt3A_1659, %div3A_1654, %select_n3A_1635 : vector<16xi1>, vector<16xf32>
      %jit3A_1661 = arith.constant 11 : i32
      %broadcast_in_dim3A_1662 = vector.broadcast %jit3A_1661 : i32 to vector<16xi32>
      %select_n3A_1663 = arith.select %gt3A_1659, %broadcast_in_dim3A_1662, %select_n3A_1638 : vector<16xi1>, vector<16xi32>
      %min3A_1664 = arith.minimumf %broadcast_in_dim3A_520, %get3A_1551 : vector<16xf32>
      %max3A_1665 = arith.maximumf %broadcast_in_dim3A_518, %get3A_1543 : vector<16xf32>
      %sub3A_1666 = arith.subf %min3A_1664, %max3A_1665 : vector<16xf32>
      %max3A_1667 = arith.constant 0.000000e+00 : f32
      %max3A_1668 = vector.broadcast %max3A_1667 : f32 to vector<16xf32>
      %max3A_1669 = arith.maximumf %sub3A_1666, %max3A_1668 : vector<16xf32>
      %min3A_1670 = arith.minimumf %broadcast_in_dim3A_521, %get3A_1555 : vector<16xf32>
      %max3A_1671 = arith.maximumf %broadcast_in_dim3A_519, %get3A_1547 : vector<16xf32>
      %sub3A_1672 = arith.subf %min3A_1670, %max3A_1671 : vector<16xf32>
      %max3A_1673 = arith.constant 0.000000e+00 : f32
      %max3A_1674 = vector.broadcast %max3A_1673 : f32 to vector<16xf32>
      %max3A_1675 = arith.maximumf %sub3A_1672, %max3A_1674 : vector<16xf32>
      %mul3A_1676 = arith.mulf %max3A_1669, %max3A_1675 : vector<16xf32>
      %add3A_1677 = arith.addf %broadcast_in_dim3A_525, %get3A_1559 : vector<16xf32>
      %sub3A_1678 = arith.subf %add3A_1677, %mul3A_1676 : vector<16xf32>
      %div3A_1679 = arith.divf %mul3A_1676, %sub3A_1678 : vector<16xf32>
      %gt3A_1680 = arith.cmpf ogt, %div3A_1679, %select_n3A_1228 : vector<16xf32>
      %select_n3A_1681 = arith.select %gt3A_1680, %div3A_1679, %select_n3A_1228 : vector<16xi1>, vector<16xf32>
      %broadcast_in_dim3A_1682 = vector.broadcast %add3A_1537 : i32 to vector<16xi32>
      %select_n3A_1683 = arith.select %gt3A_1680, %broadcast_in_dim3A_1682, %select_n3A_1230 : vector<16xi1>, vector<16xi32>
      %gt3A_1684 = arith.cmpf ogt, %div3A_1679, %select_n3A_1660 : vector<16xf32>
      %select_n3A_1685 = arith.select %gt3A_1684, %div3A_1679, %select_n3A_1660 : vector<16xi1>, vector<16xf32>
      %jit3A_1686 = arith.constant 12 : i32
      %broadcast_in_dim3A_1687 = vector.broadcast %jit3A_1686 : i32 to vector<16xi32>
      %select_n3A_1688 = arith.select %gt3A_1684, %broadcast_in_dim3A_1687, %select_n3A_1663 : vector<16xi1>, vector<16xi32>
      %min3A_1689 = arith.minimumf %broadcast_in_dim3A_536, %get3A_1551 : vector<16xf32>
      %max3A_1690 = arith.maximumf %broadcast_in_dim3A_534, %get3A_1543 : vector<16xf32>
      %sub3A_1691 = arith.subf %min3A_1689, %max3A_1690 : vector<16xf32>
      %max3A_1692 = arith.constant 0.000000e+00 : f32
      %max3A_1693 = vector.broadcast %max3A_1692 : f32 to vector<16xf32>
      %max3A_1694 = arith.maximumf %sub3A_1691, %max3A_1693 : vector<16xf32>
      %min3A_1695 = arith.minimumf %broadcast_in_dim3A_537, %get3A_1555 : vector<16xf32>
      %max3A_1696 = arith.maximumf %broadcast_in_dim3A_535, %get3A_1547 : vector<16xf32>
      %sub3A_1697 = arith.subf %min3A_1695, %max3A_1696 : vector<16xf32>
      %max3A_1698 = arith.constant 0.000000e+00 : f32
      %max3A_1699 = vector.broadcast %max3A_1698 : f32 to vector<16xf32>
      %max3A_1700 = arith.maximumf %sub3A_1697, %max3A_1699 : vector<16xf32>
      %mul3A_1701 = arith.mulf %max3A_1694, %max3A_1700 : vector<16xf32>
      %add3A_1702 = arith.addf %broadcast_in_dim3A_541, %get3A_1559 : vector<16xf32>
      %sub3A_1703 = arith.subf %add3A_1702, %mul3A_1701 : vector<16xf32>
      %div3A_1704 = arith.divf %mul3A_1701, %sub3A_1703 : vector<16xf32>
      %gt3A_1705 = arith.cmpf ogt, %div3A_1704, %select_n3A_1253 : vector<16xf32>
      %select_n3A_1706 = arith.select %gt3A_1705, %div3A_1704, %select_n3A_1253 : vector<16xi1>, vector<16xf32>
      %broadcast_in_dim3A_1707 = vector.broadcast %add3A_1537 : i32 to vector<16xi32>
      %select_n3A_1708 = arith.select %gt3A_1705, %broadcast_in_dim3A_1707, %select_n3A_1255 : vector<16xi1>, vector<16xi32>
      %gt3A_1709 = arith.cmpf ogt, %div3A_1704, %select_n3A_1685 : vector<16xf32>
      %select_n3A_1710 = arith.select %gt3A_1709, %div3A_1704, %select_n3A_1685 : vector<16xi1>, vector<16xf32>
      %jit3A_1711 = arith.constant 13 : i32
      %broadcast_in_dim3A_1712 = vector.broadcast %jit3A_1711 : i32 to vector<16xi32>
      %select_n3A_1713 = arith.select %gt3A_1709, %broadcast_in_dim3A_1712, %select_n3A_1688 : vector<16xi1>, vector<16xi32>
      %min3A_1714 = arith.minimumf %broadcast_in_dim3A_552, %get3A_1551 : vector<16xf32>
      %max3A_1715 = arith.maximumf %broadcast_in_dim3A_550, %get3A_1543 : vector<16xf32>
      %sub3A_1716 = arith.subf %min3A_1714, %max3A_1715 : vector<16xf32>
      %max3A_1717 = arith.constant 0.000000e+00 : f32
      %max3A_1718 = vector.broadcast %max3A_1717 : f32 to vector<16xf32>
      %max3A_1719 = arith.maximumf %sub3A_1716, %max3A_1718 : vector<16xf32>
      %min3A_1720 = arith.minimumf %broadcast_in_dim3A_553, %get3A_1555 : vector<16xf32>
      %max3A_1721 = arith.maximumf %broadcast_in_dim3A_551, %get3A_1547 : vector<16xf32>
      %sub3A_1722 = arith.subf %min3A_1720, %max3A_1721 : vector<16xf32>
      %max3A_1723 = arith.constant 0.000000e+00 : f32
      %max3A_1724 = vector.broadcast %max3A_1723 : f32 to vector<16xf32>
      %max3A_1725 = arith.maximumf %sub3A_1722, %max3A_1724 : vector<16xf32>
      %mul3A_1726 = arith.mulf %max3A_1719, %max3A_1725 : vector<16xf32>
      %add3A_1727 = arith.addf %broadcast_in_dim3A_557, %get3A_1559 : vector<16xf32>
      %sub3A_1728 = arith.subf %add3A_1727, %mul3A_1726 : vector<16xf32>
      %div3A_1729 = arith.divf %mul3A_1726, %sub3A_1728 : vector<16xf32>
      %gt3A_1730 = arith.cmpf ogt, %div3A_1729, %select_n3A_1278 : vector<16xf32>
      %select_n3A_1731 = arith.select %gt3A_1730, %div3A_1729, %select_n3A_1278 : vector<16xi1>, vector<16xf32>
      %broadcast_in_dim3A_1732 = vector.broadcast %add3A_1537 : i32 to vector<16xi32>
      %select_n3A_1733 = arith.select %gt3A_1730, %broadcast_in_dim3A_1732, %select_n3A_1280 : vector<16xi1>, vector<16xi32>
      %gt3A_1734 = arith.cmpf ogt, %div3A_1729, %select_n3A_1710 : vector<16xf32>
      %select_n3A_1735 = arith.select %gt3A_1734, %div3A_1729, %select_n3A_1710 : vector<16xi1>, vector<16xf32>
      %jit3A_1736 = arith.constant 14 : i32
      %broadcast_in_dim3A_1737 = vector.broadcast %jit3A_1736 : i32 to vector<16xi32>
      %select_n3A_1738 = arith.select %gt3A_1734, %broadcast_in_dim3A_1737, %select_n3A_1713 : vector<16xi1>, vector<16xi32>
      %min3A_1739 = arith.minimumf %broadcast_in_dim3A_568, %get3A_1551 : vector<16xf32>
      %max3A_1740 = arith.maximumf %broadcast_in_dim3A_566, %get3A_1543 : vector<16xf32>
      %sub3A_1741 = arith.subf %min3A_1739, %max3A_1740 : vector<16xf32>
      %max3A_1742 = arith.constant 0.000000e+00 : f32
      %max3A_1743 = vector.broadcast %max3A_1742 : f32 to vector<16xf32>
      %max3A_1744 = arith.maximumf %sub3A_1741, %max3A_1743 : vector<16xf32>
      %min3A_1745 = arith.minimumf %broadcast_in_dim3A_569, %get3A_1555 : vector<16xf32>
      %max3A_1746 = arith.maximumf %broadcast_in_dim3A_567, %get3A_1547 : vector<16xf32>
      %sub3A_1747 = arith.subf %min3A_1745, %max3A_1746 : vector<16xf32>
      %max3A_1748 = arith.constant 0.000000e+00 : f32
      %max3A_1749 = vector.broadcast %max3A_1748 : f32 to vector<16xf32>
      %max3A_1750 = arith.maximumf %sub3A_1747, %max3A_1749 : vector<16xf32>
      %mul3A_1751 = arith.mulf %max3A_1744, %max3A_1750 : vector<16xf32>
      %add3A_1752 = arith.addf %broadcast_in_dim3A_573, %get3A_1559 : vector<16xf32>
      %sub3A_1753 = arith.subf %add3A_1752, %mul3A_1751 : vector<16xf32>
      %div3A_1754 = arith.divf %mul3A_1751, %sub3A_1753 : vector<16xf32>
      %gt3A_1755 = arith.cmpf ogt, %div3A_1754, %select_n3A_1303 : vector<16xf32>
      %select_n3A_1756 = arith.select %gt3A_1755, %div3A_1754, %select_n3A_1303 : vector<16xi1>, vector<16xf32>
      %broadcast_in_dim3A_1757 = vector.broadcast %add3A_1537 : i32 to vector<16xi32>
      %select_n3A_1758 = arith.select %gt3A_1755, %broadcast_in_dim3A_1757, %select_n3A_1305 : vector<16xi1>, vector<16xi32>
      %gt3A_1759 = arith.cmpf ogt, %div3A_1754, %select_n3A_1735 : vector<16xf32>
      %select_n3A_1760 = arith.select %gt3A_1759, %div3A_1754, %select_n3A_1735 : vector<16xi1>, vector<16xf32>
      %jit3A_1761 = arith.constant 15 : i32
      %broadcast_in_dim3A_1762 = vector.broadcast %jit3A_1761 : i32 to vector<16xi32>
      %select_n3A_1763 = arith.select %gt3A_1759, %broadcast_in_dim3A_1762, %select_n3A_1738 : vector<16xi1>, vector<16xi32>
      %swap3A_1764 = arith.index_cast %mul3A_1539 : i32 to index
      %swap3A_1765 = tpu.vector_load %arg10[%swap3A_1764] {strides = array<i32>} : memref<5056xi32, #tpu.memory_space<vmem>>, vector<16xi32>,
      tpu.vector_store %arg10[%swap3A_1764], %select_n3A_1763 {strides = array<i32>} : memref<5056xi32, #tpu.memory_space<vmem>>, vector<16xi32>,
      %broadcast_in_dim3A_1766 = arith.constant 0 : i32
      %broadcast_in_dim3A_1767 = vector.broadcast %broadcast_in_dim3A_1766 : i32 to vector<16xi32>
      %gather3A_1768 = tpu.vector_load_idx %arg7[%broadcast_in_dim3A_1767, %select_n3A_1763] : memref<5x16xf32, #tpu.memory_space<vmem>>[vector<16xi32>, vector<16xi32>], vector<16xf32>,
      %add3A_1769 = arith.constant 1 : i32
      %add3A_1770 = vector.broadcast %add3A_1769 : i32 to vector<16xi32>
      %add3A_1771 = arith.addi %broadcast_in_dim3A_1767, %add3A_1770 : vector<16xi32>
      %gather3A_1772 = tpu.vector_load_idx %arg7[%add3A_1771, %select_n3A_1763] : memref<5x16xf32, #tpu.memory_space<vmem>>[vector<16xi32>, vector<16xi32>], vector<16xf32>,
      %add3A_1773 = arith.constant 2 : i32
      %add3A_1774 = vector.broadcast %add3A_1773 : i32 to vector<16xi32>
      %add3A_1775 = arith.addi %broadcast_in_dim3A_1767, %add3A_1774 : vector<16xi32>
      %gather3A_1776 = tpu.vector_load_idx %arg7[%add3A_1775, %select_n3A_1763] : memref<5x16xf32, #tpu.memory_space<vmem>>[vector<16xi32>, vector<16xi32>], vector<16xf32>,
      %add3A_1777 = arith.constant 3 : i32
      %add3A_1778 = vector.broadcast %add3A_1777 : i32 to vector<16xi32>
      %add3A_1779 = arith.addi %broadcast_in_dim3A_1767, %add3A_1778 : vector<16xi32>
      %gather3A_1780 = tpu.vector_load_idx %arg7[%add3A_1779, %select_n3A_1763] : memref<5x16xf32, #tpu.memory_space<vmem>>[vector<16xi32>, vector<16xi32>], vector<16xf32>,
      %add3A_1781 = arith.constant 4 : i32
      %add3A_1782 = vector.broadcast %add3A_1781 : i32 to vector<16xi32>
      %add3A_1783 = arith.addi %broadcast_in_dim3A_1767, %add3A_1782 : vector<16xi32>
      %gather3A_1784 = tpu.vector_load_idx %arg7[%add3A_1783, %select_n3A_1763] : memref<5x16xf32, #tpu.memory_space<vmem>>[vector<16xi32>, vector<16xi32>], vector<16xf32>,
      %get3A_1785 = arith.constant 0 : i32
      %get3A_1786 = arith.index_cast %get3A_1785 : i32 to index
      %get3A_1787 = arith.index_cast %mul3A_1539 : i32 to index
      %get3A_1788 = tpu.vector_load %arg6[%get3A_1786, %get3A_1787] {strides = array<i32>} : memref<4x5056xf32, #tpu.memory_space<vmem>>, vector<16xf32>,
      %get3A_1789 = arith.constant 1 : i32
      %get3A_1790 = arith.index_cast %get3A_1789 : i32 to index
      %get3A_1791 = arith.index_cast %mul3A_1539 : i32 to index
      %get3A_1792 = tpu.vector_load %arg6[%get3A_1790, %get3A_1791] {strides = array<i32>} : memref<4x5056xf32, #tpu.memory_space<vmem>>, vector<16xf32>,
      %get3A_1793 = arith.constant 2 : i32
      %get3A_1794 = arith.index_cast %get3A_1793 : i32 to index
      %get3A_1795 = arith.index_cast %mul3A_1539 : i32 to index
      %get3A_1796 = tpu.vector_load %arg6[%get3A_1794, %get3A_1795] {strides = array<i32>} : memref<4x5056xf32, #tpu.memory_space<vmem>>, vector<16xf32>,
      %get3A_1797 = arith.constant 3 : i32
      %get3A_1798 = arith.index_cast %get3A_1797 : i32 to index
      %get3A_1799 = arith.index_cast %mul3A_1539 : i32 to index
      %get3A_1800 = tpu.vector_load %arg6[%get3A_1798, %get3A_1799] {strides = array<i32>} : memref<4x5056xf32, #tpu.memory_space<vmem>>, vector<16xf32>,
      %add3A_1801 = arith.addf %gather3A_1768, %gather3A_1776 : vector<16xf32>
      %div3A_1802 = arith.constant 2.000000e+00 : f32
      %div3A_1803 = vector.broadcast %div3A_1802 : f32 to vector<16xf32>
      %div3A_1804 = arith.divf %add3A_1801, %div3A_1803 : vector<16xf32>
      %sub3A_1805 = arith.subf %div3A_1804, %get3A_1788 : vector<16xf32>
      %mul3A_1806 = arith.constant 1.000000e-01 : f32
      %mul3A_1807 = vector.broadcast %mul3A_1806 : f32 to vector<16xf32>
      %mul3A_1808 = arith.mulf %mul3A_1807, %get3A_1796 : vector<16xf32>
      %div3A_1809 = arith.divf %sub3A_1805, %mul3A_1808 : vector<16xf32>
      %swap3A_1810 = arith.constant 0 : i32
      %swap3A_1811 = arith.index_cast %swap3A_1810 : i32 to index
      %swap3A_1812 = arith.index_cast %mul3A_1539 : i32 to index
      %swap3A_1813 = tpu.vector_load %arg11[%swap3A_1811, %swap3A_1812] {strides = array<i32>} : memref<4x5056xf32, #tpu.memory_space<vmem>>, vector<16xf32>,
      tpu.vector_store %arg11[%swap3A_1811, %swap3A_1812], %div3A_1809 {strides = array<i32>} : memref<4x5056xf32, #tpu.memory_space<vmem>>, vector<16xf32>,
      %add3A_1814 = arith.addf %gather3A_1772, %gather3A_1780 : vector<16xf32>
      %div3A_1815 = arith.constant 2.000000e+00 : f32
      %div3A_1816 = vector.broadcast %div3A_1815 : f32 to vector<16xf32>
      %div3A_1817 = arith.divf %add3A_1814, %div3A_1816 : vector<16xf32>
      %sub3A_1818 = arith.subf %div3A_1817, %get3A_1792 : vector<16xf32>
      %mul3A_1819 = arith.constant 1.000000e-01 : f32
      %mul3A_1820 = vector.broadcast %mul3A_1819 : f32 to vector<16xf32>
      %mul3A_1821 = arith.mulf %mul3A_1820, %get3A_1800 : vector<16xf32>
      %div3A_1822 = arith.divf %sub3A_1818, %mul3A_1821 : vector<16xf32>
      %swap3A_1823 = arith.constant 1 : i32
      %swap3A_1824 = arith.index_cast %swap3A_1823 : i32 to index
      %swap3A_1825 = arith.index_cast %mul3A_1539 : i32 to index
      %swap3A_1826 = tpu.vector_load %arg11[%swap3A_1824, %swap3A_1825] {strides = array<i32>} : memref<4x5056xf32, #tpu.memory_space<vmem>>, vector<16xf32>,
      tpu.vector_store %arg11[%swap3A_1824, %swap3A_1825], %div3A_1822 {strides = array<i32>} : memref<4x5056xf32, #tpu.memory_space<vmem>>, vector<16xf32>,
      %sub3A_1827 = arith.subf %gather3A_1776, %gather3A_1768 : vector<16xf32>
      %div3A_1828 = arith.divf %sub3A_1827, %get3A_1796 : vector<16xf32>
      %bitcast_convert_type3A_1829 = tpu.bitcast %div3A_1828 : vector<16xf32> -> vector<16xi32>
      %shift_right_arithmetic3A_1830 = arith.constant 23 : i32
      %shift_right_arithmetic3A_1831 = vector.broadcast %shift_right_arithmetic3A_1830 : i32 to vector<16xi32>
      %shift_right_arithmetic3A_1832 = arith.shrsi %bitcast_convert_type3A_1829, %shift_right_arithmetic3A_1831 : vector<16xi32>
      %sub3A_1833 = arith.constant 127 : i32
      %sub3A_1834 = vector.broadcast %sub3A_1833 : i32 to vector<16xi32>
      %sub3A_1835 = arith.subi %shift_right_arithmetic3A_1832, %sub3A_1834 : vector<16xi32>
      %and3A_1836 = arith.constant 8388607 : i32
      %and3A_1837 = vector.broadcast %and3A_1836 : i32 to vector<16xi32>
      %and3A_1838 = arith.andi %bitcast_convert_type3A_1829, %and3A_1837 : vector<16xi32>
      %or3A_1839 = arith.constant 1065353216 : i32
      %or3A_1840 = vector.broadcast %or3A_1839 : i32 to vector<16xi32>
      %or3A_1841 = arith.ori %and3A_1838, %or3A_1840 : vector<16xi32>
      %bitcast_convert_type3A_1842 = tpu.bitcast %or3A_1841 : vector<16xi32> -> vector<16xf32>
      %gt3A_1843 = arith.constant 1.41421354 : f32
      %gt3A_1844 = vector.broadcast %gt3A_1843 : f32 to vector<16xf32>
      %gt3A_1845 = arith.cmpf ogt, %bitcast_convert_type3A_1842, %gt3A_1844 : vector<16xf32>
      %mul3A_1846 = arith.constant 5.000000e-01 : f32
      %mul3A_1847 = vector.broadcast %mul3A_1846 : f32 to vector<16xf32>
      %mul3A_1848 = arith.mulf %bitcast_convert_type3A_1842, %mul3A_1847 : vector<16xf32>
      %select_n3A_1849 = arith.select %gt3A_1845, %mul3A_1848, %bitcast_convert_type3A_1842 : vector<16xi1>, vector<16xf32>
      %jit3A_1850 = arith.constant 1 : i32
      %jit3A_1851 = arith.constant 0 : i32
      %broadcast_in_dim3A_1852 = vector.broadcast %jit3A_1850 : i32 to vector<16xi32>
      %broadcast_in_dim3A_1853 = vector.broadcast %jit3A_1851 : i32 to vector<16xi32>
      %select_n3A_1854 = arith.select %gt3A_1845, %broadcast_in_dim3A_1852, %broadcast_in_dim3A_1853 : vector<16xi1>, vector<16xi32>
      %add3A_1855 = arith.addi %sub3A_1835, %select_n3A_1854 : vector<16xi32>
      %sub3A_1856 = arith.constant 1.000000e+00 : f32
      %sub3A_1857 = vector.broadcast %sub3A_1856 : f32 to vector<16xf32>
      %sub3A_1858 = arith.subf %select_n3A_1849, %sub3A_1857 : vector<16xf32>
      %add3A_1859 = arith.constant 1.000000e+00 : f32
      %add3A_1860 = vector.broadcast %add3A_1859 : f32 to vector<16xf32>
      %add3A_1861 = arith.addf %select_n3A_1849, %add3A_1860 : vector<16xf32>
      %div3A_1862 = arith.divf %sub3A_1858, %add3A_1861 : vector<16xf32>
      %mul3A_1863 = arith.mulf %div3A_1862, %div3A_1862 : vector<16xf32>
      %mul3A_1864 = arith.constant 0.000000e+00 : f32
      %mul3A_1865 = vector.broadcast %mul3A_1864 : f32 to vector<16xf32>
      %mul3A_1866 = arith.mulf %mul3A_1863, %mul3A_1865 : vector<16xf32>
      %add3A_1867 = arith.constant 0.111111112 : f32
      %add3A_1868 = vector.broadcast %add3A_1867 : f32 to vector<16xf32>
      %add3A_1869 = arith.addf %add3A_1868, %mul3A_1866 : vector<16xf32>
      %mul3A_1870 = arith.mulf %mul3A_1863, %add3A_1869 : vector<16xf32>
      %add3A_1871 = arith.constant 0.142857149 : f32
      %add3A_1872 = vector.broadcast %add3A_1871 : f32 to vector<16xf32>
      %add3A_1873 = arith.addf %add3A_1872, %mul3A_1870 : vector<16xf32>
      %mul3A_1874 = arith.mulf %mul3A_1863, %add3A_1873 : vector<16xf32>
      %add3A_1875 = arith.constant 2.000000e-01 : f32
      %add3A_1876 = vector.broadcast %add3A_1875 : f32 to vector<16xf32>
      %add3A_1877 = arith.addf %add3A_1876, %mul3A_1874 : vector<16xf32>
      %mul3A_1878 = arith.mulf %mul3A_1863, %add3A_1877 : vector<16xf32>
      %add3A_1879 = arith.constant 0.333333343 : f32
      %add3A_1880 = vector.broadcast %add3A_1879 : f32 to vector<16xf32>
      %add3A_1881 = arith.addf %add3A_1880, %mul3A_1878 : vector<16xf32>
      %mul3A_1882 = arith.mulf %mul3A_1863, %add3A_1881 : vector<16xf32>
      %add3A_1883 = arith.constant 1.000000e+00 : f32
      %add3A_1884 = vector.broadcast %add3A_1883 : f32 to vector<16xf32>
      %add3A_1885 = arith.addf %add3A_1884, %mul3A_1882 : vector<16xf32>
      %convert_element_type3A_1886 = arith.sitofp %add3A_1855 : vector<16xi32> to vector<16xf32>
      %mul3A_1887 = arith.constant 0.693147182 : f32
      %mul3A_1888 = vector.broadcast %mul3A_1887 : f32 to vector<16xf32>
      %mul3A_1889 = arith.mulf %convert_element_type3A_1886, %mul3A_1888 : vector<16xf32>
      %mul3A_1890 = arith.constant 2.000000e+00 : f32
      %mul3A_1891 = vector.broadcast %mul3A_1890 : f32 to vector<16xf32>
      %mul3A_1892 = arith.mulf %mul3A_1891, %div3A_1862 : vector<16xf32>
      %mul3A_1893 = arith.mulf %mul3A_1892, %add3A_1885 : vector<16xf32>
      %add3A_1894 = arith.addf %mul3A_1889, %mul3A_1893 : vector<16xf32>
      %div3A_1895 = arith.constant 2.000000e-01 : f32
      %div3A_1896 = vector.broadcast %div3A_1895 : f32 to vector<16xf32>
      %div3A_1897 = arith.divf %add3A_1894, %div3A_1896 : vector<16xf32>
      %swap3A_1898 = arith.constant 2 : i32
      %swap3A_1899 = arith.index_cast %swap3A_1898 : i32 to index
      %swap3A_1900 = arith.index_cast %mul3A_1539 : i32 to index
      %swap3A_1901 = tpu.vector_load %arg11[%swap3A_1899, %swap3A_1900] {strides = array<i32>} : memref<4x5056xf32, #tpu.memory_space<vmem>>, vector<16xf32>,
      tpu.vector_store %arg11[%swap3A_1899, %swap3A_1900], %div3A_1897 {strides = array<i32>} : memref<4x5056xf32, #tpu.memory_space<vmem>>, vector<16xf32>,
      %sub3A_1902 = arith.subf %gather3A_1780, %gather3A_1772 : vector<16xf32>
      %div3A_1903 = arith.divf %sub3A_1902, %get3A_1800 : vector<16xf32>
      %bitcast_convert_type3A_1904 = tpu.bitcast %div3A_1903 : vector<16xf32> -> vector<16xi32>
      %shift_right_arithmetic3A_1905 = arith.constant 23 : i32
      %shift_right_arithmetic3A_1906 = vector.broadcast %shift_right_arithmetic3A_1905 : i32 to vector<16xi32>
      %shift_right_arithmetic3A_1907 = arith.shrsi %bitcast_convert_type3A_1904, %shift_right_arithmetic3A_1906 : vector<16xi32>
      %sub3A_1908 = arith.constant 127 : i32
      %sub3A_1909 = vector.broadcast %sub3A_1908 : i32 to vector<16xi32>
      %sub3A_1910 = arith.subi %shift_right_arithmetic3A_1907, %sub3A_1909 : vector<16xi32>
      %and3A_1911 = arith.constant 8388607 : i32
      %and3A_1912 = vector.broadcast %and3A_1911 : i32 to vector<16xi32>
      %and3A_1913 = arith.andi %bitcast_convert_type3A_1904, %and3A_1912 : vector<16xi32>
      %or3A_1914 = arith.constant 1065353216 : i32
      %or3A_1915 = vector.broadcast %or3A_1914 : i32 to vector<16xi32>
      %or3A_1916 = arith.ori %and3A_1913, %or3A_1915 : vector<16xi32>
      %bitcast_convert_type3A_1917 = tpu.bitcast %or3A_1916 : vector<16xi32> -> vector<16xf32>
      %gt3A_1918 = arith.constant 1.41421354 : f32
      %gt3A_1919 = vector.broadcast %gt3A_1918 : f32 to vector<16xf32>
      %gt3A_1920 = arith.cmpf ogt, %bitcast_convert_type3A_1917, %gt3A_1919 : vector<16xf32>
      %mul3A_1921 = arith.constant 5.000000e-01 : f32
      %mul3A_1922 = vector.broadcast %mul3A_1921 : f32 to vector<16xf32>
      %mul3A_1923 = arith.mulf %bitcast_convert_type3A_1917, %mul3A_1922 : vector<16xf32>
      %select_n3A_1924 = arith.select %gt3A_1920, %mul3A_1923, %bitcast_convert_type3A_1917 : vector<16xi1>, vector<16xf32>
      %jit3A_1925 = arith.constant 1 : i32
      %jit3A_1926 = arith.constant 0 : i32
      %broadcast_in_dim3A_1927 = vector.broadcast %jit3A_1925 : i32 to vector<16xi32>
      %broadcast_in_dim3A_1928 = vector.broadcast %jit3A_1926 : i32 to vector<16xi32>
      %select_n3A_1929 = arith.select %gt3A_1920, %broadcast_in_dim3A_1927, %broadcast_in_dim3A_1928 : vector<16xi1>, vector<16xi32>
      %add3A_1930 = arith.addi %sub3A_1910, %select_n3A_1929 : vector<16xi32>
      %sub3A_1931 = arith.constant 1.000000e+00 : f32
      %sub3A_1932 = vector.broadcast %sub3A_1931 : f32 to vector<16xf32>
      %sub3A_1933 = arith.subf %select_n3A_1924, %sub3A_1932 : vector<16xf32>
      %add3A_1934 = arith.constant 1.000000e+00 : f32
      %add3A_1935 = vector.broadcast %add3A_1934 : f32 to vector<16xf32>
      %add3A_1936 = arith.addf %select_n3A_1924, %add3A_1935 : vector<16xf32>
      %div3A_1937 = arith.divf %sub3A_1933, %add3A_1936 : vector<16xf32>
      %mul3A_1938 = arith.mulf %div3A_1937, %div3A_1937 : vector<16xf32>
      %mul3A_1939 = arith.constant 0.000000e+00 : f32
      %mul3A_1940 = vector.broadcast %mul3A_1939 : f32 to vector<16xf32>
      %mul3A_1941 = arith.mulf %mul3A_1938, %mul3A_1940 : vector<16xf32>
      %add3A_1942 = arith.constant 0.111111112 : f32
      %add3A_1943 = vector.broadcast %add3A_1942 : f32 to vector<16xf32>
      %add3A_1944 = arith.addf %add3A_1943, %mul3A_1941 : vector<16xf32>
      %mul3A_1945 = arith.mulf %mul3A_1938, %add3A_1944 : vector<16xf32>
      %add3A_1946 = arith.constant 0.142857149 : f32
      %add3A_1947 = vector.broadcast %add3A_1946 : f32 to vector<16xf32>
      %add3A_1948 = arith.addf %add3A_1947, %mul3A_1945 : vector<16xf32>
      %mul3A_1949 = arith.mulf %mul3A_1938, %add3A_1948 : vector<16xf32>
      %add3A_1950 = arith.constant 2.000000e-01 : f32
      %add3A_1951 = vector.broadcast %add3A_1950 : f32 to vector<16xf32>
      %add3A_1952 = arith.addf %add3A_1951, %mul3A_1949 : vector<16xf32>
      %mul3A_1953 = arith.mulf %mul3A_1938, %add3A_1952 : vector<16xf32>
      %add3A_1954 = arith.constant 0.333333343 : f32
      %add3A_1955 = vector.broadcast %add3A_1954 : f32 to vector<16xf32>
      %add3A_1956 = arith.addf %add3A_1955, %mul3A_1953 : vector<16xf32>
      %mul3A_1957 = arith.mulf %mul3A_1938, %add3A_1956 : vector<16xf32>
      %add3A_1958 = arith.constant 1.000000e+00 : f32
      %add3A_1959 = vector.broadcast %add3A_1958 : f32 to vector<16xf32>
      %add3A_1960 = arith.addf %add3A_1959, %mul3A_1957 : vector<16xf32>
      %convert_element_type3A_1961 = arith.sitofp %add3A_1930 : vector<16xi32> to vector<16xf32>
      %mul3A_1962 = arith.constant 0.693147182 : f32
      %mul3A_1963 = vector.broadcast %mul3A_1962 : f32 to vector<16xf32>
      %mul3A_1964 = arith.mulf %convert_element_type3A_1961, %mul3A_1963 : vector<16xf32>
      %mul3A_1965 = arith.constant 2.000000e+00 : f32
      %mul3A_1966 = vector.broadcast %mul3A_1965 : f32 to vector<16xf32>
      %mul3A_1967 = arith.mulf %mul3A_1966, %div3A_1937 : vector<16xf32>
      %mul3A_1968 = arith.mulf %mul3A_1967, %add3A_1960 : vector<16xf32>
      %add3A_1969 = arith.addf %mul3A_1964, %mul3A_1968 : vector<16xf32>
      %div3A_1970 = arith.constant 2.000000e-01 : f32
      %div3A_1971 = vector.broadcast %div3A_1970 : f32 to vector<16xf32>
      %div3A_1972 = arith.divf %add3A_1969, %div3A_1971 : vector<16xf32>
      %swap3A_1973 = arith.constant 3 : i32
      %swap3A_1974 = arith.index_cast %swap3A_1973 : i32 to index
      %swap3A_1975 = arith.index_cast %mul3A_1539 : i32 to index
      %swap3A_1976 = tpu.vector_load %arg11[%swap3A_1974, %swap3A_1975] {strides = array<i32>} : memref<4x5056xf32, #tpu.memory_space<vmem>>, vector<16xf32>,
      tpu.vector_store %arg11[%swap3A_1974, %swap3A_1975], %div3A_1972 {strides = array<i32>} : memref<4x5056xf32, #tpu.memory_space<vmem>>, vector<16xf32>,
      %convert_element_type3A_1977 = arith.fptosi %gather3A_1784 : vector<16xf32> to vector<16xi32>
      %add3A_1978 = arith.constant 1 : i32
      %add3A_1979 = vector.broadcast %add3A_1978 : i32 to vector<16xi32>
      %add3A_1980 = arith.addi %convert_element_type3A_1977, %add3A_1979 : vector<16xi32>
      %lt3A_1981 = arith.constant 5.000000e-01 : f32
      %lt3A_1982 = vector.broadcast %lt3A_1981 : f32 to vector<16xf32>
      %lt3A_1983 = arith.cmpf olt, %select_n3A_1760, %lt3A_1982 : vector<16xf32>
      %jit3A_1984 = arith.constant 0 : i32
      %broadcast_in_dim3A_1985 = vector.broadcast %jit3A_1984 : i32 to vector<16xi32>
      %select_n3A_1986 = arith.select %lt3A_1983, %broadcast_in_dim3A_1985, %add3A_1980 : vector<16xi1>, vector<16xi32>
      %swap3A_1987 = arith.index_cast %mul3A_1539 : i32 to index
      %swap3A_1988 = tpu.vector_load %arg12[%swap3A_1987] {strides = array<i32>} : memref<5056xi32, #tpu.memory_space<vmem>>, vector<16xi32>,
      tpu.vector_store %arg12[%swap3A_1987], %select_n3A_1986 {strides = array<i32>} : memref<5056xi32, #tpu.memory_space<vmem>>, vector<16xi32>,
      scf.yield %select_n3A_1581, %select_n3A_1606, %select_n3A_1631, %select_n3A_1656, %select_n3A_1681, %select_n3A_1706, %select_n3A_1731, %select_n3A_1756, %select_n3A_1583, %select_n3A_1608, %select_n3A_1633, %select_n3A_1658, %select_n3A_1683, %select_n3A_1708, %select_n3A_1733, %select_n3A_1758 : vector<16xf32>, vector<16xf32>, vector<16xf32>, vector<16xf32>, vector<16xf32>, vector<16xf32>, vector<16xf32>, vector<16xf32>, vector<16xi32>, vector<16xi32>, vector<16xi32>, vector<16xi32>, vector<16xi32>, vector<16xi32>, vector<16xi32>, vector<16xi32>
    }
    %scan3A_611 = arith.constant 158 : i32
    %reduce_max3A_612 = arith.constant true
    %reduce_max3A_613 = vector.broadcast %reduce_max3A_612 : i1 to vector<16xi1>
    %reduce_max3A_614 = tpu.scan <max>, %scan3A_610#0 masked %reduce_max3A_613 : vector<16xf32>, vector<16xi1> -> vector<16xf32>
    %reduce_max3A_615 = vector.extract %reduce_max3A_614[15] : f32 from vector<16xf32>
    %eq3A_616 = vector.broadcast %reduce_max3A_615 : f32 to vector<16xf32>
    %eq3A_617 = arith.cmpf oeq, %scan3A_610#0, %eq3A_616 : vector<16xf32>
    %mul3A_618 = arith.constant 16 : i32
    %mul3A_619 = vector.broadcast %mul3A_618 : i32 to vector<16xi32>
    %mul3A_620 = arith.muli %scan3A_610#8, %mul3A_619 : vector<16xi32>
    %add3A_621 = arith.addi %mul3A_620, %iota3A : vector<16xi32>
    %jit3A_622 = arith.constant 1048576 : i32
    %broadcast_in_dim3A_623 = vector.broadcast %jit3A_622 : i32 to vector<16xi32>
    %select_n3A_624 = arith.select %eq3A_617, %add3A_621, %broadcast_in_dim3A_623 : vector<16xi1>, vector<16xi32>
    %reduce_min3A_625 = arith.constant true
    %reduce_min3A_626 = vector.broadcast %reduce_min3A_625 : i1 to vector<16xi1>
    %reduce_min3A_627 = arith.constant -2147483648 : i32
    %reduce_min3A_628 = vector.broadcast %reduce_min3A_627 : i32 to vector<16xi32>
    %reduce_min3A_629 = arith.xori %select_n3A_624, %reduce_min3A_628 : vector<16xi32>
    %reduce_min3A_630 = tpu.scan <min>, %reduce_min3A_629 masked %reduce_min3A_626 : vector<16xi32>, vector<16xi1> -> vector<16xi32>
    %reduce_min3A_631 = arith.xori %reduce_min3A_630, %reduce_min3A_628 : vector<16xi32>
    %reduce_min3A_632 = vector.extract %reduce_min3A_631[15] : i32 from vector<16xi32>
    %eq3A_633 = arith.constant 8 : i32
    %eq3A_634 = vector.broadcast %eq3A_633 : i32 to vector<16xi32>
    %eq3A_635 = arith.cmpi eq, %iota3A, %eq3A_634 : vector<16xi32>
    %broadcast_in_dim3A_636 = vector.broadcast %reduce_min3A_632 : i32 to vector<16xi32>
    %select_n3A_637 = arith.select %eq3A_635, %broadcast_in_dim3A_636, %select_n3A_437 : vector<16xi1>, vector<16xi32>
    %eq3A_638 = arith.constant 0 : i32
    %eq3A_639 = vector.broadcast %eq3A_638 : i32 to vector<16xi32>
    %eq3A_640 = arith.cmpi eq, %iota3A, %eq3A_639 : vector<16xi32>
    %broadcast_in_dim3A_641 = vector.broadcast %reduce_min3A_632 : i32 to vector<16xi32>
    %broadcast_in_dim3A_642 = arith.constant 8 : i32
    %broadcast_in_dim3A_643 = vector.broadcast %broadcast_in_dim3A_642 : i32 to vector<16xi32>
    tpu.vector_store_idx %arg10[%broadcast_in_dim3A_641], %broadcast_in_dim3A_643 masked %eq3A_640 : memref<5056xi32, #tpu.memory_space<vmem>>[vector<16xi32>], vector<16xi32>, vector<16xi1>
    %reduce_max3A_644 = arith.constant true
    %reduce_max3A_645 = vector.broadcast %reduce_max3A_644 : i1 to vector<16xi1>
    %reduce_max3A_646 = tpu.scan <max>, %scan3A_610#1 masked %reduce_max3A_645 : vector<16xf32>, vector<16xi1> -> vector<16xf32>
    %reduce_max3A_647 = vector.extract %reduce_max3A_646[15] : f32 from vector<16xf32>
    %eq3A_648 = vector.broadcast %reduce_max3A_647 : f32 to vector<16xf32>
    %eq3A_649 = arith.cmpf oeq, %scan3A_610#1, %eq3A_648 : vector<16xf32>
    %mul3A_650 = arith.constant 16 : i32
    %mul3A_651 = vector.broadcast %mul3A_650 : i32 to vector<16xi32>
    %mul3A_652 = arith.muli %scan3A_610#9, %mul3A_651 : vector<16xi32>
    %add3A_653 = arith.addi %mul3A_652, %iota3A : vector<16xi32>
    %jit3A_654 = arith.constant 1048576 : i32
    %broadcast_in_dim3A_655 = vector.broadcast %jit3A_654 : i32 to vector<16xi32>
    %select_n3A_656 = arith.select %eq3A_649, %add3A_653, %broadcast_in_dim3A_655 : vector<16xi1>, vector<16xi32>
    %reduce_min3A_657 = arith.constant true
    %reduce_min3A_658 = vector.broadcast %reduce_min3A_657 : i1 to vector<16xi1>
    %reduce_min3A_659 = arith.constant -2147483648 : i32
    %reduce_min3A_660 = vector.broadcast %reduce_min3A_659 : i32 to vector<16xi32>
    %reduce_min3A_661 = arith.xori %select_n3A_656, %reduce_min3A_660 : vector<16xi32>
    %reduce_min3A_662 = tpu.scan <min>, %reduce_min3A_661 masked %reduce_min3A_658 : vector<16xi32>, vector<16xi1> -> vector<16xi32>
    %reduce_min3A_663 = arith.xori %reduce_min3A_662, %reduce_min3A_660 : vector<16xi32>
    %reduce_min3A_664 = vector.extract %reduce_min3A_663[15] : i32 from vector<16xi32>
    %eq3A_665 = arith.constant 9 : i32
    %eq3A_666 = vector.broadcast %eq3A_665 : i32 to vector<16xi32>
    %eq3A_667 = arith.cmpi eq, %iota3A, %eq3A_666 : vector<16xi32>
    %broadcast_in_dim3A_668 = vector.broadcast %reduce_min3A_664 : i32 to vector<16xi32>
    %select_n3A_669 = arith.select %eq3A_667, %broadcast_in_dim3A_668, %select_n3A_637 : vector<16xi1>, vector<16xi32>
    %eq3A_670 = arith.constant 0 : i32
    %eq3A_671 = vector.broadcast %eq3A_670 : i32 to vector<16xi32>
    %eq3A_672 = arith.cmpi eq, %iota3A, %eq3A_671 : vector<16xi32>
    %broadcast_in_dim3A_673 = vector.broadcast %reduce_min3A_664 : i32 to vector<16xi32>
    %broadcast_in_dim3A_674 = arith.constant 9 : i32
    %broadcast_in_dim3A_675 = vector.broadcast %broadcast_in_dim3A_674 : i32 to vector<16xi32>
    tpu.vector_store_idx %arg10[%broadcast_in_dim3A_673], %broadcast_in_dim3A_675 masked %eq3A_672 : memref<5056xi32, #tpu.memory_space<vmem>>[vector<16xi32>], vector<16xi32>, vector<16xi1>
    %reduce_max3A_676 = arith.constant true
    %reduce_max3A_677 = vector.broadcast %reduce_max3A_676 : i1 to vector<16xi1>
    %reduce_max3A_678 = tpu.scan <max>, %scan3A_610#2 masked %reduce_max3A_677 : vector<16xf32>, vector<16xi1> -> vector<16xf32>
    %reduce_max3A_679 = vector.extract %reduce_max3A_678[15] : f32 from vector<16xf32>
    %eq3A_680 = vector.broadcast %reduce_max3A_679 : f32 to vector<16xf32>
    %eq3A_681 = arith.cmpf oeq, %scan3A_610#2, %eq3A_680 : vector<16xf32>
    %mul3A_682 = arith.constant 16 : i32
    %mul3A_683 = vector.broadcast %mul3A_682 : i32 to vector<16xi32>
    %mul3A_684 = arith.muli %scan3A_610#10, %mul3A_683 : vector<16xi32>
    %add3A_685 = arith.addi %mul3A_684, %iota3A : vector<16xi32>
    %jit3A_686 = arith.constant 1048576 : i32
    %broadcast_in_dim3A_687 = vector.broadcast %jit3A_686 : i32 to vector<16xi32>
    %select_n3A_688 = arith.select %eq3A_681, %add3A_685, %broadcast_in_dim3A_687 : vector<16xi1>, vector<16xi32>
    %reduce_min3A_689 = arith.constant true
    %reduce_min3A_690 = vector.broadcast %reduce_min3A_689 : i1 to vector<16xi1>
    %reduce_min3A_691 = arith.constant -2147483648 : i32
    %reduce_min3A_692 = vector.broadcast %reduce_min3A_691 : i32 to vector<16xi32>
    %reduce_min3A_693 = arith.xori %select_n3A_688, %reduce_min3A_692 : vector<16xi32>
    %reduce_min3A_694 = tpu.scan <min>, %reduce_min3A_693 masked %reduce_min3A_690 : vector<16xi32>, vector<16xi1> -> vector<16xi32>
    %reduce_min3A_695 = arith.xori %reduce_min3A_694, %reduce_min3A_692 : vector<16xi32>
    %reduce_min3A_696 = vector.extract %reduce_min3A_695[15] : i32 from vector<16xi32>
    %eq3A_697 = arith.constant 10 : i32
    %eq3A_698 = vector.broadcast %eq3A_697 : i32 to vector<16xi32>
    %eq3A_699 = arith.cmpi eq, %iota3A, %eq3A_698 : vector<16xi32>
    %broadcast_in_dim3A_700 = vector.broadcast %reduce_min3A_696 : i32 to vector<16xi32>
    %select_n3A_701 = arith.select %eq3A_699, %broadcast_in_dim3A_700, %select_n3A_669 : vector<16xi1>, vector<16xi32>
    %eq3A_702 = arith.constant 0 : i32
    %eq3A_703 = vector.broadcast %eq3A_702 : i32 to vector<16xi32>
    %eq3A_704 = arith.cmpi eq, %iota3A, %eq3A_703 : vector<16xi32>
    %broadcast_in_dim3A_705 = vector.broadcast %reduce_min3A_696 : i32 to vector<16xi32>
    %broadcast_in_dim3A_706 = arith.constant 10 : i32
    %broadcast_in_dim3A_707 = vector.broadcast %broadcast_in_dim3A_706 : i32 to vector<16xi32>
    tpu.vector_store_idx %arg10[%broadcast_in_dim3A_705], %broadcast_in_dim3A_707 masked %eq3A_704 : memref<5056xi32, #tpu.memory_space<vmem>>[vector<16xi32>], vector<16xi32>, vector<16xi1>
    %reduce_max3A_708 = arith.constant true
    %reduce_max3A_709 = vector.broadcast %reduce_max3A_708 : i1 to vector<16xi1>
    %reduce_max3A_710 = tpu.scan <max>, %scan3A_610#3 masked %reduce_max3A_709 : vector<16xf32>, vector<16xi1> -> vector<16xf32>
    %reduce_max3A_711 = vector.extract %reduce_max3A_710[15] : f32 from vector<16xf32>
    %eq3A_712 = vector.broadcast %reduce_max3A_711 : f32 to vector<16xf32>
    %eq3A_713 = arith.cmpf oeq, %scan3A_610#3, %eq3A_712 : vector<16xf32>
    %mul3A_714 = arith.constant 16 : i32
    %mul3A_715 = vector.broadcast %mul3A_714 : i32 to vector<16xi32>
    %mul3A_716 = arith.muli %scan3A_610#11, %mul3A_715 : vector<16xi32>
    %add3A_717 = arith.addi %mul3A_716, %iota3A : vector<16xi32>
    %jit3A_718 = arith.constant 1048576 : i32
    %broadcast_in_dim3A_719 = vector.broadcast %jit3A_718 : i32 to vector<16xi32>
    %select_n3A_720 = arith.select %eq3A_713, %add3A_717, %broadcast_in_dim3A_719 : vector<16xi1>, vector<16xi32>
    %reduce_min3A_721 = arith.constant true
    %reduce_min3A_722 = vector.broadcast %reduce_min3A_721 : i1 to vector<16xi1>
    %reduce_min3A_723 = arith.constant -2147483648 : i32
    %reduce_min3A_724 = vector.broadcast %reduce_min3A_723 : i32 to vector<16xi32>
    %reduce_min3A_725 = arith.xori %select_n3A_720, %reduce_min3A_724 : vector<16xi32>
    %reduce_min3A_726 = tpu.scan <min>, %reduce_min3A_725 masked %reduce_min3A_722 : vector<16xi32>, vector<16xi1> -> vector<16xi32>
    %reduce_min3A_727 = arith.xori %reduce_min3A_726, %reduce_min3A_724 : vector<16xi32>
    %reduce_min3A_728 = vector.extract %reduce_min3A_727[15] : i32 from vector<16xi32>
    %eq3A_729 = arith.constant 11 : i32
    %eq3A_730 = vector.broadcast %eq3A_729 : i32 to vector<16xi32>
    %eq3A_731 = arith.cmpi eq, %iota3A, %eq3A_730 : vector<16xi32>
    %broadcast_in_dim3A_732 = vector.broadcast %reduce_min3A_728 : i32 to vector<16xi32>
    %select_n3A_733 = arith.select %eq3A_731, %broadcast_in_dim3A_732, %select_n3A_701 : vector<16xi1>, vector<16xi32>
    %eq3A_734 = arith.constant 0 : i32
    %eq3A_735 = vector.broadcast %eq3A_734 : i32 to vector<16xi32>
    %eq3A_736 = arith.cmpi eq, %iota3A, %eq3A_735 : vector<16xi32>
    %broadcast_in_dim3A_737 = vector.broadcast %reduce_min3A_728 : i32 to vector<16xi32>
    %broadcast_in_dim3A_738 = arith.constant 11 : i32
    %broadcast_in_dim3A_739 = vector.broadcast %broadcast_in_dim3A_738 : i32 to vector<16xi32>
    tpu.vector_store_idx %arg10[%broadcast_in_dim3A_737], %broadcast_in_dim3A_739 masked %eq3A_736 : memref<5056xi32, #tpu.memory_space<vmem>>[vector<16xi32>], vector<16xi32>, vector<16xi1>
    %reduce_max3A_740 = arith.constant true
    %reduce_max3A_741 = vector.broadcast %reduce_max3A_740 : i1 to vector<16xi1>
    %reduce_max3A_742 = tpu.scan <max>, %scan3A_610#4 masked %reduce_max3A_741 : vector<16xf32>, vector<16xi1> -> vector<16xf32>
    %reduce_max3A_743 = vector.extract %reduce_max3A_742[15] : f32 from vector<16xf32>
    %eq3A_744 = vector.broadcast %reduce_max3A_743 : f32 to vector<16xf32>
    %eq3A_745 = arith.cmpf oeq, %scan3A_610#4, %eq3A_744 : vector<16xf32>
    %mul3A_746 = arith.constant 16 : i32
    %mul3A_747 = vector.broadcast %mul3A_746 : i32 to vector<16xi32>
    %mul3A_748 = arith.muli %scan3A_610#12, %mul3A_747 : vector<16xi32>
    %add3A_749 = arith.addi %mul3A_748, %iota3A : vector<16xi32>
    %jit3A_750 = arith.constant 1048576 : i32
    %broadcast_in_dim3A_751 = vector.broadcast %jit3A_750 : i32 to vector<16xi32>
    %select_n3A_752 = arith.select %eq3A_745, %add3A_749, %broadcast_in_dim3A_751 : vector<16xi1>, vector<16xi32>
    %reduce_min3A_753 = arith.constant true
    %reduce_min3A_754 = vector.broadcast %reduce_min3A_753 : i1 to vector<16xi1>
    %reduce_min3A_755 = arith.constant -2147483648 : i32
    %reduce_min3A_756 = vector.broadcast %reduce_min3A_755 : i32 to vector<16xi32>
    %reduce_min3A_757 = arith.xori %select_n3A_752, %reduce_min3A_756 : vector<16xi32>
    %reduce_min3A_758 = tpu.scan <min>, %reduce_min3A_757 masked %reduce_min3A_754 : vector<16xi32>, vector<16xi1> -> vector<16xi32>
    %reduce_min3A_759 = arith.xori %reduce_min3A_758, %reduce_min3A_756 : vector<16xi32>
    %reduce_min3A_760 = vector.extract %reduce_min3A_759[15] : i32 from vector<16xi32>
    %eq3A_761 = arith.constant 12 : i32
    %eq3A_762 = vector.broadcast %eq3A_761 : i32 to vector<16xi32>
    %eq3A_763 = arith.cmpi eq, %iota3A, %eq3A_762 : vector<16xi32>
    %broadcast_in_dim3A_764 = vector.broadcast %reduce_min3A_760 : i32 to vector<16xi32>
    %select_n3A_765 = arith.select %eq3A_763, %broadcast_in_dim3A_764, %select_n3A_733 : vector<16xi1>, vector<16xi32>
    %eq3A_766 = arith.constant 0 : i32
    %eq3A_767 = vector.broadcast %eq3A_766 : i32 to vector<16xi32>
    %eq3A_768 = arith.cmpi eq, %iota3A, %eq3A_767 : vector<16xi32>
    %broadcast_in_dim3A_769 = vector.broadcast %reduce_min3A_760 : i32 to vector<16xi32>
    %broadcast_in_dim3A_770 = arith.constant 12 : i32
    %broadcast_in_dim3A_771 = vector.broadcast %broadcast_in_dim3A_770 : i32 to vector<16xi32>
    tpu.vector_store_idx %arg10[%broadcast_in_dim3A_769], %broadcast_in_dim3A_771 masked %eq3A_768 : memref<5056xi32, #tpu.memory_space<vmem>>[vector<16xi32>], vector<16xi32>, vector<16xi1>
    %reduce_max3A_772 = arith.constant true
    %reduce_max3A_773 = vector.broadcast %reduce_max3A_772 : i1 to vector<16xi1>
    %reduce_max3A_774 = tpu.scan <max>, %scan3A_610#5 masked %reduce_max3A_773 : vector<16xf32>, vector<16xi1> -> vector<16xf32>
    %reduce_max3A_775 = vector.extract %reduce_max3A_774[15] : f32 from vector<16xf32>
    %eq3A_776 = vector.broadcast %reduce_max3A_775 : f32 to vector<16xf32>
    %eq3A_777 = arith.cmpf oeq, %scan3A_610#5, %eq3A_776 : vector<16xf32>
    %mul3A_778 = arith.constant 16 : i32
    %mul3A_779 = vector.broadcast %mul3A_778 : i32 to vector<16xi32>
    %mul3A_780 = arith.muli %scan3A_610#13, %mul3A_779 : vector<16xi32>
    %add3A_781 = arith.addi %mul3A_780, %iota3A : vector<16xi32>
    %jit3A_782 = arith.constant 1048576 : i32
    %broadcast_in_dim3A_783 = vector.broadcast %jit3A_782 : i32 to vector<16xi32>
    %select_n3A_784 = arith.select %eq3A_777, %add3A_781, %broadcast_in_dim3A_783 : vector<16xi1>, vector<16xi32>
    %reduce_min3A_785 = arith.constant true
    %reduce_min3A_786 = vector.broadcast %reduce_min3A_785 : i1 to vector<16xi1>
    %reduce_min3A_787 = arith.constant -2147483648 : i32
    %reduce_min3A_788 = vector.broadcast %reduce_min3A_787 : i32 to vector<16xi32>
    %reduce_min3A_789 = arith.xori %select_n3A_784, %reduce_min3A_788 : vector<16xi32>
    %reduce_min3A_790 = tpu.scan <min>, %reduce_min3A_789 masked %reduce_min3A_786 : vector<16xi32>, vector<16xi1> -> vector<16xi32>
    %reduce_min3A_791 = arith.xori %reduce_min3A_790, %reduce_min3A_788 : vector<16xi32>
    %reduce_min3A_792 = vector.extract %reduce_min3A_791[15] : i32 from vector<16xi32>
    %eq3A_793 = arith.constant 13 : i32
    %eq3A_794 = vector.broadcast %eq3A_793 : i32 to vector<16xi32>
    %eq3A_795 = arith.cmpi eq, %iota3A, %eq3A_794 : vector<16xi32>
    %broadcast_in_dim3A_796 = vector.broadcast %reduce_min3A_792 : i32 to vector<16xi32>
    %select_n3A_797 = arith.select %eq3A_795, %broadcast_in_dim3A_796, %select_n3A_765 : vector<16xi1>, vector<16xi32>
    %eq3A_798 = arith.constant 0 : i32
    %eq3A_799 = vector.broadcast %eq3A_798 : i32 to vector<16xi32>
    %eq3A_800 = arith.cmpi eq, %iota3A, %eq3A_799 : vector<16xi32>
    %broadcast_in_dim3A_801 = vector.broadcast %reduce_min3A_792 : i32 to vector<16xi32>
    %broadcast_in_dim3A_802 = arith.constant 13 : i32
    %broadcast_in_dim3A_803 = vector.broadcast %broadcast_in_dim3A_802 : i32 to vector<16xi32>
    tpu.vector_store_idx %arg10[%broadcast_in_dim3A_801], %broadcast_in_dim3A_803 masked %eq3A_800 : memref<5056xi32, #tpu.memory_space<vmem>>[vector<16xi32>], vector<16xi32>, vector<16xi1>
    %reduce_max3A_804 = arith.constant true
    %reduce_max3A_805 = vector.broadcast %reduce_max3A_804 : i1 to vector<16xi1>
    %reduce_max3A_806 = tpu.scan <max>, %scan3A_610#6 masked %reduce_max3A_805 : vector<16xf32>, vector<16xi1> -> vector<16xf32>
    %reduce_max3A_807 = vector.extract %reduce_max3A_806[15] : f32 from vector<16xf32>
    %eq3A_808 = vector.broadcast %reduce_max3A_807 : f32 to vector<16xf32>
    %eq3A_809 = arith.cmpf oeq, %scan3A_610#6, %eq3A_808 : vector<16xf32>
    %mul3A_810 = arith.constant 16 : i32
    %mul3A_811 = vector.broadcast %mul3A_810 : i32 to vector<16xi32>
    %mul3A_812 = arith.muli %scan3A_610#14, %mul3A_811 : vector<16xi32>
    %add3A_813 = arith.addi %mul3A_812, %iota3A : vector<16xi32>
    %jit3A_814 = arith.constant 1048576 : i32
    %broadcast_in_dim3A_815 = vector.broadcast %jit3A_814 : i32 to vector<16xi32>
    %select_n3A_816 = arith.select %eq3A_809, %add3A_813, %broadcast_in_dim3A_815 : vector<16xi1>, vector<16xi32>
    %reduce_min3A_817 = arith.constant true
    %reduce_min3A_818 = vector.broadcast %reduce_min3A_817 : i1 to vector<16xi1>
    %reduce_min3A_819 = arith.constant -2147483648 : i32
    %reduce_min3A_820 = vector.broadcast %reduce_min3A_819 : i32 to vector<16xi32>
    %reduce_min3A_821 = arith.xori %select_n3A_816, %reduce_min3A_820 : vector<16xi32>
    %reduce_min3A_822 = tpu.scan <min>, %reduce_min3A_821 masked %reduce_min3A_818 : vector<16xi32>, vector<16xi1> -> vector<16xi32>
    %reduce_min3A_823 = arith.xori %reduce_min3A_822, %reduce_min3A_820 : vector<16xi32>
    %reduce_min3A_824 = vector.extract %reduce_min3A_823[15] : i32 from vector<16xi32>
    %eq3A_825 = arith.constant 14 : i32
    %eq3A_826 = vector.broadcast %eq3A_825 : i32 to vector<16xi32>
    %eq3A_827 = arith.cmpi eq, %iota3A, %eq3A_826 : vector<16xi32>
    %broadcast_in_dim3A_828 = vector.broadcast %reduce_min3A_824 : i32 to vector<16xi32>
    %select_n3A_829 = arith.select %eq3A_827, %broadcast_in_dim3A_828, %select_n3A_797 : vector<16xi1>, vector<16xi32>
    %eq3A_830 = arith.constant 0 : i32
    %eq3A_831 = vector.broadcast %eq3A_830 : i32 to vector<16xi32>
    %eq3A_832 = arith.cmpi eq, %iota3A, %eq3A_831 : vector<16xi32>
    %broadcast_in_dim3A_833 = vector.broadcast %reduce_min3A_824 : i32 to vector<16xi32>
    %broadcast_in_dim3A_834 = arith.constant 14 : i32
    %broadcast_in_dim3A_835 = vector.broadcast %broadcast_in_dim3A_834 : i32 to vector<16xi32>
    tpu.vector_store_idx %arg10[%broadcast_in_dim3A_833], %broadcast_in_dim3A_835 masked %eq3A_832 : memref<5056xi32, #tpu.memory_space<vmem>>[vector<16xi32>], vector<16xi32>, vector<16xi1>
    %reduce_max3A_836 = arith.constant true
    %reduce_max3A_837 = vector.broadcast %reduce_max3A_836 : i1 to vector<16xi1>
    %reduce_max3A_838 = tpu.scan <max>, %scan3A_610#7 masked %reduce_max3A_837 : vector<16xf32>, vector<16xi1> -> vector<16xf32>
    %reduce_max3A_839 = vector.extract %reduce_max3A_838[15] : f32 from vector<16xf32>
    %eq3A_840 = vector.broadcast %reduce_max3A_839 : f32 to vector<16xf32>
    %eq3A_841 = arith.cmpf oeq, %scan3A_610#7, %eq3A_840 : vector<16xf32>
    %mul3A_842 = arith.constant 16 : i32
    %mul3A_843 = vector.broadcast %mul3A_842 : i32 to vector<16xi32>
    %mul3A_844 = arith.muli %scan3A_610#15, %mul3A_843 : vector<16xi32>
    %add3A_845 = arith.addi %mul3A_844, %iota3A : vector<16xi32>
    %jit3A_846 = arith.constant 1048576 : i32
    %broadcast_in_dim3A_847 = vector.broadcast %jit3A_846 : i32 to vector<16xi32>
    %select_n3A_848 = arith.select %eq3A_841, %add3A_845, %broadcast_in_dim3A_847 : vector<16xi1>, vector<16xi32>
    %reduce_min3A_849 = arith.constant true
    %reduce_min3A_850 = vector.broadcast %reduce_min3A_849 : i1 to vector<16xi1>
    %reduce_min3A_851 = arith.constant -2147483648 : i32
    %reduce_min3A_852 = vector.broadcast %reduce_min3A_851 : i32 to vector<16xi32>
    %reduce_min3A_853 = arith.xori %select_n3A_848, %reduce_min3A_852 : vector<16xi32>
    %reduce_min3A_854 = tpu.scan <min>, %reduce_min3A_853 masked %reduce_min3A_850 : vector<16xi32>, vector<16xi1> -> vector<16xi32>
    %reduce_min3A_855 = arith.xori %reduce_min3A_854, %reduce_min3A_852 : vector<16xi32>
    %reduce_min3A_856 = vector.extract %reduce_min3A_855[15] : i32 from vector<16xi32>
    %eq3A_857 = arith.constant 15 : i32
    %eq3A_858 = vector.broadcast %eq3A_857 : i32 to vector<16xi32>
    %eq3A_859 = arith.cmpi eq, %iota3A, %eq3A_858 : vector<16xi32>
    %broadcast_in_dim3A_860 = vector.broadcast %reduce_min3A_856 : i32 to vector<16xi32>
    %select_n3A_861 = arith.select %eq3A_859, %broadcast_in_dim3A_860, %select_n3A_829 : vector<16xi1>, vector<16xi32>
    %eq3A_862 = arith.constant 0 : i32
    %eq3A_863 = vector.broadcast %eq3A_862 : i32 to vector<16xi32>
    %eq3A_864 = arith.cmpi eq, %iota3A, %eq3A_863 : vector<16xi32>
    %broadcast_in_dim3A_865 = vector.broadcast %reduce_min3A_856 : i32 to vector<16xi32>
    %broadcast_in_dim3A_866 = arith.constant 15 : i32
    %broadcast_in_dim3A_867 = vector.broadcast %broadcast_in_dim3A_866 : i32 to vector<16xi32>
    tpu.vector_store_idx %arg10[%broadcast_in_dim3A_865], %broadcast_in_dim3A_867 masked %eq3A_864 : memref<5056xi32, #tpu.memory_space<vmem>>[vector<16xi32>], vector<16xi32>, vector<16xi1>
    %broadcast_in_dim3A_868 = arith.constant 0 : i32
    %broadcast_in_dim3A_869 = vector.broadcast %broadcast_in_dim3A_868 : i32 to vector<16xi32>
    %gather3A = tpu.vector_load_idx %arg10[%select_n3A_861] : memref<5056xi32, #tpu.memory_space<vmem>>[vector<16xi32>], vector<16xi32>,
    %gather3A_870 = tpu.vector_load_idx %arg7[%broadcast_in_dim3A_869, %gather3A] : memref<5x16xf32, #tpu.memory_space<vmem>>[vector<16xi32>, vector<16xi32>], vector<16xf32>,
    %add3A_871 = arith.constant 1 : i32
    %add3A_872 = vector.broadcast %add3A_871 : i32 to vector<16xi32>
    %add3A_873 = arith.addi %broadcast_in_dim3A_869, %add3A_872 : vector<16xi32>
    %gather3A_874 = tpu.vector_load_idx %arg7[%add3A_873, %gather3A] : memref<5x16xf32, #tpu.memory_space<vmem>>[vector<16xi32>, vector<16xi32>], vector<16xf32>,
    %add3A_875 = arith.constant 2 : i32
    %add3A_876 = vector.broadcast %add3A_875 : i32 to vector<16xi32>
    %add3A_877 = arith.addi %broadcast_in_dim3A_869, %add3A_876 : vector<16xi32>
    %gather3A_878 = tpu.vector_load_idx %arg7[%add3A_877, %gather3A] : memref<5x16xf32, #tpu.memory_space<vmem>>[vector<16xi32>, vector<16xi32>], vector<16xf32>,
    %add3A_879 = arith.constant 3 : i32
    %add3A_880 = vector.broadcast %add3A_879 : i32 to vector<16xi32>
    %add3A_881 = arith.addi %broadcast_in_dim3A_869, %add3A_880 : vector<16xi32>
    %gather3A_882 = tpu.vector_load_idx %arg7[%add3A_881, %gather3A] : memref<5x16xf32, #tpu.memory_space<vmem>>[vector<16xi32>, vector<16xi32>], vector<16xf32>,
    %add3A_883 = arith.constant 4 : i32
    %add3A_884 = vector.broadcast %add3A_883 : i32 to vector<16xi32>
    %add3A_885 = arith.addi %broadcast_in_dim3A_869, %add3A_884 : vector<16xi32>
    %gather3A_886 = tpu.vector_load_idx %arg7[%add3A_885, %gather3A] : memref<5x16xf32, #tpu.memory_space<vmem>>[vector<16xi32>, vector<16xi32>], vector<16xf32>,
    %gather3A_887 = tpu.vector_load_idx %arg6[%broadcast_in_dim3A_869, %select_n3A_861] : memref<4x5056xf32, #tpu.memory_space<vmem>>[vector<16xi32>, vector<16xi32>], vector<16xf32>,
    %add3A_888 = arith.constant 1 : i32
    %add3A_889 = vector.broadcast %add3A_888 : i32 to vector<16xi32>
    %add3A_890 = arith.addi %broadcast_in_dim3A_869, %add3A_889 : vector<16xi32>
    %gather3A_891 = tpu.vector_load_idx %arg6[%add3A_890, %select_n3A_861] : memref<4x5056xf32, #tpu.memory_space<vmem>>[vector<16xi32>, vector<16xi32>], vector<16xf32>,
    %add3A_892 = arith.constant 2 : i32
    %add3A_893 = vector.broadcast %add3A_892 : i32 to vector<16xi32>
    %add3A_894 = arith.addi %broadcast_in_dim3A_869, %add3A_893 : vector<16xi32>
    %gather3A_895 = tpu.vector_load_idx %arg6[%add3A_894, %select_n3A_861] : memref<4x5056xf32, #tpu.memory_space<vmem>>[vector<16xi32>, vector<16xi32>], vector<16xf32>,
    %add3A_896 = arith.constant 3 : i32
    %add3A_897 = vector.broadcast %add3A_896 : i32 to vector<16xi32>
    %add3A_898 = arith.addi %broadcast_in_dim3A_869, %add3A_897 : vector<16xi32>
    %gather3A_899 = tpu.vector_load_idx %arg6[%add3A_898, %select_n3A_861] : memref<4x5056xf32, #tpu.memory_space<vmem>>[vector<16xi32>, vector<16xi32>], vector<16xf32>,
    %add3A_900 = arith.addf %gather3A_870, %gather3A_878 : vector<16xf32>
    %div3A = arith.constant 2.000000e+00 : f32
    %div3A_901 = vector.broadcast %div3A : f32 to vector<16xf32>
    %div3A_902 = arith.divf %add3A_900, %div3A_901 : vector<16xf32>
    %sub3A_903 = arith.subf %div3A_902, %gather3A_887 : vector<16xf32>
    %mul3A_904 = arith.constant 1.000000e-01 : f32
    %mul3A_905 = vector.broadcast %mul3A_904 : f32 to vector<16xf32>
    %mul3A_906 = arith.mulf %mul3A_905, %gather3A_895 : vector<16xf32>
    %div3A_907 = arith.divf %sub3A_903, %mul3A_906 : vector<16xf32>
    tpu.vector_store_idx %arg11[%broadcast_in_dim3A_869, %select_n3A_861], %div3A_907 : memref<4x5056xf32, #tpu.memory_space<vmem>>[vector<16xi32>, vector<16xi32>], vector<16xf32>,
    %add3A_908 = arith.constant 1 : i32
    %add3A_909 = vector.broadcast %add3A_908 : i32 to vector<16xi32>
    %add3A_910 = arith.addi %broadcast_in_dim3A_869, %add3A_909 : vector<16xi32>
    %add3A_911 = arith.addf %gather3A_874, %gather3A_882 : vector<16xf32>
    %div3A_912 = arith.constant 2.000000e+00 : f32
    %div3A_913 = vector.broadcast %div3A_912 : f32 to vector<16xf32>
    %div3A_914 = arith.divf %add3A_911, %div3A_913 : vector<16xf32>
    %sub3A_915 = arith.subf %div3A_914, %gather3A_891 : vector<16xf32>
    %mul3A_916 = arith.constant 1.000000e-01 : f32
    %mul3A_917 = vector.broadcast %mul3A_916 : f32 to vector<16xf32>
    %mul3A_918 = arith.mulf %mul3A_917, %gather3A_899 : vector<16xf32>
    %div3A_919 = arith.divf %sub3A_915, %mul3A_918 : vector<16xf32>
    tpu.vector_store_idx %arg11[%add3A_910, %select_n3A_861], %div3A_919 : memref<4x5056xf32, #tpu.memory_space<vmem>>[vector<16xi32>, vector<16xi32>], vector<16xf32>,
    %add3A_920 = arith.constant 2 : i32
    %add3A_921 = vector.broadcast %add3A_920 : i32 to vector<16xi32>
    %add3A_922 = arith.addi %broadcast_in_dim3A_869, %add3A_921 : vector<16xi32>
    %sub3A_923 = arith.subf %gather3A_878, %gather3A_870 : vector<16xf32>
    %div3A_924 = arith.divf %sub3A_923, %gather3A_895 : vector<16xf32>
    %bitcast_convert_type3A = tpu.bitcast %div3A_924 : vector<16xf32> -> vector<16xi32>
    %shift_right_arithmetic3A = arith.constant 23 : i32
    %shift_right_arithmetic3A_925 = vector.broadcast %shift_right_arithmetic3A : i32 to vector<16xi32>
    %shift_right_arithmetic3A_926 = arith.shrsi %bitcast_convert_type3A, %shift_right_arithmetic3A_925 : vector<16xi32>
    %sub3A_927 = arith.constant 127 : i32
    %sub3A_928 = vector.broadcast %sub3A_927 : i32 to vector<16xi32>
    %sub3A_929 = arith.subi %shift_right_arithmetic3A_926, %sub3A_928 : vector<16xi32>
    %and3A = arith.constant 8388607 : i32
    %and3A_930 = vector.broadcast %and3A : i32 to vector<16xi32>
    %and3A_931 = arith.andi %bitcast_convert_type3A, %and3A_930 : vector<16xi32>
    %or3A = arith.constant 1065353216 : i32
    %or3A_932 = vector.broadcast %or3A : i32 to vector<16xi32>
    %or3A_933 = arith.ori %and3A_931, %or3A_932 : vector<16xi32>
    %bitcast_convert_type3A_934 = tpu.bitcast %or3A_933 : vector<16xi32> -> vector<16xf32>
    %gt3A = arith.constant 1.41421354 : f32
    %gt3A_935 = vector.broadcast %gt3A : f32 to vector<16xf32>
    %gt3A_936 = arith.cmpf ogt, %bitcast_convert_type3A_934, %gt3A_935 : vector<16xf32>
    %mul3A_937 = arith.constant 5.000000e-01 : f32
    %mul3A_938 = vector.broadcast %mul3A_937 : f32 to vector<16xf32>
    %mul3A_939 = arith.mulf %bitcast_convert_type3A_934, %mul3A_938 : vector<16xf32>
    %select_n3A_940 = arith.select %gt3A_936, %mul3A_939, %bitcast_convert_type3A_934 : vector<16xi1>, vector<16xf32>
    %jit3A_941 = arith.constant 1 : i32
    %jit3A_942 = arith.constant 0 : i32
    %broadcast_in_dim3A_943 = vector.broadcast %jit3A_941 : i32 to vector<16xi32>
    %broadcast_in_dim3A_944 = vector.broadcast %jit3A_942 : i32 to vector<16xi32>
    %select_n3A_945 = arith.select %gt3A_936, %broadcast_in_dim3A_943, %broadcast_in_dim3A_944 : vector<16xi1>, vector<16xi32>
    %add3A_946 = arith.addi %sub3A_929, %select_n3A_945 : vector<16xi32>
    %sub3A_947 = arith.constant 1.000000e+00 : f32
    %sub3A_948 = vector.broadcast %sub3A_947 : f32 to vector<16xf32>
    %sub3A_949 = arith.subf %select_n3A_940, %sub3A_948 : vector<16xf32>
    %add3A_950 = arith.constant 1.000000e+00 : f32
    %add3A_951 = vector.broadcast %add3A_950 : f32 to vector<16xf32>
    %add3A_952 = arith.addf %select_n3A_940, %add3A_951 : vector<16xf32>
    %div3A_953 = arith.divf %sub3A_949, %add3A_952 : vector<16xf32>
    %mul3A_954 = arith.mulf %div3A_953, %div3A_953 : vector<16xf32>
    %mul3A_955 = arith.constant 0.000000e+00 : f32
    %mul3A_956 = vector.broadcast %mul3A_955 : f32 to vector<16xf32>
    %mul3A_957 = arith.mulf %mul3A_954, %mul3A_956 : vector<16xf32>
    %add3A_958 = arith.constant 0.111111112 : f32
    %add3A_959 = vector.broadcast %add3A_958 : f32 to vector<16xf32>
    %add3A_960 = arith.addf %add3A_959, %mul3A_957 : vector<16xf32>
    %mul3A_961 = arith.mulf %mul3A_954, %add3A_960 : vector<16xf32>
    %add3A_962 = arith.constant 0.142857149 : f32
    %add3A_963 = vector.broadcast %add3A_962 : f32 to vector<16xf32>
    %add3A_964 = arith.addf %add3A_963, %mul3A_961 : vector<16xf32>
    %mul3A_965 = arith.mulf %mul3A_954, %add3A_964 : vector<16xf32>
    %add3A_966 = arith.constant 2.000000e-01 : f32
    %add3A_967 = vector.broadcast %add3A_966 : f32 to vector<16xf32>
    %add3A_968 = arith.addf %add3A_967, %mul3A_965 : vector<16xf32>
    %mul3A_969 = arith.mulf %mul3A_954, %add3A_968 : vector<16xf32>
    %add3A_970 = arith.constant 0.333333343 : f32
    %add3A_971 = vector.broadcast %add3A_970 : f32 to vector<16xf32>
    %add3A_972 = arith.addf %add3A_971, %mul3A_969 : vector<16xf32>
    %mul3A_973 = arith.mulf %mul3A_954, %add3A_972 : vector<16xf32>
    %add3A_974 = arith.constant 1.000000e+00 : f32
    %add3A_975 = vector.broadcast %add3A_974 : f32 to vector<16xf32>
    %add3A_976 = arith.addf %add3A_975, %mul3A_973 : vector<16xf32>
    %convert_element_type3A = arith.sitofp %add3A_946 : vector<16xi32> to vector<16xf32>
    %mul3A_977 = arith.constant 0.693147182 : f32
    %mul3A_978 = vector.broadcast %mul3A_977 : f32 to vector<16xf32>
    %mul3A_979 = arith.mulf %convert_element_type3A, %mul3A_978 : vector<16xf32>
    %mul3A_980 = arith.constant 2.000000e+00 : f32
    %mul3A_981 = vector.broadcast %mul3A_980 : f32 to vector<16xf32>
    %mul3A_982 = arith.mulf %mul3A_981, %div3A_953 : vector<16xf32>
    %mul3A_983 = arith.mulf %mul3A_982, %add3A_976 : vector<16xf32>
    %add3A_984 = arith.addf %mul3A_979, %mul3A_983 : vector<16xf32>
    %div3A_985 = arith.constant 2.000000e-01 : f32
    %div3A_986 = vector.broadcast %div3A_985 : f32 to vector<16xf32>
    %div3A_987 = arith.divf %add3A_984, %div3A_986 : vector<16xf32>
    tpu.vector_store_idx %arg11[%add3A_922, %select_n3A_861], %div3A_987 : memref<4x5056xf32, #tpu.memory_space<vmem>>[vector<16xi32>, vector<16xi32>], vector<16xf32>,
    %add3A_988 = arith.constant 3 : i32
    %add3A_989 = vector.broadcast %add3A_988 : i32 to vector<16xi32>
    %add3A_990 = arith.addi %broadcast_in_dim3A_869, %add3A_989 : vector<16xi32>
    %sub3A_991 = arith.subf %gather3A_882, %gather3A_874 : vector<16xf32>
    %div3A_992 = arith.divf %sub3A_991, %gather3A_899 : vector<16xf32>
    %bitcast_convert_type3A_993 = tpu.bitcast %div3A_992 : vector<16xf32> -> vector<16xi32>
    %shift_right_arithmetic3A_994 = arith.constant 23 : i32
    %shift_right_arithmetic3A_995 = vector.broadcast %shift_right_arithmetic3A_994 : i32 to vector<16xi32>
    %shift_right_arithmetic3A_996 = arith.shrsi %bitcast_convert_type3A_993, %shift_right_arithmetic3A_995 : vector<16xi32>
    %sub3A_997 = arith.constant 127 : i32
    %sub3A_998 = vector.broadcast %sub3A_997 : i32 to vector<16xi32>
    %sub3A_999 = arith.subi %shift_right_arithmetic3A_996, %sub3A_998 : vector<16xi32>
    %and3A_1000 = arith.constant 8388607 : i32
    %and3A_1001 = vector.broadcast %and3A_1000 : i32 to vector<16xi32>
    %and3A_1002 = arith.andi %bitcast_convert_type3A_993, %and3A_1001 : vector<16xi32>
    %or3A_1003 = arith.constant 1065353216 : i32
    %or3A_1004 = vector.broadcast %or3A_1003 : i32 to vector<16xi32>
    %or3A_1005 = arith.ori %and3A_1002, %or3A_1004 : vector<16xi32>
    %bitcast_convert_type3A_1006 = tpu.bitcast %or3A_1005 : vector<16xi32> -> vector<16xf32>
    %gt3A_1007 = arith.constant 1.41421354 : f32
    %gt3A_1008 = vector.broadcast %gt3A_1007 : f32 to vector<16xf32>
    %gt3A_1009 = arith.cmpf ogt, %bitcast_convert_type3A_1006, %gt3A_1008 : vector<16xf32>
    %mul3A_1010 = arith.constant 5.000000e-01 : f32
    %mul3A_1011 = vector.broadcast %mul3A_1010 : f32 to vector<16xf32>
    %mul3A_1012 = arith.mulf %bitcast_convert_type3A_1006, %mul3A_1011 : vector<16xf32>
    %select_n3A_1013 = arith.select %gt3A_1009, %mul3A_1012, %bitcast_convert_type3A_1006 : vector<16xi1>, vector<16xf32>
    %jit3A_1014 = arith.constant 1 : i32
    %jit3A_1015 = arith.constant 0 : i32
    %broadcast_in_dim3A_1016 = vector.broadcast %jit3A_1014 : i32 to vector<16xi32>
    %broadcast_in_dim3A_1017 = vector.broadcast %jit3A_1015 : i32 to vector<16xi32>
    %select_n3A_1018 = arith.select %gt3A_1009, %broadcast_in_dim3A_1016, %broadcast_in_dim3A_1017 : vector<16xi1>, vector<16xi32>
    %add3A_1019 = arith.addi %sub3A_999, %select_n3A_1018 : vector<16xi32>
    %sub3A_1020 = arith.constant 1.000000e+00 : f32
    %sub3A_1021 = vector.broadcast %sub3A_1020 : f32 to vector<16xf32>
    %sub3A_1022 = arith.subf %select_n3A_1013, %sub3A_1021 : vector<16xf32>
    %add3A_1023 = arith.constant 1.000000e+00 : f32
    %add3A_1024 = vector.broadcast %add3A_1023 : f32 to vector<16xf32>
    %add3A_1025 = arith.addf %select_n3A_1013, %add3A_1024 : vector<16xf32>
    %div3A_1026 = arith.divf %sub3A_1022, %add3A_1025 : vector<16xf32>
    %mul3A_1027 = arith.mulf %div3A_1026, %div3A_1026 : vector<16xf32>
    %mul3A_1028 = arith.constant 0.000000e+00 : f32
    %mul3A_1029 = vector.broadcast %mul3A_1028 : f32 to vector<16xf32>
    %mul3A_1030 = arith.mulf %mul3A_1027, %mul3A_1029 : vector<16xf32>
    %add3A_1031 = arith.constant 0.111111112 : f32
    %add3A_1032 = vector.broadcast %add3A_1031 : f32 to vector<16xf32>
    %add3A_1033 = arith.addf %add3A_1032, %mul3A_1030 : vector<16xf32>
    %mul3A_1034 = arith.mulf %mul3A_1027, %add3A_1033 : vector<16xf32>
    %add3A_1035 = arith.constant 0.142857149 : f32
    %add3A_1036 = vector.broadcast %add3A_1035 : f32 to vector<16xf32>
    %add3A_1037 = arith.addf %add3A_1036, %mul3A_1034 : vector<16xf32>
    %mul3A_1038 = arith.mulf %mul3A_1027, %add3A_1037 : vector<16xf32>
    %add3A_1039 = arith.constant 2.000000e-01 : f32
    %add3A_1040 = vector.broadcast %add3A_1039 : f32 to vector<16xf32>
    %add3A_1041 = arith.addf %add3A_1040, %mul3A_1038 : vector<16xf32>
    %mul3A_1042 = arith.mulf %mul3A_1027, %add3A_1041 : vector<16xf32>
    %add3A_1043 = arith.constant 0.333333343 : f32
    %add3A_1044 = vector.broadcast %add3A_1043 : f32 to vector<16xf32>
    %add3A_1045 = arith.addf %add3A_1044, %mul3A_1042 : vector<16xf32>
    %mul3A_1046 = arith.mulf %mul3A_1027, %add3A_1045 : vector<16xf32>
    %add3A_1047 = arith.constant 1.000000e+00 : f32
    %add3A_1048 = vector.broadcast %add3A_1047 : f32 to vector<16xf32>
    %add3A_1049 = arith.addf %add3A_1048, %mul3A_1046 : vector<16xf32>
    %convert_element_type3A_1050 = arith.sitofp %add3A_1019 : vector<16xi32> to vector<16xf32>
    %mul3A_1051 = arith.constant 0.693147182 : f32
    %mul3A_1052 = vector.broadcast %mul3A_1051 : f32 to vector<16xf32>
    %mul3A_1053 = arith.mulf %convert_element_type3A_1050, %mul3A_1052 : vector<16xf32>
    %mul3A_1054 = arith.constant 2.000000e+00 : f32
    %mul3A_1055 = vector.broadcast %mul3A_1054 : f32 to vector<16xf32>
    %mul3A_1056 = arith.mulf %mul3A_1055, %div3A_1026 : vector<16xf32>
    %mul3A_1057 = arith.mulf %mul3A_1056, %add3A_1049 : vector<16xf32>
    %add3A_1058 = arith.addf %mul3A_1053, %mul3A_1057 : vector<16xf32>
    %div3A_1059 = arith.constant 2.000000e-01 : f32
    %div3A_1060 = vector.broadcast %div3A_1059 : f32 to vector<16xf32>
    %div3A_1061 = arith.divf %add3A_1058, %div3A_1060 : vector<16xf32>
    tpu.vector_store_idx %arg11[%add3A_990, %select_n3A_861], %div3A_1061 : memref<4x5056xf32, #tpu.memory_space<vmem>>[vector<16xi32>, vector<16xi32>], vector<16xf32>,
    %convert_element_type3A_1062 = arith.fptosi %gather3A_886 : vector<16xf32> to vector<16xi32>
    %add3A_1063 = arith.constant 1 : i32
    %add3A_1064 = vector.broadcast %add3A_1063 : i32 to vector<16xi32>
    %add3A_1065 = arith.addi %convert_element_type3A_1062, %add3A_1064 : vector<16xi32>
    tpu.vector_store_idx %arg12[%select_n3A_861], %add3A_1065 : memref<5056xi32, #tpu.memory_space<vmem>>[vector<16xi32>], vector<16xi32>,
    "tpu.region"() ({
      %run_scoped3A = tpu.sem_alloc : memref<!tpu.dma_semaphore, #tpu.memory_space<semaphore_mem>>
      %dma_start3A = arith.constant 0 : i32
      %dma_start3A_1066 = arith.constant 0 : i32
      %dma_start3A_1067 = tpu.memref_slice %arg4[%add3A, %dma_start3A, %dma_start3A_1066] : memref<32x4x5056xf32, #tpu.memory_space<hbm>> -> memref<1x4x5056xf32, #tpu.memory_space<hbm>>
      %dma_start3A_1068 = tpu.memref_squeeze %dma_start3A_1067 : memref<1x4x5056xf32, #tpu.memory_space<hbm>> -> memref<4x5056xf32, #tpu.memory_space<hbm>>
      %dma_start3A_1069 = arith.constant 0 : i32
      %dma_start3A_1070 = arith.constant 0 : i32
      %dma_start3A_1071 = tpu.memref_slice %arg4[%add3A, %dma_start3A_1069, %dma_start3A_1070] : memref<32x4x5056xf32, #tpu.memory_space<hbm>> -> memref<1x4x5056xf32, #tpu.memory_space<hbm>>
      %dma_start3A_1072 = tpu.memref_squeeze %dma_start3A_1071 : memref<1x4x5056xf32, #tpu.memory_space<hbm>> -> memref<4x5056xf32, #tpu.memory_space<hbm>>
      tpu.enqueue_dma source(%arg11 : memref<4x5056xf32, #tpu.memory_space<vmem>>) target(%dma_start3A_1072 : memref<4x5056xf32, #tpu.memory_space<hbm>>) target_semaphore(%run_scoped3A : memref<!tpu.dma_semaphore, #tpu.memory_space<semaphore_mem>>)
      %dma_wait3A = arith.constant 0 : i32
      %dma_wait3A_1073 = arith.constant 0 : i32
      %dma_wait3A_1074 = tpu.memref_slice %arg4[%add3A, %dma_wait3A, %dma_wait3A_1073] : memref<32x4x5056xf32, #tpu.memory_space<hbm>> -> memref<1x4x5056xf32, #tpu.memory_space<hbm>>
      %dma_wait3A_1075 = tpu.memref_squeeze %dma_wait3A_1074 : memref<1x4x5056xf32, #tpu.memory_space<hbm>> -> memref<4x5056xf32, #tpu.memory_space<hbm>>
      %dma_wait3A_1076 = arith.constant 0 : i32
      %dma_wait3A_1077 = arith.constant 0 : i32
      %dma_wait3A_1078 = tpu.memref_slice %arg4[%add3A, %dma_wait3A_1076, %dma_wait3A_1077] : memref<32x4x5056xf32, #tpu.memory_space<hbm>> -> memref<1x4x5056xf32, #tpu.memory_space<hbm>>
      %dma_wait3A_1079 = tpu.memref_squeeze %dma_wait3A_1078 : memref<1x4x5056xf32, #tpu.memory_space<hbm>> -> memref<4x5056xf32, #tpu.memory_space<hbm>>
      tpu.wait_dma2 semaphore(%run_scoped3A : memref<!tpu.dma_semaphore, #tpu.memory_space<semaphore_mem>>) src(%arg11 : memref<4x5056xf32, #tpu.memory_space<vmem>>) dst(%dma_wait3A_1079 : memref<4x5056xf32, #tpu.memory_space<hbm>>)
      tpu.yield
    }) : () -> ()
    "tpu.region"() ({
      %run_scoped3A = tpu.sem_alloc : memref<!tpu.dma_semaphore, #tpu.memory_space<semaphore_mem>>
      %dma_start3A = arith.constant 0 : i32
      %dma_start3A_1066 = tpu.memref_slice %arg5[%add3A, %dma_start3A] : memref<32x5056xi32, #tpu.memory_space<hbm>> -> memref<1x5056xi32, #tpu.memory_space<hbm>>
      %dma_start3A_1067 = tpu.memref_squeeze %dma_start3A_1066 : memref<1x5056xi32, #tpu.memory_space<hbm>> -> memref<5056xi32, #tpu.memory_space<hbm>>
      %dma_start3A_1068 = arith.constant 0 : i32
      %dma_start3A_1069 = tpu.memref_slice %arg5[%add3A, %dma_start3A_1068] : memref<32x5056xi32, #tpu.memory_space<hbm>> -> memref<1x5056xi32, #tpu.memory_space<hbm>>
      %dma_start3A_1070 = tpu.memref_squeeze %dma_start3A_1069 : memref<1x5056xi32, #tpu.memory_space<hbm>> -> memref<5056xi32, #tpu.memory_space<hbm>>
      tpu.enqueue_dma source(%arg12 : memref<5056xi32, #tpu.memory_space<vmem>>) target(%dma_start3A_1070 : memref<5056xi32, #tpu.memory_space<hbm>>) target_semaphore(%run_scoped3A : memref<!tpu.dma_semaphore, #tpu.memory_space<semaphore_mem>>)
      %dma_wait3A = arith.constant 0 : i32
      %dma_wait3A_1071 = tpu.memref_slice %arg5[%add3A, %dma_wait3A] : memref<32x5056xi32, #tpu.memory_space<hbm>> -> memref<1x5056xi32, #tpu.memory_space<hbm>>
      %dma_wait3A_1072 = tpu.memref_squeeze %dma_wait3A_1071 : memref<1x5056xi32, #tpu.memory_space<hbm>> -> memref<5056xi32, #tpu.memory_space<hbm>>
      %dma_wait3A_1073 = arith.constant 0 : i32
      %dma_wait3A_1074 = tpu.memref_slice %arg5[%add3A, %dma_wait3A_1073] : memref<32x5056xi32, #tpu.memory_space<hbm>> -> memref<1x5056xi32, #tpu.memory_space<hbm>>
      %dma_wait3A_1075 = tpu.memref_squeeze %dma_wait3A_1074 : memref<1x5056xi32, #tpu.memory_space<hbm>> -> memref<5056xi32, #tpu.memory_space<hbm>>
      tpu.wait_dma2 semaphore(%run_scoped3A : memref<!tpu.dma_semaphore, #tpu.memory_space<semaphore_mem>>) src(%arg12 : memref<5056xi32, #tpu.memory_space<vmem>>) dst(%dma_wait3A_1075 : memref<5056xi32, #tpu.memory_space<hbm>>)
      tpu.yield
    }) : () -> ()
    return
  }
}

</mosaic_0001>

<sc_bundles>
// kernel: kernel.3.cloned.1.call-start
scs
__scs_entry_jumppad:
0x0: {  	(pc) =	sbr.rel $0x88, $3  }
0x1: {  	(tag) =	ssettag $0x0;
	lr =	simm.s32 $0x1  }
0x2: {  	[smem:$0x3F9F] =	sst lr;
	_ =	strace $0xD0000000  }
0x3: {  	_ = 	snop  }
0x4: {  	_ = 	snop  }
0x5: {  	_ = 	snop  }
0x6: {  	_ = 	snop  }
0x7: {  	_ = 	snop  }
__scs_overlays_trampoline_lowered:
0x8: {  	[smem:$0x3FAE] =	sst s0  }
0x9: {  	[smem:$0x3FAF] =	sst s1  }
0xa: {  	[smem:$0x3FB0] =	sst s2  }
0xb: {  	[smem:$0x3FB1] =	sst s3  }
0xc: {  	[smem:$0x3FB2] =	sst s4  }
0xd: {  	[smem:$0x3FB3] =	sst s5  }
0xe: {  	[smem:$0x3FB4] =	sst s6  }
0xf: {  	[smem:$0x3FB5] =	sst s7  }
0x10: {  	[smem:$0x3FB6] =	sst s8  }
0x11: {  	[smem:$0x3FB7] =	sst s9;
	s0 =	simm.s32 @!p0 $0x0  }
0x12: {  	s1 =	sld [smem:$0x3F9D];
	s0 =	simm.s32 @p0 $0x1  }
0x13: {  	[smem:$0x3FB8] =	sst s0;
	s0 =	simm.s32 @!p1 $0x0  }
0x14: {  	s2 =	sld [smem:$0x3F9C];
	s0 =	simm.s32 @p1 $0x1  }
0x15: {  	[smem:$0x3FB9] =	sst s0;
	s0 =	simm.s32 @!p2 $0x0  }
0x16: {  	s3 =	sld [smem:$0x3FDB];
	s0 =	simm.s32 @p2 $0x1  }
0x17: {  	s4 =	simm.s32 $0x1BF5;
	[smem:$0x3FBB] =	sst s0  }
0x18: {  	s0 =	sld [smem:$0x3F9E];
	_ =	swait.ge [sflag:s4], $0x0  }
0x19: {  	s7 =	sld [smem:$0x3F9F]  }
0x1a: {  	s8 =	sadd.s32 $0xFFFFE003, lr  }
0x1b: {  	s9 =	sadd.s32 $0xFFFFFEF7, lr;
	s5 =	simm.s32 $0xFFFFFFFF;
	p2 =	slt.u32 s8, $0xFFFFF086  }
0x1c: {  	p1 =	slt.u32 s9, $0xF7A;
	s5 =	simm.s32 @!p2 $0x0  }
0x1d: {  	s5 =	simm.s32 @p1 $0x1;
	p0 =	seq.s32 s7, s2  }
0x1e: {  	s7 =	smul.u32 @!p0 $0xF7A, s2;
	p2 =	seq.s32 @!p0 s5, $0x0  }
0x1f: {  	s9 =	smul.u32 $0xF7A, s1;
	s8 =	simm.s32 @!p0 $0x1BF5;
	p2 =	por !p2, p0  }
0x20: {  	[sflag:s8] =	ssyncset.s32 @!p0 $0xFFFFF086;
	s6 =	sadd.s32 @!p0 s3, s7;
	s7 =	simm.s32 @!p0 $0x108  }
0x21: {  	s3 =	sadd.s32 s3, s9;
	s6 =	sadd.s32 @!p0 $0x88, s6;
	s7 =	simm.s32 @p2 $0x1082  }
0x22: {  	[simem:s7], [sflag:s8] =	dma.local @!p0 [hbm:s6], $0xF7A  }
0x23: {  	s9 =	sor.u32 $0xD0000000, s2;
	s6 =	simm.s32 $0x108;
	_ =	swait.ge @!p0 [sflag:s8], $0x0  }
0x24: {  	s3 =	sadd.s32 $0x88, s3;
	s6 =	simm.s32 @!p1 $0x1082;
	[sflag:s4] =	ssyncset.s32 $0xFFFFF086  }
0x25: {  	[simem:s6], [sflag:s4] =	dma.local [hbm:s3], $0xF7A  }
0x26: {  	[smem:$0x3F9F] =	sst s1;
	(tag) =	ssettag s2;
	_ =	strace s9  }
0x27: {  	s1 =	sld [smem:$0x3FAF]  }
0x28: {  	s2 =	sld [smem:$0x3FB0]  }
0x29: {  	s4 =	sld [smem:$0x3FB2]  }
0x2a: {  	p0 =	seq.s32 s5, $0x0;
	s5 =	sld [smem:$0x3FB3]  }
0x2b: {  	s6 =	sld [smem:$0x3FB4]  }
0x2c: {  	s7 =	sld [smem:$0x3FB5]  }
0x2d: {  	s3 =	simm.s32 $0x108;
	s8 =	sld [smem:$0x3FB6]  }
0x2e: {  	s3 =	simm.s32 @!p0 $0x1082;
	s9 =	sld [smem:$0x3FB7]  }
0x2f: {  	lr =	sadd.s32 s0, s3;
	s0 =	sld [smem:$0x3FAE]  }
0x30: {  	s3 =	sld [smem:$0x3FB1]  }
0x31: {  	[smem:$0x3FBA] =	sst s10  }
0x32: {  	s10 =	sld [smem:$0x3FB8];
	_ =	sdelay $0x3  }
0x33: {  	p0 =	seq.s32 s10, $0x1;
	s10 =	sld [smem:$0x3FBA];
	_ =	sdelay $0x3  }
0x34: {  	[smem:$0x3FBA] =	sst s10  }
0x35: {  	s10 =	sld [smem:$0x3FB9];
	_ =	sdelay $0x3  }
0x36: {  	p1 =	seq.s32 s10, $0x1;
	s10 =	sld [smem:$0x3FBA];
	_ =	sdelay $0x3  }
0x37: {  	[smem:$0x3FBA] =	sst s10  }
0x38: {  	s10 =	sld [smem:$0x3FBB]  }
0x39: {  	_ = 	snop;
	(pc) =	sbr.ind lr, $3  }
0x3a: {  	_ = 	snop  }
0x3b: {  	_ = 	snop  }
0x3c: {  	p2 =	seq.s32 s10, $0x1;
	s10 =	sld [smem:$0x3FBA]  }
0x3d: {  	_ =	shalt  }
0x3e: {  	_ =	shalt  }
0x3f: {  	_ =	shalt  }
0x40: {  	_ =	shalt  }
0x41: {  	_ =	shalt  }
0x42: {  	_ =	shalt  }
0x43: {  	_ =	shalt  }
0x44: {  	_ =	shalt  }
0x45: {  	_ =	shalt  }
0x46: {  	_ =	shalt  }
0x47: {  	_ =	shalt  }
0x48: {  	_ =	shalt  }
0x49: {  	_ =	shalt  }
0x4a: {  	_ =	shalt  }
0x4b: {  	_ =	shalt  }
0x4c: {  	_ =	shalt  }
0x4d: {  	_ =	shalt  }
0x4e: {  	_ =	shalt  }
0x4f: {  	_ =	shalt  }
0x50: {  	_ =	shalt  }
0x51: {  	_ =	shalt  }
0x52: {  	_ =	shalt  }
0x53: {  	_ =	shalt  }
0x54: {  	_ =	shalt  }
0x55: {  	_ =	shalt  }
0x56: {  	_ =	shalt  }
0x57: {  	_ =	shalt  }
0x58: {  	_ =	shalt  }
0x59: {  	_ =	shalt  }
0x5a: {  	_ =	shalt  }
0x5b: {  	_ =	shalt  }
0x5c: {  	_ =	shalt  }
0x5d: {  	_ =	shalt  }
0x5e: {  	_ =	shalt  }
0x5f: {  	_ =	shalt  }
0x60: {  	_ =	shalt  }
0x61: {  	_ =	shalt  }
0x62: {  	_ =	shalt  }
0x63: {  	_ =	shalt  }
0x64: {  	_ =	shalt  }
0x65: {  	_ =	shalt  }
0x66: {  	_ =	shalt  }
0x67: {  	_ =	shalt  }
0x68: {  	_ =	shalt  }
0x69: {  	_ =	shalt  }
0x6a: {  	_ =	shalt  }
0x6b: {  	_ =	shalt  }
0x6c: {  	_ =	shalt  }
0x6d: {  	_ =	shalt  }
0x6e: {  	_ =	shalt  }
0x6f: {  	_ =	shalt  }
0x70: {  	_ =	shalt  }
0x71: {  	_ =	shalt  }
0x72: {  	_ =	shalt  }
0x73: {  	_ =	shalt  }
0x74: {  	_ =	shalt  }
0x75: {  	_ =	shalt  }
0x76: {  	_ =	shalt  }
0x77: {  	_ =	shalt  }
0x78: {  	_ =	shalt  }
0x79: {  	_ =	shalt  }
0x7a: {  	_ =	shalt  }
0x7b: {  	_ =	shalt  }
0x7c: {  	_ =	shalt  }
0x7d: {  	_ =	shalt  }
0x7e: {  	_ =	shalt  }
0x7f: {  	_ =	shalt  }
0x80: {  	_ =	shalt  }
0x81: {  	_ =	shalt  }
0x82: {  	_ =	shalt  }
0x83: {  	_ =	shalt  }
0x84: {  	_ =	shalt  }
0x85: {  	_ =	shalt  }
0x86: {  	_ =	shalt  }
0x87: {  	_ =	shalt  }
.Lfunc_end0:
.L_simem_size_0:
called_computation_lowered:
.L_overlay_start_0:
0x88: {  	s2 =	sld [smem:$0x3FD9]  }
0x89: {  	s3 =	sld [smem:$0x3FFE];
	_ =	sdelay $0x1  }
0x8a: {  	s1 =	srdreg.scid  }
0x8b: {  	s0 =	sand.u32 $0x1, s1  }
0x8c: {  	s14 =	sshll.u32 s0, $0xA;
	s2 =	sadd.s32 s3, s2  }
0x8d: {  	s2 =	sadd.s32 s2, s14  }
0x8e: {  	[smem:$0x3FC6] =	sst s2  }
0x8f: {  	_ = 	snop  }
0x90: {  	s2 =	sld [smem:$0x3FD0];
	_ =	sdelay $0x2  }
0x91: {  	s15 =	simm.s32 $0xA;
	s4 =	simm.s32 $0x10  }
0x92: {  	[smem:s4], [sflag:s15] =	dma.local [hbm:s2], $0x1  }
0x93: {  	_ =	swait.eq [sflag:s15], $0x1  }
0x94: {  	[sflag:s15] =	ssyncset.done $0x0  }
0x95: {  	s16 =	sld [smem:$0x10];
	[sflag:s15] =	ssyncadd.s32 $0xFFFFFFFF  }
0x96: {  	s17 =	sld [smem:$0x11];
	(tm) =	ssettm $0x1  }
0x97: {  	s18 =	sld [smem:$0x3FFB];
	_ =	sdelay $0x3  }
0x98: {  	_ =	strace s18  }
0x99: {  	s4 =	sld [smem:$0x3FFC];
	_ =	sdelay $0x3  }
0x9a: {  	_ =	strace s4  }
0x9b: {  	s4 =	sld [smem:$0x3FFD];
	_ =	sdelay $0x3  }
0x9c: {  	_ =	strace s4  }
0x9d: {  	_ =	strace $0x8FFFFFFF  }
0x9e: {  	s19 =	sld [smem:$0x3FDB];
	_ =	sdelay $0x1  }
0x9f: {  	s5 =	simm.s32 $_scs_section_size  }
0xa0: {  	s6 =	simm.s32 $_size__tile_overlayer_lowered;
	s7 =	simm.s32 $_tile_overlayer_lowered  }
0xa1: {  	s22 =	simm.s32 $0x1BFF;
	s21 =	sshll.u32 s7, $0x1;
	s4 =	sadd.s32 s5, s19  }
0xa2: {  	s8 =	simm.s32 $0x0;
	s20 =	sshll.u32 s6, $0x1;
	s6 =	sadd.s32 s21, s4  }
0xa3: {  	[timem:s8], [sflag:s22] =	dma.local [hbm:s6], s20  }
0xa4: {  	_ =	swait.ge [sflag:s22], s20  }
0xa5: {  	s5 =	ssub.s32 $0x0, s20;
	[sflag:s22] =	ssyncset.done $0x0  }
0xa6: {  	[sflag:s22] =	ssyncadd.s32 s5;
	_ =	sdelay $0x1  }
0xa7: {  	s23 =	simm.s32 $0x1B8B  }
0xa8: {  	_ =	swait.ge [sflag:s23], $0x1  }
0xa9: {  	[sflag:s23] =	ssyncset.done $0x0  }
0xaa: {  	s25 =	simm.s32 $0x1B8E;
	s24 =	sld [smem:$0x3FFE];
	[sflag:s23] =	ssyncadd.s32 $0xFFFFFFFF  }
0xab: {  	s26 =	simm.s32 $execute0_lowered;
	[smem:$0x3FD2] =	sst s25  }
0xac: {  	s6 =	sshll.u32 s26, $0x1;
	_ =	strace $0x80000046;
	[dreg:$0x1] =	wrdreg $0xFFFFFFFF  }
0xad: {  	s28 =	simm.s32 $_size_execute0_lowered;
	s4 =	sadd.s32 s4, s6;
	[dreg:$0x0] =	wrdreg $0x0  }
0xae: {  	s6 =	sshll.u32 s28, $0x1;
	[dreg:$0x2] =	wrdreg s4  }
0xaf: {  	[dreg:$0x3] =	wrdreg s6  }
0xb0: {  	[dreg:$0x4] =	wrdreg $0xC0  }
0xb1: {  	_ =	task [dreg:s8], $0x5FFFF  }
0xb2: {  	[dreg:$0x1] =	wrdreg $0xFFFFFFFF  }
0xb3: {  	[dreg:$0x0] =	wrdreg $0x60  }
0xb4: {  	[dreg:$0x2] =	wrdreg s24  }
0xb5: {  	[dreg:$0x3] =	wrdreg s16  }
0xb6: {  	[dreg:$0x4] =	wrdreg s17  }
0xb7: {  	[dreg:$0x5] =	wrdreg $0x9  }
0xb8: {  	_ =	task.clear_ibuf [dreg:s8], $0x6FFFF;
	_ =	strace $0x90000046  }
0xb9: {  	s29 =	simm.s32 $0x9;
	_ =	strace $0x80000048  }
0xba: {  	_ =	swait.ge [sflag:s29], $0x1  }
0xbb: {  	[sflag:s29] =	ssyncadd.s32 $0xFFFFFFFF  }
0xbc: {  	_ =	strace $0x90000048  }
0xbd: {  	_ =	sfence  }
0xbe: {  	s30 =	sld [smem:$0x0];
	_ =	sdelay $0x2  }
0xbf: {  	s31 =	sshll.u32 s1, $0xD;
	s1 =	sshrl.u32 s1, $0x2  }
0xc0: {  	s3 =	sand.u32 $0x4000, s31;
	s1 =	sadd.s32 s1, s30  }
0xc1: {  	s0 =	sor.u32 s3, s0;
	s1 =	sshll.u32 s1, $0x11  }
0xc2: {  	s0 =	sor.u32 s1, s0  }
0xc3: {  	s0 =	sadd.s32 $0x8F2B, s0  }
0xc4: {  	[sflag:s0] =	ssyncadd.remote.s32 $0x1  }
0xc5: {  	_ =	sfence.sel $0xFFFF  }
0xc6: {  	[dreg:$0x0] =	wrdreg $0xFFFFFFFF;
	(pc) =	sbr.abs _section_cstart, $3  }
0xc7: {  	[dreg:$0x1] =	wrdreg $0xFFFFFFFF  }
0xc8: {  	_ =	task.clear_ibuf [dreg:s8], $0x2FFFF;
	_ =	strace $0x9FFFFFFF  }
0xc9: {  	(tm) =	ssettm $0x7FFFFFFF  }
tec
execute0_lowered:
.L_overlay_start_1:
0x0: {  	(tag) =	ssettag $0x1  }
0x1: {  	s4 =	rddreg [dreg:$0x0]  }
0x2: {  	s5 =	rddreg [dreg:$0x1];
	s1 =	simm.s32 $0x0  }
0x3: {  	[smem:$0x7FF] =	sst s1  }
0x4: {  	s6 =	rddreg [dreg:$0x2];
	v0 =	vimm.f32 $2.000000000e+00;
	_ =	strace $0x80000047  }
0x5: {  	v61 =	vimm.f32 $2.000000030e-01;
	(erf) = vrcp.f32 v0  }
0x6: {  	(erf) = vrcp.f32 v61  }
0x7: {  	s3 =	srdreg.scid  }
0x8: {  	s0 =	stileid.u32;
	s12 =	simm.s32 $0x11C00;
	s16 =	simm.s32 $0x0  }
0x9: {  	s7 =	sand.u32 $0x1, s3;
	s30 =	sshll.u32 s0, $0x1;
	s31 =	sadd.s32 $0x1800, s4  }
0xa: {  	s9 =	sshrl.u32 s0, $0x2;
	s8 =	sor.u32 s7, s30;
	[dreg:$0x4] =	wrdreg s31  }
0xb: {  	s9 =	smul.u32 $0xA000, s9;
	s7 =	ssub.s32 $0x2, s7;
	s10 =	sshll.u32 s8, $0x7  }
0xc: {  	v62 =	vlaneseq.u32;
	s11 =	sshrl.u32 s7, $0x1;
	s8 =	smul.u32 $0xA00, s8;
	s4 =	sadd.s32 s10, s4  }
0xd: {  	v0 =	vor.u32 $0x80000000, v62;
	s10 =	sand.u32 $0x380, s10;
	s7 =	ssub.s32 s7, s11;
	s11 =	simm.s32 $0x10800  }
0xe: {  	[tilespmem:$0x1FFD0] =	vst v0;
	s9 =	sor.u32 s9, s10;
	s4 =	sadd.s32 $0x800, s4;
	s5 =	sadd.s32 s5, s8;
	v63 =	vpop (erf)  }
0xf: {  	s7 =	smax.u32 s7, $0x1;
	s8 =	simm.s32 $0x1;
	s9 =	sshrl.u32 s9, $0x3;
	[tilespmem:$0x1FFE0] =	vst v63;
	v56 =	vpop (erf)  }
0x10: {  	s10 =	simm.s32 $0xF400;
	s6 =	sadd.s32 s6, s9;
	s9 =	simm.s32 $0x5000;
	[tilespmem:$0x1FFF0] =	vst v56  }
.LBB2_1:
0x11: {  	s0 =	rddreg [dreg:$0x4]  }
0x12: {  	[tilespmem:s1], [sflag:$0x1] =	stream.linear.gather [hbm4b:s0+s1], $0x5000, $0x38;
	[tilespmem:$0x18000] =	vst v63  }
0x13: {  	_ =	swait.ge [sflag:s8], $0x5000  }
0x14: {  	[sflag:s8] =	ssyncset.done $0x0  }
0x15: {  	[sflag:s8] =	ssyncadd.s32 $0xFFFFB000  }
0x16: {  	[tilespmem:s9], [sflag:$0x1] =	stream.linear.gather [hbm4b:s4+s1], $0x280, $0x38;
	[tilespmem:$0x18000] =	vst v63  }
0x17: {  	_ =	swait.ge [sflag:s8], $0x280  }
0x18: {  	[sflag:s8] =	ssyncset.done $0x0  }
0x19: {  	[sflag:s8] =	ssyncadd.s32 $0xFFFFFD80  }
0x1a: {  	v2 =	vld [tilespmem:$0x5000];
	_ =	sdelay $0x1  }
0x1b: {  	v3 =	vld [tilespmem:$0x5080];
	_ =	sdelay $0x1  }
0x1c: {  	v0 =	vld [tilespmem:$0x5100]  }
0x1d: {  	v4 =	vbroadcast v2, $0x0  }
0x1e: {  	v1 =	vld [tilespmem:$0x5180]  }
0x1f: {  	[tilespmem:$0x1FD10] =	vst v4;
	v4 =	vbroadcast v3, $0x0;
	_ =	sdelay $0x1  }
0x20: {  	[tilespmem:$0x1FD20] =	vst v4;
	v4 =	vbroadcast v0, $0x0;
	_ =	sdelay $0x1  }
0x21: {  	[tilespmem:$0x1FD30] =	vst v4;
	v4 =	vbroadcast v1, $0x0;
	_ =	sdelay $0x1  }
0x22: {  	[tilespmem:$0x1FD40] =	vst v4;
	v4 =	vbroadcast v2, $0x1  }
0x23: {  	(v2sf) =	vpush v2, $0x0  }
0x24: {  	(v2sf) =	vpush v3, $0x0;
	[tilespmem:$0x1FD50] =	vst v4;
	v4 =	vbroadcast v3, $0x1  }
0x25: {  	(v2sf) =	vpush v0, $0x0  }
0x26: {  	(v2sf) =	vpush v1, $0x0;
	[tilespmem:$0x1FD60] =	vst v4;
	v4 =	vbroadcast v0, $0x1  }
0x27: {  	(v2sf) =	vpush v2, $0x1  }
0x28: {  	(v2sf) =	vpush v3, $0x1;
	[tilespmem:$0x1FD70] =	vst v4;
	v4 =	vbroadcast v1, $0x1  }
0x29: {  	(v2sf) =	vpush v0, $0x1  }
0x2a: {  	(v2sf) =	vpush v1, $0x1;
	[tilespmem:$0x1FD80] =	vst v4;
	v4 =	vbroadcast v2, $0x2  }
0x2b: {  	(v2sf) =	vpush v2, $0x2  }
0x2c: {  	(v2sf) =	vpush v3, $0x2;
	[tilespmem:$0x1FD90] =	vst v4;
	v4 =	vbroadcast v3, $0x2  }
0x2d: {  	(v2sf) =	vpush v0, $0x2  }
0x2e: {  	(v2sf) =	vpush v1, $0x2;
	[tilespmem:$0x1FDA0] =	vst v4;
	v4 =	vbroadcast v0, $0x2  }
0x2f: {  	(v2sf) =	vpush v2, $0x3  }
0x30: {  	(v2sf) =	vpush v3, $0x3;
	[tilespmem:$0x1FDB0] =	vst v4;
	v4 =	vbroadcast v1, $0x2  }
0x31: {  	(v2sf) =	vpush v0, $0x3  }
0x32: {  	s17 =	spop (v2sf);
	(v2sf) =	vpush v1, $0x3;
	[tilespmem:$0x1FDC0] =	vst v4;
	v4 =	vbroadcast v2, $0x3  }
0x33: {  	s18 =	spop (v2sf);
	(v2sf) =	vpush v2, $0x4  }
0x34: {  	s19 =	spop (v2sf);
	(v2sf) =	vpush v3, $0x4;
	[tilespmem:$0x1FDD0] =	vst v4;
	v4 =	vbroadcast v3, $0x3  }
0x35: {  	s20 =	spop (v2sf);
	(v2sf) =	vpush v0, $0x4  }
0x36: {  	s21 =	spop (v2sf);
	(v2sf) =	vpush v1, $0x4;
	[tilespmem:$0x1FDE0] =	vst v4;
	v4 =	vbroadcast v0, $0x3  }
0x37: {  	s17 =	ssub.f32 s19, s17;
	s22 =	spop (v2sf);
	(v2sf) =	vpush v2, $0x5  }
0x38: {  	s18 =	ssub.f32 s20, s18;
	s23 =	spop (v2sf);
	(v2sf) =	vpush v3, $0x5;
	[tilespmem:$0x1FDF0] =	vst v4;
	v4 =	vbroadcast v1, $0x3  }
0x39: {  	s24 =	spop (v2sf);
	(v2sf) =	vpush v0, $0x5  }
0x3a: {  	s17 =	smul.f32 s18, s17;
	s25 =	spop (v2sf);
	(v2sf) =	vpush v1, $0x5;
	[tilespmem:$0x1FE00] =	vst v4;
	v4 =	vbroadcast v2, $0x4  }
0x3b: {  	s26 =	spop (v2sf);
	(v2sf) =	vpush v2, $0x6  }
0x3c: {  	s21 =	ssub.f32 s23, s21;
	s28 =	spop (v2sf);
	(v2sf) =	vpush v3, $0x6;
	[tilespmem:$0x1FE10] =	vst v4;
	v4 =	vmov s17  }
0x3d: {  	s22 =	ssub.f32 s24, s22;
	s2 =	spop (v2sf);
	(v2sf) =	vpush v0, $0x6;
	[tilespmem:$0x1FE20] =	vst v4;
	v4 =	vbroadcast v3, $0x4  }
0x3e: {  	s3 =	spop (v2sf);
	(v2sf) =	vpush v1, $0x6  }
0x3f: {  	s21 =	smul.f32 s22, s21;
	s29 =	spop (v2sf);
	[tilespmem:$0x1FE30] =	vst v4;
	v4 =	vbroadcast v0, $0x4  }
0x40: {  	s13 =	spop (v2sf)  }
0x41: {  	s25 =	ssub.f32 s28, s25;
	s14 =	spop (v2sf);
	[tilespmem:$0x1FE40] =	vst v4;
	v4 =	vmov s21  }
0x42: {  	s19 =	ssub.f32 s2, s26;
	s15 =	spop (v2sf);
	[tilespmem:$0x1FE50] =	vst v4;
	v4 =	vbroadcast v1, $0x4  }
0x43: {  	(v2sf) =	vpush v2, $0x7;
	s30 =	spop (v2sf)  }
0x44: {  	(v2sf) =	vpush v3, $0x7;
	s19 =	smul.f32 s19, s25;
	s31 =	spop (v2sf);
	[tilespmem:$0x1FE60] =	vst v4;
	v4 =	vbroadcast v2, $0x5  }
0x45: {  	(v2sf) =	vpush v0, $0x7;
	s0 =	spop (v2sf)  }
0x46: {  	s18 =	ssub.f32 s13, s3;
	(v2sf) =	vpush v1, $0x7;
	s2 =	spop (v2sf);
	[tilespmem:$0x1FE70] =	vst v4;
	v4 =	vmov s19  }
0x47: {  	s23 =	ssub.f32 s14, s29;
	s3 =	spop (v2sf);
	[tilespmem:$0x1FE80] =	vst v4;
	v4 =	vbroadcast v3, $0x5  }
0x48: {  	[tilespmem:$0x1FF30] =	vst v2;
	s13 =	spop (v2sf)  }
0x49: {  	s18 =	smul.f32 s23, s18;
	s14 =	spop (v2sf);
	[tilespmem:$0x1FE90] =	vst v4;
	v4 =	vbroadcast v0, $0x5  }
0x4a: {  	[tilespmem:$0x1FF60] =	vst v3;
	s24 =	ssub.f32 s31, s15;
	s15 =	spop (v2sf)  }
0x4b: {  	s22 =	ssub.f32 s0, s30;
	s30 =	spop (v2sf);
	[tilespmem:$0x1FEA0] =	vst v4;
	v4 =	vmov s18  }
0x4c: {  	s20 =	ssub.f32 s14, s3;
	s31 =	spop (v2sf);
	[tilespmem:$0x1FEB0] =	vst v4;
	v4 =	vbroadcast v1, $0x5  }
0x4d: {  	[tilespmem:$0x1FF80] =	vst v0;
	s0 =	spop (v2sf);
	s3 =	ssub.f32 s31, s15  }
0x4e: {  	s14 =	ssub.f32 s0, s30;
	[tilespmem:$0x1FEC0] =	vst v4;
	v4 =	vbroadcast v2, $0x6  }
0x4f: {  	[tilespmem:$0x1FFA0] =	vst v1;
	s22 =	smul.f32 s22, s24;
	v2 =	vbroadcast v2, $0x7  }
0x50: {  	s17 =	smul.f32 s14, s3;
	[tilespmem:$0x1FED0] =	vst v4  }
0x51: {  	v4 =	vmov s22;
	[tilespmem:$0x1FF40] =	vst v2  }
0x52: {  	s25 =	ssub.f32 s13, s2;
	s2 =	spop (v2sf);
	v2 =	vmov s17;
	[tilespmem:$0x1FEE0] =	vst v4;
	v4 =	vbroadcast v3, $0x6  }
0x53: {  	s13 =	spop (v2sf);
	[tilespmem:$0x1FF50] =	vst v2;
	v2 =	vbroadcast v3, $0x7  }
0x54: {  	v14 =	vimm.f32 $-1.000000000e+00;
	s29 =	smul.f32 s20, s25;
	s15 =	spop (v2sf);
	[tilespmem:$0x1FEF0] =	vst v4;
	v4 =	vbroadcast v0, $0x6  }
0x55: {  	v8 =	vimm.s32 $0x0;
	v7 =	vimm.s32 $0x0;
	s26 =	ssub.f32 s15, s2;
	s28 =	spop (v2sf);
	[tilespmem:$0x1FF70] =	vst v2;
	v0 =	vbroadcast v0, $0x7  }
0x56: {  	v10 =	vimm.s32 $0x0;
	v12 =	vimm.s32 $0x0;
	v13 =	vimm.s32 $0x0;
	s30 =	ssub.f32 s28, s13;
	[tilespmem:$0x1FF00] =	vst v4  }
0x57: {  	v5 =	vimm.s32 $0x0;
	v4 =	vmov s29;
	[tilespmem:$0x1FF90] =	vst v0;
	v0 =	vbroadcast v1, $0x7  }
0x58: {  	v19 =	vimm.s32 $0x0;
	v20 =	vimm.s32 $0x0;
	s31 =	smul.f32 s30, s26;
	[tilespmem:$0x1FF10] =	vst v4;
	v4 =	vbroadcast v1, $0x6  }
0x59: {  	v15 =	vimm.f32 $-1.000000000e+00;
	v34 =	vimm.f32 $-1.000000000e+00;
	v17 =	vimm.f32 $-1.000000000e+00;
	[tilespmem:$0x1FFB0] =	vst v0  }
0x5a: {  	v59 =	vimm.f32 $-1.000000000e+00;
	v60 =	vimm.f32 $-1.000000000e+00;
	s21 =	simm.s32 $0x0;
	s20 =	simm.s32 $0x0;
	v0 =	vmov s31;
	[tilespmem:$0x1FF20] =	vst v4  }
0x5b: {  	v16 =	vimm.s32 $0x0;
	s19 =	simm.s32 $0x0;
	s18 =	simm.s32 $0xF410;
	s17 =	simm.s32 $0x10810;
	v3 =	vimm.f32 $-1.000000000e+00;
	v1 =	vimm.f32 $-1.000000000e+00;
	[tilespmem:$0x1FFC0] =	vst v0  }
.LBB2_2:
0x5c: {  	[tilespmem:$0x1FCB0] =	vst v13;
	v13 =	vld [tilespmem:$0x1FFE0]  }
0x5d: {  	v23 =	vld [tilespmem:$0x1FD30]  }
0x5e: {  	[tilespmem:$0x1FC90] =	vst v19;
	v19 =	vld [tilespmem:$0x1FD10]  }
0x5f: {  	v26 =	vld [tilespmem:$0x1FD40]  }
0x60: {  	[tilespmem:$0x1FC80] =	vst v20;
	v20 =	vld [tilespmem:$0x1FD20]  }
0x61: {  	v44 =	vld [tilespmem:$0x1FE20]  }
0x62: {  	s22 =	sshll.u32 s21, $0x7;
	v30 =	vld [tilespmem:$0x1FD70]  }
0x63: {  	s23 =	sand.u32 $0x60, s19;
	v27 =	vld [tilespmem:$0x1FD50];
	s24 =	sand.u32 $0x3FFFFE00, s22  }
0x64: {  	v29 =	vld [tilespmem:$0x1FD60];
	s22 =	sor.u32 s23, s24  }
0x65: {  	v0 =	vld [tilespmem:s22+$0x100]  }
0x66: {  	v2 =	vld [tilespmem:s22+$0x180]  }
0x67: {  	v21 =	vld [tilespmem:s22+$0x0]  }
0x68: {  	v24 =	vld [tilespmem:s22+$0x80]  }
0x69: {  	[tilespmem:$0x1FCA0] =	vst v5;
	v5 =	vld [tilespmem:$0x1FDB0]  }
0x6a: {  	v36 =	vld [tilespmem:$0x1FDC0]  }
0x6b: {  	v6 =	vld [tilespmem:$0x1FE80];
	v0 =	vmul.f32 v0, v13;
	v2 =	vmul.f32 v2, v13  }
0x6c: {  	v37 =	vld [tilespmem:$0x1FDD0]  }
0x6d: {  	v41 =	vld [tilespmem:$0x1FE00];
	v62 =	vsub.f32 v21, v0;
	v25 =	vsub.f32 v24, v2  }
0x6e: {  	v39 =	vld [tilespmem:$0x1FDE0];
	v22 =	vadd.f32 v0, v21;
	v21 =	vadd.f32 v2, v24  }
0x6f: {  	v48 =	vld [tilespmem:$0x1FE60]  }
0x70: {  	v45 =	vld [tilespmem:$0x1FE30];
	v0 =	vsub.f32 v22, v62;
	v2 =	vsub.f32 v21, v25;
	v50 =	vmin.f32 v23, v22  }
0x71: {  	v49 =	vld [tilespmem:$0x1FE70];
	v61 =	vmax.f32 v19, v62;
	v63 =	vmin.f32 v26, v21;
	v4 =	vmax.f32 v20, v25  }
0x72: {  	v32 =	vld [tilespmem:$0x1FEC0];
	v51 =	vmax.f32 v29, v25;
	v24 =	vsub.f32 v50, v61;
	v4 =	vsub.f32 v63, v4  }
0x73: {  	v40 =	vld [tilespmem:$0x1FDF0];
	v52 =	vmin.f32 v5, v22;
	v54 =	vmin.f32 v36, v21;
	v61 =	vmul.f32 v2, v0  }
0x74: {  	[tilespmem:$0x1FCF0] =	vst v7;
	v5 =	vld [tilespmem:$0x1FDA0];
	v7 =	vmax.f32 v37, v62;
	v0 =	vmax.f32 v24, $0.0e+00;
	v2 =	vmax.f32 v4, $0.0e+00  }
0x75: {  	[tilespmem:$0x1FCD0] =	vst v12;
	v31 =	vld [tilespmem:$0x1FD80];
	v9 =	vmin.f32 v41, v21;
	v0 =	vmul.f32 v2, v0;
	v2 =	vadd.f32 v61, v44  }
0x76: {  	[tilespmem:$0x1FCE0] =	vst v10;
	v10 =	vmax.f32 v39, v25;
	v56 =	vmin.f32 v48, v21;
	v57 =	vmax.f32 v45, v25;
	v50 =	vld [tilespmem:$0x1FD90]  }
0x77: {  	[tilespmem:$0x1FD00] =	vst v8;
	v8 =	vld [tilespmem:$0x1FFB0];
	v28 =	vmax.f32 v49, v62;
	v12 =	vmin.f32 v32, v21;
	v2 =	vsub.f32 v2, v0  }
0x78: {  	v4 =	vmax.f32 v27, v62;
	v55 =	vadd.f32 v61, v6;
	v6 =	vmin.f32 v40, v22  }
0x79: {  	v47 =	vld [tilespmem:$0x1FE50];
	v5 =	vmax.f32 v5, v25;
	(erf) = vrcp.f32 v2;
	v2 =	vmin.f32 v30, v22  }
0x7a: {  	v46 =	vld [tilespmem:$0x1FE40];
	v6 =	vsub.f32 v6, v7;
	v2 =	vsub.f32 v2, v4;
	v4 =	vmin.f32 v31, v21  }
0x7b: {  	v53 =	vmax.f32 v50, v62;
	v5 =	vsub.f32 v54, v5;
	v54 =	vld [tilespmem:$0x1FF70];
	v4 =	vsub.f32 v4, v51  }
0x7c: {  	v38 =	vmin.f32 v8, v21;
	v7 =	vsub.f32 v9, v10;
	v24 =	vsub.f32 v52, v53;
	v52 =	vld [tilespmem:$0x1FEA0]  }
0x7d: {  	v53 =	vld [tilespmem:$0x1FEB0];
	v5 =	vmax.f32 v5, $0.0e+00;
	v2 =	vmax.f32 v2, $0.0e+00;
	v4 =	vmax.f32 v4, $0.0e+00  }
0x7e: {  	v42 =	vld [tilespmem:$0x1FE10];
	v24 =	vmax.f32 v24, $0.0e+00;
	v2 =	vmul.f32 v4, v2;
	v4 =	vadd.f32 v61, v47  }
0x7f: {  	v6 =	vmax.f32 v6, $0.0e+00;
	v7 =	vmax.f32 v7, $0.0e+00;
	v5 =	vmul.f32 v5, v24;
	v51 =	vld [tilespmem:$0x1FE90]  }
0x80: {  	v33 =	vld [tilespmem:$0x1FED0];
	v10 =	vmin.f32 v46, v22;
	v6 =	vmul.f32 v7, v6;
	v4 =	vsub.f32 v4, v2  }
0x81: {  	[tilespmem:$0x1FC60] =	vst v15;
	v43 =	vld [tilespmem:$0x1FF00];
	v15 =	vmax.f32 v54, v25;
	v9 =	vsub.f32 v55, v5;
	v58 =	vmin.f32 v52, v22  }
0x82: {  	v7 =	vadd.f32 v61, v53;
	v11 =	vpop (erf);
	(erf) = vrcp.f32 v4;
	v4 =	vsub.f32 v58, v28;
	v28 =	vld [tilespmem:$0x1FEE0]  }
0x83: {  	v35 =	vld [tilespmem:$0x1FEF0];
	v15 =	vsub.f32 v38, v15;
	v0 =	vmul.f32 v11, v0;
	v11 =	vmax.f32 v42, v62  }
0x84: {  	[tilespmem:$0x1FC70] =	vst v14;
	v14 =	vmax.f32 v51, v25;
	v10 =	vsub.f32 v10, v11;
	v11 =	vsub.f32 v56, v57;
	v56 =	vld [tilespmem:$0x1FF10]  }
0x85: {  	v7 =	vsub.f32 v7, v6;
	v12 =	vsub.f32 v12, v14;
	v14 =	vmax.f32 v33, v62;
	v57 =	vld [tilespmem:$0x1FF20]  }
0x86: {  	v55 =	vld [tilespmem:$0x1FF90];
	(erf) = vrcp.f32 v9;
	v9 =	vmax.f32 v10, $0.0e+00;
	v10 =	vmax.f32 v11, $0.0e+00  }
0x87: {  	v58 =	vld [tilespmem:$0x1FF40];
	v4 =	vmax.f32 v4, $0.0e+00;
	v9 =	vmul.f32 v10, v9;
	v10 =	vadd.f32 v61, v28  }
0x88: {  	(erf) = vrcp.f32 v7;
	v11 =	vmax.f32 v12, $0.0e+00;
	v12 =	vmin.f32 v43, v22  }
0x89: {  	v38 =	vld [tilespmem:$0x1FF50];
	v4 =	vmul.f32 v11, v4;
	v11 =	vadd.f32 v61, v56;
	v7 =	vsub.f32 v10, v9  }
0x8a: {  	v10 =	vsub.f32 v12, v14;
	v12 =	vmin.f32 v57, v21;
	v14 =	vmax.f32 v35, v25  }
0x8b: {  	v18 =	vld [tilespmem:$0x1FFC0];
	v12 =	vsub.f32 v12, v14  }
0x8c: {  	v24 =	vmax.f32 v58, v62;
	v14 =	vmin.f32 v55, v22;
	v11 =	vsub.f32 v11, v4  }
0x8d: {  	v10 =	vmax.f32 v10, $0.0e+00;
	v14 =	vsub.f32 v14, v24;
	v12 =	vmax.f32 v12, $0.0e+00  }
0x8e: {  	(erf) = vrcp.f32 v7;
	v7 =	vmul.f32 v12, v10;
	v10 =	vadd.f32 v61, v38  }
0x8f: {  	(erf) = vrcp.f32 v11;
	v11 =	vmax.f32 v14, $0.0e+00;
	v12 =	vmax.f32 v15, $0.0e+00  }
0x90: {  	v11 =	vmul.f32 v12, v11;
	v12 =	vadd.f32 v61, v18  }
0x91: {  	v10 =	vsub.f32 v10, v7  }
0x92: {  	vm0 =	vgt.f32 v0, $-1.000000000e+00;
	v14 =	vpop (erf)  }
0x93: {  	v14 =	vmul.f32 v14, v2;
	(erf) = vrcp.f32 v10;
	v10 =	vnsel vm0, $0xBF800000, v0  }
0x94: {  	v2 =	vsub.f32 v12, v11;
	v12 =	vpop (erf)  }
0x95: {  	vm0 =	vgt.f32 v14, v10;
	v5 =	vmul.f32 v12, v5  }
0x96: {  	(erf) = vrcp.f32 v2;
	v2 =	vsel vm0, v14, v10;
	v10 =	vpop (erf)  }
0x97: {  	vm1 =	vgt.f32 v5, v2;
	v6 =	vmul.f32 v10, v6  }
0x98: {  	v10 =	vpop (erf);
	v2 =	vsel vm1, v5, v2  }
0x99: {  	v9 =	vmul.f32 v10, v9;
	vm2 =	vgt.f32 v6, v2  }
0x9a: {  	v2 =	vsel vm2, v6, v2  }
0x9b: {  	s29 =	sshll.u32 s21, $0x8;
	v10 =	vpop (erf);
	vm3 =	vgt.f32 v9, v2  }
0x9c: {  	s22 =	sand.u32 $0x3FFFFC00, s29;
	v24 =	vmul.f32 v10, v4;
	v10 =	vsel vm3, v9, v2  }
0x9d: {  	s22 =	sadd.s32 $0x5400, s22;
	v4 =	vsel vm0, $0x1, v16;
	v2 =	vpop (erf)  }
0x9e: {  	s23 =	sor.u32 s23, s22;
	v4 =	vsel vm1, $0x2, v4;
	vm11 =	vgt.f32 v24, v10;
	v2 =	vmul.f32 v2, v7  }
0x9f: {  	[tilespmem:s23+$0x0] =	vst v62;
	v4 =	vsel vm2, $0x3, v4;
	v7 =	vsel vm11, v24, v10;
	v10 =	vpop (erf)  }
0xa0: {  	[tilespmem:s23+$0x80] =	vst v25;
	v4 =	vsel vm3, $0x4, v4;
	vm12 =	vgt.f32 v2, v7;
	v25 =	vmul.f32 v10, v11  }
0xa1: {  	[tilespmem:s23+$0x100] =	vst v22;
	v4 =	vsel vm11, $0x5, v4;
	v7 =	vsel vm12, v2, v7  }
0xa2: {  	[tilespmem:s23+$0x180] =	vst v21;
	v4 =	vsel vm12, $0x6, v4;
	vm13 =	vgt.f32 v25, v7  }
0xa3: {  	s30 =	sadd.s32 $0x10, s19;
	[tilespmem:s23+$0x200] =	vst v61;
	v4 =	vsel vm13, $0x7, v4  }
0xa4: {  	s23 =	sand.u32 $0x70, s30;
	v7 =	vsel vm13, v25, v7;
	[tilespmem:s17+$0xFFFFFFF0] =	vst v4  }
0xa5: {  	s24 =	sor.u32 s23, s24;
	[tilespmem:s18+$0xFFFFFFF0] =	vst v7  }
0xa6: {  	v4 =	vld [tilespmem:s24+$0x100]  }
0xa7: {  	v7 =	vld [tilespmem:s24+$0x180]  }
0xa8: {  	v10 =	vld [tilespmem:s24+$0x0]  }
0xa9: {  	v11 =	vld [tilespmem:s24+$0x80];
	_ =	sdelay $0x2  }
0xaa: {  	v4 =	vmul.f32 v4, v13;
	v7 =	vmul.f32 v7, v13;
	_ =	sdelay $0x1  }
0xab: {  	v22 =	vsub.f32 v10, v4;
	v21 =	vsub.f32 v11, v7  }
0xac: {  	v62 =	vadd.f32 v4, v10;
	v61 =	vadd.f32 v7, v11;
	_ =	sdelay $0x1  }
0xad: {  	v4 =	vsub.f32 v62, v22;
	v7 =	vsub.f32 v61, v21;
	v10 =	vmin.f32 v23, v62  }
0xae: {  	v11 =	vmax.f32 v19, v22;
	v12 =	vmin.f32 v26, v61;
	v15 =	vmax.f32 v20, v21  }
0xaf: {  	v10 =	vsub.f32 v10, v11;
	v11 =	vsub.f32 v12, v15  }
0xb0: {  	v63 =	vmul.f32 v7, v4  }
0xb1: {  	v4 =	vmax.f32 v10, $0.0e+00;
	v7 =	vmax.f32 v11, $0.0e+00  }
0xb2: {  	v4 =	vmul.f32 v7, v4;
	v7 =	vadd.f32 v63, v44;
	_ =	sdelay $0x1  }
0xb3: {  	v7 =	vsub.f32 v7, v4  }
0xb4: {  	v12 =	vmax.f32 v29, v21;
	v10 =	vmax.f32 v27, v22  }
0xb5: {  	v11 =	vmin.f32 v31, v61;
	(erf) = vrcp.f32 v7;
	v7 =	vmin.f32 v30, v62  }
0xb6: {  	v7 =	vsub.f32 v7, v10;
	v10 =	vsub.f32 v11, v12;
	_ =	sdelay $0x1  }
0xb7: {  	v7 =	vmax.f32 v7, $0.0e+00;
	v10 =	vmax.f32 v10, $0.0e+00  }
0xb8: {  	vm14 =	vgt.f32 v6, v3;
	v7 =	vmul.f32 v10, v7;
	v10 =	vadd.f32 v63, v47  }
0xb9: {  	v3 =	vsel vm14, v6, v3;
	v6 =	vld [tilespmem:$0x1FDB0]  }
0xba: {  	v10 =	vsub.f32 v10, v7;
	_ =	sdelay $0x1  }
0xbb: {  	vm1 =	vgt.f32 v9, v1;
	(erf) = vrcp.f32 v10;
	v10 =	vld [tilespmem:$0x1FDA0]  }
0xbc: {  	v1 =	vsel vm1, v9, v1  }
0xbd: {  	v6 =	vmin.f32 v6, v62;
	v9 =	vmax.f32 v50, v22;
	v12 =	vimm.s32 $0x0  }
0xbe: {  	v6 =	vsub.f32 v6, v9;
	v12 =	vsel vm14, $0xFFFFFFFF, v12  }
0xbf: {  	vm2 =	vgt.f32 v14, v59  }
0xc0: {  	v9 =	vmin.f32 v36, v61;
	v6 =	vmax.f32 v6, $0.0e+00;
	v10 =	vmax.f32 v10, v21  }
0xc1: {  	v11 =	vsel vm2, v14, v59;
	v14 =	vmax.f32 v39, v21;
	[tilespmem:$0x1FCC0] =	vst v12;
	v12 =	vpop (erf);
	v9 =	vsub.f32 v9, v10  }
0xc2: {  	v4 =	vmul.f32 v12, v4;
	v12 =	vmax.f32 v37, v22;
	v10 =	vmin.f32 v40, v62  }
0xc3: {  	v10 =	vsub.f32 v10, v12;
	v12 =	vmin.f32 v41, v61;
	v9 =	vmax.f32 v9, $0.0e+00  }
0xc4: {  	vm3 =	vgt.f32 v5, v17;
	v12 =	vsub.f32 v12, v14;
	v6 =	vmul.f32 v9, v6;
	v9 =	vld [tilespmem:$0x1FE80]  }
0xc5: {  	v5 =	vsel vm3, v5, v17;
	v17 =	vmax.f32 v45, v21;
	v15 =	vmax.f32 v42, v22  }
0xc6: {  	v14 =	vmin.f32 v46, v62;
	v10 =	vmax.f32 v10, $0.0e+00;
	v12 =	vmax.f32 v12, $0.0e+00  }
0xc7: {  	v16 =	vmax.f32 v51, v21;
	v10 =	vmul.f32 v12, v10;
	v12 =	vsub.f32 v14, v15  }
0xc8: {  	v14 =	vadd.f32 v63, v53;
	v15 =	vmin.f32 v48, v61;
	v48 =	vmax.f32 v49, v22  }
0xc9: {  	v49 =	vmin.f32 v32, v61;
	v15 =	vsub.f32 v15, v17;
	v9 =	vadd.f32 v63, v9  }
0xca: {  	v17 =	vmin.f32 v52, v62;
	v16 =	vsub.f32 v49, v16;
	v12 =	vmax.f32 v12, $0.0e+00  }
0xcb: {  	v17 =	vsub.f32 v17, v48;
	v15 =	vmax.f32 v15, $0.0e+00;
	v9 =	vsub.f32 v9, v6  }
0xcc: {  	v14 =	vsub.f32 v14, v10;
	v16 =	vmax.f32 v16, $0.0e+00;
	v12 =	vmul.f32 v15, v12  }
0xcd: {  	v15 =	vadd.f32 v63, v28;
	(erf) = vrcp.f32 v9;
	v9 =	vmax.f32 v17, $0.0e+00  }
0xce: {  	v17 =	vmax.f32 v33, v22;
	v9 =	vmul.f32 v16, v9;
	v16 =	vmin.f32 v43, v62  }
0xcf: {  	v50 =	vmax.f32 v35, v21;
	v16 =	vsub.f32 v16, v17;
	v17 =	vmin.f32 v57, v61  }
0xd0: {  	(erf) = vrcp.f32 v14;
	v14 =	vsub.f32 v15, v12;
	v17 =	vsub.f32 v17, v50  }
0xd1: {  	vm4 =	vgt.f32 v0, v60;
	v19 =	vmax.f32 v54, v21;
	v15 =	vadd.f32 v63, v56  }
0xd2: {  	(erf) = vrcp.f32 v14;
	v16 =	vmax.f32 v16, $0.0e+00;
	v17 =	vmax.f32 v17, $0.0e+00  }
0xd3: {  	v54 =	vpop (erf);
	v14 =	vsub.f32 v15, v9;
	v15 =	vmul.f32 v17, v16;
	v16 =	vadd.f32 v63, v38  }
0xd4: {  	v0 =	vsel vm4, v0, v60;
	v51 =	vmin.f32 v55, v62;
	v7 =	vmul.f32 v54, v7  }
0xd5: {  	v53 =	vmin.f32 v8, v61;
	v8 =	vld [tilespmem:$0x1FC60];
	v52 =	vmax.f32 v58, v22;
	v16 =	vsub.f32 v16, v15  }
0xd6: {  	vm8 =	vgt.f32 v4, v0;
	v19 =	vsub.f32 v53, v19;
	v59 =	vsub.f32 v51, v52  }
0xd7: {  	vm7 =	vgt.f32 v4, $-1.000000000e+00;
	v60 =	vsel vm8, v4, v0;
	vm9 =	vgt.f32 v7, v11  }
0xd8: {  	v19 =	vmax.f32 v19, $0.0e+00;
	(erf) = vrcp.f32 v14;
	v17 =	vmax.f32 v59, $0.0e+00  }
0xd9: {  	v14 =	vmul.f32 v19, v17;
	v17 =	vadd.f32 v63, v18;
	(erf) = vrcp.f32 v16;
	v16 =	vpop (erf)  }
0xda: {  	vm6 =	vgt.f32 v2, v8;
	v6 =	vmul.f32 v16, v6;
	v16 =	vnsel vm7, $0xBF800000, v4  }
0xdb: {  	v2 =	vsel vm6, v2, v8;
	v8 =	vld [tilespmem:$0x1FC70];
	v17 =	vsub.f32 v17, v14;
	v0 =	vpop (erf);
	vm12 =	vgt.f32 v7, v16  }
0xdc: {  	v59 =	vsel vm9, v7, v11;
	v4 =	vsel vm12, v7, v16;
	v7 =	vpop (erf);
	vm10 =	vgt.f32 v6, v5  }
0xdd: {  	(erf) = vrcp.f32 v17;
	v17 =	vsel vm10, v6, v5;
	v5 =	vmul.f32 v7, v12;
	v7 =	vld [tilespmem:$0x1FC80]  }
0xde: {  	v0 =	vmul.f32 v0, v10;
	vm13 =	vgt.f32 v6, v4  }
0xdf: {  	v4 =	vsel vm13, v6, v4  }
0xe0: {  	vm7 =	vgt.f32 v25, v8;
	vm14 =	vgt.f32 v0, v4  }
0xe1: {  	v55 =	vsel vm7, v25, v8;
	vm11 =	vgt.f32 v5, v1;
	v4 =	vsel vm14, v0, v4  }
0xe2: {  	v8 =	vld [tilespmem:$0x1FCA0];
	vm15 =	vgt.f32 v5, v4;
	v7 =	vsel vm4, s20, v7;
	vm4 =	vgt.f32 v0, v3  }
0xe3: {  	v1 =	vsel vm11, v5, v1;
	v3 =	vsel vm4, v0, v3;
	v0 =	vsel vm15, v5, v4;
	v5 =	vld [tilespmem:$0x1FC90];
	_ =	sdelay $0x1  }
0xe4: {  	vm5 =	vgt.f32 v24, v34;
	v6 =	vpop (erf)  }
0xe5: {  	v19 =	vsel vm5, v24, v34;
	v6 =	vmul.f32 v6, v9;
	v4 =	vpop (erf)  }
0xe6: {  	v16 =	vimm.s32 $0x0;
	v9 =	vsel vm3, s20, v8;
	v4 =	vmul.f32 v4, v15  }
0xe7: {  	vm0 =	vgt.f32 v6, v0;
	v5 =	vsel vm2, s20, v5;
	vm2 =	vgt.f32 v6, v19  }
0xe8: {  	v10 =	vpop (erf);
	v0 =	vsel vm0, v6, v0;
	vm3 =	vgt.f32 v4, v2;
	v34 =	vsel vm2, v6, v19  }
0xe9: {  	v6 =	vmul.f32 v10, v14;
	v10 =	vsel vm12, $0x1, v16;
	vm12 =	vgt.f32 v4, v0  }
0xea: {  	s22 =	sor.u32 s23, s22;
	v8 =	vld [tilespmem:$0x1FCE0];
	v15 =	vsel vm3, v4, v2;
	v10 =	vsel vm13, $0x2, v10;
	v0 =	vsel vm12, v4, v0  }
0xeb: {  	[tilespmem:s22+$0x0] =	vst v22;
	v2 =	vsel vm14, $0x3, v10;
	vm13 =	vgt.f32 v6, v55;
	vm14 =	vgt.f32 v6, v0  }
0xec: {  	[tilespmem:s22+$0x80] =	vst v21;
	v2 =	vsel vm15, $0x4, v2;
	v14 =	vsel vm13, v6, v55;
	v0 =	vsel vm14, v6, v0;
	v6 =	vld [tilespmem:$0x1FCC0]  }
0xed: {  	[tilespmem:s22+$0x100] =	vst v62;
	v2 =	vsel vm0, $0x5, v2  }
0xee: {  	[tilespmem:s22+$0x180] =	vst v61;
	v4 =	vld [tilespmem:$0x1FCB0];
	v2 =	vsel vm12, $0x6, v2  }
0xef: {  	[tilespmem:s22+$0x200] =	vst v63;
	v10 =	vsel vm5, s20, v8;
	v8 =	vld [tilespmem:$0x1FCF0];
	v2 =	vsel vm14, $0x7, v2  }
0xf0: {  	[tilespmem:s17+$0x0] =	vst v2;
	v2 =	vld [tilespmem:$0x1FD00]  }
0xf1: {  	vm15 =	vnez.u8 v6;
	v6 =	vld [tilespmem:$0x1FCD0]  }
0xf2: {  	p0 =	sne.s32 s21, $0x9D  }
.Ltmp0:
0xf3: {  	s31 =	sadd.s32 $0x1, s20;
	(pc) =	sbr.rel @p0 .LBB2_2-.Ltmp0, $4  }
0xf4: {  	v20 =	vsel vm8, s31, v7;
	v19 =	vsel vm9, s31, v5;
	v11 =	vsel vm6, s20, v8  }
0xf5: {  	v5 =	vsel vm10, s31, v9;
	v10 =	vsel vm2, s31, v10;
	v7 =	vsel vm3, s31, v11  }
0xf6: {  	s19 =	sadd.s32 $0x20, s19;
	s21 =	sadd.s32 $0x1, s21;
	v4 =	vsel vm15, s20, v4;
	v2 =	vsel vm7, s20, v2;
	v6 =	vsel vm1, s20, v6  }
0xf7: {  	s17 =	sadd.s32 $0x20, s17;
	[tilespmem:s18+$0x0] =	vst v0;
	s18 =	sadd.s32 $0x20, s18;
	v13 =	vsel vm4, s31, v4;
	s20 =	sadd.s32 $0x2, s20;
	v8 =	vsel vm13, s31, v2;
	v12 =	vsel vm11, s31, v6  }
0xf8: {  	(xrf0) =	vmax.scan.msk.f32 $0xffff, v60;
	_ =	sdelay $0x3  }
0xf9: {  	v9 =	vld [tilespmem:$0x1FFD0];
	_ =	sdelay $0x1  }
0xfa: {  	v0, _, _ =	vpop (xrf0)  }
0xfb: {  	v0 =	vbroadcast v0, $0xF  }
0xfc: {  	v2 =	vshll.u32 v20, $0x4  }
0xfd: {  	vm0 =	veq.f32 v60, v0;
	v0 =	vxor.u32 v9, v2  }
0xfe: {  	v0 =	vnsel vm0, $0x80100000, v0  }
0xff: {  	(xrf0) =	vmin.scan.msk.u32 $0xffff, v0  }
0x100: {  	(xrf0) =	vmax.scan.msk.f32 $0xffff, v59;
	_ =	sdelay $0x4  }
0x101: {  	v0, _, _ =	vpop (xrf0)  }
0x102: {  	v2, _, _ =	vpop (xrf0)  }
0x103: {  	v2 =	vbroadcast v2, $0xF  }
0x104: {  	v4 =	vshll.u32 v19, $0x4  }
0x105: {  	vm9 =	veq.f32 v59, v2;
	v2 =	vxor.u32 v9, v4  }
0x106: {  	v2 =	vnsel vm9, $0x80100000, v2  }
0x107: {  	(xrf0) =	vmin.scan.msk.u32 $0xffff, v2  }
0x108: {  	(xrf0) =	vmax.scan.msk.f32 $0xffff, v17;
	_ =	sdelay $0x4  }
0x109: {  	v2, _, _ =	vpop (xrf0)  }
0x10a: {  	v4, _, _ =	vpop (xrf0)  }
0x10b: {  	v4 =	vbroadcast v4, $0xF  }
0x10c: {  	v5 =	vshll.u32 v5, $0x4  }
0x10d: {  	vm10 =	veq.f32 v17, v4;
	v4 =	vxor.u32 v9, v5  }
0x10e: {  	v4 =	vnsel vm10, $0x80100000, v4  }
0x10f: {  	(xrf0) =	vmin.scan.msk.u32 $0xffff, v4  }
0x110: {  	(xrf0) =	vmax.scan.msk.f32 $0xffff, v3;
	_ =	sdelay $0x4  }
0x111: {  	v4, _, _ =	vpop (xrf0)  }
0x112: {  	v5, _, _ =	vpop (xrf0)  }
0x113: {  	v5 =	vbroadcast v5, $0xF  }
0x114: {  	v6 =	vshll.u32 v13, $0x4  }
0x115: {  	vm11 =	veq.f32 v3, v5;
	v3 =	vxor.u32 v9, v6  }
0x116: {  	v3 =	vnsel vm11, $0x80100000, v3  }
0x117: {  	(xrf0) =	vmin.scan.msk.u32 $0xffff, v3  }
0x118: {  	(xrf0) =	vmax.scan.msk.f32 $0xffff, v1;
	_ =	sdelay $0x4  }
0x119: {  	v3, _, _ =	vpop (xrf0)  }
0x11a: {  	v5, _, _ =	vpop (xrf0)  }
0x11b: {  	v5 =	vbroadcast v5, $0xF  }
0x11c: {  	v6 =	vshll.u32 v12, $0x4  }
0x11d: {  	vm12 =	veq.f32 v1, v5;
	v1 =	vxor.u32 v9, v6  }
0x11e: {  	v1 =	vnsel vm12, $0x80100000, v1  }
0x11f: {  	(xrf0) =	vmin.scan.msk.u32 $0xffff, v1  }
0x120: {  	(xrf0) =	vmax.scan.msk.f32 $0xffff, v34;
	_ =	sdelay $0x4  }
0x121: {  	v1, _, _ =	vpop (xrf0)  }
0x122: {  	v5, _, _ =	vpop (xrf0)  }
0x123: {  	v5 =	vbroadcast v5, $0xF  }
0x124: {  	v6 =	vshll.u32 v10, $0x4  }
0x125: {  	vm13 =	veq.f32 v34, v5;
	v5 =	vxor.u32 v9, v6  }
0x126: {  	v5 =	vnsel vm13, $0x80100000, v5  }
0x127: {  	(xrf0) =	vmin.scan.msk.u32 $0xffff, v5  }
0x128: {  	(xrf0) =	vmax.scan.msk.f32 $0xffff, v15;
	_ =	sdelay $0x4  }
0x129: {  	v5, _, _ =	vpop (xrf0)  }
0x12a: {  	v6, _, _ =	vpop (xrf0)  }
0x12b: {  	v6 =	vbroadcast v6, $0xF  }
0x12c: {  	v7 =	vshll.u32 v7, $0x4  }
0x12d: {  	vm14 =	veq.f32 v15, v6;
	v6 =	vxor.u32 v9, v7  }
0x12e: {  	v6 =	vnsel vm14, $0x80100000, v6  }
0x12f: {  	(xrf0) =	vmin.scan.msk.u32 $0xffff, v6  }
0x130: {  	(xrf0) =	vmax.scan.msk.f32 $0xffff, v14  }
0x131: {  	(v2sf) =	vpush v0, $0xF  }
0x132: {  	(v2sf) =	vpush v2, $0xF  }
0x133: {  	(v2sf) =	vpush v4, $0xF  }
0x134: {  	(v2sf) =	vpush v3, $0xF  }
0x135: {  	(v2sf) =	vpush v1, $0xF;
	v6, _, _ =	vpop (xrf0)  }
0x136: {  	(v2sf) =	vpush v5, $0xF;
	v7, _, _ =	vpop (xrf0)  }
0x137: {  	(v2sf) =	vpush v6, $0xF;
	v6 =	vld [tilespmem:$0x1FF30];
	v7 =	vbroadcast v7, $0xF  }
0x138: {  	v8 =	vshll.u32 v8, $0x4  }
0x139: {  	vm15 =	veq.f32 v14, v7;
	v7 =	vxor.u32 v9, v8;
	v8 =	vld [tilespmem:$0x1FF60]  }
0x13a: {  	v7 =	vnsel vm15, $0x80100000, v7  }
0x13b: {  	v3 =	vld [tilespmem:$0x1FF80];
	(xrf0) =	vmin.scan.msk.u32 $0xffff, v7  }
0x13c: {  	v1 =	vbroadcast v6, $0x8  }
0x13d: {  	v4 =	vld [tilespmem:$0x1FFA0]  }
0x13e: {  	[tilespmem:$0x1F970] =	vst v1;
	v1 =	vbroadcast v8, $0x8;
	_ =	sdelay $0x1  }
0x13f: {  	[tilespmem:$0x1F980] =	vst v1;
	v1 =	vbroadcast v3, $0x8  }
0x140: {  	v0, _, _ =	vpop (xrf0)  }
0x141: {  	(v2sf) =	vpush v0, $0xF;
	[tilespmem:$0x1F990] =	vst v1;
	v1 =	vbroadcast v4, $0x8  }
0x142: {  	(v2sf) =	vpush v6, $0x8  }
0x143: {  	(v2sf) =	vpush v8, $0x8;
	[tilespmem:$0x1F9A0] =	vst v1;
	v1 =	vbroadcast v6, $0x9  }
0x144: {  	(v2sf) =	vpush v3, $0x8  }
0x145: {  	(v2sf) =	vpush v4, $0x8;
	[tilespmem:$0x1F9B0] =	vst v1;
	v1 =	vbroadcast v8, $0x9;
	_ =	sdelay $0x1  }
0x146: {  	[tilespmem:$0x1F9C0] =	vst v1;
	v1 =	vbroadcast v3, $0x9  }
0x147: {  	(v2sf) =	vpush v6, $0x9  }
0x148: {  	s17 =	spop (v2sf);
	(v2sf) =	vpush v8, $0x9;
	[tilespmem:$0x1F9D0] =	vst v1;
	v1 =	vbroadcast v4, $0x9  }
0x149: {  	s17 =	sxor.u32 $0x80000000, s17;
	s25 =	spop (v2sf);
	(v2sf) =	vpush v3, $0x9  }
0x14a: {  	s24 =	spop (v2sf);
	v0 =	vmov s17;
	(v2sf) =	vpush v4, $0x9;
	[tilespmem:$0x1F9E0] =	vst v1;
	v1 =	vbroadcast v6, $0xA  }
0x14b: {  	s22 =	spop (v2sf)  }
0x14c: {  	s21 =	spop (v2sf);
	(v2sf) =	vpush v6, $0xA;
	[tilespmem:$0x1F9F0] =	vst v1;
	v1 =	vbroadcast v8, $0xA  }
0x14d: {  	s20 =	spop (v2sf);
	(v2sf) =	vpush v8, $0xA  }
0x14e: {  	s19 =	spop (v2sf);
	(v2sf) =	vpush v3, $0xA;
	[tilespmem:$0x1FA00] =	vst v1;
	v1 =	vimm.f32 $1.000000000e+00  }
0x14f: {  	v11 =	vimm.s32 $0x0;
	(v2sf) =	vpush v4, $0xA;
	s18 =	spop (v2sf);
	[tilespmem:v0+s10+$0x0] =	vst.idx.msk $0x1, v1  }
0x150: {  	s23 =	spop (v2sf);
	[tilespmem:v0+s11+$0x0] =	vst.idx.msk $0x1, v11;
	v0 =	vbroadcast v6, $0xB  }
0x151: {  	s25 =	sxor.u32 $0x80000000, s25;
	s26 =	spop (v2sf)  }
0x152: {  	v2 =	vmov s25;
	(v2sf) =	vpush v6, $0xB;
	s28 =	spop (v2sf);
	[tilespmem:$0x1FA30] =	vst v0;
	v0 =	vbroadcast v8, $0xB  }
0x153: {  	(v2sf) =	vpush v8, $0xB;
	s29 =	spop (v2sf);
	s23 =	ssub.f32 s28, s23  }
0x154: {  	(v2sf) =	vpush v3, $0xB;
	s26 =	ssub.f32 s29, s26;
	[tilespmem:$0x1FA40] =	vst v0;
	v0 =	vbroadcast v3, $0xB  }
0x155: {  	(v2sf) =	vpush v4, $0xB  }
0x156: {  	s30 =	spop (v2sf);
	s23 =	smul.f32 s26, s23;
	[tilespmem:$0x1FA50] =	vst v0;
	v0 =	vbroadcast v4, $0xB  }
0x157: {  	(v2sf) =	vpush v6, $0xC;
	[tilespmem:v2+s10+$0x0] =	vst.idx.msk $0x1, v1;
	s31 =	spop (v2sf)  }
0x158: {  	(v2sf) =	vpush v8, $0xC;
	s0 =	spop (v2sf);
	[tilespmem:$0x1FA60] =	vst v0;
	v0 =	vmov s23  }
0x159: {  	(v2sf) =	vpush v3, $0xC;
	s2 =	spop (v2sf);
	s0 =	ssub.f32 s0, s30;
	[tilespmem:$0x1FA70] =	vst v0;
	v0 =	vimm.s32 $0x1  }
0x15a: {  	(v2sf) =	vpush v4, $0xC;
	s2 =	ssub.f32 s2, s31;
	[tilespmem:v2+s11+$0x0] =	vst.idx.msk $0x1, v0;
	v0 =	vbroadcast v6, $0xC  }
0x15b: {  	s14 =	spop (v2sf)  }
0x15c: {  	s24 =	sxor.u32 $0x80000000, s24;
	s15 =	spop (v2sf);
	s0 =	smul.f32 s2, s0;
	[tilespmem:$0x1FA90] =	vst v0;
	v0 =	vbroadcast v8, $0xC  }
0x15d: {  	v5 =	vmov s24;
	(v2sf) =	vpush v6, $0xD;
	s3 =	spop (v2sf)  }
0x15e: {  	(v2sf) =	vpush v8, $0xD;
	s28 =	spop (v2sf);
	s3 =	ssub.f32 s3, s14;
	[tilespmem:$0x1FAA0] =	vst v0;
	v0 =	vmov s0  }
0x15f: {  	(v2sf) =	vpush v3, $0xD;
	s15 =	ssub.f32 s28, s15;
	[tilespmem:$0x1FAB0] =	vst v0;
	v0 =	vbroadcast v3, $0xC  }
0x160: {  	(v2sf) =	vpush v4, $0xD  }
0x161: {  	s29 =	spop (v2sf);
	s25 =	smul.f32 s15, s3;
	[tilespmem:$0x1FAC0] =	vst v0;
	v0 =	vbroadcast v4, $0xC  }
0x162: {  	[tilespmem:v5+s10+$0x0] =	vst.idx.msk $0x1, v1;
	s13 =	spop (v2sf)  }
0x163: {  	(v2sf) =	vpush v6, $0xE;
	s26 =	spop (v2sf);
	[tilespmem:$0x1FAD0] =	vst v0;
	v0 =	vmov s25  }
0x164: {  	(v2sf) =	vpush v8, $0xE;
	s30 =	spop (v2sf);
	s29 =	ssub.f32 s26, s29;
	[tilespmem:$0x1FAE0] =	vst v0;
	v0 =	vimm.s32 $0x2  }
0x165: {  	(v2sf) =	vpush v3, $0xE;
	s13 =	ssub.f32 s30, s13;
	[tilespmem:v5+s11+$0x0] =	vst.idx.msk $0x1, v0;
	v0 =	vbroadcast v6, $0xD  }
0x166: {  	[tilespmem:$0x1FA80] =	vst v2;
	v10 =	vbroadcast v3, $0xA;
	(v2sf) =	vpush v4, $0xE;
	s31 =	spop (v2sf)  }
0x167: {  	s22 =	sxor.u32 $0x80000000, s22;
	s14 =	spop (v2sf);
	s13 =	smul.f32 s13, s29;
	[tilespmem:$0x1FB00] =	vst v0;
	v0 =	vbroadcast v8, $0xD  }
0x168: {  	[tilespmem:$0x1FA10] =	vst v10;
	v7 =	vmov s22;
	s28 =	spop (v2sf)  }
0x169: {  	v10 =	vbroadcast v4, $0xA;
	s2 =	spop (v2sf);
	s30 =	ssub.f32 s28, s31;
	[tilespmem:$0x1FB10] =	vst v0;
	v0 =	vmov s13  }
0x16a: {  	s2 =	ssub.f32 s2, s14;
	[tilespmem:$0x1FB20] =	vst v0;
	v0 =	vbroadcast v3, $0xD  }
0x16b: {  	[tilespmem:$0x1FA20] =	vst v10  }
0x16c: {  	(v2sf) =	vpush v6, $0xF;
	s3 =	spop (v2sf);
	s2 =	smul.f32 s2, s30;
	[tilespmem:$0x1FB30] =	vst v0;
	v0 =	vbroadcast v4, $0xD  }
0x16d: {  	(v2sf) =	vpush v8, $0xF;
	s26 =	spop (v2sf);
	[tilespmem:v7+s10+$0x0] =	vst.idx.msk $0x1, v1  }
0x16e: {  	(v2sf) =	vpush v3, $0xF;
	s24 =	spop (v2sf);
	[tilespmem:$0x1FB40] =	vst v0;
	v0 =	vmov s2  }
0x16f: {  	(v2sf) =	vpush v4, $0xF;
	s31 =	spop (v2sf);
	s3 =	ssub.f32 s24, s3;
	[tilespmem:$0x1FB50] =	vst v0;
	v0 =	vimm.s32 $0x3  }
0x170: {  	s31 =	ssub.f32 s31, s26;
	[tilespmem:v7+s11+$0x0] =	vst.idx.msk $0x1, v0;
	v0 =	vbroadcast v6, $0xE  }
0x171: {  	[tilespmem:$0x1FAF0] =	vst v5;
	s21 =	sxor.u32 $0x80000000, s21  }
0x172: {  	v9 =	vmov s21;
	s14 =	spop (v2sf);
	s3 =	smul.f32 s31, s3;
	[tilespmem:$0x1FB70] =	vst v0;
	v0 =	vbroadcast v8, $0xE  }
0x173: {  	[tilespmem:$0x1FBC0] =	vst v9;
	s21 =	spop (v2sf)  }
0x174: {  	s29 =	spop (v2sf);
	[tilespmem:$0x1FB80] =	vst v0;
	v0 =	vmov s3  }
0x175: {  	s30 =	spop (v2sf);
	s14 =	ssub.f32 s29, s14;
	[tilespmem:$0x1FB90] =	vst v0;
	v0 =	vbroadcast v3, $0xE  }
0x176: {  	[tilespmem:$0x1FB60] =	vst v7;
	s26 =	ssub.f32 s30, s21  }
0x177: {  	[tilespmem:$0x1FBA0] =	vst v0;
	v0 =	vbroadcast v4, $0xE  }
0x178: {  	s0 =	smul.f32 s26, s14;
	[tilespmem:v9+s10+$0x0] =	vst.idx.msk $0x1, v1  }
0x179: {  	[tilespmem:$0x1FBB0] =	vst v0;
	v0 =	vimm.s32 $0x4  }
0x17a: {  	s20 =	sxor.u32 $0x80000000, s20;
	[tilespmem:v9+s11+$0x0] =	vst.idx.msk $0x1, v0;
	v0 =	vmov s0  }
0x17b: {  	v15 =	vmov s20;
	s22 =	spop (v2sf);
	[tilespmem:$0x1FBD0] =	vst v0;
	v0 =	vbroadcast v6, $0xF  }
0x17c: {  	[tilespmem:$0x1FC30] =	vst v15;
	s19 =	sxor.u32 $0x80000000, s19;
	s24 =	spop (v2sf)  }
0x17d: {  	v17 =	vmov s19;
	s28 =	spop (v2sf);
	[tilespmem:$0x1FBE0] =	vst v0;
	v0 =	vbroadcast v8, $0xF  }
0x17e: {  	[tilespmem:$0x1FC40] =	vst v17;
	s18 =	sxor.u32 $0x80000000, s18;
	s15 =	ssub.f32 s28, s22;
	s29 =	spop (v2sf)  }
0x17f: {  	v23 =	vmov s18;
	s30 =	ssub.f32 s29, s24;
	[tilespmem:$0x1FBF0] =	vst v0;
	v0 =	vbroadcast v3, $0xF  }
0x180: {  	[tilespmem:$0x1FC50] =	vst v23  }
0x181: {  	s31 =	smul.f32 s30, s15;
	[tilespmem:$0x1FC00] =	vst v0;
	v0 =	vbroadcast v4, $0xF  }
0x182: {  	[tilespmem:v15+s10+$0x0] =	vst.idx.msk $0x1, v1  }
0x183: {  	[tilespmem:$0x1FC10] =	vst v0;
	v0 =	vmov s31  }
0x184: {  	v16 =	vimm.s32 $0x0;
	v18 =	vimm.f32 $-1.000000000e+00;
	[tilespmem:$0x1FC20] =	vst v0;
	v0 =	vimm.s32 $0x5  }
0x185: {  	v26 =	vimm.f32 $-1.000000000e+00;
	v12 =	vimm.f32 $-1.000000000e+00;
	v10 =	vimm.f32 $-1.000000000e+00;
	[tilespmem:v15+s11+$0x0] =	vst.idx.msk $0x1, v0  }
0x186: {  	v14 =	vimm.f32 $-1.000000000e+00;
	v2 =	vimm.s32 $0x0;
	v0 =	vimm.s32 $0x6;
	[tilespmem:v17+s10+$0x0] =	vst.idx.msk $0x1, v1  }
0x187: {  	v5 =	vimm.s32 $0x0;
	v7 =	vimm.s32 $0x0;
	v9 =	vimm.f32 $-1.000000000e+00;
	[tilespmem:v17+s11+$0x0] =	vst.idx.msk $0x1, v0  }
0x188: {  	s20 =	simm.s32 $0x0;
	v6 =	vimm.f32 $-1.000000000e+00;
	v8 =	vimm.s32 $0x0;
	[tilespmem:v23+s10+$0x0] =	vst.idx.msk $0x1, v1;
	v1 =	vimm.s32 $0x7  }
0x189: {  	s19 =	simm.s32 $0x0;
	s18 =	simm.s32 $0x0;
	s21 =	simm.s32 $0x0;
	v4 =	vimm.s32 $0x0;
	v15 =	vimm.f32 $-1.000000000e+00;
	v0 =	vimm.s32 $0x0;
	[tilespmem:v23+s11+$0x0] =	vst.idx.msk $0x1, v1  }
.LBB2_4:
0x18a: {  	v52 =	vld [tilespmem:$0x1F990]  }
0x18b: {  	v50 =	vld [tilespmem:$0x1F970]  }
0x18c: {  	v53 =	vld [tilespmem:$0x1F9A0]  }
0x18d: {  	v51 =	vld [tilespmem:$0x1F980]  }
0x18e: {  	[tilespmem:$0x1F960] =	vst v11;
	v11 =	vld [tilespmem:$0x1FA70]  }
0x18f: {  	v58 =	vld [tilespmem:$0x1F9D0]  }
0x190: {  	v54 =	vld [tilespmem:$0x1F9B0]  }
0x191: {  	v59 =	vld [tilespmem:$0x1F9E0]  }
0x192: {  	s0 =	sshll.u32 s21, $0x8;
	v55 =	vld [tilespmem:$0x1F9C0]  }
0x193: {  	v62 =	vld [tilespmem:$0x1FA10];
	s0 =	sand.u32 $0x3FFFFC00, s0  }
0x194: {  	s25 =	sand.u32 $0x60, s18;
	v60 =	vld [tilespmem:$0x1F9F0];
	s23 =	sadd.s32 $0x5400, s0  }
0x195: {  	v63 =	vld [tilespmem:$0x1FA20];
	s0 =	sor.u32 s25, s23  }
0x196: {  	v1 =	vld [tilespmem:s0+$0x0]  }
0x197: {  	v3 =	vld [tilespmem:s0+$0x80]  }
0x198: {  	v17 =	vld [tilespmem:s0+$0x100]  }
0x199: {  	v29 =	vld [tilespmem:s0+$0x180]  }
0x19a: {  	v30 =	vld [tilespmem:s0+$0x200]  }
0x19b: {  	v61 =	vld [tilespmem:$0x1FA00]  }
0x19c: {  	[tilespmem:$0x1F910] =	vst v16;
	v16 =	vld [tilespmem:$0x1FAB0]  }
0x19d: {  	v21 =	vld [tilespmem:$0x1FAE0]  }
0x19e: {  	[tilespmem:$0x1F940] =	vst v7;
	v7 =	vld [tilespmem:$0x1FA50];
	v28 =	vmin.f32 v52, v17;
	v31 =	vmax.f32 v50, v1;
	v33 =	vmin.f32 v53, v29  }
0x19f: {  	[tilespmem:$0x1F900] =	vst v0;
	v0 =	vld [tilespmem:$0x1FA30];
	v34 =	vmax.f32 v51, v3;
	v44 =	vadd.f32 v30, v11;
	v45 =	vmin.f32 v58, v17  }
0x1a0: {  	[tilespmem:$0x1F870] =	vst v10;
	v10 =	vld [tilespmem:$0x1FA60];
	v46 =	vmax.f32 v54, v1;
	v47 =	vmin.f32 v59, v29;
	v48 =	vmax.f32 v55, v3  }
0x1a1: {  	[tilespmem:$0x1F930] =	vst v5;
	v5 =	vld [tilespmem:$0x1FA40];
	v49 =	vmin.f32 v62, v17;
	v35 =	vmax.f32 v60, v1;
	v56 =	vmin.f32 v63, v29  }
0x1a2: {  	v25 =	vld [tilespmem:$0x1FB70];
	v36 =	vmax.f32 v61, v3;
	v28 =	vsub.f32 v28, v31;
	v43 =	vsub.f32 v33, v34  }
0x1a3: {  	[tilespmem:$0x1F8A0] =	vst v14;
	v14 =	vld [tilespmem:$0x1FAA0];
	v57 =	vadd.f32 v30, v16;
	v23 =	vadd.f32 v30, v21;
	v37 =	vmin.f32 v7, v17  }
0x1a4: {  	[tilespmem:$0x1F950] =	vst v8;
	v8 =	vld [tilespmem:$0x1FB20];
	v38 =	vmax.f32 v0, v1;
	v28 =	vmax.f32 v28, $0.0e+00;
	v31 =	vmax.f32 v43, $0.0e+00  }
0x1a5: {  	v24 =	vld [tilespmem:$0x1FB10];
	v39 =	vmin.f32 v10, v29;
	v33 =	vsub.f32 v47, v48;
	v28 =	vmul.f32 v31, v28  }
0x1a6: {  	v40 =	vmax.f32 v5, v3;
	v0 =	vld [tilespmem:$0x1FB40];
	v34 =	vsub.f32 v49, v35;
	v35 =	vsub.f32 v56, v36  }
0x1a7: {  	[tilespmem:$0x1F890] =	vst v18;
	v18 =	vld [tilespmem:$0x1FAC0];
	v32 =	vmax.f32 v25, v1;
	v42 =	vsub.f32 v37, v38;
	v31 =	vsub.f32 v44, v28  }
0x1a8: {  	[tilespmem:$0x1F8D0] =	vst v12;
	v12 =	vld [tilespmem:$0x1FA90];
	v47 =	vmax.f32 v14, v3;
	v33 =	vmax.f32 v33, $0.0e+00;
	v43 =	vsub.f32 v39, v40  }
0x1a9: {  	v56 =	vld [tilespmem:$0x1FAD0];
	v34 =	vmax.f32 v34, $0.0e+00;
	v35 =	vmax.f32 v35, $0.0e+00;
	(erf) = vrcp.f32 v31  }
0x1aa: {  	v19 =	vld [tilespmem:$0x1FB30];
	v34 =	vmul.f32 v35, v34;
	v35 =	vmax.f32 v42, $0.0e+00;
	v37 =	vmax.f32 v43, $0.0e+00  }
0x1ab: {  	v22 =	vld [tilespmem:$0x1FB00];
	v42 =	vmin.f32 v0, v29;
	v43 =	vmax.f32 v24, v3;
	v31 =	vsub.f32 v45, v46  }
0x1ac: {  	[tilespmem:$0x1F920] =	vst v4;
	v4 =	vld [tilespmem:$0x1FB50];
	v36 =	vsub.f32 v23, v34;
	v35 =	vmul.f32 v37, v35;
	v37 =	vadd.f32 v30, v8  }
0x1ad: {  	[tilespmem:$0x1F8C0] =	vst v9;
	v9 =	vld [tilespmem:$0x1FB90];
	v44 =	vmin.f32 v18, v17;
	v45 =	vmax.f32 v12, v1;
	v31 =	vmax.f32 v31, $0.0e+00  }
0x1ae: {  	[tilespmem:$0x1F8B0] =	vst v15;
	v15 =	vld [tilespmem:$0x1FBA0];
	v46 =	vmin.f32 v56, v29;
	v38 =	vsub.f32 v44, v45;
	v31 =	vmul.f32 v33, v31  }
0x1af: {  	v20 =	vld [tilespmem:$0x1FBB0];
	v49 =	vmin.f32 v19, v17;
	v48 =	vsub.f32 v46, v47;
	v44 =	vsub.f32 v42, v43  }
0x1b0: {  	[tilespmem:$0x1F8E0] =	vst v6;
	v6 =	vld [tilespmem:$0x1FB80];
	v45 =	vsub.f32 v37, v35;
	v33 =	vsub.f32 v57, v31;
	v57 =	vmax.f32 v22, v1  }
0x1b1: {  	[tilespmem:$0x1F880] =	vst v26;
	v26 =	vld [tilespmem:$0x1FBF0];
	v46 =	vmax.f32 v38, $0.0e+00;
	v47 =	vmax.f32 v48, $0.0e+00;
	v23 =	vsub.f32 v49, v57  }
0x1b2: {  	v0 =	vld [tilespmem:$0x1FC10];
	v48 =	vmax.f32 v44, $0.0e+00;
	v57 =	vadd.f32 v30, v9;
	v41 =	vpop (erf);
	(erf) = vrcp.f32 v33  }
0x1b3: {  	v27 =	vld [tilespmem:$0x1FC00];
	v33 =	vmax.f32 v23, $0.0e+00;
	v23 =	vmin.f32 v15, v17;
	(erf) = vrcp.f32 v36  }
0x1b4: {  	v33 =	vmul.f32 v48, v33;
	(erf) = vrcp.f32 v45;
	v45 =	vsub.f32 v23, v32;
	v23 =	vld [tilespmem:$0x1FBE0]  }
0x1b5: {  	v37 =	vmul.f32 v47, v46;
	v46 =	vmin.f32 v20, v29;
	v47 =	vmax.f32 v6, v3  }
0x1b6: {  	v40 =	vsub.f32 v46, v47;
	v39 =	vsub.f32 v57, v33;
	v57 =	vld [tilespmem:$0x1FBD0]  }
0x1b7: {  	v29 =	vmin.f32 v0, v29;
	v3 =	vmax.f32 v26, v3;
	v49 =	vadd.f32 v30, v4  }
0x1b8: {  	[tilespmem:$0x1F8F0] =	vst v2;
	s22 =	sshra.s32 s20, $0x2;
	v2 =	vld [tilespmem:$0x1FC20];
	v3 =	vsub.f32 v29, v3;
	v40 =	vmax.f32 v40, $0.0e+00  }
0x1b9: {  	v44 =	vsub.f32 v49, v37;
	v17 =	vmin.f32 v27, v17;
	v48 =	vld [tilespmem:s22+$0xF400];
	v1 =	vmax.f32 v23, v1  }
0x1ba: {  	v3 =	vmax.f32 v3, $0.0e+00;
	v38 =	vmax.f32 v45, $0.0e+00;
	v1 =	vsub.f32 v17, v1  }
0x1bb: {  	(erf) = vrcp.f32 v44;
	v17 =	vmul.f32 v40, v38;
	v49 =	vadd.f32 v30, v57  }
0x1bc: {  	v28 =	vmul.f32 v41, v28;
	(erf) = vrcp.f32 v39;
	v1 =	vmax.f32 v1, $0.0e+00  }
0x1bd: {  	v32 =	vsub.f32 v49, v17;
	v40 =	vmul.f32 v3, v1;
	v1 =	vadd.f32 v30, v2;
	v3 =	vpop (erf)  }
0x1be: {  	vm0 =	vgt.f32 v28, v48;
	v29 =	vmul.f32 v3, v31  }
0x1bf: {  	(erf) = vrcp.f32 v32;
	v3 =	vsel vm0, v28, v48;
	v1 =	vsub.f32 v1, v40  }
0x1c0: {  	v41 =	vpop (erf);
	vm1 =	vgt.f32 v29, v3  }
0x1c1: {  	v30 =	vmul.f32 v41, v34;
	(erf) = vrcp.f32 v1;
	v3 =	vsel vm1, v29, v3  }
0x1c2: {  	v42 =	vpop (erf);
	v1 =	vld [tilespmem:s22+$0x10800]  }
0x1c3: {  	v31 =	vmul.f32 v42, v35;
	vm2 =	vgt.f32 v30, v3  }
0x1c4: {  	v34 =	vsel vm2, v30, v3;
	v3 =	vpop (erf)  }
0x1c5: {  	vm3 =	vgt.f32 v31, v34;
	v3 =	vmul.f32 v3, v37  }
0x1c6: {  	v34 =	vsel vm3, v31, v34;
	v43 =	vpop (erf)  }
0x1c7: {  	v44 =	vsel vm0, $0x8, v1;
	v1 =	vmul.f32 v43, v33;
	vm15 =	vgt.f32 v3, v34  }
0x1c8: {  	v45 =	vsel vm1, $0x9, v44;
	v46 =	vpop (erf);
	v34 =	vsel vm15, v3, v34  }
0x1c9: {  	v33 =	vsel vm2, $0xA, v45;
	v17 =	vmul.f32 v46, v17;
	vm4 =	vgt.f32 v1, v34  }
0x1ca: {  	v33 =	vsel vm3, $0xB, v33;
	v34 =	vsel vm4, v1, v34;
	v47 =	vpop (erf)  }
0x1cb: {  	v48 =	vsel vm15, $0xC, v33;
	vm5 =	vgt.f32 v17, v34;
	v33 =	vmul.f32 v47, v40  }
0x1cc: {  	v49 =	vsel vm4, $0xD, v48;
	v34 =	vsel vm5, v17, v34  }
0x1cd: {  	s26 =	sshll.u32 s21, $0x7;
	v35 =	vsel vm5, $0xE, v49;
	vm6 =	vgt.f32 v33, v34  }
0x1ce: {  	s24 =	sand.u32 $0xFFFFFE00, s26;
	v35 =	vsel vm6, $0xF, v35  }
0x1cf: {  	s25 =	sor.u32 s25, s24;
	[tilespmem:s22+$0x10800] =	vst v35  }
0x1d0: {  	v32 =	vld [tilespmem:s25+$0x100]  }
0x1d1: {  	v37 =	vld [tilespmem:s25+$0x180];
	_ =	sdelay $0x3  }
0x1d2: {  	v44 =	vmul.f32 $1.000000010e-01, v32  }
0x1d3: {  	v45 =	vmul.f32 $1.000000010e-01, v37  }
0x1d4: {  	v46 =	vadd.s32 $0x100, v35;
	(erf) = vrcp.f32 v44  }
0x1d5: {  	(erf) = vrcp.f32 v45  }
0x1d6: {  	(erf) = vrcp.f32 v32;
	_ =	sdelay $0x1  }
0x1d7: {  	v36 =	vld.idx.msk [tilespmem:v35+s9+$0x0], $0xffff  }
0x1d8: {  	v38 =	vld.idx.msk [tilespmem:v46+s9+$0x0], $0xffff;
	_ =	sdelay $0x3  }
0x1d9: {  	v39 =	vpop (erf)  }
0x1da: {  	v47 =	vsub.f32 v38, v36;
	v40 =	vpop (erf)  }
0x1db: {  	v48 =	vpop (erf)  }
0x1dc: {  	v41 =	vmul.f32 v48, v47;
	_ =	sdelay $0x1  }
0x1dd: {  	v42 =	vand.u32 $0x7FFFFF, v41  }
0x1de: {  	v42 =	vor.u32 $0x3F800000, v42  }
0x1df: {  	v49 =	vmul.f32 $5.000000000e-01, v42  }
0x1e0: {  	vm7 =	vgt.f32 v42, $1.414213540e+00  }
0x1e1: {  	v42 =	vsel vm7, v49, v42  }
0x1e2: {  	v45 =	vadd.s32 $0x180, v35;
	v44 =	vadd.f32 $1.000000000e+00, v42  }
0x1e3: {  	v32 =	vadd.s32 $0x80, v35  }
0x1e4: {  	(erf) = vrcp.f32 v44  }
0x1e5: {  	(erf) = vrcp.f32 v37;
	_ =	sdelay $0x1  }
0x1e6: {  	v43 =	vld.idx.msk [tilespmem:v45+s9+$0x0], $0xffff  }
0x1e7: {  	v37 =	vld.idx.msk [tilespmem:v32+s9+$0x0], $0xffff;
	_ =	sdelay $0x4  }
0x1e8: {  	v45 =	vsub.f32 v43, v37;
	v44 =	vpop (erf)  }
0x1e9: {  	v46 =	vpop (erf)  }
0x1ea: {  	v45 =	vmul.f32 v46, v45;
	_ =	sdelay $0x1  }
0x1eb: {  	v46 =	vand.u32 $0x7FFFFF, v45  }
0x1ec: {  	v46 =	vor.u32 $0x3F800000, v46  }
0x1ed: {  	v47 =	vmul.f32 $5.000000000e-01, v46  }
0x1ee: {  	vm8 =	vgt.f32 v46, $1.414213540e+00  }
0x1ef: {  	v46 =	vsel vm8, v47, v46  }
0x1f0: {  	v47 =	vadd.f32 $1.000000000e+00, v46;
	_ =	sdelay $0x1  }
0x1f1: {  	(erf) = vrcp.f32 v47;
	_ =	sdelay $0x5  }
0x1f2: {  	v42 =	vadd.f32 $-1.000000000e+00, v42;
	_ =	sdelay $0x1  }
0x1f3: {  	v42 =	vmul.f32 v44, v42;
	v48 =	vadd.f32 $-1.000000000e+00, v46  }
0x1f4: {  	v49 =	vpop (erf)  }
0x1f5: {  	v47 =	vmul.f32 v42, v42;
	v44 =	vmul.f32 v49, v48;
	_ =	sdelay $0x1  }
0x1f6: {  	v32 =	vmul.f32 $0.0e+00, v47;
	v48 =	vmul.f32 v44, v44;
	_ =	sdelay $0x1  }
0x1f7: {  	v46 =	vadd.f32 $1.111111120e-01, v32;
	v49 =	vmul.f32 $0.0e+00, v48;
	_ =	sdelay $0x1  }
0x1f8: {  	v46 =	vmul.f32 v46, v47;
	v49 =	vadd.f32 $1.111111120e-01, v49;
	_ =	sdelay $0x1  }
0x1f9: {  	v46 =	vadd.f32 $1.428571490e-01, v46;
	v49 =	vmul.f32 v49, v48;
	_ =	sdelay $0x1  }
0x1fa: {  	v46 =	vmul.f32 v46, v47;
	v49 =	vadd.f32 $1.428571490e-01, v49;
	_ =	sdelay $0x1  }
0x1fb: {  	v46 =	vadd.f32 $2.000000030e-01, v46;
	v49 =	vmul.f32 v49, v48  }
0x1fc: {  	v36 =	vadd.f32 v38, v36  }
0x1fd: {  	v35 =	vadd.s32 $0x200, v35;
	v38 =	vmul.f32 v46, v47;
	v49 =	vadd.f32 $2.000000030e-01, v49  }
0x1fe: {  	v41 =	vshra.s32 v41, $0x17;
	v37 =	vadd.f32 v43, v37;
	v32 =	vimm.s32 $0x0  }
0x1ff: {  	v13 =	vld [tilespmem:$0x1FFE0];
	v46 =	vsel vm7, $0x1, v32;
	v38 =	vadd.f32 $3.333333430e-01, v38;
	v43 =	vmul.f32 v49, v48  }
0x200: {  	v45 =	vshra.s32 v45, $0x17;
	v32 =	vsel vm8, $0x1, v32;
	v41 =	vadd.s32 v46, v41  }
0x201: {  	v46 =	vld [tilespmem:s25+$0x80];
	v45 =	vadd.s32 v32, v45;
	v38 =	vmul.f32 v38, v47;
	v43 =	vadd.f32 $3.333333430e-01, v43  }
0x202: {  	v35 =	vld.idx.msk [tilespmem:v35+s9+$0x0], $0xffff;
	v42 =	vadd.f32 v42, v42;
	v41 =	vadd.s32 $0xFFFFFF81, v41;
	v45 =	vadd.s32 $0xFFFFFF81, v45  }
0x203: {  	v41 =	vcvt.s32.f32 v41;
	v38 =	vadd.f32 $1.000000000e+00, v38;
	v49 =	vld [tilespmem:s25+$0x0];
	v43 =	vmul.f32 v43, v48  }
0x204: {  	v37 =	vmul.f32 v37, v13;
	v44 =	vadd.f32 v44, v44;
	v32 =	vld [tilespmem:$0x1FFF0];
	v45 =	vcvt.s32.f32 v45  }
0x205: {  	v41 =	vmul.f32 $6.931471820e-01, v41;
	v38 =	vmul.f32 v38, v42;
	v43 =	vadd.f32 $1.000000000e+00, v43  }
0x206: {  	v36 =	vmul.f32 v36, v13;
	v37 =	vsub.f32 v37, v46  }
0x207: {  	v45 =	vmul.f32 $6.931471820e-01, v45;
	v38 =	vadd.f32 v38, v41;
	v43 =	vmul.f32 v43, v44  }
0x208: {  	v37 =	vmul.f32 v40, v37;
	v36 =	vsub.f32 v36, v49  }
0x209: {  	v35 =	vtrunc.f32 v35;
	v47 =	vmul.f32 v38, v32;
	v46 =	vadd.f32 v43, v45  }
0x20a: {  	v35 =	vcvt.f32.s32 v35;
	[tilespmem:s25+$0x11C80] =	vst v37;
	v36 =	vmul.f32 v39, v36  }
0x20b: {  	v34 =	vsel vm6, v33, v34;
	[tilespmem:s25+$0x11D00] =	vst v47;
	v48 =	vmul.f32 v46, v32  }
0x20c: {  	s28 =	sadd.s32 $0x10, s18;
	vm0 =	vlt.f32 v34, $5.000000000e-01;
	v35 =	vadd.s32 $0x1, v35;
	[tilespmem:s25+$0x11C00] =	vst v36  }
0x20d: {  	s29 =	sand.u32 $0x70, s28;
	v34 =	vsel vm0, $0x0, v35;
	[tilespmem:s25+$0x11D80] =	vst v48  }
0x20e: {  	s0 =	sor.u32 s29, s23;
	[tilespmem:s22+$0x16C00] =	vst v34  }
0x20f: {  	v35 =	vld [tilespmem:s0+$0x0]  }
0x210: {  	v36 =	vld [tilespmem:s0+$0x80]  }
0x211: {  	v37 =	vld [tilespmem:s0+$0x100]  }
0x212: {  	v38 =	vld [tilespmem:s0+$0x180]  }
0x213: {  	v39 =	vld [tilespmem:s0+$0x200];
	_ =	sdelay $0x2  }
0x214: {  	v49 =	vmin.f32 v52, v37  }
0x215: {  	v52 =	vmax.f32 v50, v35;
	v53 =	vmin.f32 v53, v38;
	v45 =	vmax.f32 v51, v36  }
0x216: {  	v47 =	vadd.f32 v39, v11;
	v48 =	vmin.f32 v58, v37;
	v50 =	vmin.f32 v59, v38  }
0x217: {  	v51 =	vmax.f32 v55, v36;
	v58 =	vadd.f32 v39, v16;
	v59 =	vadd.f32 v39, v21  }
0x218: {  	v55 =	vmax.f32 v61, v36;
	v34 =	vsub.f32 v49, v52;
	v46 =	vsub.f32 v53, v45  }
0x219: {  	v49 =	vmax.f32 v54, v35;
	v41 =	vsub.f32 v50, v51;
	v52 =	vmin.f32 v62, v37  }
0x21a: {  	v53 =	vmax.f32 v60, v35;
	v54 =	vmin.f32 v63, v38;
	v60 =	vmin.f32 v7, v37  }
0x21b: {  	v62 =	vmin.f32 v10, v38;
	v63 =	vmax.f32 v5, v36;
	v42 =	vsub.f32 v52, v53  }
0x21c: {  	v7 =	vld [tilespmem:$0x1FA30];
	v43 =	vsub.f32 v54, v55;
	v34 =	vmax.f32 v34, $0.0e+00;
	v40 =	vmax.f32 v46, $0.0e+00  }
0x21d: {  	v5 =	vld [tilespmem:$0x1FB40];
	v53 =	vsub.f32 v62, v63;
	v54 =	vmin.f32 v18, v37;
	v34 =	vmul.f32 v40, v34  }
0x21e: {  	v55 =	vmax.f32 v12, v35;
	v62 =	vmax.f32 v22, v35;
	v41 =	vmax.f32 v41, $0.0e+00  }
0x21f: {  	v42 =	vmax.f32 v42, $0.0e+00;
	v43 =	vmax.f32 v43, $0.0e+00;
	v40 =	vsub.f32 v47, v34  }
0x220: {  	v46 =	vsub.f32 v54, v55;
	v45 =	vmax.f32 v53, $0.0e+00;
	v42 =	vmul.f32 v43, v42  }
0x221: {  	v61 =	vmax.f32 v7, v35;
	(erf) = vrcp.f32 v40;
	v40 =	vsub.f32 v48, v49  }
0x222: {  	v54 =	vmax.f32 v46, $0.0e+00;
	v63 =	vmin.f32 v5, v38;
	v52 =	vsub.f32 v60, v61  }
0x223: {  	v44 =	vsub.f32 v59, v42;
	v59 =	vmax.f32 v14, v36;
	v40 =	vmax.f32 v40, $0.0e+00  }
0x224: {  	v61 =	vmin.f32 v19, v37;
	v43 =	vmax.f32 v52, $0.0e+00;
	v40 =	vmul.f32 v41, v40  }
0x225: {  	v22 =	vsub.f32 v61, v62;
	v43 =	vmul.f32 v45, v43;
	v45 =	vadd.f32 v39, v8  }
0x226: {  	v61 =	vmax.f32 v25, v35;
	v41 =	vsub.f32 v58, v40;
	v58 =	vmin.f32 v56, v38  }
0x227: {  	v35 =	vmax.f32 v23, v35;
	v53 =	vsub.f32 v45, v43;
	v60 =	vsub.f32 v58, v59  }
0x228: {  	v58 =	vadd.f32 v39, v4;
	v59 =	vadd.f32 v39, v9;
	(erf) = vrcp.f32 v41  }
0x229: {  	v41 =	vmax.f32 v22, $0.0e+00;
	v22 =	vmax.f32 v6, v36;
	(erf) = vrcp.f32 v44  }
0x22a: {  	v55 =	vmax.f32 v60, $0.0e+00;
	v60 =	vmin.f32 v15, v37;
	v37 =	vmin.f32 v27, v37;
	v21 =	vpop (erf)  }
0x22b: {  	v45 =	vmul.f32 v55, v54;
	v34 =	vmul.f32 v21, v34;
	v21 =	vmax.f32 v24, v36  }
0x22c: {  	(erf) = vrcp.f32 v53;
	v35 =	vsub.f32 v37, v35;
	v52 =	vsub.f32 v63, v21  }
0x22d: {  	v54 =	vadd.f32 v39, v57;
	v36 =	vmax.f32 v26, v36;
	v21 =	vmin.f32 v20, v38  }
0x22e: {  	v63 =	vsub.f32 v60, v61;
	v48 =	vsub.f32 v21, v22;
	v56 =	vmax.f32 v52, $0.0e+00  }
0x22f: {  	v62 =	vsub.f32 v58, v45;
	v38 =	vmin.f32 v0, v38;
	v41 =	vmul.f32 v56, v41  }
0x230: {  	v36 =	vsub.f32 v38, v36;
	v46 =	vmax.f32 v63, $0.0e+00;
	v52 =	vld [tilespmem:s22+$0xF410];
	v48 =	vmax.f32 v48, $0.0e+00  }
0x231: {  	(erf) = vrcp.f32 v62;
	v53 =	vmul.f32 v48, v46;
	v47 =	vsub.f32 v59, v41  }
0x232: {  	v55 =	vadd.f32 v39, v2;
	v35 =	vmax.f32 v35, $0.0e+00;
	v36 =	vmax.f32 v36, $0.0e+00  }
0x233: {  	v35 =	vmul.f32 v36, v35;
	v56 =	vpop (erf);
	v38 =	vsub.f32 v54, v53;
	(erf) = vrcp.f32 v47  }
0x234: {  	v39 =	vmul.f32 v56, v40  }
0x235: {  	v36 =	vsub.f32 v55, v35;
	vm9 =	vgt.f32 v34, v52;
	(erf) = vrcp.f32 v38  }
0x236: {  	v58 =	vpop (erf);
	v57 =	vsel vm9, v34, v52  }
0x237: {  	v40 =	vmul.f32 v58, v42;
	vm10 =	vgt.f32 v39, v57;
	(erf) = vrcp.f32 v36  }
0x238: {  	v60 =	vld [tilespmem:s22+$0x10810];
	v59 =	vpop (erf);
	v38 =	vsel vm10, v39, v57  }
0x239: {  	v36 =	vmul.f32 v59, v43;
	vm11 =	vgt.f32 v40, v38  }
0x23a: {  	v61 =	vpop (erf);
	v38 =	vsel vm11, v40, v38  }
0x23b: {  	v43 =	vmul.f32 v61, v45;
	vm12 =	vgt.f32 v36, v38  }
0x23c: {  	v38 =	vsel vm12, v36, v38;
	v62 =	vpop (erf)  }
0x23d: {  	v42 =	vsel vm9, $0x8, v60;
	vm13 =	vgt.f32 v43, v38;
	v41 =	vmul.f32 v62, v41  }
0x23e: {  	v42 =	vsel vm10, $0x9, v42;
	v38 =	vsel vm13, v43, v38;
	v63 =	vpop (erf)  }
0x23f: {  	v42 =	vsel vm11, $0xA, v42;
	v37 =	vmul.f32 v63, v53;
	vm14 =	vgt.f32 v41, v38  }
0x240: {  	v42 =	vsel vm12, $0xB, v42;
	v21 =	vpop (erf);
	v38 =	vsel vm14, v41, v38  }
0x241: {  	v42 =	vsel vm13, $0xC, v42;
	v35 =	vmul.f32 v21, v35;
	vm15 =	vgt.f32 v37, v38  }
0x242: {  	v42 =	vsel vm14, $0xD, v42;
	v38 =	vsel vm15, v37, v38  }
0x243: {  	v42 =	vsel vm15, $0xE, v42;
	vm0 =	vgt.f32 v35, v38  }
0x244: {  	v42 =	vsel vm0, $0xF, v42  }
0x245: {  	s30 =	sor.u32 s24, s29;
	[tilespmem:s22+$0x10810] =	vst v42  }
0x246: {  	v22 =	vld [tilespmem:s30+$0x100]  }
0x247: {  	v23 =	vld [tilespmem:s30+$0x180];
	_ =	sdelay $0x3  }
0x248: {  	v56 =	vmul.f32 $1.000000010e-01, v22  }
0x249: {  	v57 =	vmul.f32 $1.000000010e-01, v23  }
0x24a: {  	v58 =	vadd.s32 $0x100, v42;
	(erf) = vrcp.f32 v56  }
0x24b: {  	(erf) = vrcp.f32 v57  }
0x24c: {  	(erf) = vrcp.f32 v22;
	_ =	sdelay $0x1  }
0x24d: {  	v44 =	vld.idx.msk [tilespmem:v42+s9+$0x0], $0xffff  }
0x24e: {  	v46 =	vld.idx.msk [tilespmem:v58+s9+$0x0], $0xffff;
	_ =	sdelay $0x3  }
0x24f: {  	v47 =	vpop (erf)  }
0x250: {  	v59 =	vsub.f32 v46, v44;
	v48 =	vpop (erf)  }
0x251: {  	v60 =	vpop (erf)  }
0x252: {  	v49 =	vmul.f32 v60, v59;
	_ =	sdelay $0x1  }
0x253: {  	v50 =	vand.u32 $0x7FFFFF, v49  }
0x254: {  	v0 =	vld [tilespmem:$0x1F870];
	v50 =	vor.u32 $0x3F800000, v50  }
0x255: {  	v61 =	vmul.f32 $5.000000000e-01, v50  }
0x256: {  	vm14 =	vgt.f32 v50, $1.414213540e+00  }
0x257: {  	v50 =	vsel vm14, v61, v50  }
0x258: {  	v62 =	vadd.s32 $0x80, v42;
	v63 =	vadd.f32 $1.000000000e+00, v50  }
0x259: {  	vm1 =	vgt.f32 v28, v0;
	v21 =	vadd.s32 $0x180, v42  }
0x25a: {  	v27 =	vsel vm1, v28, v0;
	v0 =	vld [tilespmem:$0x1F880];
	(erf) = vrcp.f32 v63  }
0x25b: {  	(erf) = vrcp.f32 v23;
	_ =	sdelay $0x1  }
0x25c: {  	v45 =	vld.idx.msk [tilespmem:v62+s9+$0x0], $0xffff  }
0x25d: {  	v51 =	vld.idx.msk [tilespmem:v21+s9+$0x0], $0xffff  }
0x25e: {  	vm2 =	vgt.f32 v29, v0  }
0x25f: {  	v26 =	vsel vm2, v29, v0;
	v0 =	vld [tilespmem:$0x1F890];
	_ =	sdelay $0x2  }
0x260: {  	v53 =	vsub.f32 v51, v45;
	v52 =	vpop (erf)  }
0x261: {  	v22 =	vpop (erf)  }
0x262: {  	vm3 =	vgt.f32 v30, v0;
	v53 =	vmul.f32 v22, v53  }
0x263: {  	v61 =	vsel vm3, v30, v0;
	v0 =	vld [tilespmem:$0x1F8A0]  }
0x264: {  	v54 =	vand.u32 $0x7FFFFF, v53  }
0x265: {  	v54 =	vor.u32 $0x3F800000, v54  }
0x266: {  	v23 =	vmul.f32 $5.000000000e-01, v54  }
0x267: {  	vm15 =	vgt.f32 v54, $1.414213540e+00  }
0x268: {  	vm4 =	vgt.f32 v31, v0;
	v54 =	vsel vm15, v23, v54  }
0x269: {  	v20 =	vsel vm4, v31, v0;
	v0 =	vld [tilespmem:$0x1F8B0];
	v55 =	vadd.f32 $1.000000000e+00, v54;
	_ =	sdelay $0x1  }
0x26a: {  	(erf) = vrcp.f32 v55;
	_ =	sdelay $0x2  }
0x26b: {  	v2 =	vld [tilespmem:$0x1F910];
	v50 =	vadd.f32 $-1.000000000e+00, v50;
	vm5 =	vgt.f32 v3, v0  }
0x26c: {  	v3 =	vsel vm5, v3, v0;
	v0 =	vld [tilespmem:$0x1F8C0]  }
0x26d: {  	v50 =	vmul.f32 v52, v50;
	_ =	sdelay $0x1  }
0x26e: {  	v58 =	vmul.f32 v50, v50  }
0x26f: {  	v19 =	vsel vm3, s19, v2;
	v2 =	vld [tilespmem:$0x1F920];
	v57 =	vadd.f32 $-1.000000000e+00, v54  }
0x270: {  	v62 =	vmul.f32 $0.0e+00, v58;
	vm7 =	vgt.f32 v1, v0;
	v59 =	vpop (erf)  }
0x271: {  	v1 =	vsel vm7, v1, v0;
	v0 =	vld [tilespmem:$0x1F8D0];
	v60 =	vmul.f32 v59, v57  }
0x272: {  	vm9 =	vgt.f32 v34, v27;
	v15 =	vadd.f32 $1.111111120e-01, v62  }
0x273: {  	v10 =	vsel vm9, v34, v27;
	v63 =	vmul.f32 v60, v60  }
0x274: {  	vm10 =	vgt.f32 v39, v26;
	v8 =	vsel vm4, s19, v2;
	v2 =	vld [tilespmem:$0x1F930];
	v15 =	vmul.f32 v15, v58  }
0x275: {  	v26 =	vsel vm10, v39, v26;
	vm11 =	vgt.f32 v40, v61;
	v9 =	vmul.f32 $0.0e+00, v63  }
0x276: {  	v18 =	vsel vm11, v40, v61;
	vm8 =	vgt.f32 v17, v0;
	v15 =	vadd.f32 $1.428571490e-01, v15  }
0x277: {  	s31 =	sadd.s32 $0x1, s19;
	vm12 =	vgt.f32 v36, v20;
	v17 =	vsel vm8, v17, v0;
	v0 =	vld [tilespmem:$0x1F8E0];
	v9 =	vadd.f32 $1.111111120e-01, v9  }
0x278: {  	v16 =	vsel vm11, s31, v19;
	v14 =	vsel vm12, v36, v20;
	v25 =	vmul.f32 v15, v58  }
0x279: {  	v24 =	vsel vm5, s19, v2;
	vm13 =	vgt.f32 v43, v3;
	v9 =	vmul.f32 v9, v63  }
0x27a: {  	v52 =	vadd.s32 $0x200, v42;
	v22 =	vadd.f32 v46, v44;
	v25 =	vadd.f32 $2.000000030e-01, v25  }
0x27b: {  	v54 =	vadd.f32 v50, v50;
	v55 =	vshra.s32 v53, $0x17;
	v9 =	vadd.f32 $1.428571490e-01, v9  }
0x27c: {  	v15 =	vsel vm13, v43, v3;
	vm6 =	vgt.f32 v33, v0;
	v25 =	vmul.f32 v25, v58  }
0x27d: {  	v3 =	vld [tilespmem:s30+$0x0];
	v6 =	vsel vm6, v33, v0;
	v0 =	vimm.s32 $0x0;
	v44 =	vmul.f32 v9, v63  }
0x27e: {  	v33 =	vmul.f32 v22, v13;
	v21 =	vsel vm14, $0x1, v0;
	vm14 =	vgt.f32 v41, v1  }
0x27f: {  	v46 =	vadd.f32 $3.333333430e-01, v25;
	v9 =	vsel vm14, v41, v1;
	v36 =	vadd.f32 $2.000000030e-01, v44  }
0x280: {  	v1 =	vadd.f32 v51, v45;
	v45 =	vsel vm15, $0x1, v0;
	vm15 =	vgt.f32 v37, v17  }
0x281: {  	v23 =	vld [tilespmem:s30+$0x80];
	v28 =	vmul.f32 v46, v58;
	v12 =	vsel vm15, v37, v17;
	v17 =	vmul.f32 v36, v63  }
0x282: {  	v3 =	vsub.f32 v33, v3;
	v57 =	vsel vm0, v35, v38;
	vm0 =	vgt.f32 v35, v6  }
0x283: {  	v2 =	vld [tilespmem:$0x1F940];
	v28 =	vadd.f32 $1.000000000e+00, v28;
	v51 =	vshra.s32 v49, $0x17;
	v17 =	vadd.f32 $3.333333430e-01, v17  }
0x284: {  	v29 =	vadd.f32 v60, v60;
	v0 =	vld [tilespmem:$0x1F8F0];
	v30 =	vadd.s32 v21, v51;
	v1 =	vmul.f32 v1, v13  }
0x285: {  	v30 =	vadd.s32 $0xFFFFFF81, v30;
	v36 =	vadd.s32 v45, v55;
	v17 =	vmul.f32 v17, v63  }
0x286: {  	v33 =	vld.idx.msk [tilespmem:v52+s9+$0x0], $0xffff;
	v30 =	vcvt.s32.f32 v30;
	v1 =	vsub.f32 v1, v23;
	v56 =	vadd.s32 $0xFFFFFF81, v36  }
0x287: {  	v28 =	vmul.f32 v28, v54;
	v31 =	vcvt.s32.f32 v56;
	v17 =	vadd.f32 $1.000000000e+00, v17  }
0x288: {  	v59 =	vsel vm7, s19, v2;
	v2 =	vld [tilespmem:$0x1F950];
	v30 =	vmul.f32 $6.931471820e-01, v30;
	v1 =	vmul.f32 v48, v1  }
0x289: {  	v4 =	vsel vm1, s19, v0;
	v0 =	vld [tilespmem:$0x1F900];
	v58 =	vmul.f32 $6.931471820e-01, v31;
	v17 =	vmul.f32 v17, v29  }
0x28a: {  	v5 =	vsel vm13, s31, v24;
	v6 =	vsel vm0, v35, v6;
	v28 =	vadd.f32 v28, v30;
	[tilespmem:s30+$0x11C80] =	vst v1;
	v1 =	vld [tilespmem:$0x1F960]  }
0x28b: {  	p0 =	sne.s32 s20, $0x4E80;
	v3 =	vmul.f32 v47, v3;
	v60 =	vtrunc.f32 v33;
	v17 =	vadd.f32 v17, v58  }
.Ltmp1:
0x28c: {  	v7 =	vsel vm14, s31, v59;
	v62 =	vcvt.f32.s32 v60;
	v61 =	vmul.f32 v28, v32;
	(pc) =	sbr.rel @p0 .LBB2_4-.Ltmp1, $4  }
0x28d: {  	[tilespmem:s30+$0x11C00] =	vst v3;
	v3 =	vsel vm8, s19, v2;
	vm1 =	vlt.f32 v57, $5.000000000e-01;
	v17 =	vmul.f32 v17, v32  }
0x28e: {  	v2 =	vsel vm9, s31, v4;
	v4 =	vsel vm12, s31, v8;
	v63 =	vadd.s32 $0x1, v62;
	[tilespmem:s30+$0x11D00] =	vst v61  }
0x28f: {  	s21 =	sadd.s32 $0x1, s21;
	v0 =	vsel vm2, s19, v0;
	v1 =	vsel vm6, s19, v1;
	[tilespmem:s30+$0x11D80] =	vst v17;
	v17 =	vsel vm1, $0x0, v63  }
0x290: {  	s18 =	sadd.s32 $0x20, s18;
	s20 =	sadd.s32 $0x80, s20;
	v8 =	vsel vm15, s31, v3;
	v0 =	vsel vm10, s31, v0;
	s19 =	sadd.s32 $0x2, s19;
	v11 =	vsel vm0, s31, v1;
	[tilespmem:s22+$0x16C10] =	vst v17  }
0x291: {  	(xrf0) =	vmax.scan.msk.f32 $0xffff, v10;
	_ =	sdelay $0x3  }
0x292: {  	v23 =	vld [tilespmem:$0x1FFD0];
	_ =	sdelay $0x1  }
0x293: {  	v1, _, _ =	vpop (xrf0)  }
0x294: {  	v1 =	vbroadcast v1, $0xF  }
0x295: {  	v2 =	vshll.u32 v2, $0x4  }
0x296: {  	v24 =	vxor.u32 v23, v2;
	vm0 =	veq.f32 v10, v1  }
0x297: {  	v1 =	vnsel vm0, $0x80100000, v24  }
0x298: {  	(xrf0) =	vmin.scan.msk.u32 $0xffff, v1  }
0x299: {  	(xrf0) =	vmax.scan.msk.f32 $0xffff, v26;
	_ =	sdelay $0x4  }
0x29a: {  	v1, _, _ =	vpop (xrf0)  }
0x29b: {  	v25, _, _ =	vpop (xrf0)  }
0x29c: {  	v2 =	vbroadcast v25, $0xF  }
0x29d: {  	v0 =	vshll.u32 v0, $0x4  }
0x29e: {  	v0 =	vxor.u32 v23, v0;
	vm5 =	veq.f32 v26, v2  }
0x29f: {  	v0 =	vnsel vm5, $0x80100000, v0  }
0x2a0: {  	(xrf0) =	vmin.scan.msk.u32 $0xffff, v0  }
0x2a1: {  	(xrf0) =	vmax.scan.msk.f32 $0xffff, v18;
	_ =	sdelay $0x4  }
0x2a2: {  	v0, _, _ =	vpop (xrf0)  }
0x2a3: {  	v26, _, _ =	vpop (xrf0)  }
0x2a4: {  	v2 =	vbroadcast v26, $0xF  }
0x2a5: {  	v3 =	vshll.u32 v16, $0x4  }
0x2a6: {  	v27 =	vxor.u32 v23, v3;
	vm6 =	veq.f32 v18, v2  }
0x2a7: {  	v2 =	vnsel vm6, $0x80100000, v27  }
0x2a8: {  	(xrf0) =	vmin.scan.msk.u32 $0xffff, v2  }
0x2a9: {  	(xrf0) =	vmax.scan.msk.f32 $0xffff, v14;
	_ =	sdelay $0x4  }
0x2aa: {  	v2, _, _ =	vpop (xrf0)  }
0x2ab: {  	v28, _, _ =	vpop (xrf0)  }
0x2ac: {  	v3 =	vbroadcast v28, $0xF  }
0x2ad: {  	v4 =	vshll.u32 v4, $0x4  }
0x2ae: {  	v29 =	vxor.u32 v23, v4;
	vm7 =	veq.f32 v14, v3  }
0x2af: {  	v3 =	vnsel vm7, $0x80100000, v29  }
0x2b0: {  	(xrf0) =	vmin.scan.msk.u32 $0xffff, v3  }
0x2b1: {  	(xrf0) =	vmax.scan.msk.f32 $0xffff, v15;
	_ =	sdelay $0x4  }
0x2b2: {  	v3, _, _ =	vpop (xrf0)  }
0x2b3: {  	v30, _, _ =	vpop (xrf0)  }
0x2b4: {  	v4 =	vbroadcast v30, $0xF  }
0x2b5: {  	v5 =	vshll.u32 v5, $0x4  }
0x2b6: {  	v31 =	vxor.u32 v23, v5;
	vm8 =	veq.f32 v15, v4  }
0x2b7: {  	v4 =	vnsel vm8, $0x80100000, v31  }
0x2b8: {  	(xrf0) =	vmin.scan.msk.u32 $0xffff, v4  }
0x2b9: {  	(xrf0) =	vmax.scan.msk.f32 $0xffff, v9;
	_ =	sdelay $0x4  }
0x2ba: {  	v4, _, _ =	vpop (xrf0)  }
0x2bb: {  	v32, _, _ =	vpop (xrf0)  }
0x2bc: {  	v5 =	vbroadcast v32, $0xF  }
0x2bd: {  	v7 =	vshll.u32 v7, $0x4  }
0x2be: {  	v33 =	vxor.u32 v23, v7;
	vm9 =	veq.f32 v9, v5  }
0x2bf: {  	v5 =	vnsel vm9, $0x80100000, v33  }
0x2c0: {  	(xrf0) =	vmin.scan.msk.u32 $0xffff, v5  }
0x2c1: {  	(xrf0) =	vmax.scan.msk.f32 $0xffff, v12;
	_ =	sdelay $0x4  }
0x2c2: {  	v5, _, _ =	vpop (xrf0)  }
0x2c3: {  	v34, _, _ =	vpop (xrf0)  }
0x2c4: {  	v7 =	vbroadcast v34, $0xF  }
0x2c5: {  	v8 =	vshll.u32 v8, $0x4  }
0x2c6: {  	v35 =	vxor.u32 v23, v8;
	vm10 =	veq.f32 v12, v7  }
0x2c7: {  	v7 =	vnsel vm10, $0x80100000, v35  }
0x2c8: {  	(xrf0) =	vmin.scan.msk.u32 $0xffff, v7  }
0x2c9: {  	(xrf0) =	vmax.scan.msk.f32 $0xffff, v6;
	_ =	sdelay $0x4  }
0x2ca: {  	v7, _, _ =	vpop (xrf0)  }
0x2cb: {  	v36, _, _ =	vpop (xrf0)  }
0x2cc: {  	v8 =	vbroadcast v36, $0xF  }
0x2cd: {  	v37 =	vshll.u32 v11, $0x4  }
0x2ce: {  	v38 =	vxor.u32 v23, v37;
	vm11 =	veq.f32 v6, v8  }
0x2cf: {  	v6 =	vnsel vm11, $0x80100000, v38  }
0x2d0: {  	(v2sf) =	vpush v1, $0xF;
	(xrf0) =	vmin.scan.msk.u32 $0xffff, v6  }
0x2d1: {  	(v2sf) =	vpush v0, $0xF  }
0x2d2: {  	(v2sf) =	vpush v2, $0xF  }
0x2d3: {  	(v2sf) =	vpush v3, $0xF  }
0x2d4: {  	(v2sf) =	vpush v4, $0xF  }
0x2d5: {  	v41 =	vld [tilespmem:$0x1FA80];
	(v2sf) =	vpush v5, $0xF  }
0x2d6: {  	v42 =	vld [tilespmem:$0x1FAF0];
	(v2sf) =	vpush v7, $0xF;
	v39, _, _ =	vpop (xrf0)  }
0x2d7: {  	v43 =	vld [tilespmem:$0x1FB60];
	(v2sf) =	vpush v39, $0xF  }
0x2d8: {  	v40 =	vlaneseq.u32;
	v44 =	vld [tilespmem:$0x1FBC0]  }
0x2d9: {  	v45 =	vld [tilespmem:$0x1FC30];
	vm12 =	veq.s32 v40, $0x0  }
0x2da: {  	vm13 =	vmmov $0x3;
	v46 =	vld [tilespmem:$0x1FC40];
	v0 =	vsel vm12, s17, v41  }
0x2db: {  	vm14 =	vmmov $0x7;
	v47 =	vld [tilespmem:$0x1FC50];
	v0 =	vsel vm13, v0, v42  }
0x2dc: {  	vm15 =	vmmov $0xf;
	v0 =	vsel vm14, v0, v43  }
0x2dd: {  	vm4 =	vmmov $0x1f;
	v0 =	vsel vm15, v0, v44  }
0x2de: {  	vm5 =	vmmov $0x3f;
	v0 =	vsel vm4, v0, v45  }
0x2df: {  	s0 =	spop (v2sf);
	vm6 =	vmmov $0x7f;
	v0 =	vsel vm5, v0, v46  }
0x2e0: {  	s0 =	sxor.u32 $0x80000000, s0;
	v0 =	vsel vm6, v0, v47;
	s2 =	spop (v2sf);
	vm7 =	vmmov $0xff  }
0x2e1: {  	s2 =	sxor.u32 $0x80000000, s2;
	v0 =	vnsel vm7, s0, v0;
	s3 =	spop (v2sf);
	vm8 =	vmmov $0x1ff  }
0x2e2: {  	s3 =	sxor.u32 $0x80000000, s3;
	v0 =	vnsel vm8, s2, v0;
	s13 =	spop (v2sf);
	vm9 =	vmmov $0x3ff  }
0x2e3: {  	v54 =	vimm.s32 $0x8;
	s13 =	sxor.u32 $0x80000000, s13;
	v0 =	vnsel vm9, s3, v0;
	s14 =	spop (v2sf);
	vm10 =	vmmov $0x7ff  }
0x2e4: {  	v48 =	vmov s0;
	s14 =	sxor.u32 $0x80000000, s14;
	v0 =	vnsel vm10, s13, v0;
	s25 =	spop (v2sf);
	vm11 =	vmmov $0xfff  }
0x2e5: {  	vm12 =	vmmov $0x1fff;
	v49 =	vmov s2;
	s0 =	sxor.u32 $0x80000000, s25;
	v0 =	vnsel vm11, s14, v0;
	s26 =	spop (v2sf)  }
0x2e6: {  	vm13 =	vmmov $0x3fff;
	v50 =	vmov s3;
	v0 =	vnsel vm12, s0, v0;
	s2 =	sxor.u32 $0x80000000, s26;
	s28 =	spop (v2sf)  }
0x2e7: {  	vm14 =	vmmov $0x7fff;
	v51 =	vmov s13;
	v0 =	vnsel vm13, s2, v0;
	s3 =	sxor.u32 $0x80000000, s28  }
0x2e8: {  	v57 =	vimm.s32 $0x9;
	v52 =	vmov s14;
	v0 =	vnsel vm14, s3, v0  }
0x2e9: {  	v59 =	vimm.s32 $0xA;
	[tilespmem:v48+s11+$0x0] =	vst.idx.msk $0x1, v54;
	v53 =	vmov s0;
	v55 =	vshll.u32 v0, $0x2  }
0x2ea: {  	[tilespmem:v49+s11+$0x0] =	vst.idx.msk $0x1, v57;
	v56 =	vmov s2;
	v58 =	vand.u32 $0x7F, v0;
	v1 =	vand.u32 $0xFFFFFE00, v55  }
0x2eb: {  	v61 =	vimm.s32 $0xB;
	[tilespmem:v50+s11+$0x0] =	vst.idx.msk $0x1, v59;
	v60 =	vmov s3;
	v1 =	vor.u32 v58, v1  }
0x2ec: {  	v62 =	vimm.s32 $0xC;
	[tilespmem:v51+s11+$0x0] =	vst.idx.msk $0x1, v61;
	v2 =	vor.u32 $0x100, v1  }
0x2ed: {  	v23 =	vimm.s32 $0xD;
	[tilespmem:v52+s11+$0x0] =	vst.idx.msk $0x1, v62;
	v63 =	vor.u32 $0x180, v1  }
0x2ee: {  	v24 =	vimm.s32 $0xE;
	[tilespmem:v53+s11+$0x0] =	vst.idx.msk $0x1, v23  }
0x2ef: {  	v25 =	vimm.s32 $0xF;
	[tilespmem:v56+s11+$0x0] =	vst.idx.msk $0x1, v24  }
0x2f0: {  	[tilespmem:v60+s11+$0x0] =	vst.idx.msk $0x1, v25  }
0x2f1: {  	v3 =	vld.idx.msk [tilespmem:v2+s1+$0x0], $0xffff  }
0x2f2: {  	v5 =	vld.idx.msk [tilespmem:v63+s1+$0x0], $0xffff  }
0x2f3: {  	v6 =	vld.idx.msk [tilespmem:v0+s11+$0x0], $0xffff;
	_ =	sdelay $0x2  }
0x2f4: {  	v26 =	vmul.f32 $1.000000010e-01, v3  }
0x2f5: {  	v27 =	vmul.f32 $1.000000010e-01, v5  }
0x2f6: {  	v28 =	vadd.s32 $0x100, v6;
	(erf) = vrcp.f32 v26  }
0x2f7: {  	(erf) = vrcp.f32 v27  }
0x2f8: {  	(erf) = vrcp.f32 v3;
	_ =	sdelay $0x1  }
0x2f9: {  	v29 =	vld.idx.msk [tilespmem:v6+s9+$0x0], $0xffff  }
0x2fa: {  	v30 =	vld.idx.msk [tilespmem:v28+s9+$0x0], $0xffff;
	_ =	sdelay $0x3  }
0x2fb: {  	v31 =	vpop (erf)  }
0x2fc: {  	v33 =	vsub.f32 v30, v29;
	v32 =	vpop (erf)  }
0x2fd: {  	v34 =	vpop (erf)  }
0x2fe: {  	v10 =	vmul.f32 v34, v33;
	_ =	sdelay $0x1  }
0x2ff: {  	v11 =	vand.u32 $0x7FFFFF, v10  }
0x300: {  	v11 =	vor.u32 $0x3F800000, v11  }
0x301: {  	v35 =	vmul.f32 $5.000000000e-01, v11  }
0x302: {  	vm15 =	vgt.f32 v11, $1.414213540e+00  }
0x303: {  	v11 =	vsel vm15, v35, v11  }
0x304: {  	v36 =	vadd.s32 $0x80, v6;
	v37 =	vadd.f32 $1.000000000e+00, v11  }
0x305: {  	v38 =	vadd.s32 $0x180, v6  }
0x306: {  	(erf) = vrcp.f32 v37  }
0x307: {  	(erf) = vrcp.f32 v5;
	_ =	sdelay $0x1  }
0x308: {  	v39 =	vld.idx.msk [tilespmem:v36+s9+$0x0], $0xffff  }
0x309: {  	v40 =	vld.idx.msk [tilespmem:v38+s9+$0x0], $0xffff;
	_ =	sdelay $0x4  }
0x30a: {  	v15 =	vsub.f32 v40, v39;
	v14 =	vpop (erf)  }
0x30b: {  	v41 =	vpop (erf)  }
0x30c: {  	v15 =	vmul.f32 v41, v15;
	_ =	sdelay $0x1  }
0x30d: {  	v16 =	vand.u32 $0x7FFFFF, v15  }
0x30e: {  	v16 =	vor.u32 $0x3F800000, v16  }
0x30f: {  	v17 =	vmul.f32 $5.000000000e-01, v16  }
0x310: {  	vm1 =	vgt.f32 v16, $1.414213540e+00  }
0x311: {  	v16 =	vsel vm1, v17, v16  }
0x312: {  	v17 =	vadd.f32 $1.000000000e+00, v16;
	_ =	sdelay $0x1  }
0x313: {  	(erf) = vrcp.f32 v17;
	_ =	sdelay $0x6  }
0x314: {  	v11 =	vadd.f32 $-1.000000000e+00, v11  }
0x315: {  	v42 =	vadd.f32 $-1.000000000e+00, v16  }
0x316: {  	v11 =	vmul.f32 v14, v11;
	v43 =	vpop (erf)  }
0x317: {  	v14 =	vmul.f32 v43, v42  }
0x318: {  	v44 =	vmul.f32 v11, v11  }
0x319: {  	v46 =	vmul.f32 v14, v14  }
0x31a: {  	v45 =	vmul.f32 $0.0e+00, v44  }
0x31b: {  	v19 =	vmul.f32 $0.0e+00, v46  }
0x31c: {  	v16 =	vadd.f32 $1.111111120e-01, v45  }
0x31d: {  	v19 =	vadd.f32 $1.111111120e-01, v19  }
0x31e: {  	v16 =	vmul.f32 v16, v44  }
0x31f: {  	v19 =	vmul.f32 v19, v46  }
0x320: {  	v16 =	vadd.f32 $1.428571490e-01, v16  }
0x321: {  	v19 =	vadd.f32 $1.428571490e-01, v19  }
0x322: {  	v16 =	vmul.f32 v16, v44  }
0x323: {  	v13 =	vld [tilespmem:$0x1FFE0];
	v19 =	vmul.f32 v19, v46  }
0x324: {  	v22 =	vimm.s32 $0x0;
	v16 =	vadd.f32 $2.000000030e-01, v16  }
0x325: {  	v20 =	vor.u32 $0x80, v1;
	v3 =	vadd.f32 v30, v29;
	v19 =	vadd.f32 $2.000000030e-01, v19  }
0x326: {  	v10 =	vshra.s32 v10, $0x17;
	v21 =	vsel vm15, $0x1, v22;
	v16 =	vmul.f32 v16, v44  }
0x327: {  	v6 =	vadd.s32 $0x200, v6;
	v10 =	vadd.s32 v21, v10;
	v48 =	vmul.f32 v19, v46  }
0x328: {  	v3 =	vmul.f32 v3, v13;
	v10 =	vadd.s32 $0xFFFFFF81, v10;
	v47 =	vadd.f32 $3.333333430e-01, v16  }
0x329: {  	v49 =	vld.idx.msk [tilespmem:v1+s1+$0x0], $0xffff;
	v10 =	vcvt.s32.f32 v10;
	v5 =	vadd.f32 v40, v39;
	v12 =	vadd.f32 $3.333333430e-01, v48  }
0x32a: {  	v50 =	vld.idx.msk [tilespmem:v20+s1+$0x0], $0xffff;
	v15 =	vshra.s32 v15, $0x17;
	v51 =	vsel vm1, $0x1, v22;
	v7 =	vmul.f32 v47, v44  }
0x32b: {  	v5 =	vmul.f32 v5, v13;
	v15 =	vadd.s32 v51, v15;
	v12 =	vmul.f32 v12, v46  }
0x32c: {  	v56 =	vld [tilespmem:$0x1FFF0];
	v11 =	vadd.f32 v11, v11;
	v15 =	vadd.s32 $0xFFFFFF81, v15;
	v7 =	vadd.f32 $1.000000000e+00, v7  }
0x32d: {  	v6 =	vld.idx.msk [tilespmem:v6+s9+$0x0], $0xffff;
	v15 =	vcvt.s32.f32 v15;
	v14 =	vadd.f32 v14, v14;
	v12 =	vadd.f32 $1.000000000e+00, v12  }
0x32e: {  	v3 =	vsub.f32 v3, v49;
	v10 =	vmul.f32 $6.931471820e-01, v10;
	v7 =	vmul.f32 v7, v11  }
0x32f: {  	v5 =	vsub.f32 v5, v50;
	v52 =	vmul.f32 $6.931471820e-01, v15;
	v12 =	vmul.f32 v12, v14  }
0x330: {  	v3 =	vmul.f32 v31, v3;
	v7 =	vadd.f32 v7, v10  }
0x331: {  	v5 =	vmul.f32 v32, v5;
	v53 =	vadd.f32 v12, v52  }
0x332: {  	v61 =	vtrunc.f32 v6;
	[tilespmem:v1+s12+$0x0] =	vst.idx.msk $0xffff, v3;
	v60 =	vmul.f32 v7, v56  }
0x333: {  	v3 =	vcvt.f32.s32 v61;
	[tilespmem:v20+s12+$0x0] =	vst.idx.msk $0xffff, v5;
	v62 =	vmul.f32 v53, v56  }
0x334: {  	[tilespmem:v2+s12+$0x0] =	vst.idx.msk $0xffff, v60  }
0x335: {  	s29 =	simm.s32 $0x16C00;
	[tilespmem:v63+s12+$0x0] =	vst.idx.msk $0xffff, v62;
	v63 =	vadd.s32 $0x1, v3  }
0x336: {  	[tilespmem:v0+s29+$0x0] =	vst.idx.msk $0xffff, v63  }
0x337: {  	[hbm4b:s5+s1] =	stream.linear.scatter [tilespmem:s12], [sflag:$0x1], $0x5000, $0x38;
	[tilespmem:$0x18000] =	vst v63  }
0x338: {  	s16 =	sadd.s32 $0x1, s16;
	_ =	swait.ge [sflag:s8], $0x5000  }
0x339: {  	s30 =	simm.s32 $0x80;
	p0 =	sne.s32 s16, s7;
	[sflag:s8] =	ssyncset.done $0x0  }
.Ltmp2:
0x33a: {  	s31 =	simm.s32 $0x400;
	[sflag:s8] =	ssyncadd.s32 $0xFFFFB000;
	(pc) =	sbr.rel @p0 .LBB2_1-.Ltmp2, $4  }
0x33b: {  	[hbm4b:s6+s30] =	stream.strided.scatter [tilespmem:s29], [sflag:$0x1], $0x1400, s31, s30, $0x38;
	[tilespmem:$0x18000] =	vst v63  }
0x33c: {  	_ =	swait.ge [sflag:s8], $0x1400  }
0x33d: {  	[sflag:s8] =	ssyncset.done $0x0  }
0x33e: {  	[sflag:s8] =	ssyncadd.s32 $0xFFFFEC00  }
0x33f: {  	_ =	sfence.sel $0x180000  }
0x340: {  	[bflag:$0x0] =	sbarrier.arrive $0xFFFF  }
0x341: {  	_ =	strace $0x90000047  }
0x342: {  	s0 =	stileid.u32;
	[bflag:$0x2] =	sbarrier.arrive $0xFFFF  }
0x343: {  	p0 =	sne.s32 s0, $0x0;
	s0 =	rddreg [dreg:$0x3]  }
0x344: {  	s0 =	sadd.s32 @!p0 $0x100000, s0  }
0x345: {  	[sflag:s0] =	ssyncadd.tile.s32 @!p0 $0x1;
	_ =	shalt  }
.Lfunc_end2:
_tile_overlayer_lowered:
.L_overlay_start_2:
0x346: {  	(tag) =	ssettag $0x2  }
0x347: {  	s0 =	rddreg [dreg:$0x0];
	s2 =	stileid.u32  }
0x348: {  	s1 =	rddreg [dreg:$0x1];
	p0 =	sne.s32 s2, $0x0  }
0x349: {  	s3 =	rddreg [dreg:$0x2];
	[bflag:$0x3] =	sbarrier.arrive $0xFFFF;
	s2 =	simm.s32 @!p0 $0x1C01  }
0x34a: {  	[timem:s3], [sflag:s2] =	dma.local @!p0 [hbm:s0], s1  }
0x34b: {  	s0 =	simm.s32 @!p0 $0x1  }
0x34c: {  	_ =	swait.ge @!p0 [sflag:s0], s1  }
0x34d: {  	s1 =	ssub.s32 @!p0 $0x0, s1;
	[sflag:s0] =	ssyncset.done @!p0 $0x0  }
0x34e: {  	[sflag:s0] =	ssyncadd.s32 @!p0 s1  }
0x34f: {  	[bflag:$0x3] =	sbarrier.arrive $0xFFFF  }
0x350: {  	_ =	shalt  }

</sc_bundles>
